<compile_context>
chip_gen: v7x
topology: tpu7x:2x2x1
jax: 0.10.2.dev20260603
libtpu: 0.0.44.dev20260713+nightly
codegen_flags: <defaults>
</compile_context>

<pallas_src>
import functools

import jax
import jax.numpy as jnp
from jax import lax
from jax.experimental import pallas as pl
from jax.experimental.pallas import tpu as pltpu
from jax.experimental.pallas import tpu_sc as plsc

_B = 4096
_D = 96
_V = 1000001
_NC = 2
_NS = 16
_NW = _NC * _NS
_BPW = _B // _NW
_RB = 1024
_L = 16
_NBUF = 8
_DC = _D // _L


def _gather_one_table(tab, idx_v, rows_v, bufs, sems):

    def chunk(g, carry):
        ids16 = idx_v[pl.ds(g * _L, _L)]

        def fire(t):
            sid = ids16[t]
            start = pl.multiple_of((sid // 128) * 128, 128)
            return pltpu.async_copy(
                tab.at[:, pl.ds(start, 128)], bufs[t % _NBUF], sems[t % _NBUF])

        cps = {}
        for t in range(_NBUF - 1):
            cps[t] = fire(t)
        for t in range(_L):
            if t + _NBUF - 1 < _L:
                cps[t + _NBUF - 1] = fire(t + _NBUF - 1)
            cps[t].wait()
            sid = ids16[t]
            r = sid - (sid // 128) * 128
            rvec = jnp.full((_L,), r, jnp.int32)
            jvec = jnp.full((_L,), g * _L + t, jnp.int32)
            buf = bufs[t % _NBUF]
            for c in range(_DC):
                dvec = c * _L + lax.broadcasted_iota(jnp.int32, (_L,), 0)
                vals = plsc.load_gather(buf, [dvec, rvec])
                plsc.store_scatter(rows_v, [dvec, jvec], vals)
        return carry

    lax.fori_loop(0, _BPW // _L, chunk, 0)


def _sc_gather_body(u_tab, b_tab, vids, bids, u_out, b_out,
                    uidx_v, bidx_v, urows_v, brows_v,
                    buf0, buf1, buf2, buf3, buf4, buf5, buf6, buf7,
                    sem0, sem1, sem2, sem3, sem4, sem5, sem6, sem7, osem):
    wid = lax.axis_index("s") * _NC + lax.axis_index("c")
    base = pl.multiple_of(wid * _BPW, _BPW)
    bufs = (buf0, buf1, buf2, buf3, buf4, buf5, buf6, buf7)
    sems = (sem0, sem1, sem2, sem3, sem4, sem5, sem6, sem7)
    pltpu.sync_copy(vids.at[pl.ds(base, _BPW)], uidx_v)
    pltpu.sync_copy(bids.at[pl.ds(base, _BPW)], bidx_v)
    _gather_one_table(u_tab, uidx_v, urows_v, bufs, sems)
    ucp = pltpu.async_copy(urows_v, u_out.at[:, pl.ds(base, _BPW)], osem)
    _gather_one_table(b_tab, bidx_v, brows_v, bufs, sems)
    bcp = pltpu.async_copy(brows_v, b_out.at[:, pl.ds(base, _BPW)], osem)
    ucp.wait()
    bcp.wait()


@functools.lru_cache(maxsize=None)
def _get_sc_gather():
    return pl.kernel(
        _sc_gather_body,
        out_type=(jax.ShapeDtypeStruct((_D, _B), jnp.float32),
                  jax.ShapeDtypeStruct((_D, _B), jnp.float32)),
        mesh=plsc.VectorSubcoreMesh(core_axis_name="c", subcore_axis_name="s"),
        scratch_types=[
            pltpu.VMEM((_BPW,), jnp.int32),
            pltpu.VMEM((_BPW,), jnp.int32),
            pltpu.VMEM((_D, _BPW), jnp.float32),
            pltpu.VMEM((_D, _BPW), jnp.float32),
            pltpu.VMEM((_D, 128), jnp.float32),
            pltpu.VMEM((_D, 128), jnp.float32),
            pltpu.VMEM((_D, 128), jnp.float32),
            pltpu.VMEM((_D, 128), jnp.float32),
            pltpu.VMEM((_D, 128), jnp.float32),
            pltpu.VMEM((_D, 128), jnp.float32),
            pltpu.VMEM((_D, 128), jnp.float32),
            pltpu.VMEM((_D, 128), jnp.float32),
            pltpu.SemaphoreType.DMA,
            pltpu.SemaphoreType.DMA,
            pltpu.SemaphoreType.DMA,
            pltpu.SemaphoreType.DMA,
            pltpu.SemaphoreType.DMA,
            pltpu.SemaphoreType.DMA,
            pltpu.SemaphoreType.DMA,
            pltpu.SemaphoreType.DMA,
            pltpu.SemaphoreType.DMA,
        ],
        compiler_params=pltpu.CompilerParams(disable_bounds_checks=True,
                                             needs_layout_passes=False),
    )


def _loss_body(ut_ref, bt_ref, out_ref):
    i = pl.program_id(0)
    ut = ut_ref[...]
    bt = bt_ref[...]
    logits = lax.dot_general(ut.astype(jnp.bfloat16), bt.astype(jnp.bfloat16),
                             (((0,), (0,)), ((), ())),
                             preferred_element_type=jnp.float32)
    m = jnp.max(logits, axis=1, keepdims=True)
    lse = m[:, 0] + jnp.log(jnp.sum(jnp.exp(logits - m), axis=1))
    bt_blk = bt_ref[:, pl.ds(i * _RB, _RB)]
    diag = jnp.sum(ut * bt_blk, axis=0)
    part = jnp.sum(lse - diag)

    @pl.when(i == 0)
    def _():
        out_ref[0, 0] = 0.0

    out_ref[0, 0] += part

    @pl.when(i == _B // _RB - 1)
    def _():
        out_ref[0, 0] = out_ref[0, 0] * (1.0 / _B)


def _loss_sum(ut, bt, interpret=False):
    return pl.pallas_call(
        _loss_body,
        grid=(_B // _RB,),
        in_specs=[
            pl.BlockSpec((_D, _RB), lambda i: (0, i)),
            pl.BlockSpec((_D, _B), lambda i: (0, 0)),
        ],
        out_specs=pl.BlockSpec((1, 1), lambda i: (0, 0),
                               memory_space=pltpu.SMEM),
        out_shape=jax.ShapeDtypeStruct((1, 1), jnp.float32),
        compiler_params=pltpu.CompilerParams(
            dimension_semantics=("arbitrary",)),
        interpret=interpret,
    )(ut, bt)


def kernel(viewer_ids, broadcaster_ids, user_table, broadcaster_table):
    ut, bt = _get_sc_gather()(user_table.T, broadcaster_table.T,
                              viewer_ids, broadcaster_ids)
    total = _loss_sum(ut, bt)
    return total[0, 0]

# --- scband reference (transcript-rebuilt; emitter-appended) ---
"""Pipeline reference for scband-two-towers-9251359555949 (READ-ONLY COPY).

The authoritative reference and input builder live on the scoring server;
editing this copy changes nothing except your own understanding.
"""

import jax, jax.numpy as jnp
import numpy as np

B = 4096
VOCAB = 1000000
D = 96


def setup_inputs(seed: int = 0) -> dict:
    key = jax.random.key(seed)
    k1, k2, k3, k4 = jax.random.split(key, 4)
    viewer_ids = jax.random.randint(k1, (B,), 0, VOCAB, dtype=jnp.int64 if jax.config.jax_enable_x64 else jnp.int32).astype(jnp.int32)
    broadcaster_ids = jax.random.randint(k2, (B,), 0, VOCAB).astype(jnp.int32)
    # Embedding tables sized vocab+1 (StringLookup OOV bucket at index 0 analog)
    user_table = jax.random.normal(k3, (VOCAB + 1, D), dtype=jnp.float32) * 0.05
    broadcaster_table = jax.random.normal(k4, (VOCAB + 1, D), dtype=jnp.float32) * 0.05
    return {
        "viewer_ids": viewer_ids,
        "broadcaster_ids": broadcaster_ids,
        "user_table": user_table,
        "broadcaster_table": broadcaster_table,
    }


def reference(viewer_ids, broadcaster_ids, user_table, broadcaster_table):
    # UserModel: StringLookup -> Embedding  (modeled as integer id gather)
    user_embeddings = jnp.take(user_table, viewer_ids, axis=0)          # [B, D]
    # BroadcasterModel: StringLookup -> Embedding
    broadcaster_embeddings = jnp.take(broadcaster_table, broadcaster_ids, axis=0)  # [B, D]
    # tfrs.tasks.Retrieval: in-batch sampled-softmax retrieval loss.
    # logits[i, j] = <user_i, broadcaster_j>; positive pair is the diagonal.
    logits = user_embeddings @ broadcaster_embeddings.T                  # [B, B]
    labels = jnp.arange(B)
    log_probs = jax.nn.log_softmax(logits, axis=1)
    loss = -jnp.mean(jnp.take_along_axis(log_probs, labels[:, None], axis=1))
    return loss

if __name__ == "__main__":
    import jax
    _d = setup_inputs()
    print(jax.jit(kernel)(*tuple(_d.values())))

</pallas_src>

<mosaic_0001>
#map = affine_map<(d0, d1) -> (0, 0)>
#map1 = affine_map<(d0, d1) -> (0)>
module attributes {stable_mosaic.version = 14 : i64} {
  func.func @_sc_gather_body(%arg0: i32, %arg1: i32, %arg2: memref<96x1000001xf32, #tpu.memory_space<hbm>>, %arg3: memref<96x1000001xf32, #tpu.memory_space<hbm>>, %arg4: memref<4096xi32, #tpu.memory_space<hbm>>, %arg5: memref<4096xi32, #tpu.memory_space<hbm>>, %arg6: memref<96x4096xf32, #tpu.memory_space<hbm>>, %arg7: memref<96x4096xf32, #tpu.memory_space<hbm>>, %arg8: memref<128xi32, #tpu.memory_space<vmem>>, %arg9: memref<128xi32, #tpu.memory_space<vmem>>, %arg10: memref<96x128xf32, #tpu.memory_space<vmem>>, %arg11: memref<96x128xf32, #tpu.memory_space<vmem>>, %arg12: memref<96x128xf32, #tpu.memory_space<vmem>>, %arg13: memref<96x128xf32, #tpu.memory_space<vmem>>, %arg14: memref<96x128xf32, #tpu.memory_space<vmem>>, %arg15: memref<96x128xf32, #tpu.memory_space<vmem>>, %arg16: memref<96x128xf32, #tpu.memory_space<vmem>>, %arg17: memref<96x128xf32, #tpu.memory_space<vmem>>, %arg18: memref<96x128xf32, #tpu.memory_space<vmem>>, %arg19: memref<96x128xf32, #tpu.memory_space<vmem>>, %arg20: memref<!tpu.dma_semaphore, #tpu.memory_space<semaphore_mem>>, %arg21: memref<!tpu.dma_semaphore, #tpu.memory_space<semaphore_mem>>, %arg22: memref<!tpu.dma_semaphore, #tpu.memory_space<semaphore_mem>>, %arg23: memref<!tpu.dma_semaphore, #tpu.memory_space<semaphore_mem>>, %arg24: memref<!tpu.dma_semaphore, #tpu.memory_space<semaphore_mem>>, %arg25: memref<!tpu.dma_semaphore, #tpu.memory_space<semaphore_mem>>, %arg26: memref<!tpu.dma_semaphore, #tpu.memory_space<semaphore_mem>>, %arg27: memref<!tpu.dma_semaphore, #tpu.memory_space<semaphore_mem>>, %arg28: memref<!tpu.dma_semaphore, #tpu.memory_space<semaphore_mem>>) attributes {dimension_semantics = [#tpu.dimension_semantics<core_parallel>, #tpu.dimension_semantics<subcore_parallel>], iteration_bounds = array<i64: 2, 16>, scalar_prefetch = 0 : i64, scratch_operands = 21 : i64, tpu.core_type = #tpu.core_type<sc_vector_subcore>, window_params = [{transform_indices = #map}, {transform_indices = #map}, {transform_indices = #map1}, {transform_indices = #map1}, {transform_indices = #map}, {transform_indices = #map}]} {
    %mul3A = arith.constant 2 : i32
    %mul3A_0 = arith.muli %arg1, %mul3A : i32
    %add3A = arith.addi %mul3A_0, %arg0 : i32
    %mul3A_1 = arith.constant 128 : i32
    %mul3A_2 = arith.muli %add3A, %mul3A_1 : i32
    %multiple_of3A = tpu.assume_multiple %mul3A_2, 128 : i32
    "tpu.region"() ({
      %run_scoped3A = tpu.sem_alloc : memref<!tpu.dma_semaphore, #tpu.memory_space<semaphore_mem>>
      %dma_start3A_28 = tpu.memref_slice %arg4[%multiple_of3A] : memref<4096xi32, #tpu.memory_space<hbm>> -> memref<128xi32, #tpu.memory_space<hbm>>
      %dma_start3A_29 = tpu.memref_slice %arg4[%multiple_of3A] : memref<4096xi32, #tpu.memory_space<hbm>> -> memref<128xi32, #tpu.memory_space<hbm>>
      tpu.enqueue_dma source(%dma_start3A_29 : memref<128xi32, #tpu.memory_space<hbm>>) target(%arg8 : memref<128xi32, #tpu.memory_space<vmem>>) target_semaphore(%run_scoped3A : memref<!tpu.dma_semaphore, #tpu.memory_space<semaphore_mem>>)
      %dma_wait3A_30 = tpu.memref_slice %arg4[%multiple_of3A] : memref<4096xi32, #tpu.memory_space<hbm>> -> memref<128xi32, #tpu.memory_space<hbm>>
      %dma_wait3A_31 = tpu.memref_slice %arg4[%multiple_of3A] : memref<4096xi32, #tpu.memory_space<hbm>> -> memref<128xi32, #tpu.memory_space<hbm>>
      tpu.wait_dma2 semaphore(%run_scoped3A : memref<!tpu.dma_semaphore, #tpu.memory_space<semaphore_mem>>) src(%dma_wait3A_31 : memref<128xi32, #tpu.memory_space<hbm>>) dst(%arg8 : memref<128xi32, #tpu.memory_space<vmem>>)
      tpu.yield
    }) : () -> ()
    "tpu.region"() ({
      %run_scoped3A = tpu.sem_alloc : memref<!tpu.dma_semaphore, #tpu.memory_space<semaphore_mem>>
      %dma_start3A_28 = tpu.memref_slice %arg5[%multiple_of3A] : memref<4096xi32, #tpu.memory_space<hbm>> -> memref<128xi32, #tpu.memory_space<hbm>>
      %dma_start3A_29 = tpu.memref_slice %arg5[%multiple_of3A] : memref<4096xi32, #tpu.memory_space<hbm>> -> memref<128xi32, #tpu.memory_space<hbm>>
      tpu.enqueue_dma source(%dma_start3A_29 : memref<128xi32, #tpu.memory_space<hbm>>) target(%arg9 : memref<128xi32, #tpu.memory_space<vmem>>) target_semaphore(%run_scoped3A : memref<!tpu.dma_semaphore, #tpu.memory_space<semaphore_mem>>)
      %dma_wait3A_30 = tpu.memref_slice %arg5[%multiple_of3A] : memref<4096xi32, #tpu.memory_space<hbm>> -> memref<128xi32, #tpu.memory_space<hbm>>
      %dma_wait3A_31 = tpu.memref_slice %arg5[%multiple_of3A] : memref<4096xi32, #tpu.memory_space<hbm>> -> memref<128xi32, #tpu.memory_space<hbm>>
      tpu.wait_dma2 semaphore(%run_scoped3A : memref<!tpu.dma_semaphore, #tpu.memory_space<semaphore_mem>>) src(%dma_wait3A_31 : memref<128xi32, #tpu.memory_space<hbm>>) dst(%arg9 : memref<128xi32, #tpu.memory_space<vmem>>)
      tpu.yield
    }) : () -> ()
    %scan3A = arith.constant 0 : i32
    %scan3A_3 = arith.constant 0 : i32
    %scan3A_4 = arith.constant 8 : i32
    %scan3A_5 = arith.addi %scan3A_3, %scan3A_4 : i32
    %scan3A_6 = arith.constant 1 : i32
    scf.for %scan3A_28 = %scan3A_3 to %scan3A_5 step %scan3A_6  : i32 {
      %mul3A_29 = arith.constant 16 : i32
      %mul3A_30 = arith.muli %scan3A_28, %mul3A_29 : i32
      %get3A = arith.index_cast %mul3A_30 : i32 to index
      %get3A_31 = tpu.vector_load %arg8[%get3A] {strides = array<i32>} : memref<128xi32, #tpu.memory_space<vmem>>, vector<16xi32>,
      %slice3A = vector.extract_strided_slice %get3A_31 {offsets = [0], sizes = [1], strides = [1]} : vector<16xi32> to vector<1xi32>
      %squeeze3A = vector.extract %slice3A[0] : i32 from vector<1xi32>
      %jit3A = arith.constant 128 : i32
      %div3A = arith.divsi %squeeze3A, %jit3A : i32
      %sign3A = arith.constant 0 : i32
      %sign3A_32 = arith.cmpi sgt, %squeeze3A, %sign3A : i32
      %sign3A_33 = arith.extui %sign3A_32 : i1 to i32
      %sign3A_34 = arith.constant 0 : i32
      %sign3A_35 = arith.cmpi slt, %squeeze3A, %sign3A_34 : i32
      %sign3A_36 = arith.extui %sign3A_35 : i1 to i32
      %sign3A_37 = arith.subi %sign3A_33, %sign3A_36 : i32
      %sign3A_38 = arith.constant 0 : i32
      %sign3A_39 = arith.cmpi sgt, %jit3A, %sign3A_38 : i32
      %sign3A_40 = arith.extui %sign3A_39 : i1 to i32
      %sign3A_41 = arith.constant 0 : i32
      %sign3A_42 = arith.cmpi slt, %jit3A, %sign3A_41 : i32
      %sign3A_43 = arith.extui %sign3A_42 : i1 to i32
      %sign3A_44 = arith.subi %sign3A_40, %sign3A_43 : i32
      %ne3A = arith.cmpi ne, %sign3A_37, %sign3A_44 : i32
      %rem3A = arith.remsi %squeeze3A, %jit3A : i32
      %ne3A_45 = arith.constant 0 : i32
      %ne3A_46 = arith.cmpi ne, %rem3A, %ne3A_45 : i32
      %and3A = arith.andi %ne3A, %ne3A_46 : i1
      %sub3A = arith.constant 1 : i32
      %sub3A_47 = arith.subi %div3A, %sub3A : i32
      %select_n3A = arith.select %and3A, %sub3A_47, %div3A : i32
      %mul3A_48 = arith.constant 128 : i32
      %mul3A_49 = arith.muli %select_n3A, %mul3A_48 : i32
      %multiple_of3A_50 = tpu.assume_multiple %mul3A_49, 128 : i32
      %dma_start3A_51 = arith.constant 0 : i32
      %dma_start3A_52 = tpu.memref_slice %arg2[%dma_start3A_51, %multiple_of3A_50] : memref<96x1000001xf32, #tpu.memory_space<hbm>> -> memref<96x128xf32, #tpu.memory_space<hbm>>
      %dma_start3A_53 = arith.constant 0 : i32
      %dma_start3A_54 = tpu.memref_slice %arg2[%dma_start3A_53, %multiple_of3A_50] : memref<96x1000001xf32, #tpu.memory_space<hbm>> -> memref<96x128xf32, #tpu.memory_space<hbm>>
      tpu.enqueue_dma source(%dma_start3A_54 : memref<96x128xf32, #tpu.memory_space<hbm>>) target(%arg12 : memref<96x128xf32, #tpu.memory_space<vmem>>) target_semaphore(%arg20 : memref<!tpu.dma_semaphore, #tpu.memory_space<semaphore_mem>>)
      %slice3A_55 = vector.extract_strided_slice %get3A_31 {offsets = [1], sizes = [1], strides = [1]} : vector<16xi32> to vector<1xi32>
      %squeeze3A_56 = vector.extract %slice3A_55[0] : i32 from vector<1xi32>
      %jit3A_57 = arith.constant 128 : i32
      %div3A_58 = arith.divsi %squeeze3A_56, %jit3A_57 : i32
      %sign3A_59 = arith.constant 0 : i32
      %sign3A_60 = arith.cmpi sgt, %squeeze3A_56, %sign3A_59 : i32
      %sign3A_61 = arith.extui %sign3A_60 : i1 to i32
      %sign3A_62 = arith.constant 0 : i32
      %sign3A_63 = arith.cmpi slt, %squeeze3A_56, %sign3A_62 : i32
      %sign3A_64 = arith.extui %sign3A_63 : i1 to i32
      %sign3A_65 = arith.subi %sign3A_61, %sign3A_64 : i32
      %sign3A_66 = arith.constant 0 : i32
      %sign3A_67 = arith.cmpi sgt, %jit3A_57, %sign3A_66 : i32
      %sign3A_68 = arith.extui %sign3A_67 : i1 to i32
      %sign3A_69 = arith.constant 0 : i32
      %sign3A_70 = arith.cmpi slt, %jit3A_57, %sign3A_69 : i32
      %sign3A_71 = arith.extui %sign3A_70 : i1 to i32
      %sign3A_72 = arith.subi %sign3A_68, %sign3A_71 : i32
      %ne3A_73 = arith.cmpi ne, %sign3A_65, %sign3A_72 : i32
      %rem3A_74 = arith.remsi %squeeze3A_56, %jit3A_57 : i32
      %ne3A_75 = arith.constant 0 : i32
      %ne3A_76 = arith.cmpi ne, %rem3A_74, %ne3A_75 : i32
      %and3A_77 = arith.andi %ne3A_73, %ne3A_76 : i1
      %sub3A_78 = arith.constant 1 : i32
      %sub3A_79 = arith.subi %div3A_58, %sub3A_78 : i32
      %select_n3A_80 = arith.select %and3A_77, %sub3A_79, %div3A_58 : i32
      %mul3A_81 = arith.constant 128 : i32
      %mul3A_82 = arith.muli %select_n3A_80, %mul3A_81 : i32
      %multiple_of3A_83 = tpu.assume_multiple %mul3A_82, 128 : i32
      %dma_start3A_84 = arith.constant 0 : i32
      %dma_start3A_85 = tpu.memref_slice %arg2[%dma_start3A_84, %multiple_of3A_83] : memref<96x1000001xf32, #tpu.memory_space<hbm>> -> memref<96x128xf32, #tpu.memory_space<hbm>>
      %dma_start3A_86 = arith.constant 0 : i32
      %dma_start3A_87 = tpu.memref_slice %arg2[%dma_start3A_86, %multiple_of3A_83] : memref<96x1000001xf32, #tpu.memory_space<hbm>> -> memref<96x128xf32, #tpu.memory_space<hbm>>
      tpu.enqueue_dma source(%dma_start3A_87 : memref<96x128xf32, #tpu.memory_space<hbm>>) target(%arg13 : memref<96x128xf32, #tpu.memory_space<vmem>>) target_semaphore(%arg21 : memref<!tpu.dma_semaphore, #tpu.memory_space<semaphore_mem>>)
      %slice3A_88 = vector.extract_strided_slice %get3A_31 {offsets = [2], sizes = [1], strides = [1]} : vector<16xi32> to vector<1xi32>
      %squeeze3A_89 = vector.extract %slice3A_88[0] : i32 from vector<1xi32>
      %jit3A_90 = arith.constant 128 : i32
      %div3A_91 = arith.divsi %squeeze3A_89, %jit3A_90 : i32
      %sign3A_92 = arith.constant 0 : i32
      %sign3A_93 = arith.cmpi sgt, %squeeze3A_89, %sign3A_92 : i32
      %sign3A_94 = arith.extui %sign3A_93 : i1 to i32
      %sign3A_95 = arith.constant 0 : i32
      %sign3A_96 = arith.cmpi slt, %squeeze3A_89, %sign3A_95 : i32
      %sign3A_97 = arith.extui %sign3A_96 : i1 to i32
      %sign3A_98 = arith.subi %sign3A_94, %sign3A_97 : i32
      %sign3A_99 = arith.constant 0 : i32
      %sign3A_100 = arith.cmpi sgt, %jit3A_90, %sign3A_99 : i32
      %sign3A_101 = arith.extui %sign3A_100 : i1 to i32
      %sign3A_102 = arith.constant 0 : i32
      %sign3A_103 = arith.cmpi slt, %jit3A_90, %sign3A_102 : i32
      %sign3A_104 = arith.extui %sign3A_103 : i1 to i32
      %sign3A_105 = arith.subi %sign3A_101, %sign3A_104 : i32
      %ne3A_106 = arith.cmpi ne, %sign3A_98, %sign3A_105 : i32
      %rem3A_107 = arith.remsi %squeeze3A_89, %jit3A_90 : i32
      %ne3A_108 = arith.constant 0 : i32
      %ne3A_109 = arith.cmpi ne, %rem3A_107, %ne3A_108 : i32
      %and3A_110 = arith.andi %ne3A_106, %ne3A_109 : i1
      %sub3A_111 = arith.constant 1 : i32
      %sub3A_112 = arith.subi %div3A_91, %sub3A_111 : i32
      %select_n3A_113 = arith.select %and3A_110, %sub3A_112, %div3A_91 : i32
      %mul3A_114 = arith.constant 128 : i32
      %mul3A_115 = arith.muli %select_n3A_113, %mul3A_114 : i32
      %multiple_of3A_116 = tpu.assume_multiple %mul3A_115, 128 : i32
      %dma_start3A_117 = arith.constant 0 : i32
      %dma_start3A_118 = tpu.memref_slice %arg2[%dma_start3A_117, %multiple_of3A_116] : memref<96x1000001xf32, #tpu.memory_space<hbm>> -> memref<96x128xf32, #tpu.memory_space<hbm>>
      %dma_start3A_119 = arith.constant 0 : i32
      %dma_start3A_120 = tpu.memref_slice %arg2[%dma_start3A_119, %multiple_of3A_116] : memref<96x1000001xf32, #tpu.memory_space<hbm>> -> memref<96x128xf32, #tpu.memory_space<hbm>>
      tpu.enqueue_dma source(%dma_start3A_120 : memref<96x128xf32, #tpu.memory_space<hbm>>) target(%arg14 : memref<96x128xf32, #tpu.memory_space<vmem>>) target_semaphore(%arg22 : memref<!tpu.dma_semaphore, #tpu.memory_space<semaphore_mem>>)
      %slice3A_121 = vector.extract_strided_slice %get3A_31 {offsets = [3], sizes = [1], strides = [1]} : vector<16xi32> to vector<1xi32>
      %squeeze3A_122 = vector.extract %slice3A_121[0] : i32 from vector<1xi32>
      %jit3A_123 = arith.constant 128 : i32
      %div3A_124 = arith.divsi %squeeze3A_122, %jit3A_123 : i32
      %sign3A_125 = arith.constant 0 : i32
      %sign3A_126 = arith.cmpi sgt, %squeeze3A_122, %sign3A_125 : i32
      %sign3A_127 = arith.extui %sign3A_126 : i1 to i32
      %sign3A_128 = arith.constant 0 : i32
      %sign3A_129 = arith.cmpi slt, %squeeze3A_122, %sign3A_128 : i32
      %sign3A_130 = arith.extui %sign3A_129 : i1 to i32
      %sign3A_131 = arith.subi %sign3A_127, %sign3A_130 : i32
      %sign3A_132 = arith.constant 0 : i32
      %sign3A_133 = arith.cmpi sgt, %jit3A_123, %sign3A_132 : i32
      %sign3A_134 = arith.extui %sign3A_133 : i1 to i32
      %sign3A_135 = arith.constant 0 : i32
      %sign3A_136 = arith.cmpi slt, %jit3A_123, %sign3A_135 : i32
      %sign3A_137 = arith.extui %sign3A_136 : i1 to i32
      %sign3A_138 = arith.subi %sign3A_134, %sign3A_137 : i32
      %ne3A_139 = arith.cmpi ne, %sign3A_131, %sign3A_138 : i32
      %rem3A_140 = arith.remsi %squeeze3A_122, %jit3A_123 : i32
      %ne3A_141 = arith.constant 0 : i32
      %ne3A_142 = arith.cmpi ne, %rem3A_140, %ne3A_141 : i32
      %and3A_143 = arith.andi %ne3A_139, %ne3A_142 : i1
      %sub3A_144 = arith.constant 1 : i32
      %sub3A_145 = arith.subi %div3A_124, %sub3A_144 : i32
      %select_n3A_146 = arith.select %and3A_143, %sub3A_145, %div3A_124 : i32
      %mul3A_147 = arith.constant 128 : i32
      %mul3A_148 = arith.muli %select_n3A_146, %mul3A_147 : i32
      %multiple_of3A_149 = tpu.assume_multiple %mul3A_148, 128 : i32
      %dma_start3A_150 = arith.constant 0 : i32
      %dma_start3A_151 = tpu.memref_slice %arg2[%dma_start3A_150, %multiple_of3A_149] : memref<96x1000001xf32, #tpu.memory_space<hbm>> -> memref<96x128xf32, #tpu.memory_space<hbm>>
      %dma_start3A_152 = arith.constant 0 : i32
      %dma_start3A_153 = tpu.memref_slice %arg2[%dma_start3A_152, %multiple_of3A_149] : memref<96x1000001xf32, #tpu.memory_space<hbm>> -> memref<96x128xf32, #tpu.memory_space<hbm>>
      tpu.enqueue_dma source(%dma_start3A_153 : memref<96x128xf32, #tpu.memory_space<hbm>>) target(%arg15 : memref<96x128xf32, #tpu.memory_space<vmem>>) target_semaphore(%arg23 : memref<!tpu.dma_semaphore, #tpu.memory_space<semaphore_mem>>)
      %slice3A_154 = vector.extract_strided_slice %get3A_31 {offsets = [4], sizes = [1], strides = [1]} : vector<16xi32> to vector<1xi32>
      %squeeze3A_155 = vector.extract %slice3A_154[0] : i32 from vector<1xi32>
      %jit3A_156 = arith.constant 128 : i32
      %div3A_157 = arith.divsi %squeeze3A_155, %jit3A_156 : i32
      %sign3A_158 = arith.constant 0 : i32
      %sign3A_159 = arith.cmpi sgt, %squeeze3A_155, %sign3A_158 : i32
      %sign3A_160 = arith.extui %sign3A_159 : i1 to i32
      %sign3A_161 = arith.constant 0 : i32
      %sign3A_162 = arith.cmpi slt, %squeeze3A_155, %sign3A_161 : i32
      %sign3A_163 = arith.extui %sign3A_162 : i1 to i32
      %sign3A_164 = arith.subi %sign3A_160, %sign3A_163 : i32
      %sign3A_165 = arith.constant 0 : i32
      %sign3A_166 = arith.cmpi sgt, %jit3A_156, %sign3A_165 : i32
      %sign3A_167 = arith.extui %sign3A_166 : i1 to i32
      %sign3A_168 = arith.constant 0 : i32
      %sign3A_169 = arith.cmpi slt, %jit3A_156, %sign3A_168 : i32
      %sign3A_170 = arith.extui %sign3A_169 : i1 to i32
      %sign3A_171 = arith.subi %sign3A_167, %sign3A_170 : i32
      %ne3A_172 = arith.cmpi ne, %sign3A_164, %sign3A_171 : i32
      %rem3A_173 = arith.remsi %squeeze3A_155, %jit3A_156 : i32
      %ne3A_174 = arith.constant 0 : i32
      %ne3A_175 = arith.cmpi ne, %rem3A_173, %ne3A_174 : i32
      %and3A_176 = arith.andi %ne3A_172, %ne3A_175 : i1
      %sub3A_177 = arith.constant 1 : i32
      %sub3A_178 = arith.subi %div3A_157, %sub3A_177 : i32
      %select_n3A_179 = arith.select %and3A_176, %sub3A_178, %div3A_157 : i32
      %mul3A_180 = arith.constant 128 : i32
      %mul3A_181 = arith.muli %select_n3A_179, %mul3A_180 : i32
      %multiple_of3A_182 = tpu.assume_multiple %mul3A_181, 128 : i32
      %dma_start3A_183 = arith.constant 0 : i32
      %dma_start3A_184 = tpu.memref_slice %arg2[%dma_start3A_183, %multiple_of3A_182] : memref<96x1000001xf32, #tpu.memory_space<hbm>> -> memref<96x128xf32, #tpu.memory_space<hbm>>
      %dma_start3A_185 = arith.constant 0 : i32
      %dma_start3A_186 = tpu.memref_slice %arg2[%dma_start3A_185, %multiple_of3A_182] : memref<96x1000001xf32, #tpu.memory_space<hbm>> -> memref<96x128xf32, #tpu.memory_space<hbm>>
      tpu.enqueue_dma source(%dma_start3A_186 : memref<96x128xf32, #tpu.memory_space<hbm>>) target(%arg16 : memref<96x128xf32, #tpu.memory_space<vmem>>) target_semaphore(%arg24 : memref<!tpu.dma_semaphore, #tpu.memory_space<semaphore_mem>>)
      %slice3A_187 = vector.extract_strided_slice %get3A_31 {offsets = [5], sizes = [1], strides = [1]} : vector<16xi32> to vector<1xi32>
      %squeeze3A_188 = vector.extract %slice3A_187[0] : i32 from vector<1xi32>
      %jit3A_189 = arith.constant 128 : i32
      %div3A_190 = arith.divsi %squeeze3A_188, %jit3A_189 : i32
      %sign3A_191 = arith.constant 0 : i32
      %sign3A_192 = arith.cmpi sgt, %squeeze3A_188, %sign3A_191 : i32
      %sign3A_193 = arith.extui %sign3A_192 : i1 to i32
      %sign3A_194 = arith.constant 0 : i32
      %sign3A_195 = arith.cmpi slt, %squeeze3A_188, %sign3A_194 : i32
      %sign3A_196 = arith.extui %sign3A_195 : i1 to i32
      %sign3A_197 = arith.subi %sign3A_193, %sign3A_196 : i32
      %sign3A_198 = arith.constant 0 : i32
      %sign3A_199 = arith.cmpi sgt, %jit3A_189, %sign3A_198 : i32
      %sign3A_200 = arith.extui %sign3A_199 : i1 to i32
      %sign3A_201 = arith.constant 0 : i32
      %sign3A_202 = arith.cmpi slt, %jit3A_189, %sign3A_201 : i32
      %sign3A_203 = arith.extui %sign3A_202 : i1 to i32
      %sign3A_204 = arith.subi %sign3A_200, %sign3A_203 : i32
      %ne3A_205 = arith.cmpi ne, %sign3A_197, %sign3A_204 : i32
      %rem3A_206 = arith.remsi %squeeze3A_188, %jit3A_189 : i32
      %ne3A_207 = arith.constant 0 : i32
      %ne3A_208 = arith.cmpi ne, %rem3A_206, %ne3A_207 : i32
      %and3A_209 = arith.andi %ne3A_205, %ne3A_208 : i1
      %sub3A_210 = arith.constant 1 : i32
      %sub3A_211 = arith.subi %div3A_190, %sub3A_210 : i32
      %select_n3A_212 = arith.select %and3A_209, %sub3A_211, %div3A_190 : i32
      %mul3A_213 = arith.constant 128 : i32
      %mul3A_214 = arith.muli %select_n3A_212, %mul3A_213 : i32
      %multiple_of3A_215 = tpu.assume_multiple %mul3A_214, 128 : i32
      %dma_start3A_216 = arith.constant 0 : i32
      %dma_start3A_217 = tpu.memref_slice %arg2[%dma_start3A_216, %multiple_of3A_215] : memref<96x1000001xf32, #tpu.memory_space<hbm>> -> memref<96x128xf32, #tpu.memory_space<hbm>>
      %dma_start3A_218 = arith.constant 0 : i32
      %dma_start3A_219 = tpu.memref_slice %arg2[%dma_start3A_218, %multiple_of3A_215] : memref<96x1000001xf32, #tpu.memory_space<hbm>> -> memref<96x128xf32, #tpu.memory_space<hbm>>
      tpu.enqueue_dma source(%dma_start3A_219 : memref<96x128xf32, #tpu.memory_space<hbm>>) target(%arg17 : memref<96x128xf32, #tpu.memory_space<vmem>>) target_semaphore(%arg25 : memref<!tpu.dma_semaphore, #tpu.memory_space<semaphore_mem>>)
      %slice3A_220 = vector.extract_strided_slice %get3A_31 {offsets = [6], sizes = [1], strides = [1]} : vector<16xi32> to vector<1xi32>
      %squeeze3A_221 = vector.extract %slice3A_220[0] : i32 from vector<1xi32>
      %jit3A_222 = arith.constant 128 : i32
      %div3A_223 = arith.divsi %squeeze3A_221, %jit3A_222 : i32
      %sign3A_224 = arith.constant 0 : i32
      %sign3A_225 = arith.cmpi sgt, %squeeze3A_221, %sign3A_224 : i32
      %sign3A_226 = arith.extui %sign3A_225 : i1 to i32
      %sign3A_227 = arith.constant 0 : i32
      %sign3A_228 = arith.cmpi slt, %squeeze3A_221, %sign3A_227 : i32
      %sign3A_229 = arith.extui %sign3A_228 : i1 to i32
      %sign3A_230 = arith.subi %sign3A_226, %sign3A_229 : i32
      %sign3A_231 = arith.constant 0 : i32
      %sign3A_232 = arith.cmpi sgt, %jit3A_222, %sign3A_231 : i32
      %sign3A_233 = arith.extui %sign3A_232 : i1 to i32
      %sign3A_234 = arith.constant 0 : i32
      %sign3A_235 = arith.cmpi slt, %jit3A_222, %sign3A_234 : i32
      %sign3A_236 = arith.extui %sign3A_235 : i1 to i32
      %sign3A_237 = arith.subi %sign3A_233, %sign3A_236 : i32
      %ne3A_238 = arith.cmpi ne, %sign3A_230, %sign3A_237 : i32
      %rem3A_239 = arith.remsi %squeeze3A_221, %jit3A_222 : i32
      %ne3A_240 = arith.constant 0 : i32
      %ne3A_241 = arith.cmpi ne, %rem3A_239, %ne3A_240 : i32
      %and3A_242 = arith.andi %ne3A_238, %ne3A_241 : i1
      %sub3A_243 = arith.constant 1 : i32
      %sub3A_244 = arith.subi %div3A_223, %sub3A_243 : i32
      %select_n3A_245 = arith.select %and3A_242, %sub3A_244, %div3A_223 : i32
      %mul3A_246 = arith.constant 128 : i32
      %mul3A_247 = arith.muli %select_n3A_245, %mul3A_246 : i32
      %multiple_of3A_248 = tpu.assume_multiple %mul3A_247, 128 : i32
      %dma_start3A_249 = arith.constant 0 : i32
      %dma_start3A_250 = tpu.memref_slice %arg2[%dma_start3A_249, %multiple_of3A_248] : memref<96x1000001xf32, #tpu.memory_space<hbm>> -> memref<96x128xf32, #tpu.memory_space<hbm>>
      %dma_start3A_251 = arith.constant 0 : i32
      %dma_start3A_252 = tpu.memref_slice %arg2[%dma_start3A_251, %multiple_of3A_248] : memref<96x1000001xf32, #tpu.memory_space<hbm>> -> memref<96x128xf32, #tpu.memory_space<hbm>>
      tpu.enqueue_dma source(%dma_start3A_252 : memref<96x128xf32, #tpu.memory_space<hbm>>) target(%arg18 : memref<96x128xf32, #tpu.memory_space<vmem>>) target_semaphore(%arg26 : memref<!tpu.dma_semaphore, #tpu.memory_space<semaphore_mem>>)
      %slice3A_253 = vector.extract_strided_slice %get3A_31 {offsets = [7], sizes = [1], strides = [1]} : vector<16xi32> to vector<1xi32>
      %squeeze3A_254 = vector.extract %slice3A_253[0] : i32 from vector<1xi32>
      %jit3A_255 = arith.constant 128 : i32
      %div3A_256 = arith.divsi %squeeze3A_254, %jit3A_255 : i32
      %sign3A_257 = arith.constant 0 : i32
      %sign3A_258 = arith.cmpi sgt, %squeeze3A_254, %sign3A_257 : i32
      %sign3A_259 = arith.extui %sign3A_258 : i1 to i32
      %sign3A_260 = arith.constant 0 : i32
      %sign3A_261 = arith.cmpi slt, %squeeze3A_254, %sign3A_260 : i32
      %sign3A_262 = arith.extui %sign3A_261 : i1 to i32
      %sign3A_263 = arith.subi %sign3A_259, %sign3A_262 : i32
      %sign3A_264 = arith.constant 0 : i32
      %sign3A_265 = arith.cmpi sgt, %jit3A_255, %sign3A_264 : i32
      %sign3A_266 = arith.extui %sign3A_265 : i1 to i32
      %sign3A_267 = arith.constant 0 : i32
      %sign3A_268 = arith.cmpi slt, %jit3A_255, %sign3A_267 : i32
      %sign3A_269 = arith.extui %sign3A_268 : i1 to i32
      %sign3A_270 = arith.subi %sign3A_266, %sign3A_269 : i32
      %ne3A_271 = arith.cmpi ne, %sign3A_263, %sign3A_270 : i32
      %rem3A_272 = arith.remsi %squeeze3A_254, %jit3A_255 : i32
      %ne3A_273 = arith.constant 0 : i32
      %ne3A_274 = arith.cmpi ne, %rem3A_272, %ne3A_273 : i32
      %and3A_275 = arith.andi %ne3A_271, %ne3A_274 : i1
      %sub3A_276 = arith.constant 1 : i32
      %sub3A_277 = arith.subi %div3A_256, %sub3A_276 : i32
      %select_n3A_278 = arith.select %and3A_275, %sub3A_277, %div3A_256 : i32
      %mul3A_279 = arith.constant 128 : i32
      %mul3A_280 = arith.muli %select_n3A_278, %mul3A_279 : i32
      %multiple_of3A_281 = tpu.assume_multiple %mul3A_280, 128 : i32
      %dma_start3A_282 = arith.constant 0 : i32
      %dma_start3A_283 = tpu.memref_slice %arg2[%dma_start3A_282, %multiple_of3A_281] : memref<96x1000001xf32, #tpu.memory_space<hbm>> -> memref<96x128xf32, #tpu.memory_space<hbm>>
      %dma_start3A_284 = arith.constant 0 : i32
      %dma_start3A_285 = tpu.memref_slice %arg2[%dma_start3A_284, %multiple_of3A_281] : memref<96x1000001xf32, #tpu.memory_space<hbm>> -> memref<96x128xf32, #tpu.memory_space<hbm>>
      tpu.enqueue_dma source(%dma_start3A_285 : memref<96x128xf32, #tpu.memory_space<hbm>>) target(%arg19 : memref<96x128xf32, #tpu.memory_space<vmem>>) target_semaphore(%arg27 : memref<!tpu.dma_semaphore, #tpu.memory_space<semaphore_mem>>)
      %dma_wait3A_286 = arith.constant 0 : i32
      %dma_wait3A_287 = tpu.memref_slice %arg2[%dma_wait3A_286, %multiple_of3A_50] : memref<96x1000001xf32, #tpu.memory_space<hbm>> -> memref<96x128xf32, #tpu.memory_space<hbm>>
      %dma_wait3A_288 = arith.constant 0 : i32
      %dma_wait3A_289 = tpu.memref_slice %arg2[%dma_wait3A_288, %multiple_of3A_50] : memref<96x1000001xf32, #tpu.memory_space<hbm>> -> memref<96x128xf32, #tpu.memory_space<hbm>>
      tpu.wait_dma2 semaphore(%arg20 : memref<!tpu.dma_semaphore, #tpu.memory_space<semaphore_mem>>) src(%dma_wait3A_289 : memref<96x128xf32, #tpu.memory_space<hbm>>) dst(%arg12 : memref<96x128xf32, #tpu.memory_space<vmem>>)
      %slice3A_290 = vector.extract_strided_slice %get3A_31 {offsets = [0], sizes = [1], strides = [1]} : vector<16xi32> to vector<1xi32>
      %squeeze3A_291 = vector.extract %slice3A_290[0] : i32 from vector<1xi32>
      %jit3A_292 = arith.constant 128 : i32
      %div3A_293 = arith.divsi %squeeze3A_291, %jit3A_292 : i32
      %sign3A_294 = arith.constant 0 : i32
      %sign3A_295 = arith.cmpi sgt, %squeeze3A_291, %sign3A_294 : i32
      %sign3A_296 = arith.extui %sign3A_295 : i1 to i32
      %sign3A_297 = arith.constant 0 : i32
      %sign3A_298 = arith.cmpi slt, %squeeze3A_291, %sign3A_297 : i32
      %sign3A_299 = arith.extui %sign3A_298 : i1 to i32
      %sign3A_300 = arith.subi %sign3A_296, %sign3A_299 : i32
      %sign3A_301 = arith.constant 0 : i32
      %sign3A_302 = arith.cmpi sgt, %jit3A_292, %sign3A_301 : i32
      %sign3A_303 = arith.extui %sign3A_302 : i1 to i32
      %sign3A_304 = arith.constant 0 : i32
      %sign3A_305 = arith.cmpi slt, %jit3A_292, %sign3A_304 : i32
      %sign3A_306 = arith.extui %sign3A_305 : i1 to i32
      %sign3A_307 = arith.subi %sign3A_303, %sign3A_306 : i32
      %ne3A_308 = arith.cmpi ne, %sign3A_300, %sign3A_307 : i32
      %rem3A_309 = arith.remsi %squeeze3A_291, %jit3A_292 : i32
      %ne3A_310 = arith.constant 0 : i32
      %ne3A_311 = arith.cmpi ne, %rem3A_309, %ne3A_310 : i32
      %and3A_312 = arith.andi %ne3A_308, %ne3A_311 : i1
      %sub3A_313 = arith.constant 1 : i32
      %sub3A_314 = arith.subi %div3A_293, %sub3A_313 : i32
      %select_n3A_315 = arith.select %and3A_312, %sub3A_314, %div3A_293 : i32
      %mul3A_316 = arith.constant 128 : i32
      %mul3A_317 = arith.muli %select_n3A_315, %mul3A_316 : i32
      %sub3A_318 = arith.subi %squeeze3A_291, %mul3A_317 : i32
      %broadcast_in_dim3A = vector.broadcast %sub3A_318 : i32 to vector<16xi32>
      %mul3A_319 = arith.constant 16 : i32
      %mul3A_320 = arith.muli %scan3A_28, %mul3A_319 : i32
      %add3A_321 = arith.constant 0 : i32
      %add3A_322 = arith.addi %mul3A_320, %add3A_321 : i32
      %broadcast_in_dim3A_323 = vector.broadcast %add3A_322 : i32 to vector<16xi32>
      %iota3A = tpu.iota {dimensions = array<i32: 0>} : vector<16xi32>
      %add3A_324 = arith.constant 0 : i32
      %add3A_325 = vector.broadcast %add3A_324 : i32 to vector<16xi32>
      %add3A_326 = arith.addi %add3A_325, %iota3A : vector<16xi32>
      %gather3A = tpu.vector_load_idx %arg12[%add3A_326, %broadcast_in_dim3A] : memref<96x128xf32, #tpu.memory_space<vmem>>[vector<16xi32>, vector<16xi32>], vector<16xf32>,
      tpu.vector_store_idx %arg10[%add3A_326, %broadcast_in_dim3A_323], %gather3A : memref<96x128xf32, #tpu.memory_space<vmem>>[vector<16xi32>, vector<16xi32>], vector<16xf32>,
      %iota3A_327 = tpu.iota {dimensions = array<i32: 0>} : vector<16xi32>
      %add3A_328 = arith.constant 16 : i32
      %add3A_329 = vector.broadcast %add3A_328 : i32 to vector<16xi32>
      %add3A_330 = arith.addi %add3A_329, %iota3A_327 : vector<16xi32>
      %gather3A_331 = tpu.vector_load_idx %arg12[%add3A_330, %broadcast_in_dim3A] : memref<96x128xf32, #tpu.memory_space<vmem>>[vector<16xi32>, vector<16xi32>], vector<16xf32>,
      tpu.vector_store_idx %arg10[%add3A_330, %broadcast_in_dim3A_323], %gather3A_331 : memref<96x128xf32, #tpu.memory_space<vmem>>[vector<16xi32>, vector<16xi32>], vector<16xf32>,
      %iota3A_332 = tpu.iota {dimensions = array<i32: 0>} : vector<16xi32>
      %add3A_333 = arith.constant 32 : i32
      %add3A_334 = vector.broadcast %add3A_333 : i32 to vector<16xi32>
      %add3A_335 = arith.addi %add3A_334, %iota3A_332 : vector<16xi32>
      %gather3A_336 = tpu.vector_load_idx %arg12[%add3A_335, %broadcast_in_dim3A] : memref<96x128xf32, #tpu.memory_space<vmem>>[vector<16xi32>, vector<16xi32>], vector<16xf32>,
      tpu.vector_store_idx %arg10[%add3A_335, %broadcast_in_dim3A_323], %gather3A_336 : memref<96x128xf32, #tpu.memory_space<vmem>>[vector<16xi32>, vector<16xi32>], vector<16xf32>,
      %iota3A_337 = tpu.iota {dimensions = array<i32: 0>} : vector<16xi32>
      %add3A_338 = arith.constant 48 : i32
      %add3A_339 = vector.broadcast %add3A_338 : i32 to vector<16xi32>
      %add3A_340 = arith.addi %add3A_339, %iota3A_337 : vector<16xi32>
      %gather3A_341 = tpu.vector_load_idx %arg12[%add3A_340, %broadcast_in_dim3A] : memref<96x128xf32, #tpu.memory_space<vmem>>[vector<16xi32>, vector<16xi32>], vector<16xf32>,
      tpu.vector_store_idx %arg10[%add3A_340, %broadcast_in_dim3A_323], %gather3A_341 : memref<96x128xf32, #tpu.memory_space<vmem>>[vector<16xi32>, vector<16xi32>], vector<16xf32>,
      %iota3A_342 = tpu.iota {dimensions = array<i32: 0>} : vector<16xi32>
      %add3A_343 = arith.constant 64 : i32
      %add3A_344 = vector.broadcast %add3A_343 : i32 to vector<16xi32>
      %add3A_345 = arith.addi %add3A_344, %iota3A_342 : vector<16xi32>
      %gather3A_346 = tpu.vector_load_idx %arg12[%add3A_345, %broadcast_in_dim3A] : memref<96x128xf32, #tpu.memory_space<vmem>>[vector<16xi32>, vector<16xi32>], vector<16xf32>,
      tpu.vector_store_idx %arg10[%add3A_345, %broadcast_in_dim3A_323], %gather3A_346 : memref<96x128xf32, #tpu.memory_space<vmem>>[vector<16xi32>, vector<16xi32>], vector<16xf32>,
      %iota3A_347 = tpu.iota {dimensions = array<i32: 0>} : vector<16xi32>
      %add3A_348 = arith.constant 80 : i32
      %add3A_349 = vector.broadcast %add3A_348 : i32 to vector<16xi32>
      %add3A_350 = arith.addi %add3A_349, %iota3A_347 : vector<16xi32>
      %gather3A_351 = tpu.vector_load_idx %arg12[%add3A_350, %broadcast_in_dim3A] : memref<96x128xf32, #tpu.memory_space<vmem>>[vector<16xi32>, vector<16xi32>], vector<16xf32>,
      tpu.vector_store_idx %arg10[%add3A_350, %broadcast_in_dim3A_323], %gather3A_351 : memref<96x128xf32, #tpu.memory_space<vmem>>[vector<16xi32>, vector<16xi32>], vector<16xf32>,
      %slice3A_352 = vector.extract_strided_slice %get3A_31 {offsets = [8], sizes = [1], strides = [1]} : vector<16xi32> to vector<1xi32>
      %squeeze3A_353 = vector.extract %slice3A_352[0] : i32 from vector<1xi32>
      %jit3A_354 = arith.constant 128 : i32
      %div3A_355 = arith.divsi %squeeze3A_353, %jit3A_354 : i32
      %sign3A_356 = arith.constant 0 : i32
      %sign3A_357 = arith.cmpi sgt, %squeeze3A_353, %sign3A_356 : i32
      %sign3A_358 = arith.extui %sign3A_357 : i1 to i32
      %sign3A_359 = arith.constant 0 : i32
      %sign3A_360 = arith.cmpi slt, %squeeze3A_353, %sign3A_359 : i32
      %sign3A_361 = arith.extui %sign3A_360 : i1 to i32
      %sign3A_362 = arith.subi %sign3A_358, %sign3A_361 : i32
      %sign3A_363 = arith.constant 0 : i32
      %sign3A_364 = arith.cmpi sgt, %jit3A_354, %sign3A_363 : i32
      %sign3A_365 = arith.extui %sign3A_364 : i1 to i32
      %sign3A_366 = arith.constant 0 : i32
      %sign3A_367 = arith.cmpi slt, %jit3A_354, %sign3A_366 : i32
      %sign3A_368 = arith.extui %sign3A_367 : i1 to i32
      %sign3A_369 = arith.subi %sign3A_365, %sign3A_368 : i32
      %ne3A_370 = arith.cmpi ne, %sign3A_362, %sign3A_369 : i32
      %rem3A_371 = arith.remsi %squeeze3A_353, %jit3A_354 : i32
      %ne3A_372 = arith.constant 0 : i32
      %ne3A_373 = arith.cmpi ne, %rem3A_371, %ne3A_372 : i32
      %and3A_374 = arith.andi %ne3A_370, %ne3A_373 : i1
      %sub3A_375 = arith.constant 1 : i32
      %sub3A_376 = arith.subi %div3A_355, %sub3A_375 : i32
      %select_n3A_377 = arith.select %and3A_374, %sub3A_376, %div3A_355 : i32
      %mul3A_378 = arith.constant 128 : i32
      %mul3A_379 = arith.muli %select_n3A_377, %mul3A_378 : i32
      %multiple_of3A_380 = tpu.assume_multiple %mul3A_379, 128 : i32
      %dma_start3A_381 = arith.constant 0 : i32
      %dma_start3A_382 = tpu.memref_slice %arg2[%dma_start3A_381, %multiple_of3A_380] : memref<96x1000001xf32, #tpu.memory_space<hbm>> -> memref<96x128xf32, #tpu.memory_space<hbm>>
      %dma_start3A_383 = arith.constant 0 : i32
      %dma_start3A_384 = tpu.memref_slice %arg2[%dma_start3A_383, %multiple_of3A_380] : memref<96x1000001xf32, #tpu.memory_space<hbm>> -> memref<96x128xf32, #tpu.memory_space<hbm>>
      tpu.enqueue_dma source(%dma_start3A_384 : memref<96x128xf32, #tpu.memory_space<hbm>>) target(%arg12 : memref<96x128xf32, #tpu.memory_space<vmem>>) target_semaphore(%arg20 : memref<!tpu.dma_semaphore, #tpu.memory_space<semaphore_mem>>)
      %dma_wait3A_385 = arith.constant 0 : i32
      %dma_wait3A_386 = tpu.memref_slice %arg2[%dma_wait3A_385, %multiple_of3A_83] : memref<96x1000001xf32, #tpu.memory_space<hbm>> -> memref<96x128xf32, #tpu.memory_space<hbm>>
      %dma_wait3A_387 = arith.constant 0 : i32
      %dma_wait3A_388 = tpu.memref_slice %arg2[%dma_wait3A_387, %multiple_of3A_83] : memref<96x1000001xf32, #tpu.memory_space<hbm>> -> memref<96x128xf32, #tpu.memory_space<hbm>>
      tpu.wait_dma2 semaphore(%arg21 : memref<!tpu.dma_semaphore, #tpu.memory_space<semaphore_mem>>) src(%dma_wait3A_388 : memref<96x128xf32, #tpu.memory_space<hbm>>) dst(%arg13 : memref<96x128xf32, #tpu.memory_space<vmem>>)
      %slice3A_389 = vector.extract_strided_slice %get3A_31 {offsets = [1], sizes = [1], strides = [1]} : vector<16xi32> to vector<1xi32>
      %squeeze3A_390 = vector.extract %slice3A_389[0] : i32 from vector<1xi32>
      %jit3A_391 = arith.constant 128 : i32
      %div3A_392 = arith.divsi %squeeze3A_390, %jit3A_391 : i32
      %sign3A_393 = arith.constant 0 : i32
      %sign3A_394 = arith.cmpi sgt, %squeeze3A_390, %sign3A_393 : i32
      %sign3A_395 = arith.extui %sign3A_394 : i1 to i32
      %sign3A_396 = arith.constant 0 : i32
      %sign3A_397 = arith.cmpi slt, %squeeze3A_390, %sign3A_396 : i32
      %sign3A_398 = arith.extui %sign3A_397 : i1 to i32
      %sign3A_399 = arith.subi %sign3A_395, %sign3A_398 : i32
      %sign3A_400 = arith.constant 0 : i32
      %sign3A_401 = arith.cmpi sgt, %jit3A_391, %sign3A_400 : i32
      %sign3A_402 = arith.extui %sign3A_401 : i1 to i32
      %sign3A_403 = arith.constant 0 : i32
      %sign3A_404 = arith.cmpi slt, %jit3A_391, %sign3A_403 : i32
      %sign3A_405 = arith.extui %sign3A_404 : i1 to i32
      %sign3A_406 = arith.subi %sign3A_402, %sign3A_405 : i32
      %ne3A_407 = arith.cmpi ne, %sign3A_399, %sign3A_406 : i32
      %rem3A_408 = arith.remsi %squeeze3A_390, %jit3A_391 : i32
      %ne3A_409 = arith.constant 0 : i32
      %ne3A_410 = arith.cmpi ne, %rem3A_408, %ne3A_409 : i32
      %and3A_411 = arith.andi %ne3A_407, %ne3A_410 : i1
      %sub3A_412 = arith.constant 1 : i32
      %sub3A_413 = arith.subi %div3A_392, %sub3A_412 : i32
      %select_n3A_414 = arith.select %and3A_411, %sub3A_413, %div3A_392 : i32
      %mul3A_415 = arith.constant 128 : i32
      %mul3A_416 = arith.muli %select_n3A_414, %mul3A_415 : i32
      %sub3A_417 = arith.subi %squeeze3A_390, %mul3A_416 : i32
      %broadcast_in_dim3A_418 = vector.broadcast %sub3A_417 : i32 to vector<16xi32>
      %mul3A_419 = arith.constant 16 : i32
      %mul3A_420 = arith.muli %scan3A_28, %mul3A_419 : i32
      %add3A_421 = arith.constant 1 : i32
      %add3A_422 = arith.addi %mul3A_420, %add3A_421 : i32
      %broadcast_in_dim3A_423 = vector.broadcast %add3A_422 : i32 to vector<16xi32>
      %iota3A_424 = tpu.iota {dimensions = array<i32: 0>} : vector<16xi32>
      %add3A_425 = arith.constant 0 : i32
      %add3A_426 = vector.broadcast %add3A_425 : i32 to vector<16xi32>
      %add3A_427 = arith.addi %add3A_426, %iota3A_424 : vector<16xi32>
      %gather3A_428 = tpu.vector_load_idx %arg13[%add3A_427, %broadcast_in_dim3A_418] : memref<96x128xf32, #tpu.memory_space<vmem>>[vector<16xi32>, vector<16xi32>], vector<16xf32>,
      tpu.vector_store_idx %arg10[%add3A_427, %broadcast_in_dim3A_423], %gather3A_428 : memref<96x128xf32, #tpu.memory_space<vmem>>[vector<16xi32>, vector<16xi32>], vector<16xf32>,
      %iota3A_429 = tpu.iota {dimensions = array<i32: 0>} : vector<16xi32>
      %add3A_430 = arith.constant 16 : i32
      %add3A_431 = vector.broadcast %add3A_430 : i32 to vector<16xi32>
      %add3A_432 = arith.addi %add3A_431, %iota3A_429 : vector<16xi32>
      %gather3A_433 = tpu.vector_load_idx %arg13[%add3A_432, %broadcast_in_dim3A_418] : memref<96x128xf32, #tpu.memory_space<vmem>>[vector<16xi32>, vector<16xi32>], vector<16xf32>,
      tpu.vector_store_idx %arg10[%add3A_432, %broadcast_in_dim3A_423], %gather3A_433 : memref<96x128xf32, #tpu.memory_space<vmem>>[vector<16xi32>, vector<16xi32>], vector<16xf32>,
      %iota3A_434 = tpu.iota {dimensions = array<i32: 0>} : vector<16xi32>
      %add3A_435 = arith.constant 32 : i32
      %add3A_436 = vector.broadcast %add3A_435 : i32 to vector<16xi32>
      %add3A_437 = arith.addi %add3A_436, %iota3A_434 : vector<16xi32>
      %gather3A_438 = tpu.vector_load_idx %arg13[%add3A_437, %broadcast_in_dim3A_418] : memref<96x128xf32, #tpu.memory_space<vmem>>[vector<16xi32>, vector<16xi32>], vector<16xf32>,
      tpu.vector_store_idx %arg10[%add3A_437, %broadcast_in_dim3A_423], %gather3A_438 : memref<96x128xf32, #tpu.memory_space<vmem>>[vector<16xi32>, vector<16xi32>], vector<16xf32>,
      %iota3A_439 = tpu.iota {dimensions = array<i32: 0>} : vector<16xi32>
      %add3A_440 = arith.constant 48 : i32
      %add3A_441 = vector.broadcast %add3A_440 : i32 to vector<16xi32>
      %add3A_442 = arith.addi %add3A_441, %iota3A_439 : vector<16xi32>
      %gather3A_443 = tpu.vector_load_idx %arg13[%add3A_442, %broadcast_in_dim3A_418] : memref<96x128xf32, #tpu.memory_space<vmem>>[vector<16xi32>, vector<16xi32>], vector<16xf32>,
      tpu.vector_store_idx %arg10[%add3A_442, %broadcast_in_dim3A_423], %gather3A_443 : memref<96x128xf32, #tpu.memory_space<vmem>>[vector<16xi32>, vector<16xi32>], vector<16xf32>,
      %iota3A_444 = tpu.iota {dimensions = array<i32: 0>} : vector<16xi32>
      %add3A_445 = arith.constant 64 : i32
      %add3A_446 = vector.broadcast %add3A_445 : i32 to vector<16xi32>
      %add3A_447 = arith.addi %add3A_446, %iota3A_444 : vector<16xi32>
      %gather3A_448 = tpu.vector_load_idx %arg13[%add3A_447, %broadcast_in_dim3A_418] : memref<96x128xf32, #tpu.memory_space<vmem>>[vector<16xi32>, vector<16xi32>], vector<16xf32>,
      tpu.vector_store_idx %arg10[%add3A_447, %broadcast_in_dim3A_423], %gather3A_448 : memref<96x128xf32, #tpu.memory_space<vmem>>[vector<16xi32>, vector<16xi32>], vector<16xf32>,
      %iota3A_449 = tpu.iota {dimensions = array<i32: 0>} : vector<16xi32>
      %add3A_450 = arith.constant 80 : i32
      %add3A_451 = vector.broadcast %add3A_450 : i32 to vector<16xi32>
      %add3A_452 = arith.addi %add3A_451, %iota3A_449 : vector<16xi32>
      %gather3A_453 = tpu.vector_load_idx %arg13[%add3A_452, %broadcast_in_dim3A_418] : memref<96x128xf32, #tpu.memory_space<vmem>>[vector<16xi32>, vector<16xi32>], vector<16xf32>,
      tpu.vector_store_idx %arg10[%add3A_452, %broadcast_in_dim3A_423], %gather3A_453 : memref<96x128xf32, #tpu.memory_space<vmem>>[vector<16xi32>, vector<16xi32>], vector<16xf32>,
      %slice3A_454 = vector.extract_strided_slice %get3A_31 {offsets = [9], sizes = [1], strides = [1]} : vector<16xi32> to vector<1xi32>
      %squeeze3A_455 = vector.extract %slice3A_454[0] : i32 from vector<1xi32>
      %jit3A_456 = arith.constant 128 : i32
      %div3A_457 = arith.divsi %squeeze3A_455, %jit3A_456 : i32
      %sign3A_458 = arith.constant 0 : i32
      %sign3A_459 = arith.cmpi sgt, %squeeze3A_455, %sign3A_458 : i32
      %sign3A_460 = arith.extui %sign3A_459 : i1 to i32
      %sign3A_461 = arith.constant 0 : i32
      %sign3A_462 = arith.cmpi slt, %squeeze3A_455, %sign3A_461 : i32
      %sign3A_463 = arith.extui %sign3A_462 : i1 to i32
      %sign3A_464 = arith.subi %sign3A_460, %sign3A_463 : i32
      %sign3A_465 = arith.constant 0 : i32
      %sign3A_466 = arith.cmpi sgt, %jit3A_456, %sign3A_465 : i32
      %sign3A_467 = arith.extui %sign3A_466 : i1 to i32
      %sign3A_468 = arith.constant 0 : i32
      %sign3A_469 = arith.cmpi slt, %jit3A_456, %sign3A_468 : i32
      %sign3A_470 = arith.extui %sign3A_469 : i1 to i32
      %sign3A_471 = arith.subi %sign3A_467, %sign3A_470 : i32
      %ne3A_472 = arith.cmpi ne, %sign3A_464, %sign3A_471 : i32
      %rem3A_473 = arith.remsi %squeeze3A_455, %jit3A_456 : i32
      %ne3A_474 = arith.constant 0 : i32
      %ne3A_475 = arith.cmpi ne, %rem3A_473, %ne3A_474 : i32
      %and3A_476 = arith.andi %ne3A_472, %ne3A_475 : i1
      %sub3A_477 = arith.constant 1 : i32
      %sub3A_478 = arith.subi %div3A_457, %sub3A_477 : i32
      %select_n3A_479 = arith.select %and3A_476, %sub3A_478, %div3A_457 : i32
      %mul3A_480 = arith.constant 128 : i32
      %mul3A_481 = arith.muli %select_n3A_479, %mul3A_480 : i32
      %multiple_of3A_482 = tpu.assume_multiple %mul3A_481, 128 : i32
      %dma_start3A_483 = arith.constant 0 : i32
      %dma_start3A_484 = tpu.memref_slice %arg2[%dma_start3A_483, %multiple_of3A_482] : memref<96x1000001xf32, #tpu.memory_space<hbm>> -> memref<96x128xf32, #tpu.memory_space<hbm>>
      %dma_start3A_485 = arith.constant 0 : i32
      %dma_start3A_486 = tpu.memref_slice %arg2[%dma_start3A_485, %multiple_of3A_482] : memref<96x1000001xf32, #tpu.memory_space<hbm>> -> memref<96x128xf32, #tpu.memory_space<hbm>>
      tpu.enqueue_dma source(%dma_start3A_486 : memref<96x128xf32, #tpu.memory_space<hbm>>) target(%arg13 : memref<96x128xf32, #tpu.memory_space<vmem>>) target_semaphore(%arg21 : memref<!tpu.dma_semaphore, #tpu.memory_space<semaphore_mem>>)
      %dma_wait3A_487 = arith.constant 0 : i32
      %dma_wait3A_488 = tpu.memref_slice %arg2[%dma_wait3A_487, %multiple_of3A_116] : memref<96x1000001xf32, #tpu.memory_space<hbm>> -> memref<96x128xf32, #tpu.memory_space<hbm>>
      %dma_wait3A_489 = arith.constant 0 : i32
      %dma_wait3A_490 = tpu.memref_slice %arg2[%dma_wait3A_489, %multiple_of3A_116] : memref<96x1000001xf32, #tpu.memory_space<hbm>> -> memref<96x128xf32, #tpu.memory_space<hbm>>
      tpu.wait_dma2 semaphore(%arg22 : memref<!tpu.dma_semaphore, #tpu.memory_space<semaphore_mem>>) src(%dma_wait3A_490 : memref<96x128xf32, #tpu.memory_space<hbm>>) dst(%arg14 : memref<96x128xf32, #tpu.memory_space<vmem>>)
      %slice3A_491 = vector.extract_strided_slice %get3A_31 {offsets = [2], sizes = [1], strides = [1]} : vector<16xi32> to vector<1xi32>
      %squeeze3A_492 = vector.extract %slice3A_491[0] : i32 from vector<1xi32>
      %jit3A_493 = arith.constant 128 : i32
      %div3A_494 = arith.divsi %squeeze3A_492, %jit3A_493 : i32
      %sign3A_495 = arith.constant 0 : i32
      %sign3A_496 = arith.cmpi sgt, %squeeze3A_492, %sign3A_495 : i32
      %sign3A_497 = arith.extui %sign3A_496 : i1 to i32
      %sign3A_498 = arith.constant 0 : i32
      %sign3A_499 = arith.cmpi slt, %squeeze3A_492, %sign3A_498 : i32
      %sign3A_500 = arith.extui %sign3A_499 : i1 to i32
      %sign3A_501 = arith.subi %sign3A_497, %sign3A_500 : i32
      %sign3A_502 = arith.constant 0 : i32
      %sign3A_503 = arith.cmpi sgt, %jit3A_493, %sign3A_502 : i32
      %sign3A_504 = arith.extui %sign3A_503 : i1 to i32
      %sign3A_505 = arith.constant 0 : i32
      %sign3A_506 = arith.cmpi slt, %jit3A_493, %sign3A_505 : i32
      %sign3A_507 = arith.extui %sign3A_506 : i1 to i32
      %sign3A_508 = arith.subi %sign3A_504, %sign3A_507 : i32
      %ne3A_509 = arith.cmpi ne, %sign3A_501, %sign3A_508 : i32
      %rem3A_510 = arith.remsi %squeeze3A_492, %jit3A_493 : i32
      %ne3A_511 = arith.constant 0 : i32
      %ne3A_512 = arith.cmpi ne, %rem3A_510, %ne3A_511 : i32
      %and3A_513 = arith.andi %ne3A_509, %ne3A_512 : i1
      %sub3A_514 = arith.constant 1 : i32
      %sub3A_515 = arith.subi %div3A_494, %sub3A_514 : i32
      %select_n3A_516 = arith.select %and3A_513, %sub3A_515, %div3A_494 : i32
      %mul3A_517 = arith.constant 128 : i32
      %mul3A_518 = arith.muli %select_n3A_516, %mul3A_517 : i32
      %sub3A_519 = arith.subi %squeeze3A_492, %mul3A_518 : i32
      %broadcast_in_dim3A_520 = vector.broadcast %sub3A_519 : i32 to vector<16xi32>
      %mul3A_521 = arith.constant 16 : i32
      %mul3A_522 = arith.muli %scan3A_28, %mul3A_521 : i32
      %add3A_523 = arith.constant 2 : i32
      %add3A_524 = arith.addi %mul3A_522, %add3A_523 : i32
      %broadcast_in_dim3A_525 = vector.broadcast %add3A_524 : i32 to vector<16xi32>
      %iota3A_526 = tpu.iota {dimensions = array<i32: 0>} : vector<16xi32>
      %add3A_527 = arith.constant 0 : i32
      %add3A_528 = vector.broadcast %add3A_527 : i32 to vector<16xi32>
      %add3A_529 = arith.addi %add3A_528, %iota3A_526 : vector<16xi32>
      %gather3A_530 = tpu.vector_load_idx %arg14[%add3A_529, %broadcast_in_dim3A_520] : memref<96x128xf32, #tpu.memory_space<vmem>>[vector<16xi32>, vector<16xi32>], vector<16xf32>,
      tpu.vector_store_idx %arg10[%add3A_529, %broadcast_in_dim3A_525], %gather3A_530 : memref<96x128xf32, #tpu.memory_space<vmem>>[vector<16xi32>, vector<16xi32>], vector<16xf32>,
      %iota3A_531 = tpu.iota {dimensions = array<i32: 0>} : vector<16xi32>
      %add3A_532 = arith.constant 16 : i32
      %add3A_533 = vector.broadcast %add3A_532 : i32 to vector<16xi32>
      %add3A_534 = arith.addi %add3A_533, %iota3A_531 : vector<16xi32>
      %gather3A_535 = tpu.vector_load_idx %arg14[%add3A_534, %broadcast_in_dim3A_520] : memref<96x128xf32, #tpu.memory_space<vmem>>[vector<16xi32>, vector<16xi32>], vector<16xf32>,
      tpu.vector_store_idx %arg10[%add3A_534, %broadcast_in_dim3A_525], %gather3A_535 : memref<96x128xf32, #tpu.memory_space<vmem>>[vector<16xi32>, vector<16xi32>], vector<16xf32>,
      %iota3A_536 = tpu.iota {dimensions = array<i32: 0>} : vector<16xi32>
      %add3A_537 = arith.constant 32 : i32
      %add3A_538 = vector.broadcast %add3A_537 : i32 to vector<16xi32>
      %add3A_539 = arith.addi %add3A_538, %iota3A_536 : vector<16xi32>
      %gather3A_540 = tpu.vector_load_idx %arg14[%add3A_539, %broadcast_in_dim3A_520] : memref<96x128xf32, #tpu.memory_space<vmem>>[vector<16xi32>, vector<16xi32>], vector<16xf32>,
      tpu.vector_store_idx %arg10[%add3A_539, %broadcast_in_dim3A_525], %gather3A_540 : memref<96x128xf32, #tpu.memory_space<vmem>>[vector<16xi32>, vector<16xi32>], vector<16xf32>,
      %iota3A_541 = tpu.iota {dimensions = array<i32: 0>} : vector<16xi32>
      %add3A_542 = arith.constant 48 : i32
      %add3A_543 = vector.broadcast %add3A_542 : i32 to vector<16xi32>
      %add3A_544 = arith.addi %add3A_543, %iota3A_541 : vector<16xi32>
      %gather3A_545 = tpu.vector_load_idx %arg14[%add3A_544, %broadcast_in_dim3A_520] : memref<96x128xf32, #tpu.memory_space<vmem>>[vector<16xi32>, vector<16xi32>], vector<16xf32>,
      tpu.vector_store_idx %arg10[%add3A_544, %broadcast_in_dim3A_525], %gather3A_545 : memref<96x128xf32, #tpu.memory_space<vmem>>[vector<16xi32>, vector<16xi32>], vector<16xf32>,
      %iota3A_546 = tpu.iota {dimensions = array<i32: 0>} : vector<16xi32>
      %add3A_547 = arith.constant 64 : i32
      %add3A_548 = vector.broadcast %add3A_547 : i32 to vector<16xi32>
      %add3A_549 = arith.addi %add3A_548, %iota3A_546 : vector<16xi32>
      %gather3A_550 = tpu.vector_load_idx %arg14[%add3A_549, %broadcast_in_dim3A_520] : memref<96x128xf32, #tpu.memory_space<vmem>>[vector<16xi32>, vector<16xi32>], vector<16xf32>,
      tpu.vector_store_idx %arg10[%add3A_549, %broadcast_in_dim3A_525], %gather3A_550 : memref<96x128xf32, #tpu.memory_space<vmem>>[vector<16xi32>, vector<16xi32>], vector<16xf32>,
      %iota3A_551 = tpu.iota {dimensions = array<i32: 0>} : vector<16xi32>
      %add3A_552 = arith.constant 80 : i32
      %add3A_553 = vector.broadcast %add3A_552 : i32 to vector<16xi32>
      %add3A_554 = arith.addi %add3A_553, %iota3A_551 : vector<16xi32>
      %gather3A_555 = tpu.vector_load_idx %arg14[%add3A_554, %broadcast_in_dim3A_520] : memref<96x128xf32, #tpu.memory_space<vmem>>[vector<16xi32>, vector<16xi32>], vector<16xf32>,
      tpu.vector_store_idx %arg10[%add3A_554, %broadcast_in_dim3A_525], %gather3A_555 : memref<96x128xf32, #tpu.memory_space<vmem>>[vector<16xi32>, vector<16xi32>], vector<16xf32>,
      %slice3A_556 = vector.extract_strided_slice %get3A_31 {offsets = [10], sizes = [1], strides = [1]} : vector<16xi32> to vector<1xi32>
      %squeeze3A_557 = vector.extract %slice3A_556[0] : i32 from vector<1xi32>
      %jit3A_558 = arith.constant 128 : i32
      %div3A_559 = arith.divsi %squeeze3A_557, %jit3A_558 : i32
      %sign3A_560 = arith.constant 0 : i32
      %sign3A_561 = arith.cmpi sgt, %squeeze3A_557, %sign3A_560 : i32
      %sign3A_562 = arith.extui %sign3A_561 : i1 to i32
      %sign3A_563 = arith.constant 0 : i32
      %sign3A_564 = arith.cmpi slt, %squeeze3A_557, %sign3A_563 : i32
      %sign3A_565 = arith.extui %sign3A_564 : i1 to i32
      %sign3A_566 = arith.subi %sign3A_562, %sign3A_565 : i32
      %sign3A_567 = arith.constant 0 : i32
      %sign3A_568 = arith.cmpi sgt, %jit3A_558, %sign3A_567 : i32
      %sign3A_569 = arith.extui %sign3A_568 : i1 to i32
      %sign3A_570 = arith.constant 0 : i32
      %sign3A_571 = arith.cmpi slt, %jit3A_558, %sign3A_570 : i32
      %sign3A_572 = arith.extui %sign3A_571 : i1 to i32
      %sign3A_573 = arith.subi %sign3A_569, %sign3A_572 : i32
      %ne3A_574 = arith.cmpi ne, %sign3A_566, %sign3A_573 : i32
      %rem3A_575 = arith.remsi %squeeze3A_557, %jit3A_558 : i32
      %ne3A_576 = arith.constant 0 : i32
      %ne3A_577 = arith.cmpi ne, %rem3A_575, %ne3A_576 : i32
      %and3A_578 = arith.andi %ne3A_574, %ne3A_577 : i1
      %sub3A_579 = arith.constant 1 : i32
      %sub3A_580 = arith.subi %div3A_559, %sub3A_579 : i32
      %select_n3A_581 = arith.select %and3A_578, %sub3A_580, %div3A_559 : i32
      %mul3A_582 = arith.constant 128 : i32
      %mul3A_583 = arith.muli %select_n3A_581, %mul3A_582 : i32
      %multiple_of3A_584 = tpu.assume_multiple %mul3A_583, 128 : i32
      %dma_start3A_585 = arith.constant 0 : i32
      %dma_start3A_586 = tpu.memref_slice %arg2[%dma_start3A_585, %multiple_of3A_584] : memref<96x1000001xf32, #tpu.memory_space<hbm>> -> memref<96x128xf32, #tpu.memory_space<hbm>>
      %dma_start3A_587 = arith.constant 0 : i32
      %dma_start3A_588 = tpu.memref_slice %arg2[%dma_start3A_587, %multiple_of3A_584] : memref<96x1000001xf32, #tpu.memory_space<hbm>> -> memref<96x128xf32, #tpu.memory_space<hbm>>
      tpu.enqueue_dma source(%dma_start3A_588 : memref<96x128xf32, #tpu.memory_space<hbm>>) target(%arg14 : memref<96x128xf32, #tpu.memory_space<vmem>>) target_semaphore(%arg22 : memref<!tpu.dma_semaphore, #tpu.memory_space<semaphore_mem>>)
      %dma_wait3A_589 = arith.constant 0 : i32
      %dma_wait3A_590 = tpu.memref_slice %arg2[%dma_wait3A_589, %multiple_of3A_149] : memref<96x1000001xf32, #tpu.memory_space<hbm>> -> memref<96x128xf32, #tpu.memory_space<hbm>>
      %dma_wait3A_591 = arith.constant 0 : i32
      %dma_wait3A_592 = tpu.memref_slice %arg2[%dma_wait3A_591, %multiple_of3A_149] : memref<96x1000001xf32, #tpu.memory_space<hbm>> -> memref<96x128xf32, #tpu.memory_space<hbm>>
      tpu.wait_dma2 semaphore(%arg23 : memref<!tpu.dma_semaphore, #tpu.memory_space<semaphore_mem>>) src(%dma_wait3A_592 : memref<96x128xf32, #tpu.memory_space<hbm>>) dst(%arg15 : memref<96x128xf32, #tpu.memory_space<vmem>>)
      %slice3A_593 = vector.extract_strided_slice %get3A_31 {offsets = [3], sizes = [1], strides = [1]} : vector<16xi32> to vector<1xi32>
      %squeeze3A_594 = vector.extract %slice3A_593[0] : i32 from vector<1xi32>
      %jit3A_595 = arith.constant 128 : i32
      %div3A_596 = arith.divsi %squeeze3A_594, %jit3A_595 : i32
      %sign3A_597 = arith.constant 0 : i32
      %sign3A_598 = arith.cmpi sgt, %squeeze3A_594, %sign3A_597 : i32
      %sign3A_599 = arith.extui %sign3A_598 : i1 to i32
      %sign3A_600 = arith.constant 0 : i32
      %sign3A_601 = arith.cmpi slt, %squeeze3A_594, %sign3A_600 : i32
      %sign3A_602 = arith.extui %sign3A_601 : i1 to i32
      %sign3A_603 = arith.subi %sign3A_599, %sign3A_602 : i32
      %sign3A_604 = arith.constant 0 : i32
      %sign3A_605 = arith.cmpi sgt, %jit3A_595, %sign3A_604 : i32
      %sign3A_606 = arith.extui %sign3A_605 : i1 to i32
      %sign3A_607 = arith.constant 0 : i32
      %sign3A_608 = arith.cmpi slt, %jit3A_595, %sign3A_607 : i32
      %sign3A_609 = arith.extui %sign3A_608 : i1 to i32
      %sign3A_610 = arith.subi %sign3A_606, %sign3A_609 : i32
      %ne3A_611 = arith.cmpi ne, %sign3A_603, %sign3A_610 : i32
      %rem3A_612 = arith.remsi %squeeze3A_594, %jit3A_595 : i32
      %ne3A_613 = arith.constant 0 : i32
      %ne3A_614 = arith.cmpi ne, %rem3A_612, %ne3A_613 : i32
      %and3A_615 = arith.andi %ne3A_611, %ne3A_614 : i1
      %sub3A_616 = arith.constant 1 : i32
      %sub3A_617 = arith.subi %div3A_596, %sub3A_616 : i32
      %select_n3A_618 = arith.select %and3A_615, %sub3A_617, %div3A_596 : i32
      %mul3A_619 = arith.constant 128 : i32
      %mul3A_620 = arith.muli %select_n3A_618, %mul3A_619 : i32
      %sub3A_621 = arith.subi %squeeze3A_594, %mul3A_620 : i32
      %broadcast_in_dim3A_622 = vector.broadcast %sub3A_621 : i32 to vector<16xi32>
      %mul3A_623 = arith.constant 16 : i32
      %mul3A_624 = arith.muli %scan3A_28, %mul3A_623 : i32
      %add3A_625 = arith.constant 3 : i32
      %add3A_626 = arith.addi %mul3A_624, %add3A_625 : i32
      %broadcast_in_dim3A_627 = vector.broadcast %add3A_626 : i32 to vector<16xi32>
      %iota3A_628 = tpu.iota {dimensions = array<i32: 0>} : vector<16xi32>
      %add3A_629 = arith.constant 0 : i32
      %add3A_630 = vector.broadcast %add3A_629 : i32 to vector<16xi32>
      %add3A_631 = arith.addi %add3A_630, %iota3A_628 : vector<16xi32>
      %gather3A_632 = tpu.vector_load_idx %arg15[%add3A_631, %broadcast_in_dim3A_622] : memref<96x128xf32, #tpu.memory_space<vmem>>[vector<16xi32>, vector<16xi32>], vector<16xf32>,
      tpu.vector_store_idx %arg10[%add3A_631, %broadcast_in_dim3A_627], %gather3A_632 : memref<96x128xf32, #tpu.memory_space<vmem>>[vector<16xi32>, vector<16xi32>], vector<16xf32>,
      %iota3A_633 = tpu.iota {dimensions = array<i32: 0>} : vector<16xi32>
      %add3A_634 = arith.constant 16 : i32
      %add3A_635 = vector.broadcast %add3A_634 : i32 to vector<16xi32>
      %add3A_636 = arith.addi %add3A_635, %iota3A_633 : vector<16xi32>
      %gather3A_637 = tpu.vector_load_idx %arg15[%add3A_636, %broadcast_in_dim3A_622] : memref<96x128xf32, #tpu.memory_space<vmem>>[vector<16xi32>, vector<16xi32>], vector<16xf32>,
      tpu.vector_store_idx %arg10[%add3A_636, %broadcast_in_dim3A_627], %gather3A_637 : memref<96x128xf32, #tpu.memory_space<vmem>>[vector<16xi32>, vector<16xi32>], vector<16xf32>,
      %iota3A_638 = tpu.iota {dimensions = array<i32: 0>} : vector<16xi32>
      %add3A_639 = arith.constant 32 : i32
      %add3A_640 = vector.broadcast %add3A_639 : i32 to vector<16xi32>
      %add3A_641 = arith.addi %add3A_640, %iota3A_638 : vector<16xi32>
      %gather3A_642 = tpu.vector_load_idx %arg15[%add3A_641, %broadcast_in_dim3A_622] : memref<96x128xf32, #tpu.memory_space<vmem>>[vector<16xi32>, vector<16xi32>], vector<16xf32>,
      tpu.vector_store_idx %arg10[%add3A_641, %broadcast_in_dim3A_627], %gather3A_642 : memref<96x128xf32, #tpu.memory_space<vmem>>[vector<16xi32>, vector<16xi32>], vector<16xf32>,
      %iota3A_643 = tpu.iota {dimensions = array<i32: 0>} : vector<16xi32>
      %add3A_644 = arith.constant 48 : i32
      %add3A_645 = vector.broadcast %add3A_644 : i32 to vector<16xi32>
      %add3A_646 = arith.addi %add3A_645, %iota3A_643 : vector<16xi32>
      %gather3A_647 = tpu.vector_load_idx %arg15[%add3A_646, %broadcast_in_dim3A_622] : memref<96x128xf32, #tpu.memory_space<vmem>>[vector<16xi32>, vector<16xi32>], vector<16xf32>,
      tpu.vector_store_idx %arg10[%add3A_646, %broadcast_in_dim3A_627], %gather3A_647 : memref<96x128xf32, #tpu.memory_space<vmem>>[vector<16xi32>, vector<16xi32>], vector<16xf32>,
      %iota3A_648 = tpu.iota {dimensions = array<i32: 0>} : vector<16xi32>
      %add3A_649 = arith.constant 64 : i32
      %add3A_650 = vector.broadcast %add3A_649 : i32 to vector<16xi32>
      %add3A_651 = arith.addi %add3A_650, %iota3A_648 : vector<16xi32>
      %gather3A_652 = tpu.vector_load_idx %arg15[%add3A_651, %broadcast_in_dim3A_622] : memref<96x128xf32, #tpu.memory_space<vmem>>[vector<16xi32>, vector<16xi32>], vector<16xf32>,
      tpu.vector_store_idx %arg10[%add3A_651, %broadcast_in_dim3A_627], %gather3A_652 : memref<96x128xf32, #tpu.memory_space<vmem>>[vector<16xi32>, vector<16xi32>], vector<16xf32>,
      %iota3A_653 = tpu.iota {dimensions = array<i32: 0>} : vector<16xi32>
      %add3A_654 = arith.constant 80 : i32
      %add3A_655 = vector.broadcast %add3A_654 : i32 to vector<16xi32>
      %add3A_656 = arith.addi %add3A_655, %iota3A_653 : vector<16xi32>
      %gather3A_657 = tpu.vector_load_idx %arg15[%add3A_656, %broadcast_in_dim3A_622] : memref<96x128xf32, #tpu.memory_space<vmem>>[vector<16xi32>, vector<16xi32>], vector<16xf32>,
      tpu.vector_store_idx %arg10[%add3A_656, %broadcast_in_dim3A_627], %gather3A_657 : memref<96x128xf32, #tpu.memory_space<vmem>>[vector<16xi32>, vector<16xi32>], vector<16xf32>,
      %slice3A_658 = vector.extract_strided_slice %get3A_31 {offsets = [11], sizes = [1], strides = [1]} : vector<16xi32> to vector<1xi32>
      %squeeze3A_659 = vector.extract %slice3A_658[0] : i32 from vector<1xi32>
      %jit3A_660 = arith.constant 128 : i32
      %div3A_661 = arith.divsi %squeeze3A_659, %jit3A_660 : i32
      %sign3A_662 = arith.constant 0 : i32
      %sign3A_663 = arith.cmpi sgt, %squeeze3A_659, %sign3A_662 : i32
      %sign3A_664 = arith.extui %sign3A_663 : i1 to i32
      %sign3A_665 = arith.constant 0 : i32
      %sign3A_666 = arith.cmpi slt, %squeeze3A_659, %sign3A_665 : i32
      %sign3A_667 = arith.extui %sign3A_666 : i1 to i32
      %sign3A_668 = arith.subi %sign3A_664, %sign3A_667 : i32
      %sign3A_669 = arith.constant 0 : i32
      %sign3A_670 = arith.cmpi sgt, %jit3A_660, %sign3A_669 : i32
      %sign3A_671 = arith.extui %sign3A_670 : i1 to i32
      %sign3A_672 = arith.constant 0 : i32
      %sign3A_673 = arith.cmpi slt, %jit3A_660, %sign3A_672 : i32
      %sign3A_674 = arith.extui %sign3A_673 : i1 to i32
      %sign3A_675 = arith.subi %sign3A_671, %sign3A_674 : i32
      %ne3A_676 = arith.cmpi ne, %sign3A_668, %sign3A_675 : i32
      %rem3A_677 = arith.remsi %squeeze3A_659, %jit3A_660 : i32
      %ne3A_678 = arith.constant 0 : i32
      %ne3A_679 = arith.cmpi ne, %rem3A_677, %ne3A_678 : i32
      %and3A_680 = arith.andi %ne3A_676, %ne3A_679 : i1
      %sub3A_681 = arith.constant 1 : i32
      %sub3A_682 = arith.subi %div3A_661, %sub3A_681 : i32
      %select_n3A_683 = arith.select %and3A_680, %sub3A_682, %div3A_661 : i32
      %mul3A_684 = arith.constant 128 : i32
      %mul3A_685 = arith.muli %select_n3A_683, %mul3A_684 : i32
      %multiple_of3A_686 = tpu.assume_multiple %mul3A_685, 128 : i32
      %dma_start3A_687 = arith.constant 0 : i32
      %dma_start3A_688 = tpu.memref_slice %arg2[%dma_start3A_687, %multiple_of3A_686] : memref<96x1000001xf32, #tpu.memory_space<hbm>> -> memref<96x128xf32, #tpu.memory_space<hbm>>
      %dma_start3A_689 = arith.constant 0 : i32
      %dma_start3A_690 = tpu.memref_slice %arg2[%dma_start3A_689, %multiple_of3A_686] : memref<96x1000001xf32, #tpu.memory_space<hbm>> -> memref<96x128xf32, #tpu.memory_space<hbm>>
      tpu.enqueue_dma source(%dma_start3A_690 : memref<96x128xf32, #tpu.memory_space<hbm>>) target(%arg15 : memref<96x128xf32, #tpu.memory_space<vmem>>) target_semaphore(%arg23 : memref<!tpu.dma_semaphore, #tpu.memory_space<semaphore_mem>>)
      %dma_wait3A_691 = arith.constant 0 : i32
      %dma_wait3A_692 = tpu.memref_slice %arg2[%dma_wait3A_691, %multiple_of3A_182] : memref<96x1000001xf32, #tpu.memory_space<hbm>> -> memref<96x128xf32, #tpu.memory_space<hbm>>
      %dma_wait3A_693 = arith.constant 0 : i32
      %dma_wait3A_694 = tpu.memref_slice %arg2[%dma_wait3A_693, %multiple_of3A_182] : memref<96x1000001xf32, #tpu.memory_space<hbm>> -> memref<96x128xf32, #tpu.memory_space<hbm>>
      tpu.wait_dma2 semaphore(%arg24 : memref<!tpu.dma_semaphore, #tpu.memory_space<semaphore_mem>>) src(%dma_wait3A_694 : memref<96x128xf32, #tpu.memory_space<hbm>>) dst(%arg16 : memref<96x128xf32, #tpu.memory_space<vmem>>)
      %slice3A_695 = vector.extract_strided_slice %get3A_31 {offsets = [4], sizes = [1], strides = [1]} : vector<16xi32> to vector<1xi32>
      %squeeze3A_696 = vector.extract %slice3A_695[0] : i32 from vector<1xi32>
      %jit3A_697 = arith.constant 128 : i32
      %div3A_698 = arith.divsi %squeeze3A_696, %jit3A_697 : i32
      %sign3A_699 = arith.constant 0 : i32
      %sign3A_700 = arith.cmpi sgt, %squeeze3A_696, %sign3A_699 : i32
      %sign3A_701 = arith.extui %sign3A_700 : i1 to i32
      %sign3A_702 = arith.constant 0 : i32
      %sign3A_703 = arith.cmpi slt, %squeeze3A_696, %sign3A_702 : i32
      %sign3A_704 = arith.extui %sign3A_703 : i1 to i32
      %sign3A_705 = arith.subi %sign3A_701, %sign3A_704 : i32
      %sign3A_706 = arith.constant 0 : i32
      %sign3A_707 = arith.cmpi sgt, %jit3A_697, %sign3A_706 : i32
      %sign3A_708 = arith.extui %sign3A_707 : i1 to i32
      %sign3A_709 = arith.constant 0 : i32
      %sign3A_710 = arith.cmpi slt, %jit3A_697, %sign3A_709 : i32
      %sign3A_711 = arith.extui %sign3A_710 : i1 to i32
      %sign3A_712 = arith.subi %sign3A_708, %sign3A_711 : i32
      %ne3A_713 = arith.cmpi ne, %sign3A_705, %sign3A_712 : i32
      %rem3A_714 = arith.remsi %squeeze3A_696, %jit3A_697 : i32
      %ne3A_715 = arith.constant 0 : i32
      %ne3A_716 = arith.cmpi ne, %rem3A_714, %ne3A_715 : i32
      %and3A_717 = arith.andi %ne3A_713, %ne3A_716 : i1
      %sub3A_718 = arith.constant 1 : i32
      %sub3A_719 = arith.subi %div3A_698, %sub3A_718 : i32
      %select_n3A_720 = arith.select %and3A_717, %sub3A_719, %div3A_698 : i32
      %mul3A_721 = arith.constant 128 : i32
      %mul3A_722 = arith.muli %select_n3A_720, %mul3A_721 : i32
      %sub3A_723 = arith.subi %squeeze3A_696, %mul3A_722 : i32
      %broadcast_in_dim3A_724 = vector.broadcast %sub3A_723 : i32 to vector<16xi32>
      %mul3A_725 = arith.constant 16 : i32
      %mul3A_726 = arith.muli %scan3A_28, %mul3A_725 : i32
      %add3A_727 = arith.constant 4 : i32
      %add3A_728 = arith.addi %mul3A_726, %add3A_727 : i32
      %broadcast_in_dim3A_729 = vector.broadcast %add3A_728 : i32 to vector<16xi32>
      %iota3A_730 = tpu.iota {dimensions = array<i32: 0>} : vector<16xi32>
      %add3A_731 = arith.constant 0 : i32
      %add3A_732 = vector.broadcast %add3A_731 : i32 to vector<16xi32>
      %add3A_733 = arith.addi %add3A_732, %iota3A_730 : vector<16xi32>
      %gather3A_734 = tpu.vector_load_idx %arg16[%add3A_733, %broadcast_in_dim3A_724] : memref<96x128xf32, #tpu.memory_space<vmem>>[vector<16xi32>, vector<16xi32>], vector<16xf32>,
      tpu.vector_store_idx %arg10[%add3A_733, %broadcast_in_dim3A_729], %gather3A_734 : memref<96x128xf32, #tpu.memory_space<vmem>>[vector<16xi32>, vector<16xi32>], vector<16xf32>,
      %iota3A_735 = tpu.iota {dimensions = array<i32: 0>} : vector<16xi32>
      %add3A_736 = arith.constant 16 : i32
      %add3A_737 = vector.broadcast %add3A_736 : i32 to vector<16xi32>
      %add3A_738 = arith.addi %add3A_737, %iota3A_735 : vector<16xi32>
      %gather3A_739 = tpu.vector_load_idx %arg16[%add3A_738, %broadcast_in_dim3A_724] : memref<96x128xf32, #tpu.memory_space<vmem>>[vector<16xi32>, vector<16xi32>], vector<16xf32>,
      tpu.vector_store_idx %arg10[%add3A_738, %broadcast_in_dim3A_729], %gather3A_739 : memref<96x128xf32, #tpu.memory_space<vmem>>[vector<16xi32>, vector<16xi32>], vector<16xf32>,
      %iota3A_740 = tpu.iota {dimensions = array<i32: 0>} : vector<16xi32>
      %add3A_741 = arith.constant 32 : i32
      %add3A_742 = vector.broadcast %add3A_741 : i32 to vector<16xi32>
      %add3A_743 = arith.addi %add3A_742, %iota3A_740 : vector<16xi32>
      %gather3A_744 = tpu.vector_load_idx %arg16[%add3A_743, %broadcast_in_dim3A_724] : memref<96x128xf32, #tpu.memory_space<vmem>>[vector<16xi32>, vector<16xi32>], vector<16xf32>,
      tpu.vector_store_idx %arg10[%add3A_743, %broadcast_in_dim3A_729], %gather3A_744 : memref<96x128xf32, #tpu.memory_space<vmem>>[vector<16xi32>, vector<16xi32>], vector<16xf32>,
      %iota3A_745 = tpu.iota {dimensions = array<i32: 0>} : vector<16xi32>
      %add3A_746 = arith.constant 48 : i32
      %add3A_747 = vector.broadcast %add3A_746 : i32 to vector<16xi32>
      %add3A_748 = arith.addi %add3A_747, %iota3A_745 : vector<16xi32>
      %gather3A_749 = tpu.vector_load_idx %arg16[%add3A_748, %broadcast_in_dim3A_724] : memref<96x128xf32, #tpu.memory_space<vmem>>[vector<16xi32>, vector<16xi32>], vector<16xf32>,
      tpu.vector_store_idx %arg10[%add3A_748, %broadcast_in_dim3A_729], %gather3A_749 : memref<96x128xf32, #tpu.memory_space<vmem>>[vector<16xi32>, vector<16xi32>], vector<16xf32>,
      %iota3A_750 = tpu.iota {dimensions = array<i32: 0>} : vector<16xi32>
      %add3A_751 = arith.constant 64 : i32
      %add3A_752 = vector.broadcast %add3A_751 : i32 to vector<16xi32>
      %add3A_753 = arith.addi %add3A_752, %iota3A_750 : vector<16xi32>
      %gather3A_754 = tpu.vector_load_idx %arg16[%add3A_753, %broadcast_in_dim3A_724] : memref<96x128xf32, #tpu.memory_space<vmem>>[vector<16xi32>, vector<16xi32>], vector<16xf32>,
      tpu.vector_store_idx %arg10[%add3A_753, %broadcast_in_dim3A_729], %gather3A_754 : memref<96x128xf32, #tpu.memory_space<vmem>>[vector<16xi32>, vector<16xi32>], vector<16xf32>,
      %iota3A_755 = tpu.iota {dimensions = array<i32: 0>} : vector<16xi32>
      %add3A_756 = arith.constant 80 : i32
      %add3A_757 = vector.broadcast %add3A_756 : i32 to vector<16xi32>
      %add3A_758 = arith.addi %add3A_757, %iota3A_755 : vector<16xi32>
      %gather3A_759 = tpu.vector_load_idx %arg16[%add3A_758, %broadcast_in_dim3A_724] : memref<96x128xf32, #tpu.memory_space<vmem>>[vector<16xi32>, vector<16xi32>], vector<16xf32>,
      tpu.vector_store_idx %arg10[%add3A_758, %broadcast_in_dim3A_729], %gather3A_759 : memref<96x128xf32, #tpu.memory_space<vmem>>[vector<16xi32>, vector<16xi32>], vector<16xf32>,
      %slice3A_760 = vector.extract_strided_slice %get3A_31 {offsets = [12], sizes = [1], strides = [1]} : vector<16xi32> to vector<1xi32>
      %squeeze3A_761 = vector.extract %slice3A_760[0] : i32 from vector<1xi32>
      %jit3A_762 = arith.constant 128 : i32
      %div3A_763 = arith.divsi %squeeze3A_761, %jit3A_762 : i32
      %sign3A_764 = arith.constant 0 : i32
      %sign3A_765 = arith.cmpi sgt, %squeeze3A_761, %sign3A_764 : i32
      %sign3A_766 = arith.extui %sign3A_765 : i1 to i32
      %sign3A_767 = arith.constant 0 : i32
      %sign3A_768 = arith.cmpi slt, %squeeze3A_761, %sign3A_767 : i32
      %sign3A_769 = arith.extui %sign3A_768 : i1 to i32
      %sign3A_770 = arith.subi %sign3A_766, %sign3A_769 : i32
      %sign3A_771 = arith.constant 0 : i32
      %sign3A_772 = arith.cmpi sgt, %jit3A_762, %sign3A_771 : i32
      %sign3A_773 = arith.extui %sign3A_772 : i1 to i32
      %sign3A_774 = arith.constant 0 : i32
      %sign3A_775 = arith.cmpi slt, %jit3A_762, %sign3A_774 : i32
      %sign3A_776 = arith.extui %sign3A_775 : i1 to i32
      %sign3A_777 = arith.subi %sign3A_773, %sign3A_776 : i32
      %ne3A_778 = arith.cmpi ne, %sign3A_770, %sign3A_777 : i32
      %rem3A_779 = arith.remsi %squeeze3A_761, %jit3A_762 : i32
      %ne3A_780 = arith.constant 0 : i32
      %ne3A_781 = arith.cmpi ne, %rem3A_779, %ne3A_780 : i32
      %and3A_782 = arith.andi %ne3A_778, %ne3A_781 : i1
      %sub3A_783 = arith.constant 1 : i32
      %sub3A_784 = arith.subi %div3A_763, %sub3A_783 : i32
      %select_n3A_785 = arith.select %and3A_782, %sub3A_784, %div3A_763 : i32
      %mul3A_786 = arith.constant 128 : i32
      %mul3A_787 = arith.muli %select_n3A_785, %mul3A_786 : i32
      %multiple_of3A_788 = tpu.assume_multiple %mul3A_787, 128 : i32
      %dma_start3A_789 = arith.constant 0 : i32
      %dma_start3A_790 = tpu.memref_slice %arg2[%dma_start3A_789, %multiple_of3A_788] : memref<96x1000001xf32, #tpu.memory_space<hbm>> -> memref<96x128xf32, #tpu.memory_space<hbm>>
      %dma_start3A_791 = arith.constant 0 : i32
      %dma_start3A_792 = tpu.memref_slice %arg2[%dma_start3A_791, %multiple_of3A_788] : memref<96x1000001xf32, #tpu.memory_space<hbm>> -> memref<96x128xf32, #tpu.memory_space<hbm>>
      tpu.enqueue_dma source(%dma_start3A_792 : memref<96x128xf32, #tpu.memory_space<hbm>>) target(%arg16 : memref<96x128xf32, #tpu.memory_space<vmem>>) target_semaphore(%arg24 : memref<!tpu.dma_semaphore, #tpu.memory_space<semaphore_mem>>)
      %dma_wait3A_793 = arith.constant 0 : i32
      %dma_wait3A_794 = tpu.memref_slice %arg2[%dma_wait3A_793, %multiple_of3A_215] : memref<96x1000001xf32, #tpu.memory_space<hbm>> -> memref<96x128xf32, #tpu.memory_space<hbm>>
      %dma_wait3A_795 = arith.constant 0 : i32
      %dma_wait3A_796 = tpu.memref_slice %arg2[%dma_wait3A_795, %multiple_of3A_215] : memref<96x1000001xf32, #tpu.memory_space<hbm>> -> memref<96x128xf32, #tpu.memory_space<hbm>>
      tpu.wait_dma2 semaphore(%arg25 : memref<!tpu.dma_semaphore, #tpu.memory_space<semaphore_mem>>) src(%dma_wait3A_796 : memref<96x128xf32, #tpu.memory_space<hbm>>) dst(%arg17 : memref<96x128xf32, #tpu.memory_space<vmem>>)
      %slice3A_797 = vector.extract_strided_slice %get3A_31 {offsets = [5], sizes = [1], strides = [1]} : vector<16xi32> to vector<1xi32>
      %squeeze3A_798 = vector.extract %slice3A_797[0] : i32 from vector<1xi32>
      %jit3A_799 = arith.constant 128 : i32
      %div3A_800 = arith.divsi %squeeze3A_798, %jit3A_799 : i32
      %sign3A_801 = arith.constant 0 : i32
      %sign3A_802 = arith.cmpi sgt, %squeeze3A_798, %sign3A_801 : i32
      %sign3A_803 = arith.extui %sign3A_802 : i1 to i32
      %sign3A_804 = arith.constant 0 : i32
      %sign3A_805 = arith.cmpi slt, %squeeze3A_798, %sign3A_804 : i32
      %sign3A_806 = arith.extui %sign3A_805 : i1 to i32
      %sign3A_807 = arith.subi %sign3A_803, %sign3A_806 : i32
      %sign3A_808 = arith.constant 0 : i32
      %sign3A_809 = arith.cmpi sgt, %jit3A_799, %sign3A_808 : i32
      %sign3A_810 = arith.extui %sign3A_809 : i1 to i32
      %sign3A_811 = arith.constant 0 : i32
      %sign3A_812 = arith.cmpi slt, %jit3A_799, %sign3A_811 : i32
      %sign3A_813 = arith.extui %sign3A_812 : i1 to i32
      %sign3A_814 = arith.subi %sign3A_810, %sign3A_813 : i32
      %ne3A_815 = arith.cmpi ne, %sign3A_807, %sign3A_814 : i32
      %rem3A_816 = arith.remsi %squeeze3A_798, %jit3A_799 : i32
      %ne3A_817 = arith.constant 0 : i32
      %ne3A_818 = arith.cmpi ne, %rem3A_816, %ne3A_817 : i32
      %and3A_819 = arith.andi %ne3A_815, %ne3A_818 : i1
      %sub3A_820 = arith.constant 1 : i32
      %sub3A_821 = arith.subi %div3A_800, %sub3A_820 : i32
      %select_n3A_822 = arith.select %and3A_819, %sub3A_821, %div3A_800 : i32
      %mul3A_823 = arith.constant 128 : i32
      %mul3A_824 = arith.muli %select_n3A_822, %mul3A_823 : i32
      %sub3A_825 = arith.subi %squeeze3A_798, %mul3A_824 : i32
      %broadcast_in_dim3A_826 = vector.broadcast %sub3A_825 : i32 to vector<16xi32>
      %mul3A_827 = arith.constant 16 : i32
      %mul3A_828 = arith.muli %scan3A_28, %mul3A_827 : i32
      %add3A_829 = arith.constant 5 : i32
      %add3A_830 = arith.addi %mul3A_828, %add3A_829 : i32
      %broadcast_in_dim3A_831 = vector.broadcast %add3A_830 : i32 to vector<16xi32>
      %iota3A_832 = tpu.iota {dimensions = array<i32: 0>} : vector<16xi32>
      %add3A_833 = arith.constant 0 : i32
      %add3A_834 = vector.broadcast %add3A_833 : i32 to vector<16xi32>
      %add3A_835 = arith.addi %add3A_834, %iota3A_832 : vector<16xi32>
      %gather3A_836 = tpu.vector_load_idx %arg17[%add3A_835, %broadcast_in_dim3A_826] : memref<96x128xf32, #tpu.memory_space<vmem>>[vector<16xi32>, vector<16xi32>], vector<16xf32>,
      tpu.vector_store_idx %arg10[%add3A_835, %broadcast_in_dim3A_831], %gather3A_836 : memref<96x128xf32, #tpu.memory_space<vmem>>[vector<16xi32>, vector<16xi32>], vector<16xf32>,
      %iota3A_837 = tpu.iota {dimensions = array<i32: 0>} : vector<16xi32>
      %add3A_838 = arith.constant 16 : i32
      %add3A_839 = vector.broadcast %add3A_838 : i32 to vector<16xi32>
      %add3A_840 = arith.addi %add3A_839, %iota3A_837 : vector<16xi32>
      %gather3A_841 = tpu.vector_load_idx %arg17[%add3A_840, %broadcast_in_dim3A_826] : memref<96x128xf32, #tpu.memory_space<vmem>>[vector<16xi32>, vector<16xi32>], vector<16xf32>,
      tpu.vector_store_idx %arg10[%add3A_840, %broadcast_in_dim3A_831], %gather3A_841 : memref<96x128xf32, #tpu.memory_space<vmem>>[vector<16xi32>, vector<16xi32>], vector<16xf32>,
      %iota3A_842 = tpu.iota {dimensions = array<i32: 0>} : vector<16xi32>
      %add3A_843 = arith.constant 32 : i32
      %add3A_844 = vector.broadcast %add3A_843 : i32 to vector<16xi32>
      %add3A_845 = arith.addi %add3A_844, %iota3A_842 : vector<16xi32>
      %gather3A_846 = tpu.vector_load_idx %arg17[%add3A_845, %broadcast_in_dim3A_826] : memref<96x128xf32, #tpu.memory_space<vmem>>[vector<16xi32>, vector<16xi32>], vector<16xf32>,
      tpu.vector_store_idx %arg10[%add3A_845, %broadcast_in_dim3A_831], %gather3A_846 : memref<96x128xf32, #tpu.memory_space<vmem>>[vector<16xi32>, vector<16xi32>], vector<16xf32>,
      %iota3A_847 = tpu.iota {dimensions = array<i32: 0>} : vector<16xi32>
      %add3A_848 = arith.constant 48 : i32
      %add3A_849 = vector.broadcast %add3A_848 : i32 to vector<16xi32>
      %add3A_850 = arith.addi %add3A_849, %iota3A_847 : vector<16xi32>
      %gather3A_851 = tpu.vector_load_idx %arg17[%add3A_850, %broadcast_in_dim3A_826] : memref<96x128xf32, #tpu.memory_space<vmem>>[vector<16xi32>, vector<16xi32>], vector<16xf32>,
      tpu.vector_store_idx %arg10[%add3A_850, %broadcast_in_dim3A_831], %gather3A_851 : memref<96x128xf32, #tpu.memory_space<vmem>>[vector<16xi32>, vector<16xi32>], vector<16xf32>,
      %iota3A_852 = tpu.iota {dimensions = array<i32: 0>} : vector<16xi32>
      %add3A_853 = arith.constant 64 : i32
      %add3A_854 = vector.broadcast %add3A_853 : i32 to vector<16xi32>
      %add3A_855 = arith.addi %add3A_854, %iota3A_852 : vector<16xi32>
      %gather3A_856 = tpu.vector_load_idx %arg17[%add3A_855, %broadcast_in_dim3A_826] : memref<96x128xf32, #tpu.memory_space<vmem>>[vector<16xi32>, vector<16xi32>], vector<16xf32>,
      tpu.vector_store_idx %arg10[%add3A_855, %broadcast_in_dim3A_831], %gather3A_856 : memref<96x128xf32, #tpu.memory_space<vmem>>[vector<16xi32>, vector<16xi32>], vector<16xf32>,
      %iota3A_857 = tpu.iota {dimensions = array<i32: 0>} : vector<16xi32>
      %add3A_858 = arith.constant 80 : i32
      %add3A_859 = vector.broadcast %add3A_858 : i32 to vector<16xi32>
      %add3A_860 = arith.addi %add3A_859, %iota3A_857 : vector<16xi32>
      %gather3A_861 = tpu.vector_load_idx %arg17[%add3A_860, %broadcast_in_dim3A_826] : memref<96x128xf32, #tpu.memory_space<vmem>>[vector<16xi32>, vector<16xi32>], vector<16xf32>,
      tpu.vector_store_idx %arg10[%add3A_860, %broadcast_in_dim3A_831], %gather3A_861 : memref<96x128xf32, #tpu.memory_space<vmem>>[vector<16xi32>, vector<16xi32>], vector<16xf32>,
      %slice3A_862 = vector.extract_strided_slice %get3A_31 {offsets = [13], sizes = [1], strides = [1]} : vector<16xi32> to vector<1xi32>
      %squeeze3A_863 = vector.extract %slice3A_862[0] : i32 from vector<1xi32>
      %jit3A_864 = arith.constant 128 : i32
      %div3A_865 = arith.divsi %squeeze3A_863, %jit3A_864 : i32
      %sign3A_866 = arith.constant 0 : i32
      %sign3A_867 = arith.cmpi sgt, %squeeze3A_863, %sign3A_866 : i32
      %sign3A_868 = arith.extui %sign3A_867 : i1 to i32
      %sign3A_869 = arith.constant 0 : i32
      %sign3A_870 = arith.cmpi slt, %squeeze3A_863, %sign3A_869 : i32
      %sign3A_871 = arith.extui %sign3A_870 : i1 to i32
      %sign3A_872 = arith.subi %sign3A_868, %sign3A_871 : i32
      %sign3A_873 = arith.constant 0 : i32
      %sign3A_874 = arith.cmpi sgt, %jit3A_864, %sign3A_873 : i32
      %sign3A_875 = arith.extui %sign3A_874 : i1 to i32
      %sign3A_876 = arith.constant 0 : i32
      %sign3A_877 = arith.cmpi slt, %jit3A_864, %sign3A_876 : i32
      %sign3A_878 = arith.extui %sign3A_877 : i1 to i32
      %sign3A_879 = arith.subi %sign3A_875, %sign3A_878 : i32
      %ne3A_880 = arith.cmpi ne, %sign3A_872, %sign3A_879 : i32
      %rem3A_881 = arith.remsi %squeeze3A_863, %jit3A_864 : i32
      %ne3A_882 = arith.constant 0 : i32
      %ne3A_883 = arith.cmpi ne, %rem3A_881, %ne3A_882 : i32
      %and3A_884 = arith.andi %ne3A_880, %ne3A_883 : i1
      %sub3A_885 = arith.constant 1 : i32
      %sub3A_886 = arith.subi %div3A_865, %sub3A_885 : i32
      %select_n3A_887 = arith.select %and3A_884, %sub3A_886, %div3A_865 : i32
      %mul3A_888 = arith.constant 128 : i32
      %mul3A_889 = arith.muli %select_n3A_887, %mul3A_888 : i32
      %multiple_of3A_890 = tpu.assume_multiple %mul3A_889, 128 : i32
      %dma_start3A_891 = arith.constant 0 : i32
      %dma_start3A_892 = tpu.memref_slice %arg2[%dma_start3A_891, %multiple_of3A_890] : memref<96x1000001xf32, #tpu.memory_space<hbm>> -> memref<96x128xf32, #tpu.memory_space<hbm>>
      %dma_start3A_893 = arith.constant 0 : i32
      %dma_start3A_894 = tpu.memref_slice %arg2[%dma_start3A_893, %multiple_of3A_890] : memref<96x1000001xf32, #tpu.memory_space<hbm>> -> memref<96x128xf32, #tpu.memory_space<hbm>>
      tpu.enqueue_dma source(%dma_start3A_894 : memref<96x128xf32, #tpu.memory_space<hbm>>) target(%arg17 : memref<96x128xf32, #tpu.memory_space<vmem>>) target_semaphore(%arg25 : memref<!tpu.dma_semaphore, #tpu.memory_space<semaphore_mem>>)
      %dma_wait3A_895 = arith.constant 0 : i32
      %dma_wait3A_896 = tpu.memref_slice %arg2[%dma_wait3A_895, %multiple_of3A_248] : memref<96x1000001xf32, #tpu.memory_space<hbm>> -> memref<96x128xf32, #tpu.memory_space<hbm>>
      %dma_wait3A_897 = arith.constant 0 : i32
      %dma_wait3A_898 = tpu.memref_slice %arg2[%dma_wait3A_897, %multiple_of3A_248] : memref<96x1000001xf32, #tpu.memory_space<hbm>> -> memref<96x128xf32, #tpu.memory_space<hbm>>
      tpu.wait_dma2 semaphore(%arg26 : memref<!tpu.dma_semaphore, #tpu.memory_space<semaphore_mem>>) src(%dma_wait3A_898 : memref<96x128xf32, #tpu.memory_space<hbm>>) dst(%arg18 : memref<96x128xf32, #tpu.memory_space<vmem>>)
      %slice3A_899 = vector.extract_strided_slice %get3A_31 {offsets = [6], sizes = [1], strides = [1]} : vector<16xi32> to vector<1xi32>
      %squeeze3A_900 = vector.extract %slice3A_899[0] : i32 from vector<1xi32>
      %jit3A_901 = arith.constant 128 : i32
      %div3A_902 = arith.divsi %squeeze3A_900, %jit3A_901 : i32
      %sign3A_903 = arith.constant 0 : i32
      %sign3A_904 = arith.cmpi sgt, %squeeze3A_900, %sign3A_903 : i32
      %sign3A_905 = arith.extui %sign3A_904 : i1 to i32
      %sign3A_906 = arith.constant 0 : i32
      %sign3A_907 = arith.cmpi slt, %squeeze3A_900, %sign3A_906 : i32
      %sign3A_908 = arith.extui %sign3A_907 : i1 to i32
      %sign3A_909 = arith.subi %sign3A_905, %sign3A_908 : i32
      %sign3A_910 = arith.constant 0 : i32
      %sign3A_911 = arith.cmpi sgt, %jit3A_901, %sign3A_910 : i32
      %sign3A_912 = arith.extui %sign3A_911 : i1 to i32
      %sign3A_913 = arith.constant 0 : i32
      %sign3A_914 = arith.cmpi slt, %jit3A_901, %sign3A_913 : i32
      %sign3A_915 = arith.extui %sign3A_914 : i1 to i32
      %sign3A_916 = arith.subi %sign3A_912, %sign3A_915 : i32
      %ne3A_917 = arith.cmpi ne, %sign3A_909, %sign3A_916 : i32
      %rem3A_918 = arith.remsi %squeeze3A_900, %jit3A_901 : i32
      %ne3A_919 = arith.constant 0 : i32
      %ne3A_920 = arith.cmpi ne, %rem3A_918, %ne3A_919 : i32
      %and3A_921 = arith.andi %ne3A_917, %ne3A_920 : i1
      %sub3A_922 = arith.constant 1 : i32
      %sub3A_923 = arith.subi %div3A_902, %sub3A_922 : i32
      %select_n3A_924 = arith.select %and3A_921, %sub3A_923, %div3A_902 : i32
      %mul3A_925 = arith.constant 128 : i32
      %mul3A_926 = arith.muli %select_n3A_924, %mul3A_925 : i32
      %sub3A_927 = arith.subi %squeeze3A_900, %mul3A_926 : i32
      %broadcast_in_dim3A_928 = vector.broadcast %sub3A_927 : i32 to vector<16xi32>
      %mul3A_929 = arith.constant 16 : i32
      %mul3A_930 = arith.muli %scan3A_28, %mul3A_929 : i32
      %add3A_931 = arith.constant 6 : i32
      %add3A_932 = arith.addi %mul3A_930, %add3A_931 : i32
      %broadcast_in_dim3A_933 = vector.broadcast %add3A_932 : i32 to vector<16xi32>
      %iota3A_934 = tpu.iota {dimensions = array<i32: 0>} : vector<16xi32>
      %add3A_935 = arith.constant 0 : i32
      %add3A_936 = vector.broadcast %add3A_935 : i32 to vector<16xi32>
      %add3A_937 = arith.addi %add3A_936, %iota3A_934 : vector<16xi32>
      %gather3A_938 = tpu.vector_load_idx %arg18[%add3A_937, %broadcast_in_dim3A_928] : memref<96x128xf32, #tpu.memory_space<vmem>>[vector<16xi32>, vector<16xi32>], vector<16xf32>,
      tpu.vector_store_idx %arg10[%add3A_937, %broadcast_in_dim3A_933], %gather3A_938 : memref<96x128xf32, #tpu.memory_space<vmem>>[vector<16xi32>, vector<16xi32>], vector<16xf32>,
      %iota3A_939 = tpu.iota {dimensions = array<i32: 0>} : vector<16xi32>
      %add3A_940 = arith.constant 16 : i32
      %add3A_941 = vector.broadcast %add3A_940 : i32 to vector<16xi32>
      %add3A_942 = arith.addi %add3A_941, %iota3A_939 : vector<16xi32>
      %gather3A_943 = tpu.vector_load_idx %arg18[%add3A_942, %broadcast_in_dim3A_928] : memref<96x128xf32, #tpu.memory_space<vmem>>[vector<16xi32>, vector<16xi32>], vector<16xf32>,
      tpu.vector_store_idx %arg10[%add3A_942, %broadcast_in_dim3A_933], %gather3A_943 : memref<96x128xf32, #tpu.memory_space<vmem>>[vector<16xi32>, vector<16xi32>], vector<16xf32>,
      %iota3A_944 = tpu.iota {dimensions = array<i32: 0>} : vector<16xi32>
      %add3A_945 = arith.constant 32 : i32
      %add3A_946 = vector.broadcast %add3A_945 : i32 to vector<16xi32>
      %add3A_947 = arith.addi %add3A_946, %iota3A_944 : vector<16xi32>
      %gather3A_948 = tpu.vector_load_idx %arg18[%add3A_947, %broadcast_in_dim3A_928] : memref<96x128xf32, #tpu.memory_space<vmem>>[vector<16xi32>, vector<16xi32>], vector<16xf32>,
      tpu.vector_store_idx %arg10[%add3A_947, %broadcast_in_dim3A_933], %gather3A_948 : memref<96x128xf32, #tpu.memory_space<vmem>>[vector<16xi32>, vector<16xi32>], vector<16xf32>,
      %iota3A_949 = tpu.iota {dimensions = array<i32: 0>} : vector<16xi32>
      %add3A_950 = arith.constant 48 : i32
      %add3A_951 = vector.broadcast %add3A_950 : i32 to vector<16xi32>
      %add3A_952 = arith.addi %add3A_951, %iota3A_949 : vector<16xi32>
      %gather3A_953 = tpu.vector_load_idx %arg18[%add3A_952, %broadcast_in_dim3A_928] : memref<96x128xf32, #tpu.memory_space<vmem>>[vector<16xi32>, vector<16xi32>], vector<16xf32>,
      tpu.vector_store_idx %arg10[%add3A_952, %broadcast_in_dim3A_933], %gather3A_953 : memref<96x128xf32, #tpu.memory_space<vmem>>[vector<16xi32>, vector<16xi32>], vector<16xf32>,
      %iota3A_954 = tpu.iota {dimensions = array<i32: 0>} : vector<16xi32>
      %add3A_955 = arith.constant 64 : i32
      %add3A_956 = vector.broadcast %add3A_955 : i32 to vector<16xi32>
      %add3A_957 = arith.addi %add3A_956, %iota3A_954 : vector<16xi32>
      %gather3A_958 = tpu.vector_load_idx %arg18[%add3A_957, %broadcast_in_dim3A_928] : memref<96x128xf32, #tpu.memory_space<vmem>>[vector<16xi32>, vector<16xi32>], vector<16xf32>,
      tpu.vector_store_idx %arg10[%add3A_957, %broadcast_in_dim3A_933], %gather3A_958 : memref<96x128xf32, #tpu.memory_space<vmem>>[vector<16xi32>, vector<16xi32>], vector<16xf32>,
      %iota3A_959 = tpu.iota {dimensions = array<i32: 0>} : vector<16xi32>
      %add3A_960 = arith.constant 80 : i32
      %add3A_961 = vector.broadcast %add3A_960 : i32 to vector<16xi32>
      %add3A_962 = arith.addi %add3A_961, %iota3A_959 : vector<16xi32>
      %gather3A_963 = tpu.vector_load_idx %arg18[%add3A_962, %broadcast_in_dim3A_928] : memref<96x128xf32, #tpu.memory_space<vmem>>[vector<16xi32>, vector<16xi32>], vector<16xf32>,
      tpu.vector_store_idx %arg10[%add3A_962, %broadcast_in_dim3A_933], %gather3A_963 : memref<96x128xf32, #tpu.memory_space<vmem>>[vector<16xi32>, vector<16xi32>], vector<16xf32>,
      %slice3A_964 = vector.extract_strided_slice %get3A_31 {offsets = [14], sizes = [1], strides = [1]} : vector<16xi32> to vector<1xi32>
      %squeeze3A_965 = vector.extract %slice3A_964[0] : i32 from vector<1xi32>
      %jit3A_966 = arith.constant 128 : i32
      %div3A_967 = arith.divsi %squeeze3A_965, %jit3A_966 : i32
      %sign3A_968 = arith.constant 0 : i32
      %sign3A_969 = arith.cmpi sgt, %squeeze3A_965, %sign3A_968 : i32
      %sign3A_970 = arith.extui %sign3A_969 : i1 to i32
      %sign3A_971 = arith.constant 0 : i32
      %sign3A_972 = arith.cmpi slt, %squeeze3A_965, %sign3A_971 : i32
      %sign3A_973 = arith.extui %sign3A_972 : i1 to i32
      %sign3A_974 = arith.subi %sign3A_970, %sign3A_973 : i32
      %sign3A_975 = arith.constant 0 : i32
      %sign3A_976 = arith.cmpi sgt, %jit3A_966, %sign3A_975 : i32
      %sign3A_977 = arith.extui %sign3A_976 : i1 to i32
      %sign3A_978 = arith.constant 0 : i32
      %sign3A_979 = arith.cmpi slt, %jit3A_966, %sign3A_978 : i32
      %sign3A_980 = arith.extui %sign3A_979 : i1 to i32
      %sign3A_981 = arith.subi %sign3A_977, %sign3A_980 : i32
      %ne3A_982 = arith.cmpi ne, %sign3A_974, %sign3A_981 : i32
      %rem3A_983 = arith.remsi %squeeze3A_965, %jit3A_966 : i32
      %ne3A_984 = arith.constant 0 : i32
      %ne3A_985 = arith.cmpi ne, %rem3A_983, %ne3A_984 : i32
      %and3A_986 = arith.andi %ne3A_982, %ne3A_985 : i1
      %sub3A_987 = arith.constant 1 : i32
      %sub3A_988 = arith.subi %div3A_967, %sub3A_987 : i32
      %select_n3A_989 = arith.select %and3A_986, %sub3A_988, %div3A_967 : i32
      %mul3A_990 = arith.constant 128 : i32
      %mul3A_991 = arith.muli %select_n3A_989, %mul3A_990 : i32
      %multiple_of3A_992 = tpu.assume_multiple %mul3A_991, 128 : i32
      %dma_start3A_993 = arith.constant 0 : i32
      %dma_start3A_994 = tpu.memref_slice %arg2[%dma_start3A_993, %multiple_of3A_992] : memref<96x1000001xf32, #tpu.memory_space<hbm>> -> memref<96x128xf32, #tpu.memory_space<hbm>>
      %dma_start3A_995 = arith.constant 0 : i32
      %dma_start3A_996 = tpu.memref_slice %arg2[%dma_start3A_995, %multiple_of3A_992] : memref<96x1000001xf32, #tpu.memory_space<hbm>> -> memref<96x128xf32, #tpu.memory_space<hbm>>
      tpu.enqueue_dma source(%dma_start3A_996 : memref<96x128xf32, #tpu.memory_space<hbm>>) target(%arg18 : memref<96x128xf32, #tpu.memory_space<vmem>>) target_semaphore(%arg26 : memref<!tpu.dma_semaphore, #tpu.memory_space<semaphore_mem>>)
      %dma_wait3A_997 = arith.constant 0 : i32
      %dma_wait3A_998 = tpu.memref_slice %arg2[%dma_wait3A_997, %multiple_of3A_281] : memref<96x1000001xf32, #tpu.memory_space<hbm>> -> memref<96x128xf32, #tpu.memory_space<hbm>>
      %dma_wait3A_999 = arith.constant 0 : i32
      %dma_wait3A_1000 = tpu.memref_slice %arg2[%dma_wait3A_999, %multiple_of3A_281] : memref<96x1000001xf32, #tpu.memory_space<hbm>> -> memref<96x128xf32, #tpu.memory_space<hbm>>
      tpu.wait_dma2 semaphore(%arg27 : memref<!tpu.dma_semaphore, #tpu.memory_space<semaphore_mem>>) src(%dma_wait3A_1000 : memref<96x128xf32, #tpu.memory_space<hbm>>) dst(%arg19 : memref<96x128xf32, #tpu.memory_space<vmem>>)
      %slice3A_1001 = vector.extract_strided_slice %get3A_31 {offsets = [7], sizes = [1], strides = [1]} : vector<16xi32> to vector<1xi32>
      %squeeze3A_1002 = vector.extract %slice3A_1001[0] : i32 from vector<1xi32>
      %jit3A_1003 = arith.constant 128 : i32
      %div3A_1004 = arith.divsi %squeeze3A_1002, %jit3A_1003 : i32
      %sign3A_1005 = arith.constant 0 : i32
      %sign3A_1006 = arith.cmpi sgt, %squeeze3A_1002, %sign3A_1005 : i32
      %sign3A_1007 = arith.extui %sign3A_1006 : i1 to i32
      %sign3A_1008 = arith.constant 0 : i32
      %sign3A_1009 = arith.cmpi slt, %squeeze3A_1002, %sign3A_1008 : i32
      %sign3A_1010 = arith.extui %sign3A_1009 : i1 to i32
      %sign3A_1011 = arith.subi %sign3A_1007, %sign3A_1010 : i32
      %sign3A_1012 = arith.constant 0 : i32
      %sign3A_1013 = arith.cmpi sgt, %jit3A_1003, %sign3A_1012 : i32
      %sign3A_1014 = arith.extui %sign3A_1013 : i1 to i32
      %sign3A_1015 = arith.constant 0 : i32
      %sign3A_1016 = arith.cmpi slt, %jit3A_1003, %sign3A_1015 : i32
      %sign3A_1017 = arith.extui %sign3A_1016 : i1 to i32
      %sign3A_1018 = arith.subi %sign3A_1014, %sign3A_1017 : i32
      %ne3A_1019 = arith.cmpi ne, %sign3A_1011, %sign3A_1018 : i32
      %rem3A_1020 = arith.remsi %squeeze3A_1002, %jit3A_1003 : i32
      %ne3A_1021 = arith.constant 0 : i32
      %ne3A_1022 = arith.cmpi ne, %rem3A_1020, %ne3A_1021 : i32
      %and3A_1023 = arith.andi %ne3A_1019, %ne3A_1022 : i1
      %sub3A_1024 = arith.constant 1 : i32
      %sub3A_1025 = arith.subi %div3A_1004, %sub3A_1024 : i32
      %select_n3A_1026 = arith.select %and3A_1023, %sub3A_1025, %div3A_1004 : i32
      %mul3A_1027 = arith.constant 128 : i32
      %mul3A_1028 = arith.muli %select_n3A_1026, %mul3A_1027 : i32
      %sub3A_1029 = arith.subi %squeeze3A_1002, %mul3A_1028 : i32
      %broadcast_in_dim3A_1030 = vector.broadcast %sub3A_1029 : i32 to vector<16xi32>
      %mul3A_1031 = arith.constant 16 : i32
      %mul3A_1032 = arith.muli %scan3A_28, %mul3A_1031 : i32
      %add3A_1033 = arith.constant 7 : i32
      %add3A_1034 = arith.addi %mul3A_1032, %add3A_1033 : i32
      %broadcast_in_dim3A_1035 = vector.broadcast %add3A_1034 : i32 to vector<16xi32>
      %iota3A_1036 = tpu.iota {dimensions = array<i32: 0>} : vector<16xi32>
      %add3A_1037 = arith.constant 0 : i32
      %add3A_1038 = vector.broadcast %add3A_1037 : i32 to vector<16xi32>
      %add3A_1039 = arith.addi %add3A_1038, %iota3A_1036 : vector<16xi32>
      %gather3A_1040 = tpu.vector_load_idx %arg19[%add3A_1039, %broadcast_in_dim3A_1030] : memref<96x128xf32, #tpu.memory_space<vmem>>[vector<16xi32>, vector<16xi32>], vector<16xf32>,
      tpu.vector_store_idx %arg10[%add3A_1039, %broadcast_in_dim3A_1035], %gather3A_1040 : memref<96x128xf32, #tpu.memory_space<vmem>>[vector<16xi32>, vector<16xi32>], vector<16xf32>,
      %iota3A_1041 = tpu.iota {dimensions = array<i32: 0>} : vector<16xi32>
      %add3A_1042 = arith.constant 16 : i32
      %add3A_1043 = vector.broadcast %add3A_1042 : i32 to vector<16xi32>
      %add3A_1044 = arith.addi %add3A_1043, %iota3A_1041 : vector<16xi32>
      %gather3A_1045 = tpu.vector_load_idx %arg19[%add3A_1044, %broadcast_in_dim3A_1030] : memref<96x128xf32, #tpu.memory_space<vmem>>[vector<16xi32>, vector<16xi32>], vector<16xf32>,
      tpu.vector_store_idx %arg10[%add3A_1044, %broadcast_in_dim3A_1035], %gather3A_1045 : memref<96x128xf32, #tpu.memory_space<vmem>>[vector<16xi32>, vector<16xi32>], vector<16xf32>,
      %iota3A_1046 = tpu.iota {dimensions = array<i32: 0>} : vector<16xi32>
      %add3A_1047 = arith.constant 32 : i32
      %add3A_1048 = vector.broadcast %add3A_1047 : i32 to vector<16xi32>
      %add3A_1049 = arith.addi %add3A_1048, %iota3A_1046 : vector<16xi32>
      %gather3A_1050 = tpu.vector_load_idx %arg19[%add3A_1049, %broadcast_in_dim3A_1030] : memref<96x128xf32, #tpu.memory_space<vmem>>[vector<16xi32>, vector<16xi32>], vector<16xf32>,
      tpu.vector_store_idx %arg10[%add3A_1049, %broadcast_in_dim3A_1035], %gather3A_1050 : memref<96x128xf32, #tpu.memory_space<vmem>>[vector<16xi32>, vector<16xi32>], vector<16xf32>,
      %iota3A_1051 = tpu.iota {dimensions = array<i32: 0>} : vector<16xi32>
      %add3A_1052 = arith.constant 48 : i32
      %add3A_1053 = vector.broadcast %add3A_1052 : i32 to vector<16xi32>
      %add3A_1054 = arith.addi %add3A_1053, %iota3A_1051 : vector<16xi32>
      %gather3A_1055 = tpu.vector_load_idx %arg19[%add3A_1054, %broadcast_in_dim3A_1030] : memref<96x128xf32, #tpu.memory_space<vmem>>[vector<16xi32>, vector<16xi32>], vector<16xf32>,
      tpu.vector_store_idx %arg10[%add3A_1054, %broadcast_in_dim3A_1035], %gather3A_1055 : memref<96x128xf32, #tpu.memory_space<vmem>>[vector<16xi32>, vector<16xi32>], vector<16xf32>,
      %iota3A_1056 = tpu.iota {dimensions = array<i32: 0>} : vector<16xi32>
      %add3A_1057 = arith.constant 64 : i32
      %add3A_1058 = vector.broadcast %add3A_1057 : i32 to vector<16xi32>
      %add3A_1059 = arith.addi %add3A_1058, %iota3A_1056 : vector<16xi32>
      %gather3A_1060 = tpu.vector_load_idx %arg19[%add3A_1059, %broadcast_in_dim3A_1030] : memref<96x128xf32, #tpu.memory_space<vmem>>[vector<16xi32>, vector<16xi32>], vector<16xf32>,
      tpu.vector_store_idx %arg10[%add3A_1059, %broadcast_in_dim3A_1035], %gather3A_1060 : memref<96x128xf32, #tpu.memory_space<vmem>>[vector<16xi32>, vector<16xi32>], vector<16xf32>,
      %iota3A_1061 = tpu.iota {dimensions = array<i32: 0>} : vector<16xi32>
      %add3A_1062 = arith.constant 80 : i32
      %add3A_1063 = vector.broadcast %add3A_1062 : i32 to vector<16xi32>
      %add3A_1064 = arith.addi %add3A_1063, %iota3A_1061 : vector<16xi32>
      %gather3A_1065 = tpu.vector_load_idx %arg19[%add3A_1064, %broadcast_in_dim3A_1030] : memref<96x128xf32, #tpu.memory_space<vmem>>[vector<16xi32>, vector<16xi32>], vector<16xf32>,
      tpu.vector_store_idx %arg10[%add3A_1064, %broadcast_in_dim3A_1035], %gather3A_1065 : memref<96x128xf32, #tpu.memory_space<vmem>>[vector<16xi32>, vector<16xi32>], vector<16xf32>,
      %slice3A_1066 = vector.extract_strided_slice %get3A_31 {offsets = [15], sizes = [1], strides = [1]} : vector<16xi32> to vector<1xi32>
      %squeeze3A_1067 = vector.extract %slice3A_1066[0] : i32 from vector<1xi32>
      %jit3A_1068 = arith.constant 128 : i32
      %div3A_1069 = arith.divsi %squeeze3A_1067, %jit3A_1068 : i32
      %sign3A_1070 = arith.constant 0 : i32
      %sign3A_1071 = arith.cmpi sgt, %squeeze3A_1067, %sign3A_1070 : i32
      %sign3A_1072 = arith.extui %sign3A_1071 : i1 to i32
      %sign3A_1073 = arith.constant 0 : i32
      %sign3A_1074 = arith.cmpi slt, %squeeze3A_1067, %sign3A_1073 : i32
      %sign3A_1075 = arith.extui %sign3A_1074 : i1 to i32
      %sign3A_1076 = arith.subi %sign3A_1072, %sign3A_1075 : i32
      %sign3A_1077 = arith.constant 0 : i32
      %sign3A_1078 = arith.cmpi sgt, %jit3A_1068, %sign3A_1077 : i32
      %sign3A_1079 = arith.extui %sign3A_1078 : i1 to i32
      %sign3A_1080 = arith.constant 0 : i32
      %sign3A_1081 = arith.cmpi slt, %jit3A_1068, %sign3A_1080 : i32
      %sign3A_1082 = arith.extui %sign3A_1081 : i1 to i32
      %sign3A_1083 = arith.subi %sign3A_1079, %sign3A_1082 : i32
      %ne3A_1084 = arith.cmpi ne, %sign3A_1076, %sign3A_1083 : i32
      %rem3A_1085 = arith.remsi %squeeze3A_1067, %jit3A_1068 : i32
      %ne3A_1086 = arith.constant 0 : i32
      %ne3A_1087 = arith.cmpi ne, %rem3A_1085, %ne3A_1086 : i32
      %and3A_1088 = arith.andi %ne3A_1084, %ne3A_1087 : i1
      %sub3A_1089 = arith.constant 1 : i32
      %sub3A_1090 = arith.subi %div3A_1069, %sub3A_1089 : i32
      %select_n3A_1091 = arith.select %and3A_1088, %sub3A_1090, %div3A_1069 : i32
      %mul3A_1092 = arith.constant 128 : i32
      %mul3A_1093 = arith.muli %select_n3A_1091, %mul3A_1092 : i32
      %multiple_of3A_1094 = tpu.assume_multiple %mul3A_1093, 128 : i32
      %dma_start3A_1095 = arith.constant 0 : i32
      %dma_start3A_1096 = tpu.memref_slice %arg2[%dma_start3A_1095, %multiple_of3A_1094] : memref<96x1000001xf32, #tpu.memory_space<hbm>> -> memref<96x128xf32, #tpu.memory_space<hbm>>
      %dma_start3A_1097 = arith.constant 0 : i32
      %dma_start3A_1098 = tpu.memref_slice %arg2[%dma_start3A_1097, %multiple_of3A_1094] : memref<96x1000001xf32, #tpu.memory_space<hbm>> -> memref<96x128xf32, #tpu.memory_space<hbm>>
      tpu.enqueue_dma source(%dma_start3A_1098 : memref<96x128xf32, #tpu.memory_space<hbm>>) target(%arg19 : memref<96x128xf32, #tpu.memory_space<vmem>>) target_semaphore(%arg27 : memref<!tpu.dma_semaphore, #tpu.memory_space<semaphore_mem>>)
      %dma_wait3A_1099 = arith.constant 0 : i32
      %dma_wait3A_1100 = tpu.memref_slice %arg2[%dma_wait3A_1099, %multiple_of3A_380] : memref<96x1000001xf32, #tpu.memory_space<hbm>> -> memref<96x128xf32, #tpu.memory_space<hbm>>
      %dma_wait3A_1101 = arith.constant 0 : i32
      %dma_wait3A_1102 = tpu.memref_slice %arg2[%dma_wait3A_1101, %multiple_of3A_380] : memref<96x1000001xf32, #tpu.memory_space<hbm>> -> memref<96x128xf32, #tpu.memory_space<hbm>>
      tpu.wait_dma2 semaphore(%arg20 : memref<!tpu.dma_semaphore, #tpu.memory_space<semaphore_mem>>) src(%dma_wait3A_1102 : memref<96x128xf32, #tpu.memory_space<hbm>>) dst(%arg12 : memref<96x128xf32, #tpu.memory_space<vmem>>)
      %slice3A_1103 = vector.extract_strided_slice %get3A_31 {offsets = [8], sizes = [1], strides = [1]} : vector<16xi32> to vector<1xi32>
      %squeeze3A_1104 = vector.extract %slice3A_1103[0] : i32 from vector<1xi32>
      %jit3A_1105 = arith.constant 128 : i32
      %div3A_1106 = arith.divsi %squeeze3A_1104, %jit3A_1105 : i32
      %sign3A_1107 = arith.constant 0 : i32
      %sign3A_1108 = arith.cmpi sgt, %squeeze3A_1104, %sign3A_1107 : i32
      %sign3A_1109 = arith.extui %sign3A_1108 : i1 to i32
      %sign3A_1110 = arith.constant 0 : i32
      %sign3A_1111 = arith.cmpi slt, %squeeze3A_1104, %sign3A_1110 : i32
      %sign3A_1112 = arith.extui %sign3A_1111 : i1 to i32
      %sign3A_1113 = arith.subi %sign3A_1109, %sign3A_1112 : i32
      %sign3A_1114 = arith.constant 0 : i32
      %sign3A_1115 = arith.cmpi sgt, %jit3A_1105, %sign3A_1114 : i32
      %sign3A_1116 = arith.extui %sign3A_1115 : i1 to i32
      %sign3A_1117 = arith.constant 0 : i32
      %sign3A_1118 = arith.cmpi slt, %jit3A_1105, %sign3A_1117 : i32
      %sign3A_1119 = arith.extui %sign3A_1118 : i1 to i32
      %sign3A_1120 = arith.subi %sign3A_1116, %sign3A_1119 : i32
      %ne3A_1121 = arith.cmpi ne, %sign3A_1113, %sign3A_1120 : i32
      %rem3A_1122 = arith.remsi %squeeze3A_1104, %jit3A_1105 : i32
      %ne3A_1123 = arith.constant 0 : i32
      %ne3A_1124 = arith.cmpi ne, %rem3A_1122, %ne3A_1123 : i32
      %and3A_1125 = arith.andi %ne3A_1121, %ne3A_1124 : i1
      %sub3A_1126 = arith.constant 1 : i32
      %sub3A_1127 = arith.subi %div3A_1106, %sub3A_1126 : i32
      %select_n3A_1128 = arith.select %and3A_1125, %sub3A_1127, %div3A_1106 : i32
      %mul3A_1129 = arith.constant 128 : i32
      %mul3A_1130 = arith.muli %select_n3A_1128, %mul3A_1129 : i32
      %sub3A_1131 = arith.subi %squeeze3A_1104, %mul3A_1130 : i32
      %broadcast_in_dim3A_1132 = vector.broadcast %sub3A_1131 : i32 to vector<16xi32>
      %mul3A_1133 = arith.constant 16 : i32
      %mul3A_1134 = arith.muli %scan3A_28, %mul3A_1133 : i32
      %add3A_1135 = arith.constant 8 : i32
      %add3A_1136 = arith.addi %mul3A_1134, %add3A_1135 : i32
      %broadcast_in_dim3A_1137 = vector.broadcast %add3A_1136 : i32 to vector<16xi32>
      %iota3A_1138 = tpu.iota {dimensions = array<i32: 0>} : vector<16xi32>
      %add3A_1139 = arith.constant 0 : i32
      %add3A_1140 = vector.broadcast %add3A_1139 : i32 to vector<16xi32>
      %add3A_1141 = arith.addi %add3A_1140, %iota3A_1138 : vector<16xi32>
      %gather3A_1142 = tpu.vector_load_idx %arg12[%add3A_1141, %broadcast_in_dim3A_1132] : memref<96x128xf32, #tpu.memory_space<vmem>>[vector<16xi32>, vector<16xi32>], vector<16xf32>,
      tpu.vector_store_idx %arg10[%add3A_1141, %broadcast_in_dim3A_1137], %gather3A_1142 : memref<96x128xf32, #tpu.memory_space<vmem>>[vector<16xi32>, vector<16xi32>], vector<16xf32>,
      %iota3A_1143 = tpu.iota {dimensions = array<i32: 0>} : vector<16xi32>
      %add3A_1144 = arith.constant 16 : i32
      %add3A_1145 = vector.broadcast %add3A_1144 : i32 to vector<16xi32>
      %add3A_1146 = arith.addi %add3A_1145, %iota3A_1143 : vector<16xi32>
      %gather3A_1147 = tpu.vector_load_idx %arg12[%add3A_1146, %broadcast_in_dim3A_1132] : memref<96x128xf32, #tpu.memory_space<vmem>>[vector<16xi32>, vector<16xi32>], vector<16xf32>,
      tpu.vector_store_idx %arg10[%add3A_1146, %broadcast_in_dim3A_1137], %gather3A_1147 : memref<96x128xf32, #tpu.memory_space<vmem>>[vector<16xi32>, vector<16xi32>], vector<16xf32>,
      %iota3A_1148 = tpu.iota {dimensions = array<i32: 0>} : vector<16xi32>
      %add3A_1149 = arith.constant 32 : i32
      %add3A_1150 = vector.broadcast %add3A_1149 : i32 to vector<16xi32>
      %add3A_1151 = arith.addi %add3A_1150, %iota3A_1148 : vector<16xi32>
      %gather3A_1152 = tpu.vector_load_idx %arg12[%add3A_1151, %broadcast_in_dim3A_1132] : memref<96x128xf32, #tpu.memory_space<vmem>>[vector<16xi32>, vector<16xi32>], vector<16xf32>,
      tpu.vector_store_idx %arg10[%add3A_1151, %broadcast_in_dim3A_1137], %gather3A_1152 : memref<96x128xf32, #tpu.memory_space<vmem>>[vector<16xi32>, vector<16xi32>], vector<16xf32>,
      %iota3A_1153 = tpu.iota {dimensions = array<i32: 0>} : vector<16xi32>
      %add3A_1154 = arith.constant 48 : i32
      %add3A_1155 = vector.broadcast %add3A_1154 : i32 to vector<16xi32>
      %add3A_1156 = arith.addi %add3A_1155, %iota3A_1153 : vector<16xi32>
      %gather3A_1157 = tpu.vector_load_idx %arg12[%add3A_1156, %broadcast_in_dim3A_1132] : memref<96x128xf32, #tpu.memory_space<vmem>>[vector<16xi32>, vector<16xi32>], vector<16xf32>,
      tpu.vector_store_idx %arg10[%add3A_1156, %broadcast_in_dim3A_1137], %gather3A_1157 : memref<96x128xf32, #tpu.memory_space<vmem>>[vector<16xi32>, vector<16xi32>], vector<16xf32>,
      %iota3A_1158 = tpu.iota {dimensions = array<i32: 0>} : vector<16xi32>
      %add3A_1159 = arith.constant 64 : i32
      %add3A_1160 = vector.broadcast %add3A_1159 : i32 to vector<16xi32>
      %add3A_1161 = arith.addi %add3A_1160, %iota3A_1158 : vector<16xi32>
      %gather3A_1162 = tpu.vector_load_idx %arg12[%add3A_1161, %broadcast_in_dim3A_1132] : memref<96x128xf32, #tpu.memory_space<vmem>>[vector<16xi32>, vector<16xi32>], vector<16xf32>,
      tpu.vector_store_idx %arg10[%add3A_1161, %broadcast_in_dim3A_1137], %gather3A_1162 : memref<96x128xf32, #tpu.memory_space<vmem>>[vector<16xi32>, vector<16xi32>], vector<16xf32>,
      %iota3A_1163 = tpu.iota {dimensions = array<i32: 0>} : vector<16xi32>
      %add3A_1164 = arith.constant 80 : i32
      %add3A_1165 = vector.broadcast %add3A_1164 : i32 to vector<16xi32>
      %add3A_1166 = arith.addi %add3A_1165, %iota3A_1163 : vector<16xi32>
      %gather3A_1167 = tpu.vector_load_idx %arg12[%add3A_1166, %broadcast_in_dim3A_1132] : memref<96x128xf32, #tpu.memory_space<vmem>>[vector<16xi32>, vector<16xi32>], vector<16xf32>,
      tpu.vector_store_idx %arg10[%add3A_1166, %broadcast_in_dim3A_1137], %gather3A_1167 : memref<96x128xf32, #tpu.memory_space<vmem>>[vector<16xi32>, vector<16xi32>], vector<16xf32>,
      %dma_wait3A_1168 = arith.constant 0 : i32
      %dma_wait3A_1169 = tpu.memref_slice %arg2[%dma_wait3A_1168, %multiple_of3A_482] : memref<96x1000001xf32, #tpu.memory_space<hbm>> -> memref<96x128xf32, #tpu.memory_space<hbm>>
      %dma_wait3A_1170 = arith.constant 0 : i32
      %dma_wait3A_1171 = tpu.memref_slice %arg2[%dma_wait3A_1170, %multiple_of3A_482] : memref<96x1000001xf32, #tpu.memory_space<hbm>> -> memref<96x128xf32, #tpu.memory_space<hbm>>
      tpu.wait_dma2 semaphore(%arg21 : memref<!tpu.dma_semaphore, #tpu.memory_space<semaphore_mem>>) src(%dma_wait3A_1171 : memref<96x128xf32, #tpu.memory_space<hbm>>) dst(%arg13 : memref<96x128xf32, #tpu.memory_space<vmem>>)
      %slice3A_1172 = vector.extract_strided_slice %get3A_31 {offsets = [9], sizes = [1], strides = [1]} : vector<16xi32> to vector<1xi32>
      %squeeze3A_1173 = vector.extract %slice3A_1172[0] : i32 from vector<1xi32>
      %jit3A_1174 = arith.constant 128 : i32
      %div3A_1175 = arith.divsi %squeeze3A_1173, %jit3A_1174 : i32
      %sign3A_1176 = arith.constant 0 : i32
      %sign3A_1177 = arith.cmpi sgt, %squeeze3A_1173, %sign3A_1176 : i32
      %sign3A_1178 = arith.extui %sign3A_1177 : i1 to i32
      %sign3A_1179 = arith.constant 0 : i32
      %sign3A_1180 = arith.cmpi slt, %squeeze3A_1173, %sign3A_1179 : i32
      %sign3A_1181 = arith.extui %sign3A_1180 : i1 to i32
      %sign3A_1182 = arith.subi %sign3A_1178, %sign3A_1181 : i32
      %sign3A_1183 = arith.constant 0 : i32
      %sign3A_1184 = arith.cmpi sgt, %jit3A_1174, %sign3A_1183 : i32
      %sign3A_1185 = arith.extui %sign3A_1184 : i1 to i32
      %sign3A_1186 = arith.constant 0 : i32
      %sign3A_1187 = arith.cmpi slt, %jit3A_1174, %sign3A_1186 : i32
      %sign3A_1188 = arith.extui %sign3A_1187 : i1 to i32
      %sign3A_1189 = arith.subi %sign3A_1185, %sign3A_1188 : i32
      %ne3A_1190 = arith.cmpi ne, %sign3A_1182, %sign3A_1189 : i32
      %rem3A_1191 = arith.remsi %squeeze3A_1173, %jit3A_1174 : i32
      %ne3A_1192 = arith.constant 0 : i32
      %ne3A_1193 = arith.cmpi ne, %rem3A_1191, %ne3A_1192 : i32
      %and3A_1194 = arith.andi %ne3A_1190, %ne3A_1193 : i1
      %sub3A_1195 = arith.constant 1 : i32
      %sub3A_1196 = arith.subi %div3A_1175, %sub3A_1195 : i32
      %select_n3A_1197 = arith.select %and3A_1194, %sub3A_1196, %div3A_1175 : i32
      %mul3A_1198 = arith.constant 128 : i32
      %mul3A_1199 = arith.muli %select_n3A_1197, %mul3A_1198 : i32
      %sub3A_1200 = arith.subi %squeeze3A_1173, %mul3A_1199 : i32
      %broadcast_in_dim3A_1201 = vector.broadcast %sub3A_1200 : i32 to vector<16xi32>
      %mul3A_1202 = arith.constant 16 : i32
      %mul3A_1203 = arith.muli %scan3A_28, %mul3A_1202 : i32
      %add3A_1204 = arith.constant 9 : i32
      %add3A_1205 = arith.addi %mul3A_1203, %add3A_1204 : i32
      %broadcast_in_dim3A_1206 = vector.broadcast %add3A_1205 : i32 to vector<16xi32>
      %iota3A_1207 = tpu.iota {dimensions = array<i32: 0>} : vector<16xi32>
      %add3A_1208 = arith.constant 0 : i32
      %add3A_1209 = vector.broadcast %add3A_1208 : i32 to vector<16xi32>
      %add3A_1210 = arith.addi %add3A_1209, %iota3A_1207 : vector<16xi32>
      %gather3A_1211 = tpu.vector_load_idx %arg13[%add3A_1210, %broadcast_in_dim3A_1201] : memref<96x128xf32, #tpu.memory_space<vmem>>[vector<16xi32>, vector<16xi32>], vector<16xf32>,
      tpu.vector_store_idx %arg10[%add3A_1210, %broadcast_in_dim3A_1206], %gather3A_1211 : memref<96x128xf32, #tpu.memory_space<vmem>>[vector<16xi32>, vector<16xi32>], vector<16xf32>,
      %iota3A_1212 = tpu.iota {dimensions = array<i32: 0>} : vector<16xi32>
      %add3A_1213 = arith.constant 16 : i32
      %add3A_1214 = vector.broadcast %add3A_1213 : i32 to vector<16xi32>
      %add3A_1215 = arith.addi %add3A_1214, %iota3A_1212 : vector<16xi32>
      %gather3A_1216 = tpu.vector_load_idx %arg13[%add3A_1215, %broadcast_in_dim3A_1201] : memref<96x128xf32, #tpu.memory_space<vmem>>[vector<16xi32>, vector<16xi32>], vector<16xf32>,
      tpu.vector_store_idx %arg10[%add3A_1215, %broadcast_in_dim3A_1206], %gather3A_1216 : memref<96x128xf32, #tpu.memory_space<vmem>>[vector<16xi32>, vector<16xi32>], vector<16xf32>,
      %iota3A_1217 = tpu.iota {dimensions = array<i32: 0>} : vector<16xi32>
      %add3A_1218 = arith.constant 32 : i32
      %add3A_1219 = vector.broadcast %add3A_1218 : i32 to vector<16xi32>
      %add3A_1220 = arith.addi %add3A_1219, %iota3A_1217 : vector<16xi32>
      %gather3A_1221 = tpu.vector_load_idx %arg13[%add3A_1220, %broadcast_in_dim3A_1201] : memref<96x128xf32, #tpu.memory_space<vmem>>[vector<16xi32>, vector<16xi32>], vector<16xf32>,
      tpu.vector_store_idx %arg10[%add3A_1220, %broadcast_in_dim3A_1206], %gather3A_1221 : memref<96x128xf32, #tpu.memory_space<vmem>>[vector<16xi32>, vector<16xi32>], vector<16xf32>,
      %iota3A_1222 = tpu.iota {dimensions = array<i32: 0>} : vector<16xi32>
      %add3A_1223 = arith.constant 48 : i32
      %add3A_1224 = vector.broadcast %add3A_1223 : i32 to vector<16xi32>
      %add3A_1225 = arith.addi %add3A_1224, %iota3A_1222 : vector<16xi32>
      %gather3A_1226 = tpu.vector_load_idx %arg13[%add3A_1225, %broadcast_in_dim3A_1201] : memref<96x128xf32, #tpu.memory_space<vmem>>[vector<16xi32>, vector<16xi32>], vector<16xf32>,
      tpu.vector_store_idx %arg10[%add3A_1225, %broadcast_in_dim3A_1206], %gather3A_1226 : memref<96x128xf32, #tpu.memory_space<vmem>>[vector<16xi32>, vector<16xi32>], vector<16xf32>,
      %iota3A_1227 = tpu.iota {dimensions = array<i32: 0>} : vector<16xi32>
      %add3A_1228 = arith.constant 64 : i32
      %add3A_1229 = vector.broadcast %add3A_1228 : i32 to vector<16xi32>
      %add3A_1230 = arith.addi %add3A_1229, %iota3A_1227 : vector<16xi32>
      %gather3A_1231 = tpu.vector_load_idx %arg13[%add3A_1230, %broadcast_in_dim3A_1201] : memref<96x128xf32, #tpu.memory_space<vmem>>[vector<16xi32>, vector<16xi32>], vector<16xf32>,
      tpu.vector_store_idx %arg10[%add3A_1230, %broadcast_in_dim3A_1206], %gather3A_1231 : memref<96x128xf32, #tpu.memory_space<vmem>>[vector<16xi32>, vector<16xi32>], vector<16xf32>,
      %iota3A_1232 = tpu.iota {dimensions = array<i32: 0>} : vector<16xi32>
      %add3A_1233 = arith.constant 80 : i32
      %add3A_1234 = vector.broadcast %add3A_1233 : i32 to vector<16xi32>
      %add3A_1235 = arith.addi %add3A_1234, %iota3A_1232 : vector<16xi32>
      %gather3A_1236 = tpu.vector_load_idx %arg13[%add3A_1235, %broadcast_in_dim3A_1201] : memref<96x128xf32, #tpu.memory_space<vmem>>[vector<16xi32>, vector<16xi32>], vector<16xf32>,
      tpu.vector_store_idx %arg10[%add3A_1235, %broadcast_in_dim3A_1206], %gather3A_1236 : memref<96x128xf32, #tpu.memory_space<vmem>>[vector<16xi32>, vector<16xi32>], vector<16xf32>,
      %dma_wait3A_1237 = arith.constant 0 : i32
      %dma_wait3A_1238 = tpu.memref_slice %arg2[%dma_wait3A_1237, %multiple_of3A_584] : memref<96x1000001xf32, #tpu.memory_space<hbm>> -> memref<96x128xf32, #tpu.memory_space<hbm>>
      %dma_wait3A_1239 = arith.constant 0 : i32
      %dma_wait3A_1240 = tpu.memref_slice %arg2[%dma_wait3A_1239, %multiple_of3A_584] : memref<96x1000001xf32, #tpu.memory_space<hbm>> -> memref<96x128xf32, #tpu.memory_space<hbm>>
      tpu.wait_dma2 semaphore(%arg22 : memref<!tpu.dma_semaphore, #tpu.memory_space<semaphore_mem>>) src(%dma_wait3A_1240 : memref<96x128xf32, #tpu.memory_space<hbm>>) dst(%arg14 : memref<96x128xf32, #tpu.memory_space<vmem>>)
      %slice3A_1241 = vector.extract_strided_slice %get3A_31 {offsets = [10], sizes = [1], strides = [1]} : vector<16xi32> to vector<1xi32>
      %squeeze3A_1242 = vector.extract %slice3A_1241[0] : i32 from vector<1xi32>
      %jit3A_1243 = arith.constant 128 : i32
      %div3A_1244 = arith.divsi %squeeze3A_1242, %jit3A_1243 : i32
      %sign3A_1245 = arith.constant 0 : i32
      %sign3A_1246 = arith.cmpi sgt, %squeeze3A_1242, %sign3A_1245 : i32
      %sign3A_1247 = arith.extui %sign3A_1246 : i1 to i32
      %sign3A_1248 = arith.constant 0 : i32
      %sign3A_1249 = arith.cmpi slt, %squeeze3A_1242, %sign3A_1248 : i32
      %sign3A_1250 = arith.extui %sign3A_1249 : i1 to i32
      %sign3A_1251 = arith.subi %sign3A_1247, %sign3A_1250 : i32
      %sign3A_1252 = arith.constant 0 : i32
      %sign3A_1253 = arith.cmpi sgt, %jit3A_1243, %sign3A_1252 : i32
      %sign3A_1254 = arith.extui %sign3A_1253 : i1 to i32
      %sign3A_1255 = arith.constant 0 : i32
      %sign3A_1256 = arith.cmpi slt, %jit3A_1243, %sign3A_1255 : i32
      %sign3A_1257 = arith.extui %sign3A_1256 : i1 to i32
      %sign3A_1258 = arith.subi %sign3A_1254, %sign3A_1257 : i32
      %ne3A_1259 = arith.cmpi ne, %sign3A_1251, %sign3A_1258 : i32
      %rem3A_1260 = arith.remsi %squeeze3A_1242, %jit3A_1243 : i32
      %ne3A_1261 = arith.constant 0 : i32
      %ne3A_1262 = arith.cmpi ne, %rem3A_1260, %ne3A_1261 : i32
      %and3A_1263 = arith.andi %ne3A_1259, %ne3A_1262 : i1
      %sub3A_1264 = arith.constant 1 : i32
      %sub3A_1265 = arith.subi %div3A_1244, %sub3A_1264 : i32
      %select_n3A_1266 = arith.select %and3A_1263, %sub3A_1265, %div3A_1244 : i32
      %mul3A_1267 = arith.constant 128 : i32
      %mul3A_1268 = arith.muli %select_n3A_1266, %mul3A_1267 : i32
      %sub3A_1269 = arith.subi %squeeze3A_1242, %mul3A_1268 : i32
      %broadcast_in_dim3A_1270 = vector.broadcast %sub3A_1269 : i32 to vector<16xi32>
      %mul3A_1271 = arith.constant 16 : i32
      %mul3A_1272 = arith.muli %scan3A_28, %mul3A_1271 : i32
      %add3A_1273 = arith.constant 10 : i32
      %add3A_1274 = arith.addi %mul3A_1272, %add3A_1273 : i32
      %broadcast_in_dim3A_1275 = vector.broadcast %add3A_1274 : i32 to vector<16xi32>
      %iota3A_1276 = tpu.iota {dimensions = array<i32: 0>} : vector<16xi32>
      %add3A_1277 = arith.constant 0 : i32
      %add3A_1278 = vector.broadcast %add3A_1277 : i32 to vector<16xi32>
      %add3A_1279 = arith.addi %add3A_1278, %iota3A_1276 : vector<16xi32>
      %gather3A_1280 = tpu.vector_load_idx %arg14[%add3A_1279, %broadcast_in_dim3A_1270] : memref<96x128xf32, #tpu.memory_space<vmem>>[vector<16xi32>, vector<16xi32>], vector<16xf32>,
      tpu.vector_store_idx %arg10[%add3A_1279, %broadcast_in_dim3A_1275], %gather3A_1280 : memref<96x128xf32, #tpu.memory_space<vmem>>[vector<16xi32>, vector<16xi32>], vector<16xf32>,
      %iota3A_1281 = tpu.iota {dimensions = array<i32: 0>} : vector<16xi32>
      %add3A_1282 = arith.constant 16 : i32
      %add3A_1283 = vector.broadcast %add3A_1282 : i32 to vector<16xi32>
      %add3A_1284 = arith.addi %add3A_1283, %iota3A_1281 : vector<16xi32>
      %gather3A_1285 = tpu.vector_load_idx %arg14[%add3A_1284, %broadcast_in_dim3A_1270] : memref<96x128xf32, #tpu.memory_space<vmem>>[vector<16xi32>, vector<16xi32>], vector<16xf32>,
      tpu.vector_store_idx %arg10[%add3A_1284, %broadcast_in_dim3A_1275], %gather3A_1285 : memref<96x128xf32, #tpu.memory_space<vmem>>[vector<16xi32>, vector<16xi32>], vector<16xf32>,
      %iota3A_1286 = tpu.iota {dimensions = array<i32: 0>} : vector<16xi32>
      %add3A_1287 = arith.constant 32 : i32
      %add3A_1288 = vector.broadcast %add3A_1287 : i32 to vector<16xi32>
      %add3A_1289 = arith.addi %add3A_1288, %iota3A_1286 : vector<16xi32>
      %gather3A_1290 = tpu.vector_load_idx %arg14[%add3A_1289, %broadcast_in_dim3A_1270] : memref<96x128xf32, #tpu.memory_space<vmem>>[vector<16xi32>, vector<16xi32>], vector<16xf32>,
      tpu.vector_store_idx %arg10[%add3A_1289, %broadcast_in_dim3A_1275], %gather3A_1290 : memref<96x128xf32, #tpu.memory_space<vmem>>[vector<16xi32>, vector<16xi32>], vector<16xf32>,
      %iota3A_1291 = tpu.iota {dimensions = array<i32: 0>} : vector<16xi32>
      %add3A_1292 = arith.constant 48 : i32
      %add3A_1293 = vector.broadcast %add3A_1292 : i32 to vector<16xi32>
      %add3A_1294 = arith.addi %add3A_1293, %iota3A_1291 : vector<16xi32>
      %gather3A_1295 = tpu.vector_load_idx %arg14[%add3A_1294, %broadcast_in_dim3A_1270] : memref<96x128xf32, #tpu.memory_space<vmem>>[vector<16xi32>, vector<16xi32>], vector<16xf32>,
      tpu.vector_store_idx %arg10[%add3A_1294, %broadcast_in_dim3A_1275], %gather3A_1295 : memref<96x128xf32, #tpu.memory_space<vmem>>[vector<16xi32>, vector<16xi32>], vector<16xf32>,
      %iota3A_1296 = tpu.iota {dimensions = array<i32: 0>} : vector<16xi32>
      %add3A_1297 = arith.constant 64 : i32
      %add3A_1298 = vector.broadcast %add3A_1297 : i32 to vector<16xi32>
      %add3A_1299 = arith.addi %add3A_1298, %iota3A_1296 : vector<16xi32>
      %gather3A_1300 = tpu.vector_load_idx %arg14[%add3A_1299, %broadcast_in_dim3A_1270] : memref<96x128xf32, #tpu.memory_space<vmem>>[vector<16xi32>, vector<16xi32>], vector<16xf32>,
      tpu.vector_store_idx %arg10[%add3A_1299, %broadcast_in_dim3A_1275], %gather3A_1300 : memref<96x128xf32, #tpu.memory_space<vmem>>[vector<16xi32>, vector<16xi32>], vector<16xf32>,
      %iota3A_1301 = tpu.iota {dimensions = array<i32: 0>} : vector<16xi32>
      %add3A_1302 = arith.constant 80 : i32
      %add3A_1303 = vector.broadcast %add3A_1302 : i32 to vector<16xi32>
      %add3A_1304 = arith.addi %add3A_1303, %iota3A_1301 : vector<16xi32>
      %gather3A_1305 = tpu.vector_load_idx %arg14[%add3A_1304, %broadcast_in_dim3A_1270] : memref<96x128xf32, #tpu.memory_space<vmem>>[vector<16xi32>, vector<16xi32>], vector<16xf32>,
      tpu.vector_store_idx %arg10[%add3A_1304, %broadcast_in_dim3A_1275], %gather3A_1305 : memref<96x128xf32, #tpu.memory_space<vmem>>[vector<16xi32>, vector<16xi32>], vector<16xf32>,
      %dma_wait3A_1306 = arith.constant 0 : i32
      %dma_wait3A_1307 = tpu.memref_slice %arg2[%dma_wait3A_1306, %multiple_of3A_686] : memref<96x1000001xf32, #tpu.memory_space<hbm>> -> memref<96x128xf32, #tpu.memory_space<hbm>>
      %dma_wait3A_1308 = arith.constant 0 : i32
      %dma_wait3A_1309 = tpu.memref_slice %arg2[%dma_wait3A_1308, %multiple_of3A_686] : memref<96x1000001xf32, #tpu.memory_space<hbm>> -> memref<96x128xf32, #tpu.memory_space<hbm>>
      tpu.wait_dma2 semaphore(%arg23 : memref<!tpu.dma_semaphore, #tpu.memory_space<semaphore_mem>>) src(%dma_wait3A_1309 : memref<96x128xf32, #tpu.memory_space<hbm>>) dst(%arg15 : memref<96x128xf32, #tpu.memory_space<vmem>>)
      %slice3A_1310 = vector.extract_strided_slice %get3A_31 {offsets = [11], sizes = [1], strides = [1]} : vector<16xi32> to vector<1xi32>
      %squeeze3A_1311 = vector.extract %slice3A_1310[0] : i32 from vector<1xi32>
      %jit3A_1312 = arith.constant 128 : i32
      %div3A_1313 = arith.divsi %squeeze3A_1311, %jit3A_1312 : i32
      %sign3A_1314 = arith.constant 0 : i32
      %sign3A_1315 = arith.cmpi sgt, %squeeze3A_1311, %sign3A_1314 : i32
      %sign3A_1316 = arith.extui %sign3A_1315 : i1 to i32
      %sign3A_1317 = arith.constant 0 : i32
      %sign3A_1318 = arith.cmpi slt, %squeeze3A_1311, %sign3A_1317 : i32
      %sign3A_1319 = arith.extui %sign3A_1318 : i1 to i32
      %sign3A_1320 = arith.subi %sign3A_1316, %sign3A_1319 : i32
      %sign3A_1321 = arith.constant 0 : i32
      %sign3A_1322 = arith.cmpi sgt, %jit3A_1312, %sign3A_1321 : i32
      %sign3A_1323 = arith.extui %sign3A_1322 : i1 to i32
      %sign3A_1324 = arith.constant 0 : i32
      %sign3A_1325 = arith.cmpi slt, %jit3A_1312, %sign3A_1324 : i32
      %sign3A_1326 = arith.extui %sign3A_1325 : i1 to i32
      %sign3A_1327 = arith.subi %sign3A_1323, %sign3A_1326 : i32
      %ne3A_1328 = arith.cmpi ne, %sign3A_1320, %sign3A_1327 : i32
      %rem3A_1329 = arith.remsi %squeeze3A_1311, %jit3A_1312 : i32
      %ne3A_1330 = arith.constant 0 : i32
      %ne3A_1331 = arith.cmpi ne, %rem3A_1329, %ne3A_1330 : i32
      %and3A_1332 = arith.andi %ne3A_1328, %ne3A_1331 : i1
      %sub3A_1333 = arith.constant 1 : i32
      %sub3A_1334 = arith.subi %div3A_1313, %sub3A_1333 : i32
      %select_n3A_1335 = arith.select %and3A_1332, %sub3A_1334, %div3A_1313 : i32
      %mul3A_1336 = arith.constant 128 : i32
      %mul3A_1337 = arith.muli %select_n3A_1335, %mul3A_1336 : i32
      %sub3A_1338 = arith.subi %squeeze3A_1311, %mul3A_1337 : i32
      %broadcast_in_dim3A_1339 = vector.broadcast %sub3A_1338 : i32 to vector<16xi32>
      %mul3A_1340 = arith.constant 16 : i32
      %mul3A_1341 = arith.muli %scan3A_28, %mul3A_1340 : i32
      %add3A_1342 = arith.constant 11 : i32
      %add3A_1343 = arith.addi %mul3A_1341, %add3A_1342 : i32
      %broadcast_in_dim3A_1344 = vector.broadcast %add3A_1343 : i32 to vector<16xi32>
      %iota3A_1345 = tpu.iota {dimensions = array<i32: 0>} : vector<16xi32>
      %add3A_1346 = arith.constant 0 : i32
      %add3A_1347 = vector.broadcast %add3A_1346 : i32 to vector<16xi32>
      %add3A_1348 = arith.addi %add3A_1347, %iota3A_1345 : vector<16xi32>
      %gather3A_1349 = tpu.vector_load_idx %arg15[%add3A_1348, %broadcast_in_dim3A_1339] : memref<96x128xf32, #tpu.memory_space<vmem>>[vector<16xi32>, vector<16xi32>], vector<16xf32>,
      tpu.vector_store_idx %arg10[%add3A_1348, %broadcast_in_dim3A_1344], %gather3A_1349 : memref<96x128xf32, #tpu.memory_space<vmem>>[vector<16xi32>, vector<16xi32>], vector<16xf32>,
      %iota3A_1350 = tpu.iota {dimensions = array<i32: 0>} : vector<16xi32>
      %add3A_1351 = arith.constant 16 : i32
      %add3A_1352 = vector.broadcast %add3A_1351 : i32 to vector<16xi32>
      %add3A_1353 = arith.addi %add3A_1352, %iota3A_1350 : vector<16xi32>
      %gather3A_1354 = tpu.vector_load_idx %arg15[%add3A_1353, %broadcast_in_dim3A_1339] : memref<96x128xf32, #tpu.memory_space<vmem>>[vector<16xi32>, vector<16xi32>], vector<16xf32>,
      tpu.vector_store_idx %arg10[%add3A_1353, %broadcast_in_dim3A_1344], %gather3A_1354 : memref<96x128xf32, #tpu.memory_space<vmem>>[vector<16xi32>, vector<16xi32>], vector<16xf32>,
      %iota3A_1355 = tpu.iota {dimensions = array<i32: 0>} : vector<16xi32>
      %add3A_1356 = arith.constant 32 : i32
      %add3A_1357 = vector.broadcast %add3A_1356 : i32 to vector<16xi32>
      %add3A_1358 = arith.addi %add3A_1357, %iota3A_1355 : vector<16xi32>
      %gather3A_1359 = tpu.vector_load_idx %arg15[%add3A_1358, %broadcast_in_dim3A_1339] : memref<96x128xf32, #tpu.memory_space<vmem>>[vector<16xi32>, vector<16xi32>], vector<16xf32>,
      tpu.vector_store_idx %arg10[%add3A_1358, %broadcast_in_dim3A_1344], %gather3A_1359 : memref<96x128xf32, #tpu.memory_space<vmem>>[vector<16xi32>, vector<16xi32>], vector<16xf32>,
      %iota3A_1360 = tpu.iota {dimensions = array<i32: 0>} : vector<16xi32>
      %add3A_1361 = arith.constant 48 : i32
      %add3A_1362 = vector.broadcast %add3A_1361 : i32 to vector<16xi32>
      %add3A_1363 = arith.addi %add3A_1362, %iota3A_1360 : vector<16xi32>
      %gather3A_1364 = tpu.vector_load_idx %arg15[%add3A_1363, %broadcast_in_dim3A_1339] : memref<96x128xf32, #tpu.memory_space<vmem>>[vector<16xi32>, vector<16xi32>], vector<16xf32>,
      tpu.vector_store_idx %arg10[%add3A_1363, %broadcast_in_dim3A_1344], %gather3A_1364 : memref<96x128xf32, #tpu.memory_space<vmem>>[vector<16xi32>, vector<16xi32>], vector<16xf32>,
      %iota3A_1365 = tpu.iota {dimensions = array<i32: 0>} : vector<16xi32>
      %add3A_1366 = arith.constant 64 : i32
      %add3A_1367 = vector.broadcast %add3A_1366 : i32 to vector<16xi32>
      %add3A_1368 = arith.addi %add3A_1367, %iota3A_1365 : vector<16xi32>
      %gather3A_1369 = tpu.vector_load_idx %arg15[%add3A_1368, %broadcast_in_dim3A_1339] : memref<96x128xf32, #tpu.memory_space<vmem>>[vector<16xi32>, vector<16xi32>], vector<16xf32>,
      tpu.vector_store_idx %arg10[%add3A_1368, %broadcast_in_dim3A_1344], %gather3A_1369 : memref<96x128xf32, #tpu.memory_space<vmem>>[vector<16xi32>, vector<16xi32>], vector<16xf32>,
      %iota3A_1370 = tpu.iota {dimensions = array<i32: 0>} : vector<16xi32>
      %add3A_1371 = arith.constant 80 : i32
      %add3A_1372 = vector.broadcast %add3A_1371 : i32 to vector<16xi32>
      %add3A_1373 = arith.addi %add3A_1372, %iota3A_1370 : vector<16xi32>
      %gather3A_1374 = tpu.vector_load_idx %arg15[%add3A_1373, %broadcast_in_dim3A_1339] : memref<96x128xf32, #tpu.memory_space<vmem>>[vector<16xi32>, vector<16xi32>], vector<16xf32>,
      tpu.vector_store_idx %arg10[%add3A_1373, %broadcast_in_dim3A_1344], %gather3A_1374 : memref<96x128xf32, #tpu.memory_space<vmem>>[vector<16xi32>, vector<16xi32>], vector<16xf32>,
      %dma_wait3A_1375 = arith.constant 0 : i32
      %dma_wait3A_1376 = tpu.memref_slice %arg2[%dma_wait3A_1375, %multiple_of3A_788] : memref<96x1000001xf32, #tpu.memory_space<hbm>> -> memref<96x128xf32, #tpu.memory_space<hbm>>
      %dma_wait3A_1377 = arith.constant 0 : i32
      %dma_wait3A_1378 = tpu.memref_slice %arg2[%dma_wait3A_1377, %multiple_of3A_788] : memref<96x1000001xf32, #tpu.memory_space<hbm>> -> memref<96x128xf32, #tpu.memory_space<hbm>>
      tpu.wait_dma2 semaphore(%arg24 : memref<!tpu.dma_semaphore, #tpu.memory_space<semaphore_mem>>) src(%dma_wait3A_1378 : memref<96x128xf32, #tpu.memory_space<hbm>>) dst(%arg16 : memref<96x128xf32, #tpu.memory_space<vmem>>)
      %slice3A_1379 = vector.extract_strided_slice %get3A_31 {offsets = [12], sizes = [1], strides = [1]} : vector<16xi32> to vector<1xi32>
      %squeeze3A_1380 = vector.extract %slice3A_1379[0] : i32 from vector<1xi32>
      %jit3A_1381 = arith.constant 128 : i32
      %div3A_1382 = arith.divsi %squeeze3A_1380, %jit3A_1381 : i32
      %sign3A_1383 = arith.constant 0 : i32
      %sign3A_1384 = arith.cmpi sgt, %squeeze3A_1380, %sign3A_1383 : i32
      %sign3A_1385 = arith.extui %sign3A_1384 : i1 to i32
      %sign3A_1386 = arith.constant 0 : i32
      %sign3A_1387 = arith.cmpi slt, %squeeze3A_1380, %sign3A_1386 : i32
      %sign3A_1388 = arith.extui %sign3A_1387 : i1 to i32
      %sign3A_1389 = arith.subi %sign3A_1385, %sign3A_1388 : i32
      %sign3A_1390 = arith.constant 0 : i32
      %sign3A_1391 = arith.cmpi sgt, %jit3A_1381, %sign3A_1390 : i32
      %sign3A_1392 = arith.extui %sign3A_1391 : i1 to i32
      %sign3A_1393 = arith.constant 0 : i32
      %sign3A_1394 = arith.cmpi slt, %jit3A_1381, %sign3A_1393 : i32
      %sign3A_1395 = arith.extui %sign3A_1394 : i1 to i32
      %sign3A_1396 = arith.subi %sign3A_1392, %sign3A_1395 : i32
      %ne3A_1397 = arith.cmpi ne, %sign3A_1389, %sign3A_1396 : i32
      %rem3A_1398 = arith.remsi %squeeze3A_1380, %jit3A_1381 : i32
      %ne3A_1399 = arith.constant 0 : i32
      %ne3A_1400 = arith.cmpi ne, %rem3A_1398, %ne3A_1399 : i32
      %and3A_1401 = arith.andi %ne3A_1397, %ne3A_1400 : i1
      %sub3A_1402 = arith.constant 1 : i32
      %sub3A_1403 = arith.subi %div3A_1382, %sub3A_1402 : i32
      %select_n3A_1404 = arith.select %and3A_1401, %sub3A_1403, %div3A_1382 : i32
      %mul3A_1405 = arith.constant 128 : i32
      %mul3A_1406 = arith.muli %select_n3A_1404, %mul3A_1405 : i32
      %sub3A_1407 = arith.subi %squeeze3A_1380, %mul3A_1406 : i32
      %broadcast_in_dim3A_1408 = vector.broadcast %sub3A_1407 : i32 to vector<16xi32>
      %mul3A_1409 = arith.constant 16 : i32
      %mul3A_1410 = arith.muli %scan3A_28, %mul3A_1409 : i32
      %add3A_1411 = arith.constant 12 : i32
      %add3A_1412 = arith.addi %mul3A_1410, %add3A_1411 : i32
      %broadcast_in_dim3A_1413 = vector.broadcast %add3A_1412 : i32 to vector<16xi32>
      %iota3A_1414 = tpu.iota {dimensions = array<i32: 0>} : vector<16xi32>
      %add3A_1415 = arith.constant 0 : i32
      %add3A_1416 = vector.broadcast %add3A_1415 : i32 to vector<16xi32>
      %add3A_1417 = arith.addi %add3A_1416, %iota3A_1414 : vector<16xi32>
      %gather3A_1418 = tpu.vector_load_idx %arg16[%add3A_1417, %broadcast_in_dim3A_1408] : memref<96x128xf32, #tpu.memory_space<vmem>>[vector<16xi32>, vector<16xi32>], vector<16xf32>,
      tpu.vector_store_idx %arg10[%add3A_1417, %broadcast_in_dim3A_1413], %gather3A_1418 : memref<96x128xf32, #tpu.memory_space<vmem>>[vector<16xi32>, vector<16xi32>], vector<16xf32>,
      %iota3A_1419 = tpu.iota {dimensions = array<i32: 0>} : vector<16xi32>
      %add3A_1420 = arith.constant 16 : i32
      %add3A_1421 = vector.broadcast %add3A_1420 : i32 to vector<16xi32>
      %add3A_1422 = arith.addi %add3A_1421, %iota3A_1419 : vector<16xi32>
      %gather3A_1423 = tpu.vector_load_idx %arg16[%add3A_1422, %broadcast_in_dim3A_1408] : memref<96x128xf32, #tpu.memory_space<vmem>>[vector<16xi32>, vector<16xi32>], vector<16xf32>,
      tpu.vector_store_idx %arg10[%add3A_1422, %broadcast_in_dim3A_1413], %gather3A_1423 : memref<96x128xf32, #tpu.memory_space<vmem>>[vector<16xi32>, vector<16xi32>], vector<16xf32>,
      %iota3A_1424 = tpu.iota {dimensions = array<i32: 0>} : vector<16xi32>
      %add3A_1425 = arith.constant 32 : i32
      %add3A_1426 = vector.broadcast %add3A_1425 : i32 to vector<16xi32>
      %add3A_1427 = arith.addi %add3A_1426, %iota3A_1424 : vector<16xi32>
      %gather3A_1428 = tpu.vector_load_idx %arg16[%add3A_1427, %broadcast_in_dim3A_1408] : memref<96x128xf32, #tpu.memory_space<vmem>>[vector<16xi32>, vector<16xi32>], vector<16xf32>,
      tpu.vector_store_idx %arg10[%add3A_1427, %broadcast_in_dim3A_1413], %gather3A_1428 : memref<96x128xf32, #tpu.memory_space<vmem>>[vector<16xi32>, vector<16xi32>], vector<16xf32>,
      %iota3A_1429 = tpu.iota {dimensions = array<i32: 0>} : vector<16xi32>
      %add3A_1430 = arith.constant 48 : i32
      %add3A_1431 = vector.broadcast %add3A_1430 : i32 to vector<16xi32>
      %add3A_1432 = arith.addi %add3A_1431, %iota3A_1429 : vector<16xi32>
      %gather3A_1433 = tpu.vector_load_idx %arg16[%add3A_1432, %broadcast_in_dim3A_1408] : memref<96x128xf32, #tpu.memory_space<vmem>>[vector<16xi32>, vector<16xi32>], vector<16xf32>,
      tpu.vector_store_idx %arg10[%add3A_1432, %broadcast_in_dim3A_1413], %gather3A_1433 : memref<96x128xf32, #tpu.memory_space<vmem>>[vector<16xi32>, vector<16xi32>], vector<16xf32>,
      %iota3A_1434 = tpu.iota {dimensions = array<i32: 0>} : vector<16xi32>
      %add3A_1435 = arith.constant 64 : i32
      %add3A_1436 = vector.broadcast %add3A_1435 : i32 to vector<16xi32>
      %add3A_1437 = arith.addi %add3A_1436, %iota3A_1434 : vector<16xi32>
      %gather3A_1438 = tpu.vector_load_idx %arg16[%add3A_1437, %broadcast_in_dim3A_1408] : memref<96x128xf32, #tpu.memory_space<vmem>>[vector<16xi32>, vector<16xi32>], vector<16xf32>,
      tpu.vector_store_idx %arg10[%add3A_1437, %broadcast_in_dim3A_1413], %gather3A_1438 : memref<96x128xf32, #tpu.memory_space<vmem>>[vector<16xi32>, vector<16xi32>], vector<16xf32>,
      %iota3A_1439 = tpu.iota {dimensions = array<i32: 0>} : vector<16xi32>
      %add3A_1440 = arith.constant 80 : i32
      %add3A_1441 = vector.broadcast %add3A_1440 : i32 to vector<16xi32>
      %add3A_1442 = arith.addi %add3A_1441, %iota3A_1439 : vector<16xi32>
      %gather3A_1443 = tpu.vector_load_idx %arg16[%add3A_1442, %broadcast_in_dim3A_1408] : memref<96x128xf32, #tpu.memory_space<vmem>>[vector<16xi32>, vector<16xi32>], vector<16xf32>,
      tpu.vector_store_idx %arg10[%add3A_1442, %broadcast_in_dim3A_1413], %gather3A_1443 : memref<96x128xf32, #tpu.memory_space<vmem>>[vector<16xi32>, vector<16xi32>], vector<16xf32>,
      %dma_wait3A_1444 = arith.constant 0 : i32
      %dma_wait3A_1445 = tpu.memref_slice %arg2[%dma_wait3A_1444, %multiple_of3A_890] : memref<96x1000001xf32, #tpu.memory_space<hbm>> -> memref<96x128xf32, #tpu.memory_space<hbm>>
      %dma_wait3A_1446 = arith.constant 0 : i32
      %dma_wait3A_1447 = tpu.memref_slice %arg2[%dma_wait3A_1446, %multiple_of3A_890] : memref<96x1000001xf32, #tpu.memory_space<hbm>> -> memref<96x128xf32, #tpu.memory_space<hbm>>
      tpu.wait_dma2 semaphore(%arg25 : memref<!tpu.dma_semaphore, #tpu.memory_space<semaphore_mem>>) src(%dma_wait3A_1447 : memref<96x128xf32, #tpu.memory_space<hbm>>) dst(%arg17 : memref<96x128xf32, #tpu.memory_space<vmem>>)
      %slice3A_1448 = vector.extract_strided_slice %get3A_31 {offsets = [13], sizes = [1], strides = [1]} : vector<16xi32> to vector<1xi32>
      %squeeze3A_1449 = vector.extract %slice3A_1448[0] : i32 from vector<1xi32>
      %jit3A_1450 = arith.constant 128 : i32
      %div3A_1451 = arith.divsi %squeeze3A_1449, %jit3A_1450 : i32
      %sign3A_1452 = arith.constant 0 : i32
      %sign3A_1453 = arith.cmpi sgt, %squeeze3A_1449, %sign3A_1452 : i32
      %sign3A_1454 = arith.extui %sign3A_1453 : i1 to i32
      %sign3A_1455 = arith.constant 0 : i32
      %sign3A_1456 = arith.cmpi slt, %squeeze3A_1449, %sign3A_1455 : i32
      %sign3A_1457 = arith.extui %sign3A_1456 : i1 to i32
      %sign3A_1458 = arith.subi %sign3A_1454, %sign3A_1457 : i32
      %sign3A_1459 = arith.constant 0 : i32
      %sign3A_1460 = arith.cmpi sgt, %jit3A_1450, %sign3A_1459 : i32
      %sign3A_1461 = arith.extui %sign3A_1460 : i1 to i32
      %sign3A_1462 = arith.constant 0 : i32
      %sign3A_1463 = arith.cmpi slt, %jit3A_1450, %sign3A_1462 : i32
      %sign3A_1464 = arith.extui %sign3A_1463 : i1 to i32
      %sign3A_1465 = arith.subi %sign3A_1461, %sign3A_1464 : i32
      %ne3A_1466 = arith.cmpi ne, %sign3A_1458, %sign3A_1465 : i32
      %rem3A_1467 = arith.remsi %squeeze3A_1449, %jit3A_1450 : i32
      %ne3A_1468 = arith.constant 0 : i32
      %ne3A_1469 = arith.cmpi ne, %rem3A_1467, %ne3A_1468 : i32
      %and3A_1470 = arith.andi %ne3A_1466, %ne3A_1469 : i1
      %sub3A_1471 = arith.constant 1 : i32
      %sub3A_1472 = arith.subi %div3A_1451, %sub3A_1471 : i32
      %select_n3A_1473 = arith.select %and3A_1470, %sub3A_1472, %div3A_1451 : i32
      %mul3A_1474 = arith.constant 128 : i32
      %mul3A_1475 = arith.muli %select_n3A_1473, %mul3A_1474 : i32
      %sub3A_1476 = arith.subi %squeeze3A_1449, %mul3A_1475 : i32
      %broadcast_in_dim3A_1477 = vector.broadcast %sub3A_1476 : i32 to vector<16xi32>
      %mul3A_1478 = arith.constant 16 : i32
      %mul3A_1479 = arith.muli %scan3A_28, %mul3A_1478 : i32
      %add3A_1480 = arith.constant 13 : i32
      %add3A_1481 = arith.addi %mul3A_1479, %add3A_1480 : i32
      %broadcast_in_dim3A_1482 = vector.broadcast %add3A_1481 : i32 to vector<16xi32>
      %iota3A_1483 = tpu.iota {dimensions = array<i32: 0>} : vector<16xi32>
      %add3A_1484 = arith.constant 0 : i32
      %add3A_1485 = vector.broadcast %add3A_1484 : i32 to vector<16xi32>
      %add3A_1486 = arith.addi %add3A_1485, %iota3A_1483 : vector<16xi32>
      %gather3A_1487 = tpu.vector_load_idx %arg17[%add3A_1486, %broadcast_in_dim3A_1477] : memref<96x128xf32, #tpu.memory_space<vmem>>[vector<16xi32>, vector<16xi32>], vector<16xf32>,
      tpu.vector_store_idx %arg10[%add3A_1486, %broadcast_in_dim3A_1482], %gather3A_1487 : memref<96x128xf32, #tpu.memory_space<vmem>>[vector<16xi32>, vector<16xi32>], vector<16xf32>,
      %iota3A_1488 = tpu.iota {dimensions = array<i32: 0>} : vector<16xi32>
      %add3A_1489 = arith.constant 16 : i32
      %add3A_1490 = vector.broadcast %add3A_1489 : i32 to vector<16xi32>
      %add3A_1491 = arith.addi %add3A_1490, %iota3A_1488 : vector<16xi32>
      %gather3A_1492 = tpu.vector_load_idx %arg17[%add3A_1491, %broadcast_in_dim3A_1477] : memref<96x128xf32, #tpu.memory_space<vmem>>[vector<16xi32>, vector<16xi32>], vector<16xf32>,
      tpu.vector_store_idx %arg10[%add3A_1491, %broadcast_in_dim3A_1482], %gather3A_1492 : memref<96x128xf32, #tpu.memory_space<vmem>>[vector<16xi32>, vector<16xi32>], vector<16xf32>,
      %iota3A_1493 = tpu.iota {dimensions = array<i32: 0>} : vector<16xi32>
      %add3A_1494 = arith.constant 32 : i32
      %add3A_1495 = vector.broadcast %add3A_1494 : i32 to vector<16xi32>
      %add3A_1496 = arith.addi %add3A_1495, %iota3A_1493 : vector<16xi32>
      %gather3A_1497 = tpu.vector_load_idx %arg17[%add3A_1496, %broadcast_in_dim3A_1477] : memref<96x128xf32, #tpu.memory_space<vmem>>[vector<16xi32>, vector<16xi32>], vector<16xf32>,
      tpu.vector_store_idx %arg10[%add3A_1496, %broadcast_in_dim3A_1482], %gather3A_1497 : memref<96x128xf32, #tpu.memory_space<vmem>>[vector<16xi32>, vector<16xi32>], vector<16xf32>,
      %iota3A_1498 = tpu.iota {dimensions = array<i32: 0>} : vector<16xi32>
      %add3A_1499 = arith.constant 48 : i32
      %add3A_1500 = vector.broadcast %add3A_1499 : i32 to vector<16xi32>
      %add3A_1501 = arith.addi %add3A_1500, %iota3A_1498 : vector<16xi32>
      %gather3A_1502 = tpu.vector_load_idx %arg17[%add3A_1501, %broadcast_in_dim3A_1477] : memref<96x128xf32, #tpu.memory_space<vmem>>[vector<16xi32>, vector<16xi32>], vector<16xf32>,
      tpu.vector_store_idx %arg10[%add3A_1501, %broadcast_in_dim3A_1482], %gather3A_1502 : memref<96x128xf32, #tpu.memory_space<vmem>>[vector<16xi32>, vector<16xi32>], vector<16xf32>,
      %iota3A_1503 = tpu.iota {dimensions = array<i32: 0>} : vector<16xi32>
      %add3A_1504 = arith.constant 64 : i32
      %add3A_1505 = vector.broadcast %add3A_1504 : i32 to vector<16xi32>
      %add3A_1506 = arith.addi %add3A_1505, %iota3A_1503 : vector<16xi32>
      %gather3A_1507 = tpu.vector_load_idx %arg17[%add3A_1506, %broadcast_in_dim3A_1477] : memref<96x128xf32, #tpu.memory_space<vmem>>[vector<16xi32>, vector<16xi32>], vector<16xf32>,
      tpu.vector_store_idx %arg10[%add3A_1506, %broadcast_in_dim3A_1482], %gather3A_1507 : memref<96x128xf32, #tpu.memory_space<vmem>>[vector<16xi32>, vector<16xi32>], vector<16xf32>,
      %iota3A_1508 = tpu.iota {dimensions = array<i32: 0>} : vector<16xi32>
      %add3A_1509 = arith.constant 80 : i32
      %add3A_1510 = vector.broadcast %add3A_1509 : i32 to vector<16xi32>
      %add3A_1511 = arith.addi %add3A_1510, %iota3A_1508 : vector<16xi32>
      %gather3A_1512 = tpu.vector_load_idx %arg17[%add3A_1511, %broadcast_in_dim3A_1477] : memref<96x128xf32, #tpu.memory_space<vmem>>[vector<16xi32>, vector<16xi32>], vector<16xf32>,
      tpu.vector_store_idx %arg10[%add3A_1511, %broadcast_in_dim3A_1482], %gather3A_1512 : memref<96x128xf32, #tpu.memory_space<vmem>>[vector<16xi32>, vector<16xi32>], vector<16xf32>,
      %dma_wait3A_1513 = arith.constant 0 : i32
      %dma_wait3A_1514 = tpu.memref_slice %arg2[%dma_wait3A_1513, %multiple_of3A_992] : memref<96x1000001xf32, #tpu.memory_space<hbm>> -> memref<96x128xf32, #tpu.memory_space<hbm>>
      %dma_wait3A_1515 = arith.constant 0 : i32
      %dma_wait3A_1516 = tpu.memref_slice %arg2[%dma_wait3A_1515, %multiple_of3A_992] : memref<96x1000001xf32, #tpu.memory_space<hbm>> -> memref<96x128xf32, #tpu.memory_space<hbm>>
      tpu.wait_dma2 semaphore(%arg26 : memref<!tpu.dma_semaphore, #tpu.memory_space<semaphore_mem>>) src(%dma_wait3A_1516 : memref<96x128xf32, #tpu.memory_space<hbm>>) dst(%arg18 : memref<96x128xf32, #tpu.memory_space<vmem>>)
      %slice3A_1517 = vector.extract_strided_slice %get3A_31 {offsets = [14], sizes = [1], strides = [1]} : vector<16xi32> to vector<1xi32>
      %squeeze3A_1518 = vector.extract %slice3A_1517[0] : i32 from vector<1xi32>
      %jit3A_1519 = arith.constant 128 : i32
      %div3A_1520 = arith.divsi %squeeze3A_1518, %jit3A_1519 : i32
      %sign3A_1521 = arith.constant 0 : i32
      %sign3A_1522 = arith.cmpi sgt, %squeeze3A_1518, %sign3A_1521 : i32
      %sign3A_1523 = arith.extui %sign3A_1522 : i1 to i32
      %sign3A_1524 = arith.constant 0 : i32
      %sign3A_1525 = arith.cmpi slt, %squeeze3A_1518, %sign3A_1524 : i32
      %sign3A_1526 = arith.extui %sign3A_1525 : i1 to i32
      %sign3A_1527 = arith.subi %sign3A_1523, %sign3A_1526 : i32
      %sign3A_1528 = arith.constant 0 : i32
      %sign3A_1529 = arith.cmpi sgt, %jit3A_1519, %sign3A_1528 : i32
      %sign3A_1530 = arith.extui %sign3A_1529 : i1 to i32
      %sign3A_1531 = arith.constant 0 : i32
      %sign3A_1532 = arith.cmpi slt, %jit3A_1519, %sign3A_1531 : i32
      %sign3A_1533 = arith.extui %sign3A_1532 : i1 to i32
      %sign3A_1534 = arith.subi %sign3A_1530, %sign3A_1533 : i32
      %ne3A_1535 = arith.cmpi ne, %sign3A_1527, %sign3A_1534 : i32
      %rem3A_1536 = arith.remsi %squeeze3A_1518, %jit3A_1519 : i32
      %ne3A_1537 = arith.constant 0 : i32
      %ne3A_1538 = arith.cmpi ne, %rem3A_1536, %ne3A_1537 : i32
      %and3A_1539 = arith.andi %ne3A_1535, %ne3A_1538 : i1
      %sub3A_1540 = arith.constant 1 : i32
      %sub3A_1541 = arith.subi %div3A_1520, %sub3A_1540 : i32
      %select_n3A_1542 = arith.select %and3A_1539, %sub3A_1541, %div3A_1520 : i32
      %mul3A_1543 = arith.constant 128 : i32
      %mul3A_1544 = arith.muli %select_n3A_1542, %mul3A_1543 : i32
      %sub3A_1545 = arith.subi %squeeze3A_1518, %mul3A_1544 : i32
      %broadcast_in_dim3A_1546 = vector.broadcast %sub3A_1545 : i32 to vector<16xi32>
      %mul3A_1547 = arith.constant 16 : i32
      %mul3A_1548 = arith.muli %scan3A_28, %mul3A_1547 : i32
      %add3A_1549 = arith.constant 14 : i32
      %add3A_1550 = arith.addi %mul3A_1548, %add3A_1549 : i32
      %broadcast_in_dim3A_1551 = vector.broadcast %add3A_1550 : i32 to vector<16xi32>
      %iota3A_1552 = tpu.iota {dimensions = array<i32: 0>} : vector<16xi32>
      %add3A_1553 = arith.constant 0 : i32
      %add3A_1554 = vector.broadcast %add3A_1553 : i32 to vector<16xi32>
      %add3A_1555 = arith.addi %add3A_1554, %iota3A_1552 : vector<16xi32>
      %gather3A_1556 = tpu.vector_load_idx %arg18[%add3A_1555, %broadcast_in_dim3A_1546] : memref<96x128xf32, #tpu.memory_space<vmem>>[vector<16xi32>, vector<16xi32>], vector<16xf32>,
      tpu.vector_store_idx %arg10[%add3A_1555, %broadcast_in_dim3A_1551], %gather3A_1556 : memref<96x128xf32, #tpu.memory_space<vmem>>[vector<16xi32>, vector<16xi32>], vector<16xf32>,
      %iota3A_1557 = tpu.iota {dimensions = array<i32: 0>} : vector<16xi32>
      %add3A_1558 = arith.constant 16 : i32
      %add3A_1559 = vector.broadcast %add3A_1558 : i32 to vector<16xi32>
      %add3A_1560 = arith.addi %add3A_1559, %iota3A_1557 : vector<16xi32>
      %gather3A_1561 = tpu.vector_load_idx %arg18[%add3A_1560, %broadcast_in_dim3A_1546] : memref<96x128xf32, #tpu.memory_space<vmem>>[vector<16xi32>, vector<16xi32>], vector<16xf32>,
      tpu.vector_store_idx %arg10[%add3A_1560, %broadcast_in_dim3A_1551], %gather3A_1561 : memref<96x128xf32, #tpu.memory_space<vmem>>[vector<16xi32>, vector<16xi32>], vector<16xf32>,
      %iota3A_1562 = tpu.iota {dimensions = array<i32: 0>} : vector<16xi32>
      %add3A_1563 = arith.constant 32 : i32
      %add3A_1564 = vector.broadcast %add3A_1563 : i32 to vector<16xi32>
      %add3A_1565 = arith.addi %add3A_1564, %iota3A_1562 : vector<16xi32>
      %gather3A_1566 = tpu.vector_load_idx %arg18[%add3A_1565, %broadcast_in_dim3A_1546] : memref<96x128xf32, #tpu.memory_space<vmem>>[vector<16xi32>, vector<16xi32>], vector<16xf32>,
      tpu.vector_store_idx %arg10[%add3A_1565, %broadcast_in_dim3A_1551], %gather3A_1566 : memref<96x128xf32, #tpu.memory_space<vmem>>[vector<16xi32>, vector<16xi32>], vector<16xf32>,
      %iota3A_1567 = tpu.iota {dimensions = array<i32: 0>} : vector<16xi32>
      %add3A_1568 = arith.constant 48 : i32
      %add3A_1569 = vector.broadcast %add3A_1568 : i32 to vector<16xi32>
      %add3A_1570 = arith.addi %add3A_1569, %iota3A_1567 : vector<16xi32>
      %gather3A_1571 = tpu.vector_load_idx %arg18[%add3A_1570, %broadcast_in_dim3A_1546] : memref<96x128xf32, #tpu.memory_space<vmem>>[vector<16xi32>, vector<16xi32>], vector<16xf32>,
      tpu.vector_store_idx %arg10[%add3A_1570, %broadcast_in_dim3A_1551], %gather3A_1571 : memref<96x128xf32, #tpu.memory_space<vmem>>[vector<16xi32>, vector<16xi32>], vector<16xf32>,
      %iota3A_1572 = tpu.iota {dimensions = array<i32: 0>} : vector<16xi32>
      %add3A_1573 = arith.constant 64 : i32
      %add3A_1574 = vector.broadcast %add3A_1573 : i32 to vector<16xi32>
      %add3A_1575 = arith.addi %add3A_1574, %iota3A_1572 : vector<16xi32>
      %gather3A_1576 = tpu.vector_load_idx %arg18[%add3A_1575, %broadcast_in_dim3A_1546] : memref<96x128xf32, #tpu.memory_space<vmem>>[vector<16xi32>, vector<16xi32>], vector<16xf32>,
      tpu.vector_store_idx %arg10[%add3A_1575, %broadcast_in_dim3A_1551], %gather3A_1576 : memref<96x128xf32, #tpu.memory_space<vmem>>[vector<16xi32>, vector<16xi32>], vector<16xf32>,
      %iota3A_1577 = tpu.iota {dimensions = array<i32: 0>} : vector<16xi32>
      %add3A_1578 = arith.constant 80 : i32
      %add3A_1579 = vector.broadcast %add3A_1578 : i32 to vector<16xi32>
      %add3A_1580 = arith.addi %add3A_1579, %iota3A_1577 : vector<16xi32>
      %gather3A_1581 = tpu.vector_load_idx %arg18[%add3A_1580, %broadcast_in_dim3A_1546] : memref<96x128xf32, #tpu.memory_space<vmem>>[vector<16xi32>, vector<16xi32>], vector<16xf32>,
      tpu.vector_store_idx %arg10[%add3A_1580, %broadcast_in_dim3A_1551], %gather3A_1581 : memref<96x128xf32, #tpu.memory_space<vmem>>[vector<16xi32>, vector<16xi32>], vector<16xf32>,
      %dma_wait3A_1582 = arith.constant 0 : i32
      %dma_wait3A_1583 = tpu.memref_slice %arg2[%dma_wait3A_1582, %multiple_of3A_1094] : memref<96x1000001xf32, #tpu.memory_space<hbm>> -> memref<96x128xf32, #tpu.memory_space<hbm>>
      %dma_wait3A_1584 = arith.constant 0 : i32
      %dma_wait3A_1585 = tpu.memref_slice %arg2[%dma_wait3A_1584, %multiple_of3A_1094] : memref<96x1000001xf32, #tpu.memory_space<hbm>> -> memref<96x128xf32, #tpu.memory_space<hbm>>
      tpu.wait_dma2 semaphore(%arg27 : memref<!tpu.dma_semaphore, #tpu.memory_space<semaphore_mem>>) src(%dma_wait3A_1585 : memref<96x128xf32, #tpu.memory_space<hbm>>) dst(%arg19 : memref<96x128xf32, #tpu.memory_space<vmem>>)
      %slice3A_1586 = vector.extract_strided_slice %get3A_31 {offsets = [15], sizes = [1], strides = [1]} : vector<16xi32> to vector<1xi32>
      %squeeze3A_1587 = vector.extract %slice3A_1586[0] : i32 from vector<1xi32>
      %jit3A_1588 = arith.constant 128 : i32
      %div3A_1589 = arith.divsi %squeeze3A_1587, %jit3A_1588 : i32
      %sign3A_1590 = arith.constant 0 : i32
      %sign3A_1591 = arith.cmpi sgt, %squeeze3A_1587, %sign3A_1590 : i32
      %sign3A_1592 = arith.extui %sign3A_1591 : i1 to i32
      %sign3A_1593 = arith.constant 0 : i32
      %sign3A_1594 = arith.cmpi slt, %squeeze3A_1587, %sign3A_1593 : i32
      %sign3A_1595 = arith.extui %sign3A_1594 : i1 to i32
      %sign3A_1596 = arith.subi %sign3A_1592, %sign3A_1595 : i32
      %sign3A_1597 = arith.constant 0 : i32
      %sign3A_1598 = arith.cmpi sgt, %jit3A_1588, %sign3A_1597 : i32
      %sign3A_1599 = arith.extui %sign3A_1598 : i1 to i32
      %sign3A_1600 = arith.constant 0 : i32
      %sign3A_1601 = arith.cmpi slt, %jit3A_1588, %sign3A_1600 : i32
      %sign3A_1602 = arith.extui %sign3A_1601 : i1 to i32
      %sign3A_1603 = arith.subi %sign3A_1599, %sign3A_1602 : i32
      %ne3A_1604 = arith.cmpi ne, %sign3A_1596, %sign3A_1603 : i32
      %rem3A_1605 = arith.remsi %squeeze3A_1587, %jit3A_1588 : i32
      %ne3A_1606 = arith.constant 0 : i32
      %ne3A_1607 = arith.cmpi ne, %rem3A_1605, %ne3A_1606 : i32
      %and3A_1608 = arith.andi %ne3A_1604, %ne3A_1607 : i1
      %sub3A_1609 = arith.constant 1 : i32
      %sub3A_1610 = arith.subi %div3A_1589, %sub3A_1609 : i32
      %select_n3A_1611 = arith.select %and3A_1608, %sub3A_1610, %div3A_1589 : i32
      %mul3A_1612 = arith.constant 128 : i32
      %mul3A_1613 = arith.muli %select_n3A_1611, %mul3A_1612 : i32
      %sub3A_1614 = arith.subi %squeeze3A_1587, %mul3A_1613 : i32
      %broadcast_in_dim3A_1615 = vector.broadcast %sub3A_1614 : i32 to vector<16xi32>
      %mul3A_1616 = arith.constant 16 : i32
      %mul3A_1617 = arith.muli %scan3A_28, %mul3A_1616 : i32
      %add3A_1618 = arith.constant 15 : i32
      %add3A_1619 = arith.addi %mul3A_1617, %add3A_1618 : i32
      %broadcast_in_dim3A_1620 = vector.broadcast %add3A_1619 : i32 to vector<16xi32>
      %iota3A_1621 = tpu.iota {dimensions = array<i32: 0>} : vector<16xi32>
      %add3A_1622 = arith.constant 0 : i32
      %add3A_1623 = vector.broadcast %add3A_1622 : i32 to vector<16xi32>
      %add3A_1624 = arith.addi %add3A_1623, %iota3A_1621 : vector<16xi32>
      %gather3A_1625 = tpu.vector_load_idx %arg19[%add3A_1624, %broadcast_in_dim3A_1615] : memref<96x128xf32, #tpu.memory_space<vmem>>[vector<16xi32>, vector<16xi32>], vector<16xf32>,
      tpu.vector_store_idx %arg10[%add3A_1624, %broadcast_in_dim3A_1620], %gather3A_1625 : memref<96x128xf32, #tpu.memory_space<vmem>>[vector<16xi32>, vector<16xi32>], vector<16xf32>,
      %iota3A_1626 = tpu.iota {dimensions = array<i32: 0>} : vector<16xi32>
      %add3A_1627 = arith.constant 16 : i32
      %add3A_1628 = vector.broadcast %add3A_1627 : i32 to vector<16xi32>
      %add3A_1629 = arith.addi %add3A_1628, %iota3A_1626 : vector<16xi32>
      %gather3A_1630 = tpu.vector_load_idx %arg19[%add3A_1629, %broadcast_in_dim3A_1615] : memref<96x128xf32, #tpu.memory_space<vmem>>[vector<16xi32>, vector<16xi32>], vector<16xf32>,
      tpu.vector_store_idx %arg10[%add3A_1629, %broadcast_in_dim3A_1620], %gather3A_1630 : memref<96x128xf32, #tpu.memory_space<vmem>>[vector<16xi32>, vector<16xi32>], vector<16xf32>,
      %iota3A_1631 = tpu.iota {dimensions = array<i32: 0>} : vector<16xi32>
      %add3A_1632 = arith.constant 32 : i32
      %add3A_1633 = vector.broadcast %add3A_1632 : i32 to vector<16xi32>
      %add3A_1634 = arith.addi %add3A_1633, %iota3A_1631 : vector<16xi32>
      %gather3A_1635 = tpu.vector_load_idx %arg19[%add3A_1634, %broadcast_in_dim3A_1615] : memref<96x128xf32, #tpu.memory_space<vmem>>[vector<16xi32>, vector<16xi32>], vector<16xf32>,
      tpu.vector_store_idx %arg10[%add3A_1634, %broadcast_in_dim3A_1620], %gather3A_1635 : memref<96x128xf32, #tpu.memory_space<vmem>>[vector<16xi32>, vector<16xi32>], vector<16xf32>,
      %iota3A_1636 = tpu.iota {dimensions = array<i32: 0>} : vector<16xi32>
      %add3A_1637 = arith.constant 48 : i32
      %add3A_1638 = vector.broadcast %add3A_1637 : i32 to vector<16xi32>
      %add3A_1639 = arith.addi %add3A_1638, %iota3A_1636 : vector<16xi32>
      %gather3A_1640 = tpu.vector_load_idx %arg19[%add3A_1639, %broadcast_in_dim3A_1615] : memref<96x128xf32, #tpu.memory_space<vmem>>[vector<16xi32>, vector<16xi32>], vector<16xf32>,
      tpu.vector_store_idx %arg10[%add3A_1639, %broadcast_in_dim3A_1620], %gather3A_1640 : memref<96x128xf32, #tpu.memory_space<vmem>>[vector<16xi32>, vector<16xi32>], vector<16xf32>,
      %iota3A_1641 = tpu.iota {dimensions = array<i32: 0>} : vector<16xi32>
      %add3A_1642 = arith.constant 64 : i32
      %add3A_1643 = vector.broadcast %add3A_1642 : i32 to vector<16xi32>
      %add3A_1644 = arith.addi %add3A_1643, %iota3A_1641 : vector<16xi32>
      %gather3A_1645 = tpu.vector_load_idx %arg19[%add3A_1644, %broadcast_in_dim3A_1615] : memref<96x128xf32, #tpu.memory_space<vmem>>[vector<16xi32>, vector<16xi32>], vector<16xf32>,
      tpu.vector_store_idx %arg10[%add3A_1644, %broadcast_in_dim3A_1620], %gather3A_1645 : memref<96x128xf32, #tpu.memory_space<vmem>>[vector<16xi32>, vector<16xi32>], vector<16xf32>,
      %iota3A_1646 = tpu.iota {dimensions = array<i32: 0>} : vector<16xi32>
      %add3A_1647 = arith.constant 80 : i32
      %add3A_1648 = vector.broadcast %add3A_1647 : i32 to vector<16xi32>
      %add3A_1649 = arith.addi %add3A_1648, %iota3A_1646 : vector<16xi32>
      %gather3A_1650 = tpu.vector_load_idx %arg19[%add3A_1649, %broadcast_in_dim3A_1615] : memref<96x128xf32, #tpu.memory_space<vmem>>[vector<16xi32>, vector<16xi32>], vector<16xf32>,
      tpu.vector_store_idx %arg10[%add3A_1649, %broadcast_in_dim3A_1620], %gather3A_1650 : memref<96x128xf32, #tpu.memory_space<vmem>>[vector<16xi32>, vector<16xi32>], vector<16xf32>,
    }
    %scan3A_7 = arith.constant 8 : i32
    %dma_start3A = arith.constant 0 : i32
    %dma_start3A_8 = tpu.memref_slice %arg6[%dma_start3A, %multiple_of3A] : memref<96x4096xf32, #tpu.memory_space<hbm>> -> memref<96x128xf32, #tpu.memory_space<hbm>>
    %dma_start3A_9 = arith.constant 0 : i32
    %dma_start3A_10 = tpu.memref_slice %arg6[%dma_start3A_9, %multiple_of3A] : memref<96x4096xf32, #tpu.memory_space<hbm>> -> memref<96x128xf32, #tpu.memory_space<hbm>>
    tpu.enqueue_dma source(%arg10 : memref<96x128xf32, #tpu.memory_space<vmem>>) target(%dma_start3A_10 : memref<96x128xf32, #tpu.memory_space<hbm>>) target_semaphore(%arg28 : memref<!tpu.dma_semaphore, #tpu.memory_space<semaphore_mem>>)
    %scan3A_11 = arith.constant 0 : i32
    %scan3A_12 = arith.constant 0 : i32
    %scan3A_13 = arith.constant 8 : i32
    %scan3A_14 = arith.addi %scan3A_12, %scan3A_13 : i32
    %scan3A_15 = arith.constant 1 : i32
    scf.for %scan3A_28 = %scan3A_12 to %scan3A_14 step %scan3A_15  : i32 {
      %mul3A_29 = arith.constant 16 : i32
      %mul3A_30 = arith.muli %scan3A_28, %mul3A_29 : i32
      %get3A = arith.index_cast %mul3A_30 : i32 to index
      %get3A_31 = tpu.vector_load %arg9[%get3A] {strides = array<i32>} : memref<128xi32, #tpu.memory_space<vmem>>, vector<16xi32>,
      %slice3A = vector.extract_strided_slice %get3A_31 {offsets = [0], sizes = [1], strides = [1]} : vector<16xi32> to vector<1xi32>
      %squeeze3A = vector.extract %slice3A[0] : i32 from vector<1xi32>
      %jit3A = arith.constant 128 : i32
      %div3A = arith.divsi %squeeze3A, %jit3A : i32
      %sign3A = arith.constant 0 : i32
      %sign3A_32 = arith.cmpi sgt, %squeeze3A, %sign3A : i32
      %sign3A_33 = arith.extui %sign3A_32 : i1 to i32
      %sign3A_34 = arith.constant 0 : i32
      %sign3A_35 = arith.cmpi slt, %squeeze3A, %sign3A_34 : i32
      %sign3A_36 = arith.extui %sign3A_35 : i1 to i32
      %sign3A_37 = arith.subi %sign3A_33, %sign3A_36 : i32
      %sign3A_38 = arith.constant 0 : i32
      %sign3A_39 = arith.cmpi sgt, %jit3A, %sign3A_38 : i32
      %sign3A_40 = arith.extui %sign3A_39 : i1 to i32
      %sign3A_41 = arith.constant 0 : i32
      %sign3A_42 = arith.cmpi slt, %jit3A, %sign3A_41 : i32
      %sign3A_43 = arith.extui %sign3A_42 : i1 to i32
      %sign3A_44 = arith.subi %sign3A_40, %sign3A_43 : i32
      %ne3A = arith.cmpi ne, %sign3A_37, %sign3A_44 : i32
      %rem3A = arith.remsi %squeeze3A, %jit3A : i32
      %ne3A_45 = arith.constant 0 : i32
      %ne3A_46 = arith.cmpi ne, %rem3A, %ne3A_45 : i32
      %and3A = arith.andi %ne3A, %ne3A_46 : i1
      %sub3A = arith.constant 1 : i32
      %sub3A_47 = arith.subi %div3A, %sub3A : i32
      %select_n3A = arith.select %and3A, %sub3A_47, %div3A : i32
      %mul3A_48 = arith.constant 128 : i32
      %mul3A_49 = arith.muli %select_n3A, %mul3A_48 : i32
      %multiple_of3A_50 = tpu.assume_multiple %mul3A_49, 128 : i32
      %dma_start3A_51 = arith.constant 0 : i32
      %dma_start3A_52 = tpu.memref_slice %arg3[%dma_start3A_51, %multiple_of3A_50] : memref<96x1000001xf32, #tpu.memory_space<hbm>> -> memref<96x128xf32, #tpu.memory_space<hbm>>
      %dma_start3A_53 = arith.constant 0 : i32
      %dma_start3A_54 = tpu.memref_slice %arg3[%dma_start3A_53, %multiple_of3A_50] : memref<96x1000001xf32, #tpu.memory_space<hbm>> -> memref<96x128xf32, #tpu.memory_space<hbm>>
      tpu.enqueue_dma source(%dma_start3A_54 : memref<96x128xf32, #tpu.memory_space<hbm>>) target(%arg12 : memref<96x128xf32, #tpu.memory_space<vmem>>) target_semaphore(%arg20 : memref<!tpu.dma_semaphore, #tpu.memory_space<semaphore_mem>>)
      %slice3A_55 = vector.extract_strided_slice %get3A_31 {offsets = [1], sizes = [1], strides = [1]} : vector<16xi32> to vector<1xi32>
      %squeeze3A_56 = vector.extract %slice3A_55[0] : i32 from vector<1xi32>
      %jit3A_57 = arith.constant 128 : i32
      %div3A_58 = arith.divsi %squeeze3A_56, %jit3A_57 : i32
      %sign3A_59 = arith.constant 0 : i32
      %sign3A_60 = arith.cmpi sgt, %squeeze3A_56, %sign3A_59 : i32
      %sign3A_61 = arith.extui %sign3A_60 : i1 to i32
      %sign3A_62 = arith.constant 0 : i32
      %sign3A_63 = arith.cmpi slt, %squeeze3A_56, %sign3A_62 : i32
      %sign3A_64 = arith.extui %sign3A_63 : i1 to i32
      %sign3A_65 = arith.subi %sign3A_61, %sign3A_64 : i32
      %sign3A_66 = arith.constant 0 : i32
      %sign3A_67 = arith.cmpi sgt, %jit3A_57, %sign3A_66 : i32
      %sign3A_68 = arith.extui %sign3A_67 : i1 to i32
      %sign3A_69 = arith.constant 0 : i32
      %sign3A_70 = arith.cmpi slt, %jit3A_57, %sign3A_69 : i32
      %sign3A_71 = arith.extui %sign3A_70 : i1 to i32
      %sign3A_72 = arith.subi %sign3A_68, %sign3A_71 : i32
      %ne3A_73 = arith.cmpi ne, %sign3A_65, %sign3A_72 : i32
      %rem3A_74 = arith.remsi %squeeze3A_56, %jit3A_57 : i32
      %ne3A_75 = arith.constant 0 : i32
      %ne3A_76 = arith.cmpi ne, %rem3A_74, %ne3A_75 : i32
      %and3A_77 = arith.andi %ne3A_73, %ne3A_76 : i1
      %sub3A_78 = arith.constant 1 : i32
      %sub3A_79 = arith.subi %div3A_58, %sub3A_78 : i32
      %select_n3A_80 = arith.select %and3A_77, %sub3A_79, %div3A_58 : i32
      %mul3A_81 = arith.constant 128 : i32
      %mul3A_82 = arith.muli %select_n3A_80, %mul3A_81 : i32
      %multiple_of3A_83 = tpu.assume_multiple %mul3A_82, 128 : i32
      %dma_start3A_84 = arith.constant 0 : i32
      %dma_start3A_85 = tpu.memref_slice %arg3[%dma_start3A_84, %multiple_of3A_83] : memref<96x1000001xf32, #tpu.memory_space<hbm>> -> memref<96x128xf32, #tpu.memory_space<hbm>>
      %dma_start3A_86 = arith.constant 0 : i32
      %dma_start3A_87 = tpu.memref_slice %arg3[%dma_start3A_86, %multiple_of3A_83] : memref<96x1000001xf32, #tpu.memory_space<hbm>> -> memref<96x128xf32, #tpu.memory_space<hbm>>
      tpu.enqueue_dma source(%dma_start3A_87 : memref<96x128xf32, #tpu.memory_space<hbm>>) target(%arg13 : memref<96x128xf32, #tpu.memory_space<vmem>>) target_semaphore(%arg21 : memref<!tpu.dma_semaphore, #tpu.memory_space<semaphore_mem>>)
      %slice3A_88 = vector.extract_strided_slice %get3A_31 {offsets = [2], sizes = [1], strides = [1]} : vector<16xi32> to vector<1xi32>
      %squeeze3A_89 = vector.extract %slice3A_88[0] : i32 from vector<1xi32>
      %jit3A_90 = arith.constant 128 : i32
      %div3A_91 = arith.divsi %squeeze3A_89, %jit3A_90 : i32
      %sign3A_92 = arith.constant 0 : i32
      %sign3A_93 = arith.cmpi sgt, %squeeze3A_89, %sign3A_92 : i32
      %sign3A_94 = arith.extui %sign3A_93 : i1 to i32
      %sign3A_95 = arith.constant 0 : i32
      %sign3A_96 = arith.cmpi slt, %squeeze3A_89, %sign3A_95 : i32
      %sign3A_97 = arith.extui %sign3A_96 : i1 to i32
      %sign3A_98 = arith.subi %sign3A_94, %sign3A_97 : i32
      %sign3A_99 = arith.constant 0 : i32
      %sign3A_100 = arith.cmpi sgt, %jit3A_90, %sign3A_99 : i32
      %sign3A_101 = arith.extui %sign3A_100 : i1 to i32
      %sign3A_102 = arith.constant 0 : i32
      %sign3A_103 = arith.cmpi slt, %jit3A_90, %sign3A_102 : i32
      %sign3A_104 = arith.extui %sign3A_103 : i1 to i32
      %sign3A_105 = arith.subi %sign3A_101, %sign3A_104 : i32
      %ne3A_106 = arith.cmpi ne, %sign3A_98, %sign3A_105 : i32
      %rem3A_107 = arith.remsi %squeeze3A_89, %jit3A_90 : i32
      %ne3A_108 = arith.constant 0 : i32
      %ne3A_109 = arith.cmpi ne, %rem3A_107, %ne3A_108 : i32
      %and3A_110 = arith.andi %ne3A_106, %ne3A_109 : i1
      %sub3A_111 = arith.constant 1 : i32
      %sub3A_112 = arith.subi %div3A_91, %sub3A_111 : i32
      %select_n3A_113 = arith.select %and3A_110, %sub3A_112, %div3A_91 : i32
      %mul3A_114 = arith.constant 128 : i32
      %mul3A_115 = arith.muli %select_n3A_113, %mul3A_114 : i32
      %multiple_of3A_116 = tpu.assume_multiple %mul3A_115, 128 : i32
      %dma_start3A_117 = arith.constant 0 : i32
      %dma_start3A_118 = tpu.memref_slice %arg3[%dma_start3A_117, %multiple_of3A_116] : memref<96x1000001xf32, #tpu.memory_space<hbm>> -> memref<96x128xf32, #tpu.memory_space<hbm>>
      %dma_start3A_119 = arith.constant 0 : i32
      %dma_start3A_120 = tpu.memref_slice %arg3[%dma_start3A_119, %multiple_of3A_116] : memref<96x1000001xf32, #tpu.memory_space<hbm>> -> memref<96x128xf32, #tpu.memory_space<hbm>>
      tpu.enqueue_dma source(%dma_start3A_120 : memref<96x128xf32, #tpu.memory_space<hbm>>) target(%arg14 : memref<96x128xf32, #tpu.memory_space<vmem>>) target_semaphore(%arg22 : memref<!tpu.dma_semaphore, #tpu.memory_space<semaphore_mem>>)
      %slice3A_121 = vector.extract_strided_slice %get3A_31 {offsets = [3], sizes = [1], strides = [1]} : vector<16xi32> to vector<1xi32>
      %squeeze3A_122 = vector.extract %slice3A_121[0] : i32 from vector<1xi32>
      %jit3A_123 = arith.constant 128 : i32
      %div3A_124 = arith.divsi %squeeze3A_122, %jit3A_123 : i32
      %sign3A_125 = arith.constant 0 : i32
      %sign3A_126 = arith.cmpi sgt, %squeeze3A_122, %sign3A_125 : i32
      %sign3A_127 = arith.extui %sign3A_126 : i1 to i32
      %sign3A_128 = arith.constant 0 : i32
      %sign3A_129 = arith.cmpi slt, %squeeze3A_122, %sign3A_128 : i32
      %sign3A_130 = arith.extui %sign3A_129 : i1 to i32
      %sign3A_131 = arith.subi %sign3A_127, %sign3A_130 : i32
      %sign3A_132 = arith.constant 0 : i32
      %sign3A_133 = arith.cmpi sgt, %jit3A_123, %sign3A_132 : i32
      %sign3A_134 = arith.extui %sign3A_133 : i1 to i32
      %sign3A_135 = arith.constant 0 : i32
      %sign3A_136 = arith.cmpi slt, %jit3A_123, %sign3A_135 : i32
      %sign3A_137 = arith.extui %sign3A_136 : i1 to i32
      %sign3A_138 = arith.subi %sign3A_134, %sign3A_137 : i32
      %ne3A_139 = arith.cmpi ne, %sign3A_131, %sign3A_138 : i32
      %rem3A_140 = arith.remsi %squeeze3A_122, %jit3A_123 : i32
      %ne3A_141 = arith.constant 0 : i32
      %ne3A_142 = arith.cmpi ne, %rem3A_140, %ne3A_141 : i32
      %and3A_143 = arith.andi %ne3A_139, %ne3A_142 : i1
      %sub3A_144 = arith.constant 1 : i32
      %sub3A_145 = arith.subi %div3A_124, %sub3A_144 : i32
      %select_n3A_146 = arith.select %and3A_143, %sub3A_145, %div3A_124 : i32
      %mul3A_147 = arith.constant 128 : i32
      %mul3A_148 = arith.muli %select_n3A_146, %mul3A_147 : i32
      %multiple_of3A_149 = tpu.assume_multiple %mul3A_148, 128 : i32
      %dma_start3A_150 = arith.constant 0 : i32
      %dma_start3A_151 = tpu.memref_slice %arg3[%dma_start3A_150, %multiple_of3A_149] : memref<96x1000001xf32, #tpu.memory_space<hbm>> -> memref<96x128xf32, #tpu.memory_space<hbm>>
      %dma_start3A_152 = arith.constant 0 : i32
      %dma_start3A_153 = tpu.memref_slice %arg3[%dma_start3A_152, %multiple_of3A_149] : memref<96x1000001xf32, #tpu.memory_space<hbm>> -> memref<96x128xf32, #tpu.memory_space<hbm>>
      tpu.enqueue_dma source(%dma_start3A_153 : memref<96x128xf32, #tpu.memory_space<hbm>>) target(%arg15 : memref<96x128xf32, #tpu.memory_space<vmem>>) target_semaphore(%arg23 : memref<!tpu.dma_semaphore, #tpu.memory_space<semaphore_mem>>)
      %slice3A_154 = vector.extract_strided_slice %get3A_31 {offsets = [4], sizes = [1], strides = [1]} : vector<16xi32> to vector<1xi32>
      %squeeze3A_155 = vector.extract %slice3A_154[0] : i32 from vector<1xi32>
      %jit3A_156 = arith.constant 128 : i32
      %div3A_157 = arith.divsi %squeeze3A_155, %jit3A_156 : i32
      %sign3A_158 = arith.constant 0 : i32
      %sign3A_159 = arith.cmpi sgt, %squeeze3A_155, %sign3A_158 : i32
      %sign3A_160 = arith.extui %sign3A_159 : i1 to i32
      %sign3A_161 = arith.constant 0 : i32
      %sign3A_162 = arith.cmpi slt, %squeeze3A_155, %sign3A_161 : i32
      %sign3A_163 = arith.extui %sign3A_162 : i1 to i32
      %sign3A_164 = arith.subi %sign3A_160, %sign3A_163 : i32
      %sign3A_165 = arith.constant 0 : i32
      %sign3A_166 = arith.cmpi sgt, %jit3A_156, %sign3A_165 : i32
      %sign3A_167 = arith.extui %sign3A_166 : i1 to i32
      %sign3A_168 = arith.constant 0 : i32
      %sign3A_169 = arith.cmpi slt, %jit3A_156, %sign3A_168 : i32
      %sign3A_170 = arith.extui %sign3A_169 : i1 to i32
      %sign3A_171 = arith.subi %sign3A_167, %sign3A_170 : i32
      %ne3A_172 = arith.cmpi ne, %sign3A_164, %sign3A_171 : i32
      %rem3A_173 = arith.remsi %squeeze3A_155, %jit3A_156 : i32
      %ne3A_174 = arith.constant 0 : i32
      %ne3A_175 = arith.cmpi ne, %rem3A_173, %ne3A_174 : i32
      %and3A_176 = arith.andi %ne3A_172, %ne3A_175 : i1
      %sub3A_177 = arith.constant 1 : i32
      %sub3A_178 = arith.subi %div3A_157, %sub3A_177 : i32
      %select_n3A_179 = arith.select %and3A_176, %sub3A_178, %div3A_157 : i32
      %mul3A_180 = arith.constant 128 : i32
      %mul3A_181 = arith.muli %select_n3A_179, %mul3A_180 : i32
      %multiple_of3A_182 = tpu.assume_multiple %mul3A_181, 128 : i32
      %dma_start3A_183 = arith.constant 0 : i32
      %dma_start3A_184 = tpu.memref_slice %arg3[%dma_start3A_183, %multiple_of3A_182] : memref<96x1000001xf32, #tpu.memory_space<hbm>> -> memref<96x128xf32, #tpu.memory_space<hbm>>
      %dma_start3A_185 = arith.constant 0 : i32
      %dma_start3A_186 = tpu.memref_slice %arg3[%dma_start3A_185, %multiple_of3A_182] : memref<96x1000001xf32, #tpu.memory_space<hbm>> -> memref<96x128xf32, #tpu.memory_space<hbm>>
      tpu.enqueue_dma source(%dma_start3A_186 : memref<96x128xf32, #tpu.memory_space<hbm>>) target(%arg16 : memref<96x128xf32, #tpu.memory_space<vmem>>) target_semaphore(%arg24 : memref<!tpu.dma_semaphore, #tpu.memory_space<semaphore_mem>>)
      %slice3A_187 = vector.extract_strided_slice %get3A_31 {offsets = [5], sizes = [1], strides = [1]} : vector<16xi32> to vector<1xi32>
      %squeeze3A_188 = vector.extract %slice3A_187[0] : i32 from vector<1xi32>
      %jit3A_189 = arith.constant 128 : i32
      %div3A_190 = arith.divsi %squeeze3A_188, %jit3A_189 : i32
      %sign3A_191 = arith.constant 0 : i32
      %sign3A_192 = arith.cmpi sgt, %squeeze3A_188, %sign3A_191 : i32
      %sign3A_193 = arith.extui %sign3A_192 : i1 to i32
      %sign3A_194 = arith.constant 0 : i32
      %sign3A_195 = arith.cmpi slt, %squeeze3A_188, %sign3A_194 : i32
      %sign3A_196 = arith.extui %sign3A_195 : i1 to i32
      %sign3A_197 = arith.subi %sign3A_193, %sign3A_196 : i32
      %sign3A_198 = arith.constant 0 : i32
      %sign3A_199 = arith.cmpi sgt, %jit3A_189, %sign3A_198 : i32
      %sign3A_200 = arith.extui %sign3A_199 : i1 to i32
      %sign3A_201 = arith.constant 0 : i32
      %sign3A_202 = arith.cmpi slt, %jit3A_189, %sign3A_201 : i32
      %sign3A_203 = arith.extui %sign3A_202 : i1 to i32
      %sign3A_204 = arith.subi %sign3A_200, %sign3A_203 : i32
      %ne3A_205 = arith.cmpi ne, %sign3A_197, %sign3A_204 : i32
      %rem3A_206 = arith.remsi %squeeze3A_188, %jit3A_189 : i32
      %ne3A_207 = arith.constant 0 : i32
      %ne3A_208 = arith.cmpi ne, %rem3A_206, %ne3A_207 : i32
      %and3A_209 = arith.andi %ne3A_205, %ne3A_208 : i1
      %sub3A_210 = arith.constant 1 : i32
      %sub3A_211 = arith.subi %div3A_190, %sub3A_210 : i32
      %select_n3A_212 = arith.select %and3A_209, %sub3A_211, %div3A_190 : i32
      %mul3A_213 = arith.constant 128 : i32
      %mul3A_214 = arith.muli %select_n3A_212, %mul3A_213 : i32
      %multiple_of3A_215 = tpu.assume_multiple %mul3A_214, 128 : i32
      %dma_start3A_216 = arith.constant 0 : i32
      %dma_start3A_217 = tpu.memref_slice %arg3[%dma_start3A_216, %multiple_of3A_215] : memref<96x1000001xf32, #tpu.memory_space<hbm>> -> memref<96x128xf32, #tpu.memory_space<hbm>>
      %dma_start3A_218 = arith.constant 0 : i32
      %dma_start3A_219 = tpu.memref_slice %arg3[%dma_start3A_218, %multiple_of3A_215] : memref<96x1000001xf32, #tpu.memory_space<hbm>> -> memref<96x128xf32, #tpu.memory_space<hbm>>
      tpu.enqueue_dma source(%dma_start3A_219 : memref<96x128xf32, #tpu.memory_space<hbm>>) target(%arg17 : memref<96x128xf32, #tpu.memory_space<vmem>>) target_semaphore(%arg25 : memref<!tpu.dma_semaphore, #tpu.memory_space<semaphore_mem>>)
      %slice3A_220 = vector.extract_strided_slice %get3A_31 {offsets = [6], sizes = [1], strides = [1]} : vector<16xi32> to vector<1xi32>
      %squeeze3A_221 = vector.extract %slice3A_220[0] : i32 from vector<1xi32>
      %jit3A_222 = arith.constant 128 : i32
      %div3A_223 = arith.divsi %squeeze3A_221, %jit3A_222 : i32
      %sign3A_224 = arith.constant 0 : i32
      %sign3A_225 = arith.cmpi sgt, %squeeze3A_221, %sign3A_224 : i32
      %sign3A_226 = arith.extui %sign3A_225 : i1 to i32
      %sign3A_227 = arith.constant 0 : i32
      %sign3A_228 = arith.cmpi slt, %squeeze3A_221, %sign3A_227 : i32
      %sign3A_229 = arith.extui %sign3A_228 : i1 to i32
      %sign3A_230 = arith.subi %sign3A_226, %sign3A_229 : i32
      %sign3A_231 = arith.constant 0 : i32
      %sign3A_232 = arith.cmpi sgt, %jit3A_222, %sign3A_231 : i32
      %sign3A_233 = arith.extui %sign3A_232 : i1 to i32
      %sign3A_234 = arith.constant 0 : i32
      %sign3A_235 = arith.cmpi slt, %jit3A_222, %sign3A_234 : i32
      %sign3A_236 = arith.extui %sign3A_235 : i1 to i32
      %sign3A_237 = arith.subi %sign3A_233, %sign3A_236 : i32
      %ne3A_238 = arith.cmpi ne, %sign3A_230, %sign3A_237 : i32
      %rem3A_239 = arith.remsi %squeeze3A_221, %jit3A_222 : i32
      %ne3A_240 = arith.constant 0 : i32
      %ne3A_241 = arith.cmpi ne, %rem3A_239, %ne3A_240 : i32
      %and3A_242 = arith.andi %ne3A_238, %ne3A_241 : i1
      %sub3A_243 = arith.constant 1 : i32
      %sub3A_244 = arith.subi %div3A_223, %sub3A_243 : i32
      %select_n3A_245 = arith.select %and3A_242, %sub3A_244, %div3A_223 : i32
      %mul3A_246 = arith.constant 128 : i32
      %mul3A_247 = arith.muli %select_n3A_245, %mul3A_246 : i32
      %multiple_of3A_248 = tpu.assume_multiple %mul3A_247, 128 : i32
      %dma_start3A_249 = arith.constant 0 : i32
      %dma_start3A_250 = tpu.memref_slice %arg3[%dma_start3A_249, %multiple_of3A_248] : memref<96x1000001xf32, #tpu.memory_space<hbm>> -> memref<96x128xf32, #tpu.memory_space<hbm>>
      %dma_start3A_251 = arith.constant 0 : i32
      %dma_start3A_252 = tpu.memref_slice %arg3[%dma_start3A_251, %multiple_of3A_248] : memref<96x1000001xf32, #tpu.memory_space<hbm>> -> memref<96x128xf32, #tpu.memory_space<hbm>>
      tpu.enqueue_dma source(%dma_start3A_252 : memref<96x128xf32, #tpu.memory_space<hbm>>) target(%arg18 : memref<96x128xf32, #tpu.memory_space<vmem>>) target_semaphore(%arg26 : memref<!tpu.dma_semaphore, #tpu.memory_space<semaphore_mem>>)
      %slice3A_253 = vector.extract_strided_slice %get3A_31 {offsets = [7], sizes = [1], strides = [1]} : vector<16xi32> to vector<1xi32>
      %squeeze3A_254 = vector.extract %slice3A_253[0] : i32 from vector<1xi32>
      %jit3A_255 = arith.constant 128 : i32
      %div3A_256 = arith.divsi %squeeze3A_254, %jit3A_255 : i32
      %sign3A_257 = arith.constant 0 : i32
      %sign3A_258 = arith.cmpi sgt, %squeeze3A_254, %sign3A_257 : i32
      %sign3A_259 = arith.extui %sign3A_258 : i1 to i32
      %sign3A_260 = arith.constant 0 : i32
      %sign3A_261 = arith.cmpi slt, %squeeze3A_254, %sign3A_260 : i32
      %sign3A_262 = arith.extui %sign3A_261 : i1 to i32
      %sign3A_263 = arith.subi %sign3A_259, %sign3A_262 : i32
      %sign3A_264 = arith.constant 0 : i32
      %sign3A_265 = arith.cmpi sgt, %jit3A_255, %sign3A_264 : i32
      %sign3A_266 = arith.extui %sign3A_265 : i1 to i32
      %sign3A_267 = arith.constant 0 : i32
      %sign3A_268 = arith.cmpi slt, %jit3A_255, %sign3A_267 : i32
      %sign3A_269 = arith.extui %sign3A_268 : i1 to i32
      %sign3A_270 = arith.subi %sign3A_266, %sign3A_269 : i32
      %ne3A_271 = arith.cmpi ne, %sign3A_263, %sign3A_270 : i32
      %rem3A_272 = arith.remsi %squeeze3A_254, %jit3A_255 : i32
      %ne3A_273 = arith.constant 0 : i32
      %ne3A_274 = arith.cmpi ne, %rem3A_272, %ne3A_273 : i32
      %and3A_275 = arith.andi %ne3A_271, %ne3A_274 : i1
      %sub3A_276 = arith.constant 1 : i32
      %sub3A_277 = arith.subi %div3A_256, %sub3A_276 : i32
      %select_n3A_278 = arith.select %and3A_275, %sub3A_277, %div3A_256 : i32
      %mul3A_279 = arith.constant 128 : i32
      %mul3A_280 = arith.muli %select_n3A_278, %mul3A_279 : i32
      %multiple_of3A_281 = tpu.assume_multiple %mul3A_280, 128 : i32
      %dma_start3A_282 = arith.constant 0 : i32
      %dma_start3A_283 = tpu.memref_slice %arg3[%dma_start3A_282, %multiple_of3A_281] : memref<96x1000001xf32, #tpu.memory_space<hbm>> -> memref<96x128xf32, #tpu.memory_space<hbm>>
      %dma_start3A_284 = arith.constant 0 : i32
      %dma_start3A_285 = tpu.memref_slice %arg3[%dma_start3A_284, %multiple_of3A_281] : memref<96x1000001xf32, #tpu.memory_space<hbm>> -> memref<96x128xf32, #tpu.memory_space<hbm>>
      tpu.enqueue_dma source(%dma_start3A_285 : memref<96x128xf32, #tpu.memory_space<hbm>>) target(%arg19 : memref<96x128xf32, #tpu.memory_space<vmem>>) target_semaphore(%arg27 : memref<!tpu.dma_semaphore, #tpu.memory_space<semaphore_mem>>)
      %dma_wait3A_286 = arith.constant 0 : i32
      %dma_wait3A_287 = tpu.memref_slice %arg3[%dma_wait3A_286, %multiple_of3A_50] : memref<96x1000001xf32, #tpu.memory_space<hbm>> -> memref<96x128xf32, #tpu.memory_space<hbm>>
      %dma_wait3A_288 = arith.constant 0 : i32
      %dma_wait3A_289 = tpu.memref_slice %arg3[%dma_wait3A_288, %multiple_of3A_50] : memref<96x1000001xf32, #tpu.memory_space<hbm>> -> memref<96x128xf32, #tpu.memory_space<hbm>>
      tpu.wait_dma2 semaphore(%arg20 : memref<!tpu.dma_semaphore, #tpu.memory_space<semaphore_mem>>) src(%dma_wait3A_289 : memref<96x128xf32, #tpu.memory_space<hbm>>) dst(%arg12 : memref<96x128xf32, #tpu.memory_space<vmem>>)
      %slice3A_290 = vector.extract_strided_slice %get3A_31 {offsets = [0], sizes = [1], strides = [1]} : vector<16xi32> to vector<1xi32>
      %squeeze3A_291 = vector.extract %slice3A_290[0] : i32 from vector<1xi32>
      %jit3A_292 = arith.constant 128 : i32
      %div3A_293 = arith.divsi %squeeze3A_291, %jit3A_292 : i32
      %sign3A_294 = arith.constant 0 : i32
      %sign3A_295 = arith.cmpi sgt, %squeeze3A_291, %sign3A_294 : i32
      %sign3A_296 = arith.extui %sign3A_295 : i1 to i32
      %sign3A_297 = arith.constant 0 : i32
      %sign3A_298 = arith.cmpi slt, %squeeze3A_291, %sign3A_297 : i32
      %sign3A_299 = arith.extui %sign3A_298 : i1 to i32
      %sign3A_300 = arith.subi %sign3A_296, %sign3A_299 : i32
      %sign3A_301 = arith.constant 0 : i32
      %sign3A_302 = arith.cmpi sgt, %jit3A_292, %sign3A_301 : i32
      %sign3A_303 = arith.extui %sign3A_302 : i1 to i32
      %sign3A_304 = arith.constant 0 : i32
      %sign3A_305 = arith.cmpi slt, %jit3A_292, %sign3A_304 : i32
      %sign3A_306 = arith.extui %sign3A_305 : i1 to i32
      %sign3A_307 = arith.subi %sign3A_303, %sign3A_306 : i32
      %ne3A_308 = arith.cmpi ne, %sign3A_300, %sign3A_307 : i32
      %rem3A_309 = arith.remsi %squeeze3A_291, %jit3A_292 : i32
      %ne3A_310 = arith.constant 0 : i32
      %ne3A_311 = arith.cmpi ne, %rem3A_309, %ne3A_310 : i32
      %and3A_312 = arith.andi %ne3A_308, %ne3A_311 : i1
      %sub3A_313 = arith.constant 1 : i32
      %sub3A_314 = arith.subi %div3A_293, %sub3A_313 : i32
      %select_n3A_315 = arith.select %and3A_312, %sub3A_314, %div3A_293 : i32
      %mul3A_316 = arith.constant 128 : i32
      %mul3A_317 = arith.muli %select_n3A_315, %mul3A_316 : i32
      %sub3A_318 = arith.subi %squeeze3A_291, %mul3A_317 : i32
      %broadcast_in_dim3A = vector.broadcast %sub3A_318 : i32 to vector<16xi32>
      %mul3A_319 = arith.constant 16 : i32
      %mul3A_320 = arith.muli %scan3A_28, %mul3A_319 : i32
      %add3A_321 = arith.constant 0 : i32
      %add3A_322 = arith.addi %mul3A_320, %add3A_321 : i32
      %broadcast_in_dim3A_323 = vector.broadcast %add3A_322 : i32 to vector<16xi32>
      %iota3A = tpu.iota {dimensions = array<i32: 0>} : vector<16xi32>
      %add3A_324 = arith.constant 0 : i32
      %add3A_325 = vector.broadcast %add3A_324 : i32 to vector<16xi32>
      %add3A_326 = arith.addi %add3A_325, %iota3A : vector<16xi32>
      %gather3A = tpu.vector_load_idx %arg12[%add3A_326, %broadcast_in_dim3A] : memref<96x128xf32, #tpu.memory_space<vmem>>[vector<16xi32>, vector<16xi32>], vector<16xf32>,
      tpu.vector_store_idx %arg11[%add3A_326, %broadcast_in_dim3A_323], %gather3A : memref<96x128xf32, #tpu.memory_space<vmem>>[vector<16xi32>, vector<16xi32>], vector<16xf32>,
      %iota3A_327 = tpu.iota {dimensions = array<i32: 0>} : vector<16xi32>
      %add3A_328 = arith.constant 16 : i32
      %add3A_329 = vector.broadcast %add3A_328 : i32 to vector<16xi32>
      %add3A_330 = arith.addi %add3A_329, %iota3A_327 : vector<16xi32>
      %gather3A_331 = tpu.vector_load_idx %arg12[%add3A_330, %broadcast_in_dim3A] : memref<96x128xf32, #tpu.memory_space<vmem>>[vector<16xi32>, vector<16xi32>], vector<16xf32>,
      tpu.vector_store_idx %arg11[%add3A_330, %broadcast_in_dim3A_323], %gather3A_331 : memref<96x128xf32, #tpu.memory_space<vmem>>[vector<16xi32>, vector<16xi32>], vector<16xf32>,
      %iota3A_332 = tpu.iota {dimensions = array<i32: 0>} : vector<16xi32>
      %add3A_333 = arith.constant 32 : i32
      %add3A_334 = vector.broadcast %add3A_333 : i32 to vector<16xi32>
      %add3A_335 = arith.addi %add3A_334, %iota3A_332 : vector<16xi32>
      %gather3A_336 = tpu.vector_load_idx %arg12[%add3A_335, %broadcast_in_dim3A] : memref<96x128xf32, #tpu.memory_space<vmem>>[vector<16xi32>, vector<16xi32>], vector<16xf32>,
      tpu.vector_store_idx %arg11[%add3A_335, %broadcast_in_dim3A_323], %gather3A_336 : memref<96x128xf32, #tpu.memory_space<vmem>>[vector<16xi32>, vector<16xi32>], vector<16xf32>,
      %iota3A_337 = tpu.iota {dimensions = array<i32: 0>} : vector<16xi32>
      %add3A_338 = arith.constant 48 : i32
      %add3A_339 = vector.broadcast %add3A_338 : i32 to vector<16xi32>
      %add3A_340 = arith.addi %add3A_339, %iota3A_337 : vector<16xi32>
      %gather3A_341 = tpu.vector_load_idx %arg12[%add3A_340, %broadcast_in_dim3A] : memref<96x128xf32, #tpu.memory_space<vmem>>[vector<16xi32>, vector<16xi32>], vector<16xf32>,
      tpu.vector_store_idx %arg11[%add3A_340, %broadcast_in_dim3A_323], %gather3A_341 : memref<96x128xf32, #tpu.memory_space<vmem>>[vector<16xi32>, vector<16xi32>], vector<16xf32>,
      %iota3A_342 = tpu.iota {dimensions = array<i32: 0>} : vector<16xi32>
      %add3A_343 = arith.constant 64 : i32
      %add3A_344 = vector.broadcast %add3A_343 : i32 to vector<16xi32>
      %add3A_345 = arith.addi %add3A_344, %iota3A_342 : vector<16xi32>
      %gather3A_346 = tpu.vector_load_idx %arg12[%add3A_345, %broadcast_in_dim3A] : memref<96x128xf32, #tpu.memory_space<vmem>>[vector<16xi32>, vector<16xi32>], vector<16xf32>,
      tpu.vector_store_idx %arg11[%add3A_345, %broadcast_in_dim3A_323], %gather3A_346 : memref<96x128xf32, #tpu.memory_space<vmem>>[vector<16xi32>, vector<16xi32>], vector<16xf32>,
      %iota3A_347 = tpu.iota {dimensions = array<i32: 0>} : vector<16xi32>
      %add3A_348 = arith.constant 80 : i32
      %add3A_349 = vector.broadcast %add3A_348 : i32 to vector<16xi32>
      %add3A_350 = arith.addi %add3A_349, %iota3A_347 : vector<16xi32>
      %gather3A_351 = tpu.vector_load_idx %arg12[%add3A_350, %broadcast_in_dim3A] : memref<96x128xf32, #tpu.memory_space<vmem>>[vector<16xi32>, vector<16xi32>], vector<16xf32>,
      tpu.vector_store_idx %arg11[%add3A_350, %broadcast_in_dim3A_323], %gather3A_351 : memref<96x128xf32, #tpu.memory_space<vmem>>[vector<16xi32>, vector<16xi32>], vector<16xf32>,
      %slice3A_352 = vector.extract_strided_slice %get3A_31 {offsets = [8], sizes = [1], strides = [1]} : vector<16xi32> to vector<1xi32>
      %squeeze3A_353 = vector.extract %slice3A_352[0] : i32 from vector<1xi32>
      %jit3A_354 = arith.constant 128 : i32
      %div3A_355 = arith.divsi %squeeze3A_353, %jit3A_354 : i32
      %sign3A_356 = arith.constant 0 : i32
      %sign3A_357 = arith.cmpi sgt, %squeeze3A_353, %sign3A_356 : i32
      %sign3A_358 = arith.extui %sign3A_357 : i1 to i32
      %sign3A_359 = arith.constant 0 : i32
      %sign3A_360 = arith.cmpi slt, %squeeze3A_353, %sign3A_359 : i32
      %sign3A_361 = arith.extui %sign3A_360 : i1 to i32
      %sign3A_362 = arith.subi %sign3A_358, %sign3A_361 : i32
      %sign3A_363 = arith.constant 0 : i32
      %sign3A_364 = arith.cmpi sgt, %jit3A_354, %sign3A_363 : i32
      %sign3A_365 = arith.extui %sign3A_364 : i1 to i32
      %sign3A_366 = arith.constant 0 : i32
      %sign3A_367 = arith.cmpi slt, %jit3A_354, %sign3A_366 : i32
      %sign3A_368 = arith.extui %sign3A_367 : i1 to i32
      %sign3A_369 = arith.subi %sign3A_365, %sign3A_368 : i32
      %ne3A_370 = arith.cmpi ne, %sign3A_362, %sign3A_369 : i32
      %rem3A_371 = arith.remsi %squeeze3A_353, %jit3A_354 : i32
      %ne3A_372 = arith.constant 0 : i32
      %ne3A_373 = arith.cmpi ne, %rem3A_371, %ne3A_372 : i32
      %and3A_374 = arith.andi %ne3A_370, %ne3A_373 : i1
      %sub3A_375 = arith.constant 1 : i32
      %sub3A_376 = arith.subi %div3A_355, %sub3A_375 : i32
      %select_n3A_377 = arith.select %and3A_374, %sub3A_376, %div3A_355 : i32
      %mul3A_378 = arith.constant 128 : i32
      %mul3A_379 = arith.muli %select_n3A_377, %mul3A_378 : i32
      %multiple_of3A_380 = tpu.assume_multiple %mul3A_379, 128 : i32
      %dma_start3A_381 = arith.constant 0 : i32
      %dma_start3A_382 = tpu.memref_slice %arg3[%dma_start3A_381, %multiple_of3A_380] : memref<96x1000001xf32, #tpu.memory_space<hbm>> -> memref<96x128xf32, #tpu.memory_space<hbm>>
      %dma_start3A_383 = arith.constant 0 : i32
      %dma_start3A_384 = tpu.memref_slice %arg3[%dma_start3A_383, %multiple_of3A_380] : memref<96x1000001xf32, #tpu.memory_space<hbm>> -> memref<96x128xf32, #tpu.memory_space<hbm>>
      tpu.enqueue_dma source(%dma_start3A_384 : memref<96x128xf32, #tpu.memory_space<hbm>>) target(%arg12 : memref<96x128xf32, #tpu.memory_space<vmem>>) target_semaphore(%arg20 : memref<!tpu.dma_semaphore, #tpu.memory_space<semaphore_mem>>)
      %dma_wait3A_385 = arith.constant 0 : i32
      %dma_wait3A_386 = tpu.memref_slice %arg3[%dma_wait3A_385, %multiple_of3A_83] : memref<96x1000001xf32, #tpu.memory_space<hbm>> -> memref<96x128xf32, #tpu.memory_space<hbm>>
      %dma_wait3A_387 = arith.constant 0 : i32
      %dma_wait3A_388 = tpu.memref_slice %arg3[%dma_wait3A_387, %multiple_of3A_83] : memref<96x1000001xf32, #tpu.memory_space<hbm>> -> memref<96x128xf32, #tpu.memory_space<hbm>>
      tpu.wait_dma2 semaphore(%arg21 : memref<!tpu.dma_semaphore, #tpu.memory_space<semaphore_mem>>) src(%dma_wait3A_388 : memref<96x128xf32, #tpu.memory_space<hbm>>) dst(%arg13 : memref<96x128xf32, #tpu.memory_space<vmem>>)
      %slice3A_389 = vector.extract_strided_slice %get3A_31 {offsets = [1], sizes = [1], strides = [1]} : vector<16xi32> to vector<1xi32>
      %squeeze3A_390 = vector.extract %slice3A_389[0] : i32 from vector<1xi32>
      %jit3A_391 = arith.constant 128 : i32
      %div3A_392 = arith.divsi %squeeze3A_390, %jit3A_391 : i32
      %sign3A_393 = arith.constant 0 : i32
      %sign3A_394 = arith.cmpi sgt, %squeeze3A_390, %sign3A_393 : i32
      %sign3A_395 = arith.extui %sign3A_394 : i1 to i32
      %sign3A_396 = arith.constant 0 : i32
      %sign3A_397 = arith.cmpi slt, %squeeze3A_390, %sign3A_396 : i32
      %sign3A_398 = arith.extui %sign3A_397 : i1 to i32
      %sign3A_399 = arith.subi %sign3A_395, %sign3A_398 : i32
      %sign3A_400 = arith.constant 0 : i32
      %sign3A_401 = arith.cmpi sgt, %jit3A_391, %sign3A_400 : i32
      %sign3A_402 = arith.extui %sign3A_401 : i1 to i32
      %sign3A_403 = arith.constant 0 : i32
      %sign3A_404 = arith.cmpi slt, %jit3A_391, %sign3A_403 : i32
      %sign3A_405 = arith.extui %sign3A_404 : i1 to i32
      %sign3A_406 = arith.subi %sign3A_402, %sign3A_405 : i32
      %ne3A_407 = arith.cmpi ne, %sign3A_399, %sign3A_406 : i32
      %rem3A_408 = arith.remsi %squeeze3A_390, %jit3A_391 : i32
      %ne3A_409 = arith.constant 0 : i32
      %ne3A_410 = arith.cmpi ne, %rem3A_408, %ne3A_409 : i32
      %and3A_411 = arith.andi %ne3A_407, %ne3A_410 : i1
      %sub3A_412 = arith.constant 1 : i32
      %sub3A_413 = arith.subi %div3A_392, %sub3A_412 : i32
      %select_n3A_414 = arith.select %and3A_411, %sub3A_413, %div3A_392 : i32
      %mul3A_415 = arith.constant 128 : i32
      %mul3A_416 = arith.muli %select_n3A_414, %mul3A_415 : i32
      %sub3A_417 = arith.subi %squeeze3A_390, %mul3A_416 : i32
      %broadcast_in_dim3A_418 = vector.broadcast %sub3A_417 : i32 to vector<16xi32>
      %mul3A_419 = arith.constant 16 : i32
      %mul3A_420 = arith.muli %scan3A_28, %mul3A_419 : i32
      %add3A_421 = arith.constant 1 : i32
      %add3A_422 = arith.addi %mul3A_420, %add3A_421 : i32
      %broadcast_in_dim3A_423 = vector.broadcast %add3A_422 : i32 to vector<16xi32>
      %iota3A_424 = tpu.iota {dimensions = array<i32: 0>} : vector<16xi32>
      %add3A_425 = arith.constant 0 : i32
      %add3A_426 = vector.broadcast %add3A_425 : i32 to vector<16xi32>
      %add3A_427 = arith.addi %add3A_426, %iota3A_424 : vector<16xi32>
      %gather3A_428 = tpu.vector_load_idx %arg13[%add3A_427, %broadcast_in_dim3A_418] : memref<96x128xf32, #tpu.memory_space<vmem>>[vector<16xi32>, vector<16xi32>], vector<16xf32>,
      tpu.vector_store_idx %arg11[%add3A_427, %broadcast_in_dim3A_423], %gather3A_428 : memref<96x128xf32, #tpu.memory_space<vmem>>[vector<16xi32>, vector<16xi32>], vector<16xf32>,
      %iota3A_429 = tpu.iota {dimensions = array<i32: 0>} : vector<16xi32>
      %add3A_430 = arith.constant 16 : i32
      %add3A_431 = vector.broadcast %add3A_430 : i32 to vector<16xi32>
      %add3A_432 = arith.addi %add3A_431, %iota3A_429 : vector<16xi32>
      %gather3A_433 = tpu.vector_load_idx %arg13[%add3A_432, %broadcast_in_dim3A_418] : memref<96x128xf32, #tpu.memory_space<vmem>>[vector<16xi32>, vector<16xi32>], vector<16xf32>,
      tpu.vector_store_idx %arg11[%add3A_432, %broadcast_in_dim3A_423], %gather3A_433 : memref<96x128xf32, #tpu.memory_space<vmem>>[vector<16xi32>, vector<16xi32>], vector<16xf32>,
      %iota3A_434 = tpu.iota {dimensions = array<i32: 0>} : vector<16xi32>
      %add3A_435 = arith.constant 32 : i32
      %add3A_436 = vector.broadcast %add3A_435 : i32 to vector<16xi32>
      %add3A_437 = arith.addi %add3A_436, %iota3A_434 : vector<16xi32>
      %gather3A_438 = tpu.vector_load_idx %arg13[%add3A_437, %broadcast_in_dim3A_418] : memref<96x128xf32, #tpu.memory_space<vmem>>[vector<16xi32>, vector<16xi32>], vector<16xf32>,
      tpu.vector_store_idx %arg11[%add3A_437, %broadcast_in_dim3A_423], %gather3A_438 : memref<96x128xf32, #tpu.memory_space<vmem>>[vector<16xi32>, vector<16xi32>], vector<16xf32>,
      %iota3A_439 = tpu.iota {dimensions = array<i32: 0>} : vector<16xi32>
      %add3A_440 = arith.constant 48 : i32
      %add3A_441 = vector.broadcast %add3A_440 : i32 to vector<16xi32>
      %add3A_442 = arith.addi %add3A_441, %iota3A_439 : vector<16xi32>
      %gather3A_443 = tpu.vector_load_idx %arg13[%add3A_442, %broadcast_in_dim3A_418] : memref<96x128xf32, #tpu.memory_space<vmem>>[vector<16xi32>, vector<16xi32>], vector<16xf32>,
      tpu.vector_store_idx %arg11[%add3A_442, %broadcast_in_dim3A_423], %gather3A_443 : memref<96x128xf32, #tpu.memory_space<vmem>>[vector<16xi32>, vector<16xi32>], vector<16xf32>,
      %iota3A_444 = tpu.iota {dimensions = array<i32: 0>} : vector<16xi32>
      %add3A_445 = arith.constant 64 : i32
      %add3A_446 = vector.broadcast %add3A_445 : i32 to vector<16xi32>
      %add3A_447 = arith.addi %add3A_446, %iota3A_444 : vector<16xi32>
      %gather3A_448 = tpu.vector_load_idx %arg13[%add3A_447, %broadcast_in_dim3A_418] : memref<96x128xf32, #tpu.memory_space<vmem>>[vector<16xi32>, vector<16xi32>], vector<16xf32>,
      tpu.vector_store_idx %arg11[%add3A_447, %broadcast_in_dim3A_423], %gather3A_448 : memref<96x128xf32, #tpu.memory_space<vmem>>[vector<16xi32>, vector<16xi32>], vector<16xf32>,
      %iota3A_449 = tpu.iota {dimensions = array<i32: 0>} : vector<16xi32>
      %add3A_450 = arith.constant 80 : i32
      %add3A_451 = vector.broadcast %add3A_450 : i32 to vector<16xi32>
      %add3A_452 = arith.addi %add3A_451, %iota3A_449 : vector<16xi32>
      %gather3A_453 = tpu.vector_load_idx %arg13[%add3A_452, %broadcast_in_dim3A_418] : memref<96x128xf32, #tpu.memory_space<vmem>>[vector<16xi32>, vector<16xi32>], vector<16xf32>,
      tpu.vector_store_idx %arg11[%add3A_452, %broadcast_in_dim3A_423], %gather3A_453 : memref<96x128xf32, #tpu.memory_space<vmem>>[vector<16xi32>, vector<16xi32>], vector<16xf32>,
      %slice3A_454 = vector.extract_strided_slice %get3A_31 {offsets = [9], sizes = [1], strides = [1]} : vector<16xi32> to vector<1xi32>
      %squeeze3A_455 = vector.extract %slice3A_454[0] : i32 from vector<1xi32>
      %jit3A_456 = arith.constant 128 : i32
      %div3A_457 = arith.divsi %squeeze3A_455, %jit3A_456 : i32
      %sign3A_458 = arith.constant 0 : i32
      %sign3A_459 = arith.cmpi sgt, %squeeze3A_455, %sign3A_458 : i32
      %sign3A_460 = arith.extui %sign3A_459 : i1 to i32
      %sign3A_461 = arith.constant 0 : i32
      %sign3A_462 = arith.cmpi slt, %squeeze3A_455, %sign3A_461 : i32
      %sign3A_463 = arith.extui %sign3A_462 : i1 to i32
      %sign3A_464 = arith.subi %sign3A_460, %sign3A_463 : i32
      %sign3A_465 = arith.constant 0 : i32
      %sign3A_466 = arith.cmpi sgt, %jit3A_456, %sign3A_465 : i32
      %sign3A_467 = arith.extui %sign3A_466 : i1 to i32
      %sign3A_468 = arith.constant 0 : i32
      %sign3A_469 = arith.cmpi slt, %jit3A_456, %sign3A_468 : i32
      %sign3A_470 = arith.extui %sign3A_469 : i1 to i32
      %sign3A_471 = arith.subi %sign3A_467, %sign3A_470 : i32
      %ne3A_472 = arith.cmpi ne, %sign3A_464, %sign3A_471 : i32
      %rem3A_473 = arith.remsi %squeeze3A_455, %jit3A_456 : i32
      %ne3A_474 = arith.constant 0 : i32
      %ne3A_475 = arith.cmpi ne, %rem3A_473, %ne3A_474 : i32
      %and3A_476 = arith.andi %ne3A_472, %ne3A_475 : i1
      %sub3A_477 = arith.constant 1 : i32
      %sub3A_478 = arith.subi %div3A_457, %sub3A_477 : i32
      %select_n3A_479 = arith.select %and3A_476, %sub3A_478, %div3A_457 : i32
      %mul3A_480 = arith.constant 128 : i32
      %mul3A_481 = arith.muli %select_n3A_479, %mul3A_480 : i32
      %multiple_of3A_482 = tpu.assume_multiple %mul3A_481, 128 : i32
      %dma_start3A_483 = arith.constant 0 : i32
      %dma_start3A_484 = tpu.memref_slice %arg3[%dma_start3A_483, %multiple_of3A_482] : memref<96x1000001xf32, #tpu.memory_space<hbm>> -> memref<96x128xf32, #tpu.memory_space<hbm>>
      %dma_start3A_485 = arith.constant 0 : i32
      %dma_start3A_486 = tpu.memref_slice %arg3[%dma_start3A_485, %multiple_of3A_482] : memref<96x1000001xf32, #tpu.memory_space<hbm>> -> memref<96x128xf32, #tpu.memory_space<hbm>>
      tpu.enqueue_dma source(%dma_start3A_486 : memref<96x128xf32, #tpu.memory_space<hbm>>) target(%arg13 : memref<96x128xf32, #tpu.memory_space<vmem>>) target_semaphore(%arg21 : memref<!tpu.dma_semaphore, #tpu.memory_space<semaphore_mem>>)
      %dma_wait3A_487 = arith.constant 0 : i32
      %dma_wait3A_488 = tpu.memref_slice %arg3[%dma_wait3A_487, %multiple_of3A_116] : memref<96x1000001xf32, #tpu.memory_space<hbm>> -> memref<96x128xf32, #tpu.memory_space<hbm>>
      %dma_wait3A_489 = arith.constant 0 : i32
      %dma_wait3A_490 = tpu.memref_slice %arg3[%dma_wait3A_489, %multiple_of3A_116] : memref<96x1000001xf32, #tpu.memory_space<hbm>> -> memref<96x128xf32, #tpu.memory_space<hbm>>
      tpu.wait_dma2 semaphore(%arg22 : memref<!tpu.dma_semaphore, #tpu.memory_space<semaphore_mem>>) src(%dma_wait3A_490 : memref<96x128xf32, #tpu.memory_space<hbm>>) dst(%arg14 : memref<96x128xf32, #tpu.memory_space<vmem>>)
      %slice3A_491 = vector.extract_strided_slice %get3A_31 {offsets = [2], sizes = [1], strides = [1]} : vector<16xi32> to vector<1xi32>
      %squeeze3A_492 = vector.extract %slice3A_491[0] : i32 from vector<1xi32>
      %jit3A_493 = arith.constant 128 : i32
      %div3A_494 = arith.divsi %squeeze3A_492, %jit3A_493 : i32
      %sign3A_495 = arith.constant 0 : i32
      %sign3A_496 = arith.cmpi sgt, %squeeze3A_492, %sign3A_495 : i32
      %sign3A_497 = arith.extui %sign3A_496 : i1 to i32
      %sign3A_498 = arith.constant 0 : i32
      %sign3A_499 = arith.cmpi slt, %squeeze3A_492, %sign3A_498 : i32
      %sign3A_500 = arith.extui %sign3A_499 : i1 to i32
      %sign3A_501 = arith.subi %sign3A_497, %sign3A_500 : i32
      %sign3A_502 = arith.constant 0 : i32
      %sign3A_503 = arith.cmpi sgt, %jit3A_493, %sign3A_502 : i32
      %sign3A_504 = arith.extui %sign3A_503 : i1 to i32
      %sign3A_505 = arith.constant 0 : i32
      %sign3A_506 = arith.cmpi slt, %jit3A_493, %sign3A_505 : i32
      %sign3A_507 = arith.extui %sign3A_506 : i1 to i32
      %sign3A_508 = arith.subi %sign3A_504, %sign3A_507 : i32
      %ne3A_509 = arith.cmpi ne, %sign3A_501, %sign3A_508 : i32
      %rem3A_510 = arith.remsi %squeeze3A_492, %jit3A_493 : i32
      %ne3A_511 = arith.constant 0 : i32
      %ne3A_512 = arith.cmpi ne, %rem3A_510, %ne3A_511 : i32
      %and3A_513 = arith.andi %ne3A_509, %ne3A_512 : i1
      %sub3A_514 = arith.constant 1 : i32
      %sub3A_515 = arith.subi %div3A_494, %sub3A_514 : i32
      %select_n3A_516 = arith.select %and3A_513, %sub3A_515, %div3A_494 : i32
      %mul3A_517 = arith.constant 128 : i32
      %mul3A_518 = arith.muli %select_n3A_516, %mul3A_517 : i32
      %sub3A_519 = arith.subi %squeeze3A_492, %mul3A_518 : i32
      %broadcast_in_dim3A_520 = vector.broadcast %sub3A_519 : i32 to vector<16xi32>
      %mul3A_521 = arith.constant 16 : i32
      %mul3A_522 = arith.muli %scan3A_28, %mul3A_521 : i32
      %add3A_523 = arith.constant 2 : i32
      %add3A_524 = arith.addi %mul3A_522, %add3A_523 : i32
      %broadcast_in_dim3A_525 = vector.broadcast %add3A_524 : i32 to vector<16xi32>
      %iota3A_526 = tpu.iota {dimensions = array<i32: 0>} : vector<16xi32>
      %add3A_527 = arith.constant 0 : i32
      %add3A_528 = vector.broadcast %add3A_527 : i32 to vector<16xi32>
      %add3A_529 = arith.addi %add3A_528, %iota3A_526 : vector<16xi32>
      %gather3A_530 = tpu.vector_load_idx %arg14[%add3A_529, %broadcast_in_dim3A_520] : memref<96x128xf32, #tpu.memory_space<vmem>>[vector<16xi32>, vector<16xi32>], vector<16xf32>,
      tpu.vector_store_idx %arg11[%add3A_529, %broadcast_in_dim3A_525], %gather3A_530 : memref<96x128xf32, #tpu.memory_space<vmem>>[vector<16xi32>, vector<16xi32>], vector<16xf32>,
      %iota3A_531 = tpu.iota {dimensions = array<i32: 0>} : vector<16xi32>
      %add3A_532 = arith.constant 16 : i32
      %add3A_533 = vector.broadcast %add3A_532 : i32 to vector<16xi32>
      %add3A_534 = arith.addi %add3A_533, %iota3A_531 : vector<16xi32>
      %gather3A_535 = tpu.vector_load_idx %arg14[%add3A_534, %broadcast_in_dim3A_520] : memref<96x128xf32, #tpu.memory_space<vmem>>[vector<16xi32>, vector<16xi32>], vector<16xf32>,
      tpu.vector_store_idx %arg11[%add3A_534, %broadcast_in_dim3A_525], %gather3A_535 : memref<96x128xf32, #tpu.memory_space<vmem>>[vector<16xi32>, vector<16xi32>], vector<16xf32>,
      %iota3A_536 = tpu.iota {dimensions = array<i32: 0>} : vector<16xi32>
      %add3A_537 = arith.constant 32 : i32
      %add3A_538 = vector.broadcast %add3A_537 : i32 to vector<16xi32>
      %add3A_539 = arith.addi %add3A_538, %iota3A_536 : vector<16xi32>
      %gather3A_540 = tpu.vector_load_idx %arg14[%add3A_539, %broadcast_in_dim3A_520] : memref<96x128xf32, #tpu.memory_space<vmem>>[vector<16xi32>, vector<16xi32>], vector<16xf32>,
      tpu.vector_store_idx %arg11[%add3A_539, %broadcast_in_dim3A_525], %gather3A_540 : memref<96x128xf32, #tpu.memory_space<vmem>>[vector<16xi32>, vector<16xi32>], vector<16xf32>,
      %iota3A_541 = tpu.iota {dimensions = array<i32: 0>} : vector<16xi32>
      %add3A_542 = arith.constant 48 : i32
      %add3A_543 = vector.broadcast %add3A_542 : i32 to vector<16xi32>
      %add3A_544 = arith.addi %add3A_543, %iota3A_541 : vector<16xi32>
      %gather3A_545 = tpu.vector_load_idx %arg14[%add3A_544, %broadcast_in_dim3A_520] : memref<96x128xf32, #tpu.memory_space<vmem>>[vector<16xi32>, vector<16xi32>], vector<16xf32>,
      tpu.vector_store_idx %arg11[%add3A_544, %broadcast_in_dim3A_525], %gather3A_545 : memref<96x128xf32, #tpu.memory_space<vmem>>[vector<16xi32>, vector<16xi32>], vector<16xf32>,
      %iota3A_546 = tpu.iota {dimensions = array<i32: 0>} : vector<16xi32>
      %add3A_547 = arith.constant 64 : i32
      %add3A_548 = vector.broadcast %add3A_547 : i32 to vector<16xi32>
      %add3A_549 = arith.addi %add3A_548, %iota3A_546 : vector<16xi32>
      %gather3A_550 = tpu.vector_load_idx %arg14[%add3A_549, %broadcast_in_dim3A_520] : memref<96x128xf32, #tpu.memory_space<vmem>>[vector<16xi32>, vector<16xi32>], vector<16xf32>,
      tpu.vector_store_idx %arg11[%add3A_549, %broadcast_in_dim3A_525], %gather3A_550 : memref<96x128xf32, #tpu.memory_space<vmem>>[vector<16xi32>, vector<16xi32>], vector<16xf32>,
      %iota3A_551 = tpu.iota {dimensions = array<i32: 0>} : vector<16xi32>
      %add3A_552 = arith.constant 80 : i32
      %add3A_553 = vector.broadcast %add3A_552 : i32 to vector<16xi32>
      %add3A_554 = arith.addi %add3A_553, %iota3A_551 : vector<16xi32>
      %gather3A_555 = tpu.vector_load_idx %arg14[%add3A_554, %broadcast_in_dim3A_520] : memref<96x128xf32, #tpu.memory_space<vmem>>[vector<16xi32>, vector<16xi32>], vector<16xf32>,
      tpu.vector_store_idx %arg11[%add3A_554, %broadcast_in_dim3A_525], %gather3A_555 : memref<96x128xf32, #tpu.memory_space<vmem>>[vector<16xi32>, vector<16xi32>], vector<16xf32>,
      %slice3A_556 = vector.extract_strided_slice %get3A_31 {offsets = [10], sizes = [1], strides = [1]} : vector<16xi32> to vector<1xi32>
      %squeeze3A_557 = vector.extract %slice3A_556[0] : i32 from vector<1xi32>
      %jit3A_558 = arith.constant 128 : i32
      %div3A_559 = arith.divsi %squeeze3A_557, %jit3A_558 : i32
      %sign3A_560 = arith.constant 0 : i32
      %sign3A_561 = arith.cmpi sgt, %squeeze3A_557, %sign3A_560 : i32
      %sign3A_562 = arith.extui %sign3A_561 : i1 to i32
      %sign3A_563 = arith.constant 0 : i32
      %sign3A_564 = arith.cmpi slt, %squeeze3A_557, %sign3A_563 : i32
      %sign3A_565 = arith.extui %sign3A_564 : i1 to i32
      %sign3A_566 = arith.subi %sign3A_562, %sign3A_565 : i32
      %sign3A_567 = arith.constant 0 : i32
      %sign3A_568 = arith.cmpi sgt, %jit3A_558, %sign3A_567 : i32
      %sign3A_569 = arith.extui %sign3A_568 : i1 to i32
      %sign3A_570 = arith.constant 0 : i32
      %sign3A_571 = arith.cmpi slt, %jit3A_558, %sign3A_570 : i32
      %sign3A_572 = arith.extui %sign3A_571 : i1 to i32
      %sign3A_573 = arith.subi %sign3A_569, %sign3A_572 : i32
      %ne3A_574 = arith.cmpi ne, %sign3A_566, %sign3A_573 : i32
      %rem3A_575 = arith.remsi %squeeze3A_557, %jit3A_558 : i32
      %ne3A_576 = arith.constant 0 : i32
      %ne3A_577 = arith.cmpi ne, %rem3A_575, %ne3A_576 : i32
      %and3A_578 = arith.andi %ne3A_574, %ne3A_577 : i1
      %sub3A_579 = arith.constant 1 : i32
      %sub3A_580 = arith.subi %div3A_559, %sub3A_579 : i32
      %select_n3A_581 = arith.select %and3A_578, %sub3A_580, %div3A_559 : i32
      %mul3A_582 = arith.constant 128 : i32
      %mul3A_583 = arith.muli %select_n3A_581, %mul3A_582 : i32
      %multiple_of3A_584 = tpu.assume_multiple %mul3A_583, 128 : i32
      %dma_start3A_585 = arith.constant 0 : i32
      %dma_start3A_586 = tpu.memref_slice %arg3[%dma_start3A_585, %multiple_of3A_584] : memref<96x1000001xf32, #tpu.memory_space<hbm>> -> memref<96x128xf32, #tpu.memory_space<hbm>>
      %dma_start3A_587 = arith.constant 0 : i32
      %dma_start3A_588 = tpu.memref_slice %arg3[%dma_start3A_587, %multiple_of3A_584] : memref<96x1000001xf32, #tpu.memory_space<hbm>> -> memref<96x128xf32, #tpu.memory_space<hbm>>
      tpu.enqueue_dma source(%dma_start3A_588 : memref<96x128xf32, #tpu.memory_space<hbm>>) target(%arg14 : memref<96x128xf32, #tpu.memory_space<vmem>>) target_semaphore(%arg22 : memref<!tpu.dma_semaphore, #tpu.memory_space<semaphore_mem>>)
      %dma_wait3A_589 = arith.constant 0 : i32
      %dma_wait3A_590 = tpu.memref_slice %arg3[%dma_wait3A_589, %multiple_of3A_149] : memref<96x1000001xf32, #tpu.memory_space<hbm>> -> memref<96x128xf32, #tpu.memory_space<hbm>>
      %dma_wait3A_591 = arith.constant 0 : i32
      %dma_wait3A_592 = tpu.memref_slice %arg3[%dma_wait3A_591, %multiple_of3A_149] : memref<96x1000001xf32, #tpu.memory_space<hbm>> -> memref<96x128xf32, #tpu.memory_space<hbm>>
      tpu.wait_dma2 semaphore(%arg23 : memref<!tpu.dma_semaphore, #tpu.memory_space<semaphore_mem>>) src(%dma_wait3A_592 : memref<96x128xf32, #tpu.memory_space<hbm>>) dst(%arg15 : memref<96x128xf32, #tpu.memory_space<vmem>>)
      %slice3A_593 = vector.extract_strided_slice %get3A_31 {offsets = [3], sizes = [1], strides = [1]} : vector<16xi32> to vector<1xi32>
      %squeeze3A_594 = vector.extract %slice3A_593[0] : i32 from vector<1xi32>
      %jit3A_595 = arith.constant 128 : i32
      %div3A_596 = arith.divsi %squeeze3A_594, %jit3A_595 : i32
      %sign3A_597 = arith.constant 0 : i32
      %sign3A_598 = arith.cmpi sgt, %squeeze3A_594, %sign3A_597 : i32
      %sign3A_599 = arith.extui %sign3A_598 : i1 to i32
      %sign3A_600 = arith.constant 0 : i32
      %sign3A_601 = arith.cmpi slt, %squeeze3A_594, %sign3A_600 : i32
      %sign3A_602 = arith.extui %sign3A_601 : i1 to i32
      %sign3A_603 = arith.subi %sign3A_599, %sign3A_602 : i32
      %sign3A_604 = arith.constant 0 : i32
      %sign3A_605 = arith.cmpi sgt, %jit3A_595, %sign3A_604 : i32
      %sign3A_606 = arith.extui %sign3A_605 : i1 to i32
      %sign3A_607 = arith.constant 0 : i32
      %sign3A_608 = arith.cmpi slt, %jit3A_595, %sign3A_607 : i32
      %sign3A_609 = arith.extui %sign3A_608 : i1 to i32
      %sign3A_610 = arith.subi %sign3A_606, %sign3A_609 : i32
      %ne3A_611 = arith.cmpi ne, %sign3A_603, %sign3A_610 : i32
      %rem3A_612 = arith.remsi %squeeze3A_594, %jit3A_595 : i32
      %ne3A_613 = arith.constant 0 : i32
      %ne3A_614 = arith.cmpi ne, %rem3A_612, %ne3A_613 : i32
      %and3A_615 = arith.andi %ne3A_611, %ne3A_614 : i1
      %sub3A_616 = arith.constant 1 : i32
      %sub3A_617 = arith.subi %div3A_596, %sub3A_616 : i32
      %select_n3A_618 = arith.select %and3A_615, %sub3A_617, %div3A_596 : i32
      %mul3A_619 = arith.constant 128 : i32
      %mul3A_620 = arith.muli %select_n3A_618, %mul3A_619 : i32
      %sub3A_621 = arith.subi %squeeze3A_594, %mul3A_620 : i32
      %broadcast_in_dim3A_622 = vector.broadcast %sub3A_621 : i32 to vector<16xi32>
      %mul3A_623 = arith.constant 16 : i32
      %mul3A_624 = arith.muli %scan3A_28, %mul3A_623 : i32
      %add3A_625 = arith.constant 3 : i32
      %add3A_626 = arith.addi %mul3A_624, %add3A_625 : i32
      %broadcast_in_dim3A_627 = vector.broadcast %add3A_626 : i32 to vector<16xi32>
      %iota3A_628 = tpu.iota {dimensions = array<i32: 0>} : vector<16xi32>
      %add3A_629 = arith.constant 0 : i32
      %add3A_630 = vector.broadcast %add3A_629 : i32 to vector<16xi32>
      %add3A_631 = arith.addi %add3A_630, %iota3A_628 : vector<16xi32>
      %gather3A_632 = tpu.vector_load_idx %arg15[%add3A_631, %broadcast_in_dim3A_622] : memref<96x128xf32, #tpu.memory_space<vmem>>[vector<16xi32>, vector<16xi32>], vector<16xf32>,
      tpu.vector_store_idx %arg11[%add3A_631, %broadcast_in_dim3A_627], %gather3A_632 : memref<96x128xf32, #tpu.memory_space<vmem>>[vector<16xi32>, vector<16xi32>], vector<16xf32>,
      %iota3A_633 = tpu.iota {dimensions = array<i32: 0>} : vector<16xi32>
      %add3A_634 = arith.constant 16 : i32
      %add3A_635 = vector.broadcast %add3A_634 : i32 to vector<16xi32>
      %add3A_636 = arith.addi %add3A_635, %iota3A_633 : vector<16xi32>
      %gather3A_637 = tpu.vector_load_idx %arg15[%add3A_636, %broadcast_in_dim3A_622] : memref<96x128xf32, #tpu.memory_space<vmem>>[vector<16xi32>, vector<16xi32>], vector<16xf32>,
      tpu.vector_store_idx %arg11[%add3A_636, %broadcast_in_dim3A_627], %gather3A_637 : memref<96x128xf32, #tpu.memory_space<vmem>>[vector<16xi32>, vector<16xi32>], vector<16xf32>,
      %iota3A_638 = tpu.iota {dimensions = array<i32: 0>} : vector<16xi32>
      %add3A_639 = arith.constant 32 : i32
      %add3A_640 = vector.broadcast %add3A_639 : i32 to vector<16xi32>
      %add3A_641 = arith.addi %add3A_640, %iota3A_638 : vector<16xi32>
      %gather3A_642 = tpu.vector_load_idx %arg15[%add3A_641, %broadcast_in_dim3A_622] : memref<96x128xf32, #tpu.memory_space<vmem>>[vector<16xi32>, vector<16xi32>], vector<16xf32>,
      tpu.vector_store_idx %arg11[%add3A_641, %broadcast_in_dim3A_627], %gather3A_642 : memref<96x128xf32, #tpu.memory_space<vmem>>[vector<16xi32>, vector<16xi32>], vector<16xf32>,
      %iota3A_643 = tpu.iota {dimensions = array<i32: 0>} : vector<16xi32>
      %add3A_644 = arith.constant 48 : i32
      %add3A_645 = vector.broadcast %add3A_644 : i32 to vector<16xi32>
      %add3A_646 = arith.addi %add3A_645, %iota3A_643 : vector<16xi32>
      %gather3A_647 = tpu.vector_load_idx %arg15[%add3A_646, %broadcast_in_dim3A_622] : memref<96x128xf32, #tpu.memory_space<vmem>>[vector<16xi32>, vector<16xi32>], vector<16xf32>,
      tpu.vector_store_idx %arg11[%add3A_646, %broadcast_in_dim3A_627], %gather3A_647 : memref<96x128xf32, #tpu.memory_space<vmem>>[vector<16xi32>, vector<16xi32>], vector<16xf32>,
      %iota3A_648 = tpu.iota {dimensions = array<i32: 0>} : vector<16xi32>
      %add3A_649 = arith.constant 64 : i32
      %add3A_650 = vector.broadcast %add3A_649 : i32 to vector<16xi32>
      %add3A_651 = arith.addi %add3A_650, %iota3A_648 : vector<16xi32>
      %gather3A_652 = tpu.vector_load_idx %arg15[%add3A_651, %broadcast_in_dim3A_622] : memref<96x128xf32, #tpu.memory_space<vmem>>[vector<16xi32>, vector<16xi32>], vector<16xf32>,
      tpu.vector_store_idx %arg11[%add3A_651, %broadcast_in_dim3A_627], %gather3A_652 : memref<96x128xf32, #tpu.memory_space<vmem>>[vector<16xi32>, vector<16xi32>], vector<16xf32>,
      %iota3A_653 = tpu.iota {dimensions = array<i32: 0>} : vector<16xi32>
      %add3A_654 = arith.constant 80 : i32
      %add3A_655 = vector.broadcast %add3A_654 : i32 to vector<16xi32>
      %add3A_656 = arith.addi %add3A_655, %iota3A_653 : vector<16xi32>
      %gather3A_657 = tpu.vector_load_idx %arg15[%add3A_656, %broadcast_in_dim3A_622] : memref<96x128xf32, #tpu.memory_space<vmem>>[vector<16xi32>, vector<16xi32>], vector<16xf32>,
      tpu.vector_store_idx %arg11[%add3A_656, %broadcast_in_dim3A_627], %gather3A_657 : memref<96x128xf32, #tpu.memory_space<vmem>>[vector<16xi32>, vector<16xi32>], vector<16xf32>,
      %slice3A_658 = vector.extract_strided_slice %get3A_31 {offsets = [11], sizes = [1], strides = [1]} : vector<16xi32> to vector<1xi32>
      %squeeze3A_659 = vector.extract %slice3A_658[0] : i32 from vector<1xi32>
      %jit3A_660 = arith.constant 128 : i32
      %div3A_661 = arith.divsi %squeeze3A_659, %jit3A_660 : i32
      %sign3A_662 = arith.constant 0 : i32
      %sign3A_663 = arith.cmpi sgt, %squeeze3A_659, %sign3A_662 : i32
      %sign3A_664 = arith.extui %sign3A_663 : i1 to i32
      %sign3A_665 = arith.constant 0 : i32
      %sign3A_666 = arith.cmpi slt, %squeeze3A_659, %sign3A_665 : i32
      %sign3A_667 = arith.extui %sign3A_666 : i1 to i32
      %sign3A_668 = arith.subi %sign3A_664, %sign3A_667 : i32
      %sign3A_669 = arith.constant 0 : i32
      %sign3A_670 = arith.cmpi sgt, %jit3A_660, %sign3A_669 : i32
      %sign3A_671 = arith.extui %sign3A_670 : i1 to i32
      %sign3A_672 = arith.constant 0 : i32
      %sign3A_673 = arith.cmpi slt, %jit3A_660, %sign3A_672 : i32
      %sign3A_674 = arith.extui %sign3A_673 : i1 to i32
      %sign3A_675 = arith.subi %sign3A_671, %sign3A_674 : i32
      %ne3A_676 = arith.cmpi ne, %sign3A_668, %sign3A_675 : i32
      %rem3A_677 = arith.remsi %squeeze3A_659, %jit3A_660 : i32
      %ne3A_678 = arith.constant 0 : i32
      %ne3A_679 = arith.cmpi ne, %rem3A_677, %ne3A_678 : i32
      %and3A_680 = arith.andi %ne3A_676, %ne3A_679 : i1
      %sub3A_681 = arith.constant 1 : i32
      %sub3A_682 = arith.subi %div3A_661, %sub3A_681 : i32
      %select_n3A_683 = arith.select %and3A_680, %sub3A_682, %div3A_661 : i32
      %mul3A_684 = arith.constant 128 : i32
      %mul3A_685 = arith.muli %select_n3A_683, %mul3A_684 : i32
      %multiple_of3A_686 = tpu.assume_multiple %mul3A_685, 128 : i32
      %dma_start3A_687 = arith.constant 0 : i32
      %dma_start3A_688 = tpu.memref_slice %arg3[%dma_start3A_687, %multiple_of3A_686] : memref<96x1000001xf32, #tpu.memory_space<hbm>> -> memref<96x128xf32, #tpu.memory_space<hbm>>
      %dma_start3A_689 = arith.constant 0 : i32
      %dma_start3A_690 = tpu.memref_slice %arg3[%dma_start3A_689, %multiple_of3A_686] : memref<96x1000001xf32, #tpu.memory_space<hbm>> -> memref<96x128xf32, #tpu.memory_space<hbm>>
      tpu.enqueue_dma source(%dma_start3A_690 : memref<96x128xf32, #tpu.memory_space<hbm>>) target(%arg15 : memref<96x128xf32, #tpu.memory_space<vmem>>) target_semaphore(%arg23 : memref<!tpu.dma_semaphore, #tpu.memory_space<semaphore_mem>>)
      %dma_wait3A_691 = arith.constant 0 : i32
      %dma_wait3A_692 = tpu.memref_slice %arg3[%dma_wait3A_691, %multiple_of3A_182] : memref<96x1000001xf32, #tpu.memory_space<hbm>> -> memref<96x128xf32, #tpu.memory_space<hbm>>
      %dma_wait3A_693 = arith.constant 0 : i32
      %dma_wait3A_694 = tpu.memref_slice %arg3[%dma_wait3A_693, %multiple_of3A_182] : memref<96x1000001xf32, #tpu.memory_space<hbm>> -> memref<96x128xf32, #tpu.memory_space<hbm>>
      tpu.wait_dma2 semaphore(%arg24 : memref<!tpu.dma_semaphore, #tpu.memory_space<semaphore_mem>>) src(%dma_wait3A_694 : memref<96x128xf32, #tpu.memory_space<hbm>>) dst(%arg16 : memref<96x128xf32, #tpu.memory_space<vmem>>)
      %slice3A_695 = vector.extract_strided_slice %get3A_31 {offsets = [4], sizes = [1], strides = [1]} : vector<16xi32> to vector<1xi32>
      %squeeze3A_696 = vector.extract %slice3A_695[0] : i32 from vector<1xi32>
      %jit3A_697 = arith.constant 128 : i32
      %div3A_698 = arith.divsi %squeeze3A_696, %jit3A_697 : i32
      %sign3A_699 = arith.constant 0 : i32
      %sign3A_700 = arith.cmpi sgt, %squeeze3A_696, %sign3A_699 : i32
      %sign3A_701 = arith.extui %sign3A_700 : i1 to i32
      %sign3A_702 = arith.constant 0 : i32
      %sign3A_703 = arith.cmpi slt, %squeeze3A_696, %sign3A_702 : i32
      %sign3A_704 = arith.extui %sign3A_703 : i1 to i32
      %sign3A_705 = arith.subi %sign3A_701, %sign3A_704 : i32
      %sign3A_706 = arith.constant 0 : i32
      %sign3A_707 = arith.cmpi sgt, %jit3A_697, %sign3A_706 : i32
      %sign3A_708 = arith.extui %sign3A_707 : i1 to i32
      %sign3A_709 = arith.constant 0 : i32
      %sign3A_710 = arith.cmpi slt, %jit3A_697, %sign3A_709 : i32
      %sign3A_711 = arith.extui %sign3A_710 : i1 to i32
      %sign3A_712 = arith.subi %sign3A_708, %sign3A_711 : i32
      %ne3A_713 = arith.cmpi ne, %sign3A_705, %sign3A_712 : i32
      %rem3A_714 = arith.remsi %squeeze3A_696, %jit3A_697 : i32
      %ne3A_715 = arith.constant 0 : i32
      %ne3A_716 = arith.cmpi ne, %rem3A_714, %ne3A_715 : i32
      %and3A_717 = arith.andi %ne3A_713, %ne3A_716 : i1
      %sub3A_718 = arith.constant 1 : i32
      %sub3A_719 = arith.subi %div3A_698, %sub3A_718 : i32
      %select_n3A_720 = arith.select %and3A_717, %sub3A_719, %div3A_698 : i32
      %mul3A_721 = arith.constant 128 : i32
      %mul3A_722 = arith.muli %select_n3A_720, %mul3A_721 : i32
      %sub3A_723 = arith.subi %squeeze3A_696, %mul3A_722 : i32
      %broadcast_in_dim3A_724 = vector.broadcast %sub3A_723 : i32 to vector<16xi32>
      %mul3A_725 = arith.constant 16 : i32
      %mul3A_726 = arith.muli %scan3A_28, %mul3A_725 : i32
      %add3A_727 = arith.constant 4 : i32
      %add3A_728 = arith.addi %mul3A_726, %add3A_727 : i32
      %broadcast_in_dim3A_729 = vector.broadcast %add3A_728 : i32 to vector<16xi32>
      %iota3A_730 = tpu.iota {dimensions = array<i32: 0>} : vector<16xi32>
      %add3A_731 = arith.constant 0 : i32
      %add3A_732 = vector.broadcast %add3A_731 : i32 to vector<16xi32>
      %add3A_733 = arith.addi %add3A_732, %iota3A_730 : vector<16xi32>
      %gather3A_734 = tpu.vector_load_idx %arg16[%add3A_733, %broadcast_in_dim3A_724] : memref<96x128xf32, #tpu.memory_space<vmem>>[vector<16xi32>, vector<16xi32>], vector<16xf32>,
      tpu.vector_store_idx %arg11[%add3A_733, %broadcast_in_dim3A_729], %gather3A_734 : memref<96x128xf32, #tpu.memory_space<vmem>>[vector<16xi32>, vector<16xi32>], vector<16xf32>,
      %iota3A_735 = tpu.iota {dimensions = array<i32: 0>} : vector<16xi32>
      %add3A_736 = arith.constant 16 : i32
      %add3A_737 = vector.broadcast %add3A_736 : i32 to vector<16xi32>
      %add3A_738 = arith.addi %add3A_737, %iota3A_735 : vector<16xi32>
      %gather3A_739 = tpu.vector_load_idx %arg16[%add3A_738, %broadcast_in_dim3A_724] : memref<96x128xf32, #tpu.memory_space<vmem>>[vector<16xi32>, vector<16xi32>], vector<16xf32>,
      tpu.vector_store_idx %arg11[%add3A_738, %broadcast_in_dim3A_729], %gather3A_739 : memref<96x128xf32, #tpu.memory_space<vmem>>[vector<16xi32>, vector<16xi32>], vector<16xf32>,
      %iota3A_740 = tpu.iota {dimensions = array<i32: 0>} : vector<16xi32>
      %add3A_741 = arith.constant 32 : i32
      %add3A_742 = vector.broadcast %add3A_741 : i32 to vector<16xi32>
      %add3A_743 = arith.addi %add3A_742, %iota3A_740 : vector<16xi32>
      %gather3A_744 = tpu.vector_load_idx %arg16[%add3A_743, %broadcast_in_dim3A_724] : memref<96x128xf32, #tpu.memory_space<vmem>>[vector<16xi32>, vector<16xi32>], vector<16xf32>,
      tpu.vector_store_idx %arg11[%add3A_743, %broadcast_in_dim3A_729], %gather3A_744 : memref<96x128xf32, #tpu.memory_space<vmem>>[vector<16xi32>, vector<16xi32>], vector<16xf32>,
      %iota3A_745 = tpu.iota {dimensions = array<i32: 0>} : vector<16xi32>
      %add3A_746 = arith.constant 48 : i32
      %add3A_747 = vector.broadcast %add3A_746 : i32 to vector<16xi32>
      %add3A_748 = arith.addi %add3A_747, %iota3A_745 : vector<16xi32>
      %gather3A_749 = tpu.vector_load_idx %arg16[%add3A_748, %broadcast_in_dim3A_724] : memref<96x128xf32, #tpu.memory_space<vmem>>[vector<16xi32>, vector<16xi32>], vector<16xf32>,
      tpu.vector_store_idx %arg11[%add3A_748, %broadcast_in_dim3A_729], %gather3A_749 : memref<96x128xf32, #tpu.memory_space<vmem>>[vector<16xi32>, vector<16xi32>], vector<16xf32>,
      %iota3A_750 = tpu.iota {dimensions = array<i32: 0>} : vector<16xi32>
      %add3A_751 = arith.constant 64 : i32
      %add3A_752 = vector.broadcast %add3A_751 : i32 to vector<16xi32>
      %add3A_753 = arith.addi %add3A_752, %iota3A_750 : vector<16xi32>
      %gather3A_754 = tpu.vector_load_idx %arg16[%add3A_753, %broadcast_in_dim3A_724] : memref<96x128xf32, #tpu.memory_space<vmem>>[vector<16xi32>, vector<16xi32>], vector<16xf32>,
      tpu.vector_store_idx %arg11[%add3A_753, %broadcast_in_dim3A_729], %gather3A_754 : memref<96x128xf32, #tpu.memory_space<vmem>>[vector<16xi32>, vector<16xi32>], vector<16xf32>,
      %iota3A_755 = tpu.iota {dimensions = array<i32: 0>} : vector<16xi32>
      %add3A_756 = arith.constant 80 : i32
      %add3A_757 = vector.broadcast %add3A_756 : i32 to vector<16xi32>
      %add3A_758 = arith.addi %add3A_757, %iota3A_755 : vector<16xi32>
      %gather3A_759 = tpu.vector_load_idx %arg16[%add3A_758, %broadcast_in_dim3A_724] : memref<96x128xf32, #tpu.memory_space<vmem>>[vector<16xi32>, vector<16xi32>], vector<16xf32>,
      tpu.vector_store_idx %arg11[%add3A_758, %broadcast_in_dim3A_729], %gather3A_759 : memref<96x128xf32, #tpu.memory_space<vmem>>[vector<16xi32>, vector<16xi32>], vector<16xf32>,
      %slice3A_760 = vector.extract_strided_slice %get3A_31 {offsets = [12], sizes = [1], strides = [1]} : vector<16xi32> to vector<1xi32>
      %squeeze3A_761 = vector.extract %slice3A_760[0] : i32 from vector<1xi32>
      %jit3A_762 = arith.constant 128 : i32
      %div3A_763 = arith.divsi %squeeze3A_761, %jit3A_762 : i32
      %sign3A_764 = arith.constant 0 : i32
      %sign3A_765 = arith.cmpi sgt, %squeeze3A_761, %sign3A_764 : i32
      %sign3A_766 = arith.extui %sign3A_765 : i1 to i32
      %sign3A_767 = arith.constant 0 : i32
      %sign3A_768 = arith.cmpi slt, %squeeze3A_761, %sign3A_767 : i32
      %sign3A_769 = arith.extui %sign3A_768 : i1 to i32
      %sign3A_770 = arith.subi %sign3A_766, %sign3A_769 : i32
      %sign3A_771 = arith.constant 0 : i32
      %sign3A_772 = arith.cmpi sgt, %jit3A_762, %sign3A_771 : i32
      %sign3A_773 = arith.extui %sign3A_772 : i1 to i32
      %sign3A_774 = arith.constant 0 : i32
      %sign3A_775 = arith.cmpi slt, %jit3A_762, %sign3A_774 : i32
      %sign3A_776 = arith.extui %sign3A_775 : i1 to i32
      %sign3A_777 = arith.subi %sign3A_773, %sign3A_776 : i32
      %ne3A_778 = arith.cmpi ne, %sign3A_770, %sign3A_777 : i32
      %rem3A_779 = arith.remsi %squeeze3A_761, %jit3A_762 : i32
      %ne3A_780 = arith.constant 0 : i32
      %ne3A_781 = arith.cmpi ne, %rem3A_779, %ne3A_780 : i32
      %and3A_782 = arith.andi %ne3A_778, %ne3A_781 : i1
      %sub3A_783 = arith.constant 1 : i32
      %sub3A_784 = arith.subi %div3A_763, %sub3A_783 : i32
      %select_n3A_785 = arith.select %and3A_782, %sub3A_784, %div3A_763 : i32
      %mul3A_786 = arith.constant 128 : i32
      %mul3A_787 = arith.muli %select_n3A_785, %mul3A_786 : i32
      %multiple_of3A_788 = tpu.assume_multiple %mul3A_787, 128 : i32
      %dma_start3A_789 = arith.constant 0 : i32
      %dma_start3A_790 = tpu.memref_slice %arg3[%dma_start3A_789, %multiple_of3A_788] : memref<96x1000001xf32, #tpu.memory_space<hbm>> -> memref<96x128xf32, #tpu.memory_space<hbm>>
      %dma_start3A_791 = arith.constant 0 : i32
      %dma_start3A_792 = tpu.memref_slice %arg3[%dma_start3A_791, %multiple_of3A_788] : memref<96x1000001xf32, #tpu.memory_space<hbm>> -> memref<96x128xf32, #tpu.memory_space<hbm>>
      tpu.enqueue_dma source(%dma_start3A_792 : memref<96x128xf32, #tpu.memory_space<hbm>>) target(%arg16 : memref<96x128xf32, #tpu.memory_space<vmem>>) target_semaphore(%arg24 : memref<!tpu.dma_semaphore, #tpu.memory_space<semaphore_mem>>)
      %dma_wait3A_793 = arith.constant 0 : i32
      %dma_wait3A_794 = tpu.memref_slice %arg3[%dma_wait3A_793, %multiple_of3A_215] : memref<96x1000001xf32, #tpu.memory_space<hbm>> -> memref<96x128xf32, #tpu.memory_space<hbm>>
      %dma_wait3A_795 = arith.constant 0 : i32
      %dma_wait3A_796 = tpu.memref_slice %arg3[%dma_wait3A_795, %multiple_of3A_215] : memref<96x1000001xf32, #tpu.memory_space<hbm>> -> memref<96x128xf32, #tpu.memory_space<hbm>>
      tpu.wait_dma2 semaphore(%arg25 : memref<!tpu.dma_semaphore, #tpu.memory_space<semaphore_mem>>) src(%dma_wait3A_796 : memref<96x128xf32, #tpu.memory_space<hbm>>) dst(%arg17 : memref<96x128xf32, #tpu.memory_space<vmem>>)
      %slice3A_797 = vector.extract_strided_slice %get3A_31 {offsets = [5], sizes = [1], strides = [1]} : vector<16xi32> to vector<1xi32>
      %squeeze3A_798 = vector.extract %slice3A_797[0] : i32 from vector<1xi32>
      %jit3A_799 = arith.constant 128 : i32
      %div3A_800 = arith.divsi %squeeze3A_798, %jit3A_799 : i32
      %sign3A_801 = arith.constant 0 : i32
      %sign3A_802 = arith.cmpi sgt, %squeeze3A_798, %sign3A_801 : i32
      %sign3A_803 = arith.extui %sign3A_802 : i1 to i32
      %sign3A_804 = arith.constant 0 : i32
      %sign3A_805 = arith.cmpi slt, %squeeze3A_798, %sign3A_804 : i32
      %sign3A_806 = arith.extui %sign3A_805 : i1 to i32
      %sign3A_807 = arith.subi %sign3A_803, %sign3A_806 : i32
      %sign3A_808 = arith.constant 0 : i32
      %sign3A_809 = arith.cmpi sgt, %jit3A_799, %sign3A_808 : i32
      %sign3A_810 = arith.extui %sign3A_809 : i1 to i32
      %sign3A_811 = arith.constant 0 : i32
      %sign3A_812 = arith.cmpi slt, %jit3A_799, %sign3A_811 : i32
      %sign3A_813 = arith.extui %sign3A_812 : i1 to i32
      %sign3A_814 = arith.subi %sign3A_810, %sign3A_813 : i32
      %ne3A_815 = arith.cmpi ne, %sign3A_807, %sign3A_814 : i32
      %rem3A_816 = arith.remsi %squeeze3A_798, %jit3A_799 : i32
      %ne3A_817 = arith.constant 0 : i32
      %ne3A_818 = arith.cmpi ne, %rem3A_816, %ne3A_817 : i32
      %and3A_819 = arith.andi %ne3A_815, %ne3A_818 : i1
      %sub3A_820 = arith.constant 1 : i32
      %sub3A_821 = arith.subi %div3A_800, %sub3A_820 : i32
      %select_n3A_822 = arith.select %and3A_819, %sub3A_821, %div3A_800 : i32
      %mul3A_823 = arith.constant 128 : i32
      %mul3A_824 = arith.muli %select_n3A_822, %mul3A_823 : i32
      %sub3A_825 = arith.subi %squeeze3A_798, %mul3A_824 : i32
      %broadcast_in_dim3A_826 = vector.broadcast %sub3A_825 : i32 to vector<16xi32>
      %mul3A_827 = arith.constant 16 : i32
      %mul3A_828 = arith.muli %scan3A_28, %mul3A_827 : i32
      %add3A_829 = arith.constant 5 : i32
      %add3A_830 = arith.addi %mul3A_828, %add3A_829 : i32
      %broadcast_in_dim3A_831 = vector.broadcast %add3A_830 : i32 to vector<16xi32>
      %iota3A_832 = tpu.iota {dimensions = array<i32: 0>} : vector<16xi32>
      %add3A_833 = arith.constant 0 : i32
      %add3A_834 = vector.broadcast %add3A_833 : i32 to vector<16xi32>
      %add3A_835 = arith.addi %add3A_834, %iota3A_832 : vector<16xi32>
      %gather3A_836 = tpu.vector_load_idx %arg17[%add3A_835, %broadcast_in_dim3A_826] : memref<96x128xf32, #tpu.memory_space<vmem>>[vector<16xi32>, vector<16xi32>], vector<16xf32>,
      tpu.vector_store_idx %arg11[%add3A_835, %broadcast_in_dim3A_831], %gather3A_836 : memref<96x128xf32, #tpu.memory_space<vmem>>[vector<16xi32>, vector<16xi32>], vector<16xf32>,
      %iota3A_837 = tpu.iota {dimensions = array<i32: 0>} : vector<16xi32>
      %add3A_838 = arith.constant 16 : i32
      %add3A_839 = vector.broadcast %add3A_838 : i32 to vector<16xi32>
      %add3A_840 = arith.addi %add3A_839, %iota3A_837 : vector<16xi32>
      %gather3A_841 = tpu.vector_load_idx %arg17[%add3A_840, %broadcast_in_dim3A_826] : memref<96x128xf32, #tpu.memory_space<vmem>>[vector<16xi32>, vector<16xi32>], vector<16xf32>,
      tpu.vector_store_idx %arg11[%add3A_840, %broadcast_in_dim3A_831], %gather3A_841 : memref<96x128xf32, #tpu.memory_space<vmem>>[vector<16xi32>, vector<16xi32>], vector<16xf32>,
      %iota3A_842 = tpu.iota {dimensions = array<i32: 0>} : vector<16xi32>
      %add3A_843 = arith.constant 32 : i32
      %add3A_844 = vector.broadcast %add3A_843 : i32 to vector<16xi32>
      %add3A_845 = arith.addi %add3A_844, %iota3A_842 : vector<16xi32>
      %gather3A_846 = tpu.vector_load_idx %arg17[%add3A_845, %broadcast_in_dim3A_826] : memref<96x128xf32, #tpu.memory_space<vmem>>[vector<16xi32>, vector<16xi32>], vector<16xf32>,
      tpu.vector_store_idx %arg11[%add3A_845, %broadcast_in_dim3A_831], %gather3A_846 : memref<96x128xf32, #tpu.memory_space<vmem>>[vector<16xi32>, vector<16xi32>], vector<16xf32>,
      %iota3A_847 = tpu.iota {dimensions = array<i32: 0>} : vector<16xi32>
      %add3A_848 = arith.constant 48 : i32
      %add3A_849 = vector.broadcast %add3A_848 : i32 to vector<16xi32>
      %add3A_850 = arith.addi %add3A_849, %iota3A_847 : vector<16xi32>
      %gather3A_851 = tpu.vector_load_idx %arg17[%add3A_850, %broadcast_in_dim3A_826] : memref<96x128xf32, #tpu.memory_space<vmem>>[vector<16xi32>, vector<16xi32>], vector<16xf32>,
      tpu.vector_store_idx %arg11[%add3A_850, %broadcast_in_dim3A_831], %gather3A_851 : memref<96x128xf32, #tpu.memory_space<vmem>>[vector<16xi32>, vector<16xi32>], vector<16xf32>,
      %iota3A_852 = tpu.iota {dimensions = array<i32: 0>} : vector<16xi32>
      %add3A_853 = arith.constant 64 : i32
      %add3A_854 = vector.broadcast %add3A_853 : i32 to vector<16xi32>
      %add3A_855 = arith.addi %add3A_854, %iota3A_852 : vector<16xi32>
      %gather3A_856 = tpu.vector_load_idx %arg17[%add3A_855, %broadcast_in_dim3A_826] : memref<96x128xf32, #tpu.memory_space<vmem>>[vector<16xi32>, vector<16xi32>], vector<16xf32>,
      tpu.vector_store_idx %arg11[%add3A_855, %broadcast_in_dim3A_831], %gather3A_856 : memref<96x128xf32, #tpu.memory_space<vmem>>[vector<16xi32>, vector<16xi32>], vector<16xf32>,
      %iota3A_857 = tpu.iota {dimensions = array<i32: 0>} : vector<16xi32>
      %add3A_858 = arith.constant 80 : i32
      %add3A_859 = vector.broadcast %add3A_858 : i32 to vector<16xi32>
      %add3A_860 = arith.addi %add3A_859, %iota3A_857 : vector<16xi32>
      %gather3A_861 = tpu.vector_load_idx %arg17[%add3A_860, %broadcast_in_dim3A_826] : memref<96x128xf32, #tpu.memory_space<vmem>>[vector<16xi32>, vector<16xi32>], vector<16xf32>,
      tpu.vector_store_idx %arg11[%add3A_860, %broadcast_in_dim3A_831], %gather3A_861 : memref<96x128xf32, #tpu.memory_space<vmem>>[vector<16xi32>, vector<16xi32>], vector<16xf32>,
      %slice3A_862 = vector.extract_strided_slice %get3A_31 {offsets = [13], sizes = [1], strides = [1]} : vector<16xi32> to vector<1xi32>
      %squeeze3A_863 = vector.extract %slice3A_862[0] : i32 from vector<1xi32>
      %jit3A_864 = arith.constant 128 : i32
      %div3A_865 = arith.divsi %squeeze3A_863, %jit3A_864 : i32
      %sign3A_866 = arith.constant 0 : i32
      %sign3A_867 = arith.cmpi sgt, %squeeze3A_863, %sign3A_866 : i32
      %sign3A_868 = arith.extui %sign3A_867 : i1 to i32
      %sign3A_869 = arith.constant 0 : i32
      %sign3A_870 = arith.cmpi slt, %squeeze3A_863, %sign3A_869 : i32
      %sign3A_871 = arith.extui %sign3A_870 : i1 to i32
      %sign3A_872 = arith.subi %sign3A_868, %sign3A_871 : i32
      %sign3A_873 = arith.constant 0 : i32
      %sign3A_874 = arith.cmpi sgt, %jit3A_864, %sign3A_873 : i32
      %sign3A_875 = arith.extui %sign3A_874 : i1 to i32
      %sign3A_876 = arith.constant 0 : i32
      %sign3A_877 = arith.cmpi slt, %jit3A_864, %sign3A_876 : i32
      %sign3A_878 = arith.extui %sign3A_877 : i1 to i32
      %sign3A_879 = arith.subi %sign3A_875, %sign3A_878 : i32
      %ne3A_880 = arith.cmpi ne, %sign3A_872, %sign3A_879 : i32
      %rem3A_881 = arith.remsi %squeeze3A_863, %jit3A_864 : i32
      %ne3A_882 = arith.constant 0 : i32
      %ne3A_883 = arith.cmpi ne, %rem3A_881, %ne3A_882 : i32
      %and3A_884 = arith.andi %ne3A_880, %ne3A_883 : i1
      %sub3A_885 = arith.constant 1 : i32
      %sub3A_886 = arith.subi %div3A_865, %sub3A_885 : i32
      %select_n3A_887 = arith.select %and3A_884, %sub3A_886, %div3A_865 : i32
      %mul3A_888 = arith.constant 128 : i32
      %mul3A_889 = arith.muli %select_n3A_887, %mul3A_888 : i32
      %multiple_of3A_890 = tpu.assume_multiple %mul3A_889, 128 : i32
      %dma_start3A_891 = arith.constant 0 : i32
      %dma_start3A_892 = tpu.memref_slice %arg3[%dma_start3A_891, %multiple_of3A_890] : memref<96x1000001xf32, #tpu.memory_space<hbm>> -> memref<96x128xf32, #tpu.memory_space<hbm>>
      %dma_start3A_893 = arith.constant 0 : i32
      %dma_start3A_894 = tpu.memref_slice %arg3[%dma_start3A_893, %multiple_of3A_890] : memref<96x1000001xf32, #tpu.memory_space<hbm>> -> memref<96x128xf32, #tpu.memory_space<hbm>>
      tpu.enqueue_dma source(%dma_start3A_894 : memref<96x128xf32, #tpu.memory_space<hbm>>) target(%arg17 : memref<96x128xf32, #tpu.memory_space<vmem>>) target_semaphore(%arg25 : memref<!tpu.dma_semaphore, #tpu.memory_space<semaphore_mem>>)
      %dma_wait3A_895 = arith.constant 0 : i32
      %dma_wait3A_896 = tpu.memref_slice %arg3[%dma_wait3A_895, %multiple_of3A_248] : memref<96x1000001xf32, #tpu.memory_space<hbm>> -> memref<96x128xf32, #tpu.memory_space<hbm>>
      %dma_wait3A_897 = arith.constant 0 : i32
      %dma_wait3A_898 = tpu.memref_slice %arg3[%dma_wait3A_897, %multiple_of3A_248] : memref<96x1000001xf32, #tpu.memory_space<hbm>> -> memref<96x128xf32, #tpu.memory_space<hbm>>
      tpu.wait_dma2 semaphore(%arg26 : memref<!tpu.dma_semaphore, #tpu.memory_space<semaphore_mem>>) src(%dma_wait3A_898 : memref<96x128xf32, #tpu.memory_space<hbm>>) dst(%arg18 : memref<96x128xf32, #tpu.memory_space<vmem>>)
      %slice3A_899 = vector.extract_strided_slice %get3A_31 {offsets = [6], sizes = [1], strides = [1]} : vector<16xi32> to vector<1xi32>
      %squeeze3A_900 = vector.extract %slice3A_899[0] : i32 from vector<1xi32>
      %jit3A_901 = arith.constant 128 : i32
      %div3A_902 = arith.divsi %squeeze3A_900, %jit3A_901 : i32
      %sign3A_903 = arith.constant 0 : i32
      %sign3A_904 = arith.cmpi sgt, %squeeze3A_900, %sign3A_903 : i32
      %sign3A_905 = arith.extui %sign3A_904 : i1 to i32
      %sign3A_906 = arith.constant 0 : i32
      %sign3A_907 = arith.cmpi slt, %squeeze3A_900, %sign3A_906 : i32
      %sign3A_908 = arith.extui %sign3A_907 : i1 to i32
      %sign3A_909 = arith.subi %sign3A_905, %sign3A_908 : i32
      %sign3A_910 = arith.constant 0 : i32
      %sign3A_911 = arith.cmpi sgt, %jit3A_901, %sign3A_910 : i32
      %sign3A_912 = arith.extui %sign3A_911 : i1 to i32
      %sign3A_913 = arith.constant 0 : i32
      %sign3A_914 = arith.cmpi slt, %jit3A_901, %sign3A_913 : i32
      %sign3A_915 = arith.extui %sign3A_914 : i1 to i32
      %sign3A_916 = arith.subi %sign3A_912, %sign3A_915 : i32
      %ne3A_917 = arith.cmpi ne, %sign3A_909, %sign3A_916 : i32
      %rem3A_918 = arith.remsi %squeeze3A_900, %jit3A_901 : i32
      %ne3A_919 = arith.constant 0 : i32
      %ne3A_920 = arith.cmpi ne, %rem3A_918, %ne3A_919 : i32
      %and3A_921 = arith.andi %ne3A_917, %ne3A_920 : i1
      %sub3A_922 = arith.constant 1 : i32
      %sub3A_923 = arith.subi %div3A_902, %sub3A_922 : i32
      %select_n3A_924 = arith.select %and3A_921, %sub3A_923, %div3A_902 : i32
      %mul3A_925 = arith.constant 128 : i32
      %mul3A_926 = arith.muli %select_n3A_924, %mul3A_925 : i32
      %sub3A_927 = arith.subi %squeeze3A_900, %mul3A_926 : i32
      %broadcast_in_dim3A_928 = vector.broadcast %sub3A_927 : i32 to vector<16xi32>
      %mul3A_929 = arith.constant 16 : i32
      %mul3A_930 = arith.muli %scan3A_28, %mul3A_929 : i32
      %add3A_931 = arith.constant 6 : i32
      %add3A_932 = arith.addi %mul3A_930, %add3A_931 : i32
      %broadcast_in_dim3A_933 = vector.broadcast %add3A_932 : i32 to vector<16xi32>
      %iota3A_934 = tpu.iota {dimensions = array<i32: 0>} : vector<16xi32>
      %add3A_935 = arith.constant 0 : i32
      %add3A_936 = vector.broadcast %add3A_935 : i32 to vector<16xi32>
      %add3A_937 = arith.addi %add3A_936, %iota3A_934 : vector<16xi32>
      %gather3A_938 = tpu.vector_load_idx %arg18[%add3A_937, %broadcast_in_dim3A_928] : memref<96x128xf32, #tpu.memory_space<vmem>>[vector<16xi32>, vector<16xi32>], vector<16xf32>,
      tpu.vector_store_idx %arg11[%add3A_937, %broadcast_in_dim3A_933], %gather3A_938 : memref<96x128xf32, #tpu.memory_space<vmem>>[vector<16xi32>, vector<16xi32>], vector<16xf32>,
      %iota3A_939 = tpu.iota {dimensions = array<i32: 0>} : vector<16xi32>
      %add3A_940 = arith.constant 16 : i32
      %add3A_941 = vector.broadcast %add3A_940 : i32 to vector<16xi32>
      %add3A_942 = arith.addi %add3A_941, %iota3A_939 : vector<16xi32>
      %gather3A_943 = tpu.vector_load_idx %arg18[%add3A_942, %broadcast_in_dim3A_928] : memref<96x128xf32, #tpu.memory_space<vmem>>[vector<16xi32>, vector<16xi32>], vector<16xf32>,
      tpu.vector_store_idx %arg11[%add3A_942, %broadcast_in_dim3A_933], %gather3A_943 : memref<96x128xf32, #tpu.memory_space<vmem>>[vector<16xi32>, vector<16xi32>], vector<16xf32>,
      %iota3A_944 = tpu.iota {dimensions = array<i32: 0>} : vector<16xi32>
      %add3A_945 = arith.constant 32 : i32
      %add3A_946 = vector.broadcast %add3A_945 : i32 to vector<16xi32>
      %add3A_947 = arith.addi %add3A_946, %iota3A_944 : vector<16xi32>
      %gather3A_948 = tpu.vector_load_idx %arg18[%add3A_947, %broadcast_in_dim3A_928] : memref<96x128xf32, #tpu.memory_space<vmem>>[vector<16xi32>, vector<16xi32>], vector<16xf32>,
      tpu.vector_store_idx %arg11[%add3A_947, %broadcast_in_dim3A_933], %gather3A_948 : memref<96x128xf32, #tpu.memory_space<vmem>>[vector<16xi32>, vector<16xi32>], vector<16xf32>,
      %iota3A_949 = tpu.iota {dimensions = array<i32: 0>} : vector<16xi32>
      %add3A_950 = arith.constant 48 : i32
      %add3A_951 = vector.broadcast %add3A_950 : i32 to vector<16xi32>
      %add3A_952 = arith.addi %add3A_951, %iota3A_949 : vector<16xi32>
      %gather3A_953 = tpu.vector_load_idx %arg18[%add3A_952, %broadcast_in_dim3A_928] : memref<96x128xf32, #tpu.memory_space<vmem>>[vector<16xi32>, vector<16xi32>], vector<16xf32>,
      tpu.vector_store_idx %arg11[%add3A_952, %broadcast_in_dim3A_933], %gather3A_953 : memref<96x128xf32, #tpu.memory_space<vmem>>[vector<16xi32>, vector<16xi32>], vector<16xf32>,
      %iota3A_954 = tpu.iota {dimensions = array<i32: 0>} : vector<16xi32>
      %add3A_955 = arith.constant 64 : i32
      %add3A_956 = vector.broadcast %add3A_955 : i32 to vector<16xi32>
      %add3A_957 = arith.addi %add3A_956, %iota3A_954 : vector<16xi32>
      %gather3A_958 = tpu.vector_load_idx %arg18[%add3A_957, %broadcast_in_dim3A_928] : memref<96x128xf32, #tpu.memory_space<vmem>>[vector<16xi32>, vector<16xi32>], vector<16xf32>,
      tpu.vector_store_idx %arg11[%add3A_957, %broadcast_in_dim3A_933], %gather3A_958 : memref<96x128xf32, #tpu.memory_space<vmem>>[vector<16xi32>, vector<16xi32>], vector<16xf32>,
      %iota3A_959 = tpu.iota {dimensions = array<i32: 0>} : vector<16xi32>
      %add3A_960 = arith.constant 80 : i32
      %add3A_961 = vector.broadcast %add3A_960 : i32 to vector<16xi32>
      %add3A_962 = arith.addi %add3A_961, %iota3A_959 : vector<16xi32>
      %gather3A_963 = tpu.vector_load_idx %arg18[%add3A_962, %broadcast_in_dim3A_928] : memref<96x128xf32, #tpu.memory_space<vmem>>[vector<16xi32>, vector<16xi32>], vector<16xf32>,
      tpu.vector_store_idx %arg11[%add3A_962, %broadcast_in_dim3A_933], %gather3A_963 : memref<96x128xf32, #tpu.memory_space<vmem>>[vector<16xi32>, vector<16xi32>], vector<16xf32>,
      %slice3A_964 = vector.extract_strided_slice %get3A_31 {offsets = [14], sizes = [1], strides = [1]} : vector<16xi32> to vector<1xi32>
      %squeeze3A_965 = vector.extract %slice3A_964[0] : i32 from vector<1xi32>
      %jit3A_966 = arith.constant 128 : i32
      %div3A_967 = arith.divsi %squeeze3A_965, %jit3A_966 : i32
      %sign3A_968 = arith.constant 0 : i32
      %sign3A_969 = arith.cmpi sgt, %squeeze3A_965, %sign3A_968 : i32
      %sign3A_970 = arith.extui %sign3A_969 : i1 to i32
      %sign3A_971 = arith.constant 0 : i32
      %sign3A_972 = arith.cmpi slt, %squeeze3A_965, %sign3A_971 : i32
      %sign3A_973 = arith.extui %sign3A_972 : i1 to i32
      %sign3A_974 = arith.subi %sign3A_970, %sign3A_973 : i32
      %sign3A_975 = arith.constant 0 : i32
      %sign3A_976 = arith.cmpi sgt, %jit3A_966, %sign3A_975 : i32
      %sign3A_977 = arith.extui %sign3A_976 : i1 to i32
      %sign3A_978 = arith.constant 0 : i32
      %sign3A_979 = arith.cmpi slt, %jit3A_966, %sign3A_978 : i32
      %sign3A_980 = arith.extui %sign3A_979 : i1 to i32
      %sign3A_981 = arith.subi %sign3A_977, %sign3A_980 : i32
      %ne3A_982 = arith.cmpi ne, %sign3A_974, %sign3A_981 : i32
      %rem3A_983 = arith.remsi %squeeze3A_965, %jit3A_966 : i32
      %ne3A_984 = arith.constant 0 : i32
      %ne3A_985 = arith.cmpi ne, %rem3A_983, %ne3A_984 : i32
      %and3A_986 = arith.andi %ne3A_982, %ne3A_985 : i1
      %sub3A_987 = arith.constant 1 : i32
      %sub3A_988 = arith.subi %div3A_967, %sub3A_987 : i32
      %select_n3A_989 = arith.select %and3A_986, %sub3A_988, %div3A_967 : i32
      %mul3A_990 = arith.constant 128 : i32
      %mul3A_991 = arith.muli %select_n3A_989, %mul3A_990 : i32
      %multiple_of3A_992 = tpu.assume_multiple %mul3A_991, 128 : i32
      %dma_start3A_993 = arith.constant 0 : i32
      %dma_start3A_994 = tpu.memref_slice %arg3[%dma_start3A_993, %multiple_of3A_992] : memref<96x1000001xf32, #tpu.memory_space<hbm>> -> memref<96x128xf32, #tpu.memory_space<hbm>>
      %dma_start3A_995 = arith.constant 0 : i32
      %dma_start3A_996 = tpu.memref_slice %arg3[%dma_start3A_995, %multiple_of3A_992] : memref<96x1000001xf32, #tpu.memory_space<hbm>> -> memref<96x128xf32, #tpu.memory_space<hbm>>
      tpu.enqueue_dma source(%dma_start3A_996 : memref<96x128xf32, #tpu.memory_space<hbm>>) target(%arg18 : memref<96x128xf32, #tpu.memory_space<vmem>>) target_semaphore(%arg26 : memref<!tpu.dma_semaphore, #tpu.memory_space<semaphore_mem>>)
      %dma_wait3A_997 = arith.constant 0 : i32
      %dma_wait3A_998 = tpu.memref_slice %arg3[%dma_wait3A_997, %multiple_of3A_281] : memref<96x1000001xf32, #tpu.memory_space<hbm>> -> memref<96x128xf32, #tpu.memory_space<hbm>>
      %dma_wait3A_999 = arith.constant 0 : i32
      %dma_wait3A_1000 = tpu.memref_slice %arg3[%dma_wait3A_999, %multiple_of3A_281] : memref<96x1000001xf32, #tpu.memory_space<hbm>> -> memref<96x128xf32, #tpu.memory_space<hbm>>
      tpu.wait_dma2 semaphore(%arg27 : memref<!tpu.dma_semaphore, #tpu.memory_space<semaphore_mem>>) src(%dma_wait3A_1000 : memref<96x128xf32, #tpu.memory_space<hbm>>) dst(%arg19 : memref<96x128xf32, #tpu.memory_space<vmem>>)
      %slice3A_1001 = vector.extract_strided_slice %get3A_31 {offsets = [7], sizes = [1], strides = [1]} : vector<16xi32> to vector<1xi32>
      %squeeze3A_1002 = vector.extract %slice3A_1001[0] : i32 from vector<1xi32>
      %jit3A_1003 = arith.constant 128 : i32
      %div3A_1004 = arith.divsi %squeeze3A_1002, %jit3A_1003 : i32
      %sign3A_1005 = arith.constant 0 : i32
      %sign3A_1006 = arith.cmpi sgt, %squeeze3A_1002, %sign3A_1005 : i32
      %sign3A_1007 = arith.extui %sign3A_1006 : i1 to i32
      %sign3A_1008 = arith.constant 0 : i32
      %sign3A_1009 = arith.cmpi slt, %squeeze3A_1002, %sign3A_1008 : i32
      %sign3A_1010 = arith.extui %sign3A_1009 : i1 to i32
      %sign3A_1011 = arith.subi %sign3A_1007, %sign3A_1010 : i32
      %sign3A_1012 = arith.constant 0 : i32
      %sign3A_1013 = arith.cmpi sgt, %jit3A_1003, %sign3A_1012 : i32
      %sign3A_1014 = arith.extui %sign3A_1013 : i1 to i32
      %sign3A_1015 = arith.constant 0 : i32
      %sign3A_1016 = arith.cmpi slt, %jit3A_1003, %sign3A_1015 : i32
      %sign3A_1017 = arith.extui %sign3A_1016 : i1 to i32
      %sign3A_1018 = arith.subi %sign3A_1014, %sign3A_1017 : i32
      %ne3A_1019 = arith.cmpi ne, %sign3A_1011, %sign3A_1018 : i32
      %rem3A_1020 = arith.remsi %squeeze3A_1002, %jit3A_1003 : i32
      %ne3A_1021 = arith.constant 0 : i32
      %ne3A_1022 = arith.cmpi ne, %rem3A_1020, %ne3A_1021 : i32
      %and3A_1023 = arith.andi %ne3A_1019, %ne3A_1022 : i1
      %sub3A_1024 = arith.constant 1 : i32
      %sub3A_1025 = arith.subi %div3A_1004, %sub3A_1024 : i32
      %select_n3A_1026 = arith.select %and3A_1023, %sub3A_1025, %div3A_1004 : i32
      %mul3A_1027 = arith.constant 128 : i32
      %mul3A_1028 = arith.muli %select_n3A_1026, %mul3A_1027 : i32
      %sub3A_1029 = arith.subi %squeeze3A_1002, %mul3A_1028 : i32
      %broadcast_in_dim3A_1030 = vector.broadcast %sub3A_1029 : i32 to vector<16xi32>
      %mul3A_1031 = arith.constant 16 : i32
      %mul3A_1032 = arith.muli %scan3A_28, %mul3A_1031 : i32
      %add3A_1033 = arith.constant 7 : i32
      %add3A_1034 = arith.addi %mul3A_1032, %add3A_1033 : i32
      %broadcast_in_dim3A_1035 = vector.broadcast %add3A_1034 : i32 to vector<16xi32>
      %iota3A_1036 = tpu.iota {dimensions = array<i32: 0>} : vector<16xi32>
      %add3A_1037 = arith.constant 0 : i32
      %add3A_1038 = vector.broadcast %add3A_1037 : i32 to vector<16xi32>
      %add3A_1039 = arith.addi %add3A_1038, %iota3A_1036 : vector<16xi32>
      %gather3A_1040 = tpu.vector_load_idx %arg19[%add3A_1039, %broadcast_in_dim3A_1030] : memref<96x128xf32, #tpu.memory_space<vmem>>[vector<16xi32>, vector<16xi32>], vector<16xf32>,
      tpu.vector_store_idx %arg11[%add3A_1039, %broadcast_in_dim3A_1035], %gather3A_1040 : memref<96x128xf32, #tpu.memory_space<vmem>>[vector<16xi32>, vector<16xi32>], vector<16xf32>,
      %iota3A_1041 = tpu.iota {dimensions = array<i32: 0>} : vector<16xi32>
      %add3A_1042 = arith.constant 16 : i32
      %add3A_1043 = vector.broadcast %add3A_1042 : i32 to vector<16xi32>
      %add3A_1044 = arith.addi %add3A_1043, %iota3A_1041 : vector<16xi32>
      %gather3A_1045 = tpu.vector_load_idx %arg19[%add3A_1044, %broadcast_in_dim3A_1030] : memref<96x128xf32, #tpu.memory_space<vmem>>[vector<16xi32>, vector<16xi32>], vector<16xf32>,
      tpu.vector_store_idx %arg11[%add3A_1044, %broadcast_in_dim3A_1035], %gather3A_1045 : memref<96x128xf32, #tpu.memory_space<vmem>>[vector<16xi32>, vector<16xi32>], vector<16xf32>,
      %iota3A_1046 = tpu.iota {dimensions = array<i32: 0>} : vector<16xi32>
      %add3A_1047 = arith.constant 32 : i32
      %add3A_1048 = vector.broadcast %add3A_1047 : i32 to vector<16xi32>
      %add3A_1049 = arith.addi %add3A_1048, %iota3A_1046 : vector<16xi32>
      %gather3A_1050 = tpu.vector_load_idx %arg19[%add3A_1049, %broadcast_in_dim3A_1030] : memref<96x128xf32, #tpu.memory_space<vmem>>[vector<16xi32>, vector<16xi32>], vector<16xf32>,
      tpu.vector_store_idx %arg11[%add3A_1049, %broadcast_in_dim3A_1035], %gather3A_1050 : memref<96x128xf32, #tpu.memory_space<vmem>>[vector<16xi32>, vector<16xi32>], vector<16xf32>,
      %iota3A_1051 = tpu.iota {dimensions = array<i32: 0>} : vector<16xi32>
      %add3A_1052 = arith.constant 48 : i32
      %add3A_1053 = vector.broadcast %add3A_1052 : i32 to vector<16xi32>
      %add3A_1054 = arith.addi %add3A_1053, %iota3A_1051 : vector<16xi32>
      %gather3A_1055 = tpu.vector_load_idx %arg19[%add3A_1054, %broadcast_in_dim3A_1030] : memref<96x128xf32, #tpu.memory_space<vmem>>[vector<16xi32>, vector<16xi32>], vector<16xf32>,
      tpu.vector_store_idx %arg11[%add3A_1054, %broadcast_in_dim3A_1035], %gather3A_1055 : memref<96x128xf32, #tpu.memory_space<vmem>>[vector<16xi32>, vector<16xi32>], vector<16xf32>,
      %iota3A_1056 = tpu.iota {dimensions = array<i32: 0>} : vector<16xi32>
      %add3A_1057 = arith.constant 64 : i32
      %add3A_1058 = vector.broadcast %add3A_1057 : i32 to vector<16xi32>
      %add3A_1059 = arith.addi %add3A_1058, %iota3A_1056 : vector<16xi32>
      %gather3A_1060 = tpu.vector_load_idx %arg19[%add3A_1059, %broadcast_in_dim3A_1030] : memref<96x128xf32, #tpu.memory_space<vmem>>[vector<16xi32>, vector<16xi32>], vector<16xf32>,
      tpu.vector_store_idx %arg11[%add3A_1059, %broadcast_in_dim3A_1035], %gather3A_1060 : memref<96x128xf32, #tpu.memory_space<vmem>>[vector<16xi32>, vector<16xi32>], vector<16xf32>,
      %iota3A_1061 = tpu.iota {dimensions = array<i32: 0>} : vector<16xi32>
      %add3A_1062 = arith.constant 80 : i32
      %add3A_1063 = vector.broadcast %add3A_1062 : i32 to vector<16xi32>
      %add3A_1064 = arith.addi %add3A_1063, %iota3A_1061 : vector<16xi32>
      %gather3A_1065 = tpu.vector_load_idx %arg19[%add3A_1064, %broadcast_in_dim3A_1030] : memref<96x128xf32, #tpu.memory_space<vmem>>[vector<16xi32>, vector<16xi32>], vector<16xf32>,
      tpu.vector_store_idx %arg11[%add3A_1064, %broadcast_in_dim3A_1035], %gather3A_1065 : memref<96x128xf32, #tpu.memory_space<vmem>>[vector<16xi32>, vector<16xi32>], vector<16xf32>,
      %slice3A_1066 = vector.extract_strided_slice %get3A_31 {offsets = [15], sizes = [1], strides = [1]} : vector<16xi32> to vector<1xi32>
      %squeeze3A_1067 = vector.extract %slice3A_1066[0] : i32 from vector<1xi32>
      %jit3A_1068 = arith.constant 128 : i32
      %div3A_1069 = arith.divsi %squeeze3A_1067, %jit3A_1068 : i32
      %sign3A_1070 = arith.constant 0 : i32
      %sign3A_1071 = arith.cmpi sgt, %squeeze3A_1067, %sign3A_1070 : i32
      %sign3A_1072 = arith.extui %sign3A_1071 : i1 to i32
      %sign3A_1073 = arith.constant 0 : i32
      %sign3A_1074 = arith.cmpi slt, %squeeze3A_1067, %sign3A_1073 : i32
      %sign3A_1075 = arith.extui %sign3A_1074 : i1 to i32
      %sign3A_1076 = arith.subi %sign3A_1072, %sign3A_1075 : i32
      %sign3A_1077 = arith.constant 0 : i32
      %sign3A_1078 = arith.cmpi sgt, %jit3A_1068, %sign3A_1077 : i32
      %sign3A_1079 = arith.extui %sign3A_1078 : i1 to i32
      %sign3A_1080 = arith.constant 0 : i32
      %sign3A_1081 = arith.cmpi slt, %jit3A_1068, %sign3A_1080 : i32
      %sign3A_1082 = arith.extui %sign3A_1081 : i1 to i32
      %sign3A_1083 = arith.subi %sign3A_1079, %sign3A_1082 : i32
      %ne3A_1084 = arith.cmpi ne, %sign3A_1076, %sign3A_1083 : i32
      %rem3A_1085 = arith.remsi %squeeze3A_1067, %jit3A_1068 : i32
      %ne3A_1086 = arith.constant 0 : i32
      %ne3A_1087 = arith.cmpi ne, %rem3A_1085, %ne3A_1086 : i32
      %and3A_1088 = arith.andi %ne3A_1084, %ne3A_1087 : i1
      %sub3A_1089 = arith.constant 1 : i32
      %sub3A_1090 = arith.subi %div3A_1069, %sub3A_1089 : i32
      %select_n3A_1091 = arith.select %and3A_1088, %sub3A_1090, %div3A_1069 : i32
      %mul3A_1092 = arith.constant 128 : i32
      %mul3A_1093 = arith.muli %select_n3A_1091, %mul3A_1092 : i32
      %multiple_of3A_1094 = tpu.assume_multiple %mul3A_1093, 128 : i32
      %dma_start3A_1095 = arith.constant 0 : i32
      %dma_start3A_1096 = tpu.memref_slice %arg3[%dma_start3A_1095, %multiple_of3A_1094] : memref<96x1000001xf32, #tpu.memory_space<hbm>> -> memref<96x128xf32, #tpu.memory_space<hbm>>
      %dma_start3A_1097 = arith.constant 0 : i32
      %dma_start3A_1098 = tpu.memref_slice %arg3[%dma_start3A_1097, %multiple_of3A_1094] : memref<96x1000001xf32, #tpu.memory_space<hbm>> -> memref<96x128xf32, #tpu.memory_space<hbm>>
      tpu.enqueue_dma source(%dma_start3A_1098 : memref<96x128xf32, #tpu.memory_space<hbm>>) target(%arg19 : memref<96x128xf32, #tpu.memory_space<vmem>>) target_semaphore(%arg27 : memref<!tpu.dma_semaphore, #tpu.memory_space<semaphore_mem>>)
      %dma_wait3A_1099 = arith.constant 0 : i32
      %dma_wait3A_1100 = tpu.memref_slice %arg3[%dma_wait3A_1099, %multiple_of3A_380] : memref<96x1000001xf32, #tpu.memory_space<hbm>> -> memref<96x128xf32, #tpu.memory_space<hbm>>
      %dma_wait3A_1101 = arith.constant 0 : i32
      %dma_wait3A_1102 = tpu.memref_slice %arg3[%dma_wait3A_1101, %multiple_of3A_380] : memref<96x1000001xf32, #tpu.memory_space<hbm>> -> memref<96x128xf32, #tpu.memory_space<hbm>>
      tpu.wait_dma2 semaphore(%arg20 : memref<!tpu.dma_semaphore, #tpu.memory_space<semaphore_mem>>) src(%dma_wait3A_1102 : memref<96x128xf32, #tpu.memory_space<hbm>>) dst(%arg12 : memref<96x128xf32, #tpu.memory_space<vmem>>)
      %slice3A_1103 = vector.extract_strided_slice %get3A_31 {offsets = [8], sizes = [1], strides = [1]} : vector<16xi32> to vector<1xi32>
      %squeeze3A_1104 = vector.extract %slice3A_1103[0] : i32 from vector<1xi32>
      %jit3A_1105 = arith.constant 128 : i32
      %div3A_1106 = arith.divsi %squeeze3A_1104, %jit3A_1105 : i32
      %sign3A_1107 = arith.constant 0 : i32
      %sign3A_1108 = arith.cmpi sgt, %squeeze3A_1104, %sign3A_1107 : i32
      %sign3A_1109 = arith.extui %sign3A_1108 : i1 to i32
      %sign3A_1110 = arith.constant 0 : i32
      %sign3A_1111 = arith.cmpi slt, %squeeze3A_1104, %sign3A_1110 : i32
      %sign3A_1112 = arith.extui %sign3A_1111 : i1 to i32
      %sign3A_1113 = arith.subi %sign3A_1109, %sign3A_1112 : i32
      %sign3A_1114 = arith.constant 0 : i32
      %sign3A_1115 = arith.cmpi sgt, %jit3A_1105, %sign3A_1114 : i32
      %sign3A_1116 = arith.extui %sign3A_1115 : i1 to i32
      %sign3A_1117 = arith.constant 0 : i32
      %sign3A_1118 = arith.cmpi slt, %jit3A_1105, %sign3A_1117 : i32
      %sign3A_1119 = arith.extui %sign3A_1118 : i1 to i32
      %sign3A_1120 = arith.subi %sign3A_1116, %sign3A_1119 : i32
      %ne3A_1121 = arith.cmpi ne, %sign3A_1113, %sign3A_1120 : i32
      %rem3A_1122 = arith.remsi %squeeze3A_1104, %jit3A_1105 : i32
      %ne3A_1123 = arith.constant 0 : i32
      %ne3A_1124 = arith.cmpi ne, %rem3A_1122, %ne3A_1123 : i32
      %and3A_1125 = arith.andi %ne3A_1121, %ne3A_1124 : i1
      %sub3A_1126 = arith.constant 1 : i32
      %sub3A_1127 = arith.subi %div3A_1106, %sub3A_1126 : i32
      %select_n3A_1128 = arith.select %and3A_1125, %sub3A_1127, %div3A_1106 : i32
      %mul3A_1129 = arith.constant 128 : i32
      %mul3A_1130 = arith.muli %select_n3A_1128, %mul3A_1129 : i32
      %sub3A_1131 = arith.subi %squeeze3A_1104, %mul3A_1130 : i32
      %broadcast_in_dim3A_1132 = vector.broadcast %sub3A_1131 : i32 to vector<16xi32>
      %mul3A_1133 = arith.constant 16 : i32
      %mul3A_1134 = arith.muli %scan3A_28, %mul3A_1133 : i32
      %add3A_1135 = arith.constant 8 : i32
      %add3A_1136 = arith.addi %mul3A_1134, %add3A_1135 : i32
      %broadcast_in_dim3A_1137 = vector.broadcast %add3A_1136 : i32 to vector<16xi32>
      %iota3A_1138 = tpu.iota {dimensions = array<i32: 0>} : vector<16xi32>
      %add3A_1139 = arith.constant 0 : i32
      %add3A_1140 = vector.broadcast %add3A_1139 : i32 to vector<16xi32>
      %add3A_1141 = arith.addi %add3A_1140, %iota3A_1138 : vector<16xi32>
      %gather3A_1142 = tpu.vector_load_idx %arg12[%add3A_1141, %broadcast_in_dim3A_1132] : memref<96x128xf32, #tpu.memory_space<vmem>>[vector<16xi32>, vector<16xi32>], vector<16xf32>,
      tpu.vector_store_idx %arg11[%add3A_1141, %broadcast_in_dim3A_1137], %gather3A_1142 : memref<96x128xf32, #tpu.memory_space<vmem>>[vector<16xi32>, vector<16xi32>], vector<16xf32>,
      %iota3A_1143 = tpu.iota {dimensions = array<i32: 0>} : vector<16xi32>
      %add3A_1144 = arith.constant 16 : i32
      %add3A_1145 = vector.broadcast %add3A_1144 : i32 to vector<16xi32>
      %add3A_1146 = arith.addi %add3A_1145, %iota3A_1143 : vector<16xi32>
      %gather3A_1147 = tpu.vector_load_idx %arg12[%add3A_1146, %broadcast_in_dim3A_1132] : memref<96x128xf32, #tpu.memory_space<vmem>>[vector<16xi32>, vector<16xi32>], vector<16xf32>,
      tpu.vector_store_idx %arg11[%add3A_1146, %broadcast_in_dim3A_1137], %gather3A_1147 : memref<96x128xf32, #tpu.memory_space<vmem>>[vector<16xi32>, vector<16xi32>], vector<16xf32>,
      %iota3A_1148 = tpu.iota {dimensions = array<i32: 0>} : vector<16xi32>
      %add3A_1149 = arith.constant 32 : i32
      %add3A_1150 = vector.broadcast %add3A_1149 : i32 to vector<16xi32>
      %add3A_1151 = arith.addi %add3A_1150, %iota3A_1148 : vector<16xi32>
      %gather3A_1152 = tpu.vector_load_idx %arg12[%add3A_1151, %broadcast_in_dim3A_1132] : memref<96x128xf32, #tpu.memory_space<vmem>>[vector<16xi32>, vector<16xi32>], vector<16xf32>,
      tpu.vector_store_idx %arg11[%add3A_1151, %broadcast_in_dim3A_1137], %gather3A_1152 : memref<96x128xf32, #tpu.memory_space<vmem>>[vector<16xi32>, vector<16xi32>], vector<16xf32>,
      %iota3A_1153 = tpu.iota {dimensions = array<i32: 0>} : vector<16xi32>
      %add3A_1154 = arith.constant 48 : i32
      %add3A_1155 = vector.broadcast %add3A_1154 : i32 to vector<16xi32>
      %add3A_1156 = arith.addi %add3A_1155, %iota3A_1153 : vector<16xi32>
      %gather3A_1157 = tpu.vector_load_idx %arg12[%add3A_1156, %broadcast_in_dim3A_1132] : memref<96x128xf32, #tpu.memory_space<vmem>>[vector<16xi32>, vector<16xi32>], vector<16xf32>,
      tpu.vector_store_idx %arg11[%add3A_1156, %broadcast_in_dim3A_1137], %gather3A_1157 : memref<96x128xf32, #tpu.memory_space<vmem>>[vector<16xi32>, vector<16xi32>], vector<16xf32>,
      %iota3A_1158 = tpu.iota {dimensions = array<i32: 0>} : vector<16xi32>
      %add3A_1159 = arith.constant 64 : i32
      %add3A_1160 = vector.broadcast %add3A_1159 : i32 to vector<16xi32>
      %add3A_1161 = arith.addi %add3A_1160, %iota3A_1158 : vector<16xi32>
      %gather3A_1162 = tpu.vector_load_idx %arg12[%add3A_1161, %broadcast_in_dim3A_1132] : memref<96x128xf32, #tpu.memory_space<vmem>>[vector<16xi32>, vector<16xi32>], vector<16xf32>,
      tpu.vector_store_idx %arg11[%add3A_1161, %broadcast_in_dim3A_1137], %gather3A_1162 : memref<96x128xf32, #tpu.memory_space<vmem>>[vector<16xi32>, vector<16xi32>], vector<16xf32>,
      %iota3A_1163 = tpu.iota {dimensions = array<i32: 0>} : vector<16xi32>
      %add3A_1164 = arith.constant 80 : i32
      %add3A_1165 = vector.broadcast %add3A_1164 : i32 to vector<16xi32>
      %add3A_1166 = arith.addi %add3A_1165, %iota3A_1163 : vector<16xi32>
      %gather3A_1167 = tpu.vector_load_idx %arg12[%add3A_1166, %broadcast_in_dim3A_1132] : memref<96x128xf32, #tpu.memory_space<vmem>>[vector<16xi32>, vector<16xi32>], vector<16xf32>,
      tpu.vector_store_idx %arg11[%add3A_1166, %broadcast_in_dim3A_1137], %gather3A_1167 : memref<96x128xf32, #tpu.memory_space<vmem>>[vector<16xi32>, vector<16xi32>], vector<16xf32>,
      %dma_wait3A_1168 = arith.constant 0 : i32
      %dma_wait3A_1169 = tpu.memref_slice %arg3[%dma_wait3A_1168, %multiple_of3A_482] : memref<96x1000001xf32, #tpu.memory_space<hbm>> -> memref<96x128xf32, #tpu.memory_space<hbm>>
      %dma_wait3A_1170 = arith.constant 0 : i32
      %dma_wait3A_1171 = tpu.memref_slice %arg3[%dma_wait3A_1170, %multiple_of3A_482] : memref<96x1000001xf32, #tpu.memory_space<hbm>> -> memref<96x128xf32, #tpu.memory_space<hbm>>
      tpu.wait_dma2 semaphore(%arg21 : memref<!tpu.dma_semaphore, #tpu.memory_space<semaphore_mem>>) src(%dma_wait3A_1171 : memref<96x128xf32, #tpu.memory_space<hbm>>) dst(%arg13 : memref<96x128xf32, #tpu.memory_space<vmem>>)
      %slice3A_1172 = vector.extract_strided_slice %get3A_31 {offsets = [9], sizes = [1], strides = [1]} : vector<16xi32> to vector<1xi32>
      %squeeze3A_1173 = vector.extract %slice3A_1172[0] : i32 from vector<1xi32>
      %jit3A_1174 = arith.constant 128 : i32
      %div3A_1175 = arith.divsi %squeeze3A_1173, %jit3A_1174 : i32
      %sign3A_1176 = arith.constant 0 : i32
      %sign3A_1177 = arith.cmpi sgt, %squeeze3A_1173, %sign3A_1176 : i32
      %sign3A_1178 = arith.extui %sign3A_1177 : i1 to i32
      %sign3A_1179 = arith.constant 0 : i32
      %sign3A_1180 = arith.cmpi slt, %squeeze3A_1173, %sign3A_1179 : i32
      %sign3A_1181 = arith.extui %sign3A_1180 : i1 to i32
      %sign3A_1182 = arith.subi %sign3A_1178, %sign3A_1181 : i32
      %sign3A_1183 = arith.constant 0 : i32
      %sign3A_1184 = arith.cmpi sgt, %jit3A_1174, %sign3A_1183 : i32
      %sign3A_1185 = arith.extui %sign3A_1184 : i1 to i32
      %sign3A_1186 = arith.constant 0 : i32
      %sign3A_1187 = arith.cmpi slt, %jit3A_1174, %sign3A_1186 : i32
      %sign3A_1188 = arith.extui %sign3A_1187 : i1 to i32
      %sign3A_1189 = arith.subi %sign3A_1185, %sign3A_1188 : i32
      %ne3A_1190 = arith.cmpi ne, %sign3A_1182, %sign3A_1189 : i32
      %rem3A_1191 = arith.remsi %squeeze3A_1173, %jit3A_1174 : i32
      %ne3A_1192 = arith.constant 0 : i32
      %ne3A_1193 = arith.cmpi ne, %rem3A_1191, %ne3A_1192 : i32
      %and3A_1194 = arith.andi %ne3A_1190, %ne3A_1193 : i1
      %sub3A_1195 = arith.constant 1 : i32
      %sub3A_1196 = arith.subi %div3A_1175, %sub3A_1195 : i32
      %select_n3A_1197 = arith.select %and3A_1194, %sub3A_1196, %div3A_1175 : i32
      %mul3A_1198 = arith.constant 128 : i32
      %mul3A_1199 = arith.muli %select_n3A_1197, %mul3A_1198 : i32
      %sub3A_1200 = arith.subi %squeeze3A_1173, %mul3A_1199 : i32
      %broadcast_in_dim3A_1201 = vector.broadcast %sub3A_1200 : i32 to vector<16xi32>
      %mul3A_1202 = arith.constant 16 : i32
      %mul3A_1203 = arith.muli %scan3A_28, %mul3A_1202 : i32
      %add3A_1204 = arith.constant 9 : i32
      %add3A_1205 = arith.addi %mul3A_1203, %add3A_1204 : i32
      %broadcast_in_dim3A_1206 = vector.broadcast %add3A_1205 : i32 to vector<16xi32>
      %iota3A_1207 = tpu.iota {dimensions = array<i32: 0>} : vector<16xi32>
      %add3A_1208 = arith.constant 0 : i32
      %add3A_1209 = vector.broadcast %add3A_1208 : i32 to vector<16xi32>
      %add3A_1210 = arith.addi %add3A_1209, %iota3A_1207 : vector<16xi32>
      %gather3A_1211 = tpu.vector_load_idx %arg13[%add3A_1210, %broadcast_in_dim3A_1201] : memref<96x128xf32, #tpu.memory_space<vmem>>[vector<16xi32>, vector<16xi32>], vector<16xf32>,
      tpu.vector_store_idx %arg11[%add3A_1210, %broadcast_in_dim3A_1206], %gather3A_1211 : memref<96x128xf32, #tpu.memory_space<vmem>>[vector<16xi32>, vector<16xi32>], vector<16xf32>,
      %iota3A_1212 = tpu.iota {dimensions = array<i32: 0>} : vector<16xi32>
      %add3A_1213 = arith.constant 16 : i32
      %add3A_1214 = vector.broadcast %add3A_1213 : i32 to vector<16xi32>
      %add3A_1215 = arith.addi %add3A_1214, %iota3A_1212 : vector<16xi32>
      %gather3A_1216 = tpu.vector_load_idx %arg13[%add3A_1215, %broadcast_in_dim3A_1201] : memref<96x128xf32, #tpu.memory_space<vmem>>[vector<16xi32>, vector<16xi32>], vector<16xf32>,
      tpu.vector_store_idx %arg11[%add3A_1215, %broadcast_in_dim3A_1206], %gather3A_1216 : memref<96x128xf32, #tpu.memory_space<vmem>>[vector<16xi32>, vector<16xi32>], vector<16xf32>,
      %iota3A_1217 = tpu.iota {dimensions = array<i32: 0>} : vector<16xi32>
      %add3A_1218 = arith.constant 32 : i32
      %add3A_1219 = vector.broadcast %add3A_1218 : i32 to vector<16xi32>
      %add3A_1220 = arith.addi %add3A_1219, %iota3A_1217 : vector<16xi32>
      %gather3A_1221 = tpu.vector_load_idx %arg13[%add3A_1220, %broadcast_in_dim3A_1201] : memref<96x128xf32, #tpu.memory_space<vmem>>[vector<16xi32>, vector<16xi32>], vector<16xf32>,
      tpu.vector_store_idx %arg11[%add3A_1220, %broadcast_in_dim3A_1206], %gather3A_1221 : memref<96x128xf32, #tpu.memory_space<vmem>>[vector<16xi32>, vector<16xi32>], vector<16xf32>,
      %iota3A_1222 = tpu.iota {dimensions = array<i32: 0>} : vector<16xi32>
      %add3A_1223 = arith.constant 48 : i32
      %add3A_1224 = vector.broadcast %add3A_1223 : i32 to vector<16xi32>
      %add3A_1225 = arith.addi %add3A_1224, %iota3A_1222 : vector<16xi32>
      %gather3A_1226 = tpu.vector_load_idx %arg13[%add3A_1225, %broadcast_in_dim3A_1201] : memref<96x128xf32, #tpu.memory_space<vmem>>[vector<16xi32>, vector<16xi32>], vector<16xf32>,
      tpu.vector_store_idx %arg11[%add3A_1225, %broadcast_in_dim3A_1206], %gather3A_1226 : memref<96x128xf32, #tpu.memory_space<vmem>>[vector<16xi32>, vector<16xi32>], vector<16xf32>,
      %iota3A_1227 = tpu.iota {dimensions = array<i32: 0>} : vector<16xi32>
      %add3A_1228 = arith.constant 64 : i32
      %add3A_1229 = vector.broadcast %add3A_1228 : i32 to vector<16xi32>
      %add3A_1230 = arith.addi %add3A_1229, %iota3A_1227 : vector<16xi32>
      %gather3A_1231 = tpu.vector_load_idx %arg13[%add3A_1230, %broadcast_in_dim3A_1201] : memref<96x128xf32, #tpu.memory_space<vmem>>[vector<16xi32>, vector<16xi32>], vector<16xf32>,
      tpu.vector_store_idx %arg11[%add3A_1230, %broadcast_in_dim3A_1206], %gather3A_1231 : memref<96x128xf32, #tpu.memory_space<vmem>>[vector<16xi32>, vector<16xi32>], vector<16xf32>,
      %iota3A_1232 = tpu.iota {dimensions = array<i32: 0>} : vector<16xi32>
      %add3A_1233 = arith.constant 80 : i32
      %add3A_1234 = vector.broadcast %add3A_1233 : i32 to vector<16xi32>
      %add3A_1235 = arith.addi %add3A_1234, %iota3A_1232 : vector<16xi32>
      %gather3A_1236 = tpu.vector_load_idx %arg13[%add3A_1235, %broadcast_in_dim3A_1201] : memref<96x128xf32, #tpu.memory_space<vmem>>[vector<16xi32>, vector<16xi32>], vector<16xf32>,
      tpu.vector_store_idx %arg11[%add3A_1235, %broadcast_in_dim3A_1206], %gather3A_1236 : memref<96x128xf32, #tpu.memory_space<vmem>>[vector<16xi32>, vector<16xi32>], vector<16xf32>,
      %dma_wait3A_1237 = arith.constant 0 : i32
      %dma_wait3A_1238 = tpu.memref_slice %arg3[%dma_wait3A_1237, %multiple_of3A_584] : memref<96x1000001xf32, #tpu.memory_space<hbm>> -> memref<96x128xf32, #tpu.memory_space<hbm>>
      %dma_wait3A_1239 = arith.constant 0 : i32
      %dma_wait3A_1240 = tpu.memref_slice %arg3[%dma_wait3A_1239, %multiple_of3A_584] : memref<96x1000001xf32, #tpu.memory_space<hbm>> -> memref<96x128xf32, #tpu.memory_space<hbm>>
      tpu.wait_dma2 semaphore(%arg22 : memref<!tpu.dma_semaphore, #tpu.memory_space<semaphore_mem>>) src(%dma_wait3A_1240 : memref<96x128xf32, #tpu.memory_space<hbm>>) dst(%arg14 : memref<96x128xf32, #tpu.memory_space<vmem>>)
      %slice3A_1241 = vector.extract_strided_slice %get3A_31 {offsets = [10], sizes = [1], strides = [1]} : vector<16xi32> to vector<1xi32>
      %squeeze3A_1242 = vector.extract %slice3A_1241[0] : i32 from vector<1xi32>
      %jit3A_1243 = arith.constant 128 : i32
      %div3A_1244 = arith.divsi %squeeze3A_1242, %jit3A_1243 : i32
      %sign3A_1245 = arith.constant 0 : i32
      %sign3A_1246 = arith.cmpi sgt, %squeeze3A_1242, %sign3A_1245 : i32
      %sign3A_1247 = arith.extui %sign3A_1246 : i1 to i32
      %sign3A_1248 = arith.constant 0 : i32
      %sign3A_1249 = arith.cmpi slt, %squeeze3A_1242, %sign3A_1248 : i32
      %sign3A_1250 = arith.extui %sign3A_1249 : i1 to i32
      %sign3A_1251 = arith.subi %sign3A_1247, %sign3A_1250 : i32
      %sign3A_1252 = arith.constant 0 : i32
      %sign3A_1253 = arith.cmpi sgt, %jit3A_1243, %sign3A_1252 : i32
      %sign3A_1254 = arith.extui %sign3A_1253 : i1 to i32
      %sign3A_1255 = arith.constant 0 : i32
      %sign3A_1256 = arith.cmpi slt, %jit3A_1243, %sign3A_1255 : i32
      %sign3A_1257 = arith.extui %sign3A_1256 : i1 to i32
      %sign3A_1258 = arith.subi %sign3A_1254, %sign3A_1257 : i32
      %ne3A_1259 = arith.cmpi ne, %sign3A_1251, %sign3A_1258 : i32
      %rem3A_1260 = arith.remsi %squeeze3A_1242, %jit3A_1243 : i32
      %ne3A_1261 = arith.constant 0 : i32
      %ne3A_1262 = arith.cmpi ne, %rem3A_1260, %ne3A_1261 : i32
      %and3A_1263 = arith.andi %ne3A_1259, %ne3A_1262 : i1
      %sub3A_1264 = arith.constant 1 : i32
      %sub3A_1265 = arith.subi %div3A_1244, %sub3A_1264 : i32
      %select_n3A_1266 = arith.select %and3A_1263, %sub3A_1265, %div3A_1244 : i32
      %mul3A_1267 = arith.constant 128 : i32
      %mul3A_1268 = arith.muli %select_n3A_1266, %mul3A_1267 : i32
      %sub3A_1269 = arith.subi %squeeze3A_1242, %mul3A_1268 : i32
      %broadcast_in_dim3A_1270 = vector.broadcast %sub3A_1269 : i32 to vector<16xi32>
      %mul3A_1271 = arith.constant 16 : i32
      %mul3A_1272 = arith.muli %scan3A_28, %mul3A_1271 : i32
      %add3A_1273 = arith.constant 10 : i32
      %add3A_1274 = arith.addi %mul3A_1272, %add3A_1273 : i32
      %broadcast_in_dim3A_1275 = vector.broadcast %add3A_1274 : i32 to vector<16xi32>
      %iota3A_1276 = tpu.iota {dimensions = array<i32: 0>} : vector<16xi32>
      %add3A_1277 = arith.constant 0 : i32
      %add3A_1278 = vector.broadcast %add3A_1277 : i32 to vector<16xi32>
      %add3A_1279 = arith.addi %add3A_1278, %iota3A_1276 : vector<16xi32>
      %gather3A_1280 = tpu.vector_load_idx %arg14[%add3A_1279, %broadcast_in_dim3A_1270] : memref<96x128xf32, #tpu.memory_space<vmem>>[vector<16xi32>, vector<16xi32>], vector<16xf32>,
      tpu.vector_store_idx %arg11[%add3A_1279, %broadcast_in_dim3A_1275], %gather3A_1280 : memref<96x128xf32, #tpu.memory_space<vmem>>[vector<16xi32>, vector<16xi32>], vector<16xf32>,
      %iota3A_1281 = tpu.iota {dimensions = array<i32: 0>} : vector<16xi32>
      %add3A_1282 = arith.constant 16 : i32
      %add3A_1283 = vector.broadcast %add3A_1282 : i32 to vector<16xi32>
      %add3A_1284 = arith.addi %add3A_1283, %iota3A_1281 : vector<16xi32>
      %gather3A_1285 = tpu.vector_load_idx %arg14[%add3A_1284, %broadcast_in_dim3A_1270] : memref<96x128xf32, #tpu.memory_space<vmem>>[vector<16xi32>, vector<16xi32>], vector<16xf32>,
      tpu.vector_store_idx %arg11[%add3A_1284, %broadcast_in_dim3A_1275], %gather3A_1285 : memref<96x128xf32, #tpu.memory_space<vmem>>[vector<16xi32>, vector<16xi32>], vector<16xf32>,
      %iota3A_1286 = tpu.iota {dimensions = array<i32: 0>} : vector<16xi32>
      %add3A_1287 = arith.constant 32 : i32
      %add3A_1288 = vector.broadcast %add3A_1287 : i32 to vector<16xi32>
      %add3A_1289 = arith.addi %add3A_1288, %iota3A_1286 : vector<16xi32>
      %gather3A_1290 = tpu.vector_load_idx %arg14[%add3A_1289, %broadcast_in_dim3A_1270] : memref<96x128xf32, #tpu.memory_space<vmem>>[vector<16xi32>, vector<16xi32>], vector<16xf32>,
      tpu.vector_store_idx %arg11[%add3A_1289, %broadcast_in_dim3A_1275], %gather3A_1290 : memref<96x128xf32, #tpu.memory_space<vmem>>[vector<16xi32>, vector<16xi32>], vector<16xf32>,
      %iota3A_1291 = tpu.iota {dimensions = array<i32: 0>} : vector<16xi32>
      %add3A_1292 = arith.constant 48 : i32
      %add3A_1293 = vector.broadcast %add3A_1292 : i32 to vector<16xi32>
      %add3A_1294 = arith.addi %add3A_1293, %iota3A_1291 : vector<16xi32>
      %gather3A_1295 = tpu.vector_load_idx %arg14[%add3A_1294, %broadcast_in_dim3A_1270] : memref<96x128xf32, #tpu.memory_space<vmem>>[vector<16xi32>, vector<16xi32>], vector<16xf32>,
      tpu.vector_store_idx %arg11[%add3A_1294, %broadcast_in_dim3A_1275], %gather3A_1295 : memref<96x128xf32, #tpu.memory_space<vmem>>[vector<16xi32>, vector<16xi32>], vector<16xf32>,
      %iota3A_1296 = tpu.iota {dimensions = array<i32: 0>} : vector<16xi32>
      %add3A_1297 = arith.constant 64 : i32
      %add3A_1298 = vector.broadcast %add3A_1297 : i32 to vector<16xi32>
      %add3A_1299 = arith.addi %add3A_1298, %iota3A_1296 : vector<16xi32>
      %gather3A_1300 = tpu.vector_load_idx %arg14[%add3A_1299, %broadcast_in_dim3A_1270] : memref<96x128xf32, #tpu.memory_space<vmem>>[vector<16xi32>, vector<16xi32>], vector<16xf32>,
      tpu.vector_store_idx %arg11[%add3A_1299, %broadcast_in_dim3A_1275], %gather3A_1300 : memref<96x128xf32, #tpu.memory_space<vmem>>[vector<16xi32>, vector<16xi32>], vector<16xf32>,
      %iota3A_1301 = tpu.iota {dimensions = array<i32: 0>} : vector<16xi32>
      %add3A_1302 = arith.constant 80 : i32
      %add3A_1303 = vector.broadcast %add3A_1302 : i32 to vector<16xi32>
      %add3A_1304 = arith.addi %add3A_1303, %iota3A_1301 : vector<16xi32>
      %gather3A_1305 = tpu.vector_load_idx %arg14[%add3A_1304, %broadcast_in_dim3A_1270] : memref<96x128xf32, #tpu.memory_space<vmem>>[vector<16xi32>, vector<16xi32>], vector<16xf32>,
      tpu.vector_store_idx %arg11[%add3A_1304, %broadcast_in_dim3A_1275], %gather3A_1305 : memref<96x128xf32, #tpu.memory_space<vmem>>[vector<16xi32>, vector<16xi32>], vector<16xf32>,
      %dma_wait3A_1306 = arith.constant 0 : i32
      %dma_wait3A_1307 = tpu.memref_slice %arg3[%dma_wait3A_1306, %multiple_of3A_686] : memref<96x1000001xf32, #tpu.memory_space<hbm>> -> memref<96x128xf32, #tpu.memory_space<hbm>>
      %dma_wait3A_1308 = arith.constant 0 : i32
      %dma_wait3A_1309 = tpu.memref_slice %arg3[%dma_wait3A_1308, %multiple_of3A_686] : memref<96x1000001xf32, #tpu.memory_space<hbm>> -> memref<96x128xf32, #tpu.memory_space<hbm>>
      tpu.wait_dma2 semaphore(%arg23 : memref<!tpu.dma_semaphore, #tpu.memory_space<semaphore_mem>>) src(%dma_wait3A_1309 : memref<96x128xf32, #tpu.memory_space<hbm>>) dst(%arg15 : memref<96x128xf32, #tpu.memory_space<vmem>>)
      %slice3A_1310 = vector.extract_strided_slice %get3A_31 {offsets = [11], sizes = [1], strides = [1]} : vector<16xi32> to vector<1xi32>
      %squeeze3A_1311 = vector.extract %slice3A_1310[0] : i32 from vector<1xi32>
      %jit3A_1312 = arith.constant 128 : i32
      %div3A_1313 = arith.divsi %squeeze3A_1311, %jit3A_1312 : i32
      %sign3A_1314 = arith.constant 0 : i32
      %sign3A_1315 = arith.cmpi sgt, %squeeze3A_1311, %sign3A_1314 : i32
      %sign3A_1316 = arith.extui %sign3A_1315 : i1 to i32
      %sign3A_1317 = arith.constant 0 : i32
      %sign3A_1318 = arith.cmpi slt, %squeeze3A_1311, %sign3A_1317 : i32
      %sign3A_1319 = arith.extui %sign3A_1318 : i1 to i32
      %sign3A_1320 = arith.subi %sign3A_1316, %sign3A_1319 : i32
      %sign3A_1321 = arith.constant 0 : i32
      %sign3A_1322 = arith.cmpi sgt, %jit3A_1312, %sign3A_1321 : i32
      %sign3A_1323 = arith.extui %sign3A_1322 : i1 to i32
      %sign3A_1324 = arith.constant 0 : i32
      %sign3A_1325 = arith.cmpi slt, %jit3A_1312, %sign3A_1324 : i32
      %sign3A_1326 = arith.extui %sign3A_1325 : i1 to i32
      %sign3A_1327 = arith.subi %sign3A_1323, %sign3A_1326 : i32
      %ne3A_1328 = arith.cmpi ne, %sign3A_1320, %sign3A_1327 : i32
      %rem3A_1329 = arith.remsi %squeeze3A_1311, %jit3A_1312 : i32
      %ne3A_1330 = arith.constant 0 : i32
      %ne3A_1331 = arith.cmpi ne, %rem3A_1329, %ne3A_1330 : i32
      %and3A_1332 = arith.andi %ne3A_1328, %ne3A_1331 : i1
      %sub3A_1333 = arith.constant 1 : i32
      %sub3A_1334 = arith.subi %div3A_1313, %sub3A_1333 : i32
      %select_n3A_1335 = arith.select %and3A_1332, %sub3A_1334, %div3A_1313 : i32
      %mul3A_1336 = arith.constant 128 : i32
      %mul3A_1337 = arith.muli %select_n3A_1335, %mul3A_1336 : i32
      %sub3A_1338 = arith.subi %squeeze3A_1311, %mul3A_1337 : i32
      %broadcast_in_dim3A_1339 = vector.broadcast %sub3A_1338 : i32 to vector<16xi32>
      %mul3A_1340 = arith.constant 16 : i32
      %mul3A_1341 = arith.muli %scan3A_28, %mul3A_1340 : i32
      %add3A_1342 = arith.constant 11 : i32
      %add3A_1343 = arith.addi %mul3A_1341, %add3A_1342 : i32
      %broadcast_in_dim3A_1344 = vector.broadcast %add3A_1343 : i32 to vector<16xi32>
      %iota3A_1345 = tpu.iota {dimensions = array<i32: 0>} : vector<16xi32>
      %add3A_1346 = arith.constant 0 : i32
      %add3A_1347 = vector.broadcast %add3A_1346 : i32 to vector<16xi32>
      %add3A_1348 = arith.addi %add3A_1347, %iota3A_1345 : vector<16xi32>
      %gather3A_1349 = tpu.vector_load_idx %arg15[%add3A_1348, %broadcast_in_dim3A_1339] : memref<96x128xf32, #tpu.memory_space<vmem>>[vector<16xi32>, vector<16xi32>], vector<16xf32>,
      tpu.vector_store_idx %arg11[%add3A_1348, %broadcast_in_dim3A_1344], %gather3A_1349 : memref<96x128xf32, #tpu.memory_space<vmem>>[vector<16xi32>, vector<16xi32>], vector<16xf32>,
      %iota3A_1350 = tpu.iota {dimensions = array<i32: 0>} : vector<16xi32>
      %add3A_1351 = arith.constant 16 : i32
      %add3A_1352 = vector.broadcast %add3A_1351 : i32 to vector<16xi32>
      %add3A_1353 = arith.addi %add3A_1352, %iota3A_1350 : vector<16xi32>
      %gather3A_1354 = tpu.vector_load_idx %arg15[%add3A_1353, %broadcast_in_dim3A_1339] : memref<96x128xf32, #tpu.memory_space<vmem>>[vector<16xi32>, vector<16xi32>], vector<16xf32>,
      tpu.vector_store_idx %arg11[%add3A_1353, %broadcast_in_dim3A_1344], %gather3A_1354 : memref<96x128xf32, #tpu.memory_space<vmem>>[vector<16xi32>, vector<16xi32>], vector<16xf32>,
      %iota3A_1355 = tpu.iota {dimensions = array<i32: 0>} : vector<16xi32>
      %add3A_1356 = arith.constant 32 : i32
      %add3A_1357 = vector.broadcast %add3A_1356 : i32 to vector<16xi32>
      %add3A_1358 = arith.addi %add3A_1357, %iota3A_1355 : vector<16xi32>
      %gather3A_1359 = tpu.vector_load_idx %arg15[%add3A_1358, %broadcast_in_dim3A_1339] : memref<96x128xf32, #tpu.memory_space<vmem>>[vector<16xi32>, vector<16xi32>], vector<16xf32>,
      tpu.vector_store_idx %arg11[%add3A_1358, %broadcast_in_dim3A_1344], %gather3A_1359 : memref<96x128xf32, #tpu.memory_space<vmem>>[vector<16xi32>, vector<16xi32>], vector<16xf32>,
      %iota3A_1360 = tpu.iota {dimensions = array<i32: 0>} : vector<16xi32>
      %add3A_1361 = arith.constant 48 : i32
      %add3A_1362 = vector.broadcast %add3A_1361 : i32 to vector<16xi32>
      %add3A_1363 = arith.addi %add3A_1362, %iota3A_1360 : vector<16xi32>
      %gather3A_1364 = tpu.vector_load_idx %arg15[%add3A_1363, %broadcast_in_dim3A_1339] : memref<96x128xf32, #tpu.memory_space<vmem>>[vector<16xi32>, vector<16xi32>], vector<16xf32>,
      tpu.vector_store_idx %arg11[%add3A_1363, %broadcast_in_dim3A_1344], %gather3A_1364 : memref<96x128xf32, #tpu.memory_space<vmem>>[vector<16xi32>, vector<16xi32>], vector<16xf32>,
      %iota3A_1365 = tpu.iota {dimensions = array<i32: 0>} : vector<16xi32>
      %add3A_1366 = arith.constant 64 : i32
      %add3A_1367 = vector.broadcast %add3A_1366 : i32 to vector<16xi32>
      %add3A_1368 = arith.addi %add3A_1367, %iota3A_1365 : vector<16xi32>
      %gather3A_1369 = tpu.vector_load_idx %arg15[%add3A_1368, %broadcast_in_dim3A_1339] : memref<96x128xf32, #tpu.memory_space<vmem>>[vector<16xi32>, vector<16xi32>], vector<16xf32>,
      tpu.vector_store_idx %arg11[%add3A_1368, %broadcast_in_dim3A_1344], %gather3A_1369 : memref<96x128xf32, #tpu.memory_space<vmem>>[vector<16xi32>, vector<16xi32>], vector<16xf32>,
      %iota3A_1370 = tpu.iota {dimensions = array<i32: 0>} : vector<16xi32>
      %add3A_1371 = arith.constant 80 : i32
      %add3A_1372 = vector.broadcast %add3A_1371 : i32 to vector<16xi32>
      %add3A_1373 = arith.addi %add3A_1372, %iota3A_1370 : vector<16xi32>
      %gather3A_1374 = tpu.vector_load_idx %arg15[%add3A_1373, %broadcast_in_dim3A_1339] : memref<96x128xf32, #tpu.memory_space<vmem>>[vector<16xi32>, vector<16xi32>], vector<16xf32>,
      tpu.vector_store_idx %arg11[%add3A_1373, %broadcast_in_dim3A_1344], %gather3A_1374 : memref<96x128xf32, #tpu.memory_space<vmem>>[vector<16xi32>, vector<16xi32>], vector<16xf32>,
      %dma_wait3A_1375 = arith.constant 0 : i32
      %dma_wait3A_1376 = tpu.memref_slice %arg3[%dma_wait3A_1375, %multiple_of3A_788] : memref<96x1000001xf32, #tpu.memory_space<hbm>> -> memref<96x128xf32, #tpu.memory_space<hbm>>
      %dma_wait3A_1377 = arith.constant 0 : i32
      %dma_wait3A_1378 = tpu.memref_slice %arg3[%dma_wait3A_1377, %multiple_of3A_788] : memref<96x1000001xf32, #tpu.memory_space<hbm>> -> memref<96x128xf32, #tpu.memory_space<hbm>>
      tpu.wait_dma2 semaphore(%arg24 : memref<!tpu.dma_semaphore, #tpu.memory_space<semaphore_mem>>) src(%dma_wait3A_1378 : memref<96x128xf32, #tpu.memory_space<hbm>>) dst(%arg16 : memref<96x128xf32, #tpu.memory_space<vmem>>)
      %slice3A_1379 = vector.extract_strided_slice %get3A_31 {offsets = [12], sizes = [1], strides = [1]} : vector<16xi32> to vector<1xi32>
      %squeeze3A_1380 = vector.extract %slice3A_1379[0] : i32 from vector<1xi32>
      %jit3A_1381 = arith.constant 128 : i32
      %div3A_1382 = arith.divsi %squeeze3A_1380, %jit3A_1381 : i32
      %sign3A_1383 = arith.constant 0 : i32
      %sign3A_1384 = arith.cmpi sgt, %squeeze3A_1380, %sign3A_1383 : i32
      %sign3A_1385 = arith.extui %sign3A_1384 : i1 to i32
      %sign3A_1386 = arith.constant 0 : i32
      %sign3A_1387 = arith.cmpi slt, %squeeze3A_1380, %sign3A_1386 : i32
      %sign3A_1388 = arith.extui %sign3A_1387 : i1 to i32
      %sign3A_1389 = arith.subi %sign3A_1385, %sign3A_1388 : i32
      %sign3A_1390 = arith.constant 0 : i32
      %sign3A_1391 = arith.cmpi sgt, %jit3A_1381, %sign3A_1390 : i32
      %sign3A_1392 = arith.extui %sign3A_1391 : i1 to i32
      %sign3A_1393 = arith.constant 0 : i32
      %sign3A_1394 = arith.cmpi slt, %jit3A_1381, %sign3A_1393 : i32
      %sign3A_1395 = arith.extui %sign3A_1394 : i1 to i32
      %sign3A_1396 = arith.subi %sign3A_1392, %sign3A_1395 : i32
      %ne3A_1397 = arith.cmpi ne, %sign3A_1389, %sign3A_1396 : i32
      %rem3A_1398 = arith.remsi %squeeze3A_1380, %jit3A_1381 : i32
      %ne3A_1399 = arith.constant 0 : i32
      %ne3A_1400 = arith.cmpi ne, %rem3A_1398, %ne3A_1399 : i32
      %and3A_1401 = arith.andi %ne3A_1397, %ne3A_1400 : i1
      %sub3A_1402 = arith.constant 1 : i32
      %sub3A_1403 = arith.subi %div3A_1382, %sub3A_1402 : i32
      %select_n3A_1404 = arith.select %and3A_1401, %sub3A_1403, %div3A_1382 : i32
      %mul3A_1405 = arith.constant 128 : i32
      %mul3A_1406 = arith.muli %select_n3A_1404, %mul3A_1405 : i32
      %sub3A_1407 = arith.subi %squeeze3A_1380, %mul3A_1406 : i32
      %broadcast_in_dim3A_1408 = vector.broadcast %sub3A_1407 : i32 to vector<16xi32>
      %mul3A_1409 = arith.constant 16 : i32
      %mul3A_1410 = arith.muli %scan3A_28, %mul3A_1409 : i32
      %add3A_1411 = arith.constant 12 : i32
      %add3A_1412 = arith.addi %mul3A_1410, %add3A_1411 : i32
      %broadcast_in_dim3A_1413 = vector.broadcast %add3A_1412 : i32 to vector<16xi32>
      %iota3A_1414 = tpu.iota {dimensions = array<i32: 0>} : vector<16xi32>
      %add3A_1415 = arith.constant 0 : i32
      %add3A_1416 = vector.broadcast %add3A_1415 : i32 to vector<16xi32>
      %add3A_1417 = arith.addi %add3A_1416, %iota3A_1414 : vector<16xi32>
      %gather3A_1418 = tpu.vector_load_idx %arg16[%add3A_1417, %broadcast_in_dim3A_1408] : memref<96x128xf32, #tpu.memory_space<vmem>>[vector<16xi32>, vector<16xi32>], vector<16xf32>,
      tpu.vector_store_idx %arg11[%add3A_1417, %broadcast_in_dim3A_1413], %gather3A_1418 : memref<96x128xf32, #tpu.memory_space<vmem>>[vector<16xi32>, vector<16xi32>], vector<16xf32>,
      %iota3A_1419 = tpu.iota {dimensions = array<i32: 0>} : vector<16xi32>
      %add3A_1420 = arith.constant 16 : i32
      %add3A_1421 = vector.broadcast %add3A_1420 : i32 to vector<16xi32>
      %add3A_1422 = arith.addi %add3A_1421, %iota3A_1419 : vector<16xi32>
      %gather3A_1423 = tpu.vector_load_idx %arg16[%add3A_1422, %broadcast_in_dim3A_1408] : memref<96x128xf32, #tpu.memory_space<vmem>>[vector<16xi32>, vector<16xi32>], vector<16xf32>,
      tpu.vector_store_idx %arg11[%add3A_1422, %broadcast_in_dim3A_1413], %gather3A_1423 : memref<96x128xf32, #tpu.memory_space<vmem>>[vector<16xi32>, vector<16xi32>], vector<16xf32>,
      %iota3A_1424 = tpu.iota {dimensions = array<i32: 0>} : vector<16xi32>
      %add3A_1425 = arith.constant 32 : i32
      %add3A_1426 = vector.broadcast %add3A_1425 : i32 to vector<16xi32>
      %add3A_1427 = arith.addi %add3A_1426, %iota3A_1424 : vector<16xi32>
      %gather3A_1428 = tpu.vector_load_idx %arg16[%add3A_1427, %broadcast_in_dim3A_1408] : memref<96x128xf32, #tpu.memory_space<vmem>>[vector<16xi32>, vector<16xi32>], vector<16xf32>,
      tpu.vector_store_idx %arg11[%add3A_1427, %broadcast_in_dim3A_1413], %gather3A_1428 : memref<96x128xf32, #tpu.memory_space<vmem>>[vector<16xi32>, vector<16xi32>], vector<16xf32>,
      %iota3A_1429 = tpu.iota {dimensions = array<i32: 0>} : vector<16xi32>
      %add3A_1430 = arith.constant 48 : i32
      %add3A_1431 = vector.broadcast %add3A_1430 : i32 to vector<16xi32>
      %add3A_1432 = arith.addi %add3A_1431, %iota3A_1429 : vector<16xi32>
      %gather3A_1433 = tpu.vector_load_idx %arg16[%add3A_1432, %broadcast_in_dim3A_1408] : memref<96x128xf32, #tpu.memory_space<vmem>>[vector<16xi32>, vector<16xi32>], vector<16xf32>,
      tpu.vector_store_idx %arg11[%add3A_1432, %broadcast_in_dim3A_1413], %gather3A_1433 : memref<96x128xf32, #tpu.memory_space<vmem>>[vector<16xi32>, vector<16xi32>], vector<16xf32>,
      %iota3A_1434 = tpu.iota {dimensions = array<i32: 0>} : vector<16xi32>
      %add3A_1435 = arith.constant 64 : i32
      %add3A_1436 = vector.broadcast %add3A_1435 : i32 to vector<16xi32>
      %add3A_1437 = arith.addi %add3A_1436, %iota3A_1434 : vector<16xi32>
      %gather3A_1438 = tpu.vector_load_idx %arg16[%add3A_1437, %broadcast_in_dim3A_1408] : memref<96x128xf32, #tpu.memory_space<vmem>>[vector<16xi32>, vector<16xi32>], vector<16xf32>,
      tpu.vector_store_idx %arg11[%add3A_1437, %broadcast_in_dim3A_1413], %gather3A_1438 : memref<96x128xf32, #tpu.memory_space<vmem>>[vector<16xi32>, vector<16xi32>], vector<16xf32>,
      %iota3A_1439 = tpu.iota {dimensions = array<i32: 0>} : vector<16xi32>
      %add3A_1440 = arith.constant 80 : i32
      %add3A_1441 = vector.broadcast %add3A_1440 : i32 to vector<16xi32>
      %add3A_1442 = arith.addi %add3A_1441, %iota3A_1439 : vector<16xi32>
      %gather3A_1443 = tpu.vector_load_idx %arg16[%add3A_1442, %broadcast_in_dim3A_1408] : memref<96x128xf32, #tpu.memory_space<vmem>>[vector<16xi32>, vector<16xi32>], vector<16xf32>,
      tpu.vector_store_idx %arg11[%add3A_1442, %broadcast_in_dim3A_1413], %gather3A_1443 : memref<96x128xf32, #tpu.memory_space<vmem>>[vector<16xi32>, vector<16xi32>], vector<16xf32>,
      %dma_wait3A_1444 = arith.constant 0 : i32
      %dma_wait3A_1445 = tpu.memref_slice %arg3[%dma_wait3A_1444, %multiple_of3A_890] : memref<96x1000001xf32, #tpu.memory_space<hbm>> -> memref<96x128xf32, #tpu.memory_space<hbm>>
      %dma_wait3A_1446 = arith.constant 0 : i32
      %dma_wait3A_1447 = tpu.memref_slice %arg3[%dma_wait3A_1446, %multiple_of3A_890] : memref<96x1000001xf32, #tpu.memory_space<hbm>> -> memref<96x128xf32, #tpu.memory_space<hbm>>
      tpu.wait_dma2 semaphore(%arg25 : memref<!tpu.dma_semaphore, #tpu.memory_space<semaphore_mem>>) src(%dma_wait3A_1447 : memref<96x128xf32, #tpu.memory_space<hbm>>) dst(%arg17 : memref<96x128xf32, #tpu.memory_space<vmem>>)
      %slice3A_1448 = vector.extract_strided_slice %get3A_31 {offsets = [13], sizes = [1], strides = [1]} : vector<16xi32> to vector<1xi32>
      %squeeze3A_1449 = vector.extract %slice3A_1448[0] : i32 from vector<1xi32>
      %jit3A_1450 = arith.constant 128 : i32
      %div3A_1451 = arith.divsi %squeeze3A_1449, %jit3A_1450 : i32
      %sign3A_1452 = arith.constant 0 : i32
      %sign3A_1453 = arith.cmpi sgt, %squeeze3A_1449, %sign3A_1452 : i32
      %sign3A_1454 = arith.extui %sign3A_1453 : i1 to i32
      %sign3A_1455 = arith.constant 0 : i32
      %sign3A_1456 = arith.cmpi slt, %squeeze3A_1449, %sign3A_1455 : i32
      %sign3A_1457 = arith.extui %sign3A_1456 : i1 to i32
      %sign3A_1458 = arith.subi %sign3A_1454, %sign3A_1457 : i32
      %sign3A_1459 = arith.constant 0 : i32
      %sign3A_1460 = arith.cmpi sgt, %jit3A_1450, %sign3A_1459 : i32
      %sign3A_1461 = arith.extui %sign3A_1460 : i1 to i32
      %sign3A_1462 = arith.constant 0 : i32
      %sign3A_1463 = arith.cmpi slt, %jit3A_1450, %sign3A_1462 : i32
      %sign3A_1464 = arith.extui %sign3A_1463 : i1 to i32
      %sign3A_1465 = arith.subi %sign3A_1461, %sign3A_1464 : i32
      %ne3A_1466 = arith.cmpi ne, %sign3A_1458, %sign3A_1465 : i32
      %rem3A_1467 = arith.remsi %squeeze3A_1449, %jit3A_1450 : i32
      %ne3A_1468 = arith.constant 0 : i32
      %ne3A_1469 = arith.cmpi ne, %rem3A_1467, %ne3A_1468 : i32
      %and3A_1470 = arith.andi %ne3A_1466, %ne3A_1469 : i1
      %sub3A_1471 = arith.constant 1 : i32
      %sub3A_1472 = arith.subi %div3A_1451, %sub3A_1471 : i32
      %select_n3A_1473 = arith.select %and3A_1470, %sub3A_1472, %div3A_1451 : i32
      %mul3A_1474 = arith.constant 128 : i32
      %mul3A_1475 = arith.muli %select_n3A_1473, %mul3A_1474 : i32
      %sub3A_1476 = arith.subi %squeeze3A_1449, %mul3A_1475 : i32
      %broadcast_in_dim3A_1477 = vector.broadcast %sub3A_1476 : i32 to vector<16xi32>
      %mul3A_1478 = arith.constant 16 : i32
      %mul3A_1479 = arith.muli %scan3A_28, %mul3A_1478 : i32
      %add3A_1480 = arith.constant 13 : i32
      %add3A_1481 = arith.addi %mul3A_1479, %add3A_1480 : i32
      %broadcast_in_dim3A_1482 = vector.broadcast %add3A_1481 : i32 to vector<16xi32>
      %iota3A_1483 = tpu.iota {dimensions = array<i32: 0>} : vector<16xi32>
      %add3A_1484 = arith.constant 0 : i32
      %add3A_1485 = vector.broadcast %add3A_1484 : i32 to vector<16xi32>
      %add3A_1486 = arith.addi %add3A_1485, %iota3A_1483 : vector<16xi32>
      %gather3A_1487 = tpu.vector_load_idx %arg17[%add3A_1486, %broadcast_in_dim3A_1477] : memref<96x128xf32, #tpu.memory_space<vmem>>[vector<16xi32>, vector<16xi32>], vector<16xf32>,
      tpu.vector_store_idx %arg11[%add3A_1486, %broadcast_in_dim3A_1482], %gather3A_1487 : memref<96x128xf32, #tpu.memory_space<vmem>>[vector<16xi32>, vector<16xi32>], vector<16xf32>,
      %iota3A_1488 = tpu.iota {dimensions = array<i32: 0>} : vector<16xi32>
      %add3A_1489 = arith.constant 16 : i32
      %add3A_1490 = vector.broadcast %add3A_1489 : i32 to vector<16xi32>
      %add3A_1491 = arith.addi %add3A_1490, %iota3A_1488 : vector<16xi32>
      %gather3A_1492 = tpu.vector_load_idx %arg17[%add3A_1491, %broadcast_in_dim3A_1477] : memref<96x128xf32, #tpu.memory_space<vmem>>[vector<16xi32>, vector<16xi32>], vector<16xf32>,
      tpu.vector_store_idx %arg11[%add3A_1491, %broadcast_in_dim3A_1482], %gather3A_1492 : memref<96x128xf32, #tpu.memory_space<vmem>>[vector<16xi32>, vector<16xi32>], vector<16xf32>,
      %iota3A_1493 = tpu.iota {dimensions = array<i32: 0>} : vector<16xi32>
      %add3A_1494 = arith.constant 32 : i32
      %add3A_1495 = vector.broadcast %add3A_1494 : i32 to vector<16xi32>
      %add3A_1496 = arith.addi %add3A_1495, %iota3A_1493 : vector<16xi32>
      %gather3A_1497 = tpu.vector_load_idx %arg17[%add3A_1496, %broadcast_in_dim3A_1477] : memref<96x128xf32, #tpu.memory_space<vmem>>[vector<16xi32>, vector<16xi32>], vector<16xf32>,
      tpu.vector_store_idx %arg11[%add3A_1496, %broadcast_in_dim3A_1482], %gather3A_1497 : memref<96x128xf32, #tpu.memory_space<vmem>>[vector<16xi32>, vector<16xi32>], vector<16xf32>,
      %iota3A_1498 = tpu.iota {dimensions = array<i32: 0>} : vector<16xi32>
      %add3A_1499 = arith.constant 48 : i32
      %add3A_1500 = vector.broadcast %add3A_1499 : i32 to vector<16xi32>
      %add3A_1501 = arith.addi %add3A_1500, %iota3A_1498 : vector<16xi32>
      %gather3A_1502 = tpu.vector_load_idx %arg17[%add3A_1501, %broadcast_in_dim3A_1477] : memref<96x128xf32, #tpu.memory_space<vmem>>[vector<16xi32>, vector<16xi32>], vector<16xf32>,
      tpu.vector_store_idx %arg11[%add3A_1501, %broadcast_in_dim3A_1482], %gather3A_1502 : memref<96x128xf32, #tpu.memory_space<vmem>>[vector<16xi32>, vector<16xi32>], vector<16xf32>,
      %iota3A_1503 = tpu.iota {dimensions = array<i32: 0>} : vector<16xi32>
      %add3A_1504 = arith.constant 64 : i32
      %add3A_1505 = vector.broadcast %add3A_1504 : i32 to vector<16xi32>
      %add3A_1506 = arith.addi %add3A_1505, %iota3A_1503 : vector<16xi32>
      %gather3A_1507 = tpu.vector_load_idx %arg17[%add3A_1506, %broadcast_in_dim3A_1477] : memref<96x128xf32, #tpu.memory_space<vmem>>[vector<16xi32>, vector<16xi32>], vector<16xf32>,
      tpu.vector_store_idx %arg11[%add3A_1506, %broadcast_in_dim3A_1482], %gather3A_1507 : memref<96x128xf32, #tpu.memory_space<vmem>>[vector<16xi32>, vector<16xi32>], vector<16xf32>,
      %iota3A_1508 = tpu.iota {dimensions = array<i32: 0>} : vector<16xi32>
      %add3A_1509 = arith.constant 80 : i32
      %add3A_1510 = vector.broadcast %add3A_1509 : i32 to vector<16xi32>
      %add3A_1511 = arith.addi %add3A_1510, %iota3A_1508 : vector<16xi32>
      %gather3A_1512 = tpu.vector_load_idx %arg17[%add3A_1511, %broadcast_in_dim3A_1477] : memref<96x128xf32, #tpu.memory_space<vmem>>[vector<16xi32>, vector<16xi32>], vector<16xf32>,
      tpu.vector_store_idx %arg11[%add3A_1511, %broadcast_in_dim3A_1482], %gather3A_1512 : memref<96x128xf32, #tpu.memory_space<vmem>>[vector<16xi32>, vector<16xi32>], vector<16xf32>,
      %dma_wait3A_1513 = arith.constant 0 : i32
      %dma_wait3A_1514 = tpu.memref_slice %arg3[%dma_wait3A_1513, %multiple_of3A_992] : memref<96x1000001xf32, #tpu.memory_space<hbm>> -> memref<96x128xf32, #tpu.memory_space<hbm>>
      %dma_wait3A_1515 = arith.constant 0 : i32
      %dma_wait3A_1516 = tpu.memref_slice %arg3[%dma_wait3A_1515, %multiple_of3A_992] : memref<96x1000001xf32, #tpu.memory_space<hbm>> -> memref<96x128xf32, #tpu.memory_space<hbm>>
      tpu.wait_dma2 semaphore(%arg26 : memref<!tpu.dma_semaphore, #tpu.memory_space<semaphore_mem>>) src(%dma_wait3A_1516 : memref<96x128xf32, #tpu.memory_space<hbm>>) dst(%arg18 : memref<96x128xf32, #tpu.memory_space<vmem>>)
      %slice3A_1517 = vector.extract_strided_slice %get3A_31 {offsets = [14], sizes = [1], strides = [1]} : vector<16xi32> to vector<1xi32>
      %squeeze3A_1518 = vector.extract %slice3A_1517[0] : i32 from vector<1xi32>
      %jit3A_1519 = arith.constant 128 : i32
      %div3A_1520 = arith.divsi %squeeze3A_1518, %jit3A_1519 : i32
      %sign3A_1521 = arith.constant 0 : i32
      %sign3A_1522 = arith.cmpi sgt, %squeeze3A_1518, %sign3A_1521 : i32
      %sign3A_1523 = arith.extui %sign3A_1522 : i1 to i32
      %sign3A_1524 = arith.constant 0 : i32
      %sign3A_1525 = arith.cmpi slt, %squeeze3A_1518, %sign3A_1524 : i32
      %sign3A_1526 = arith.extui %sign3A_1525 : i1 to i32
      %sign3A_1527 = arith.subi %sign3A_1523, %sign3A_1526 : i32
      %sign3A_1528 = arith.constant 0 : i32
      %sign3A_1529 = arith.cmpi sgt, %jit3A_1519, %sign3A_1528 : i32
      %sign3A_1530 = arith.extui %sign3A_1529 : i1 to i32
      %sign3A_1531 = arith.constant 0 : i32
      %sign3A_1532 = arith.cmpi slt, %jit3A_1519, %sign3A_1531 : i32
      %sign3A_1533 = arith.extui %sign3A_1532 : i1 to i32
      %sign3A_1534 = arith.subi %sign3A_1530, %sign3A_1533 : i32
      %ne3A_1535 = arith.cmpi ne, %sign3A_1527, %sign3A_1534 : i32
      %rem3A_1536 = arith.remsi %squeeze3A_1518, %jit3A_1519 : i32
      %ne3A_1537 = arith.constant 0 : i32
      %ne3A_1538 = arith.cmpi ne, %rem3A_1536, %ne3A_1537 : i32
      %and3A_1539 = arith.andi %ne3A_1535, %ne3A_1538 : i1
      %sub3A_1540 = arith.constant 1 : i32
      %sub3A_1541 = arith.subi %div3A_1520, %sub3A_1540 : i32
      %select_n3A_1542 = arith.select %and3A_1539, %sub3A_1541, %div3A_1520 : i32
      %mul3A_1543 = arith.constant 128 : i32
      %mul3A_1544 = arith.muli %select_n3A_1542, %mul3A_1543 : i32
      %sub3A_1545 = arith.subi %squeeze3A_1518, %mul3A_1544 : i32
      %broadcast_in_dim3A_1546 = vector.broadcast %sub3A_1545 : i32 to vector<16xi32>
      %mul3A_1547 = arith.constant 16 : i32
      %mul3A_1548 = arith.muli %scan3A_28, %mul3A_1547 : i32
      %add3A_1549 = arith.constant 14 : i32
      %add3A_1550 = arith.addi %mul3A_1548, %add3A_1549 : i32
      %broadcast_in_dim3A_1551 = vector.broadcast %add3A_1550 : i32 to vector<16xi32>
      %iota3A_1552 = tpu.iota {dimensions = array<i32: 0>} : vector<16xi32>
      %add3A_1553 = arith.constant 0 : i32
      %add3A_1554 = vector.broadcast %add3A_1553 : i32 to vector<16xi32>
      %add3A_1555 = arith.addi %add3A_1554, %iota3A_1552 : vector<16xi32>
      %gather3A_1556 = tpu.vector_load_idx %arg18[%add3A_1555, %broadcast_in_dim3A_1546] : memref<96x128xf32, #tpu.memory_space<vmem>>[vector<16xi32>, vector<16xi32>], vector<16xf32>,
      tpu.vector_store_idx %arg11[%add3A_1555, %broadcast_in_dim3A_1551], %gather3A_1556 : memref<96x128xf32, #tpu.memory_space<vmem>>[vector<16xi32>, vector<16xi32>], vector<16xf32>,
      %iota3A_1557 = tpu.iota {dimensions = array<i32: 0>} : vector<16xi32>
      %add3A_1558 = arith.constant 16 : i32
      %add3A_1559 = vector.broadcast %add3A_1558 : i32 to vector<16xi32>
      %add3A_1560 = arith.addi %add3A_1559, %iota3A_1557 : vector<16xi32>
      %gather3A_1561 = tpu.vector_load_idx %arg18[%add3A_1560, %broadcast_in_dim3A_1546] : memref<96x128xf32, #tpu.memory_space<vmem>>[vector<16xi32>, vector<16xi32>], vector<16xf32>,
      tpu.vector_store_idx %arg11[%add3A_1560, %broadcast_in_dim3A_1551], %gather3A_1561 : memref<96x128xf32, #tpu.memory_space<vmem>>[vector<16xi32>, vector<16xi32>], vector<16xf32>,
      %iota3A_1562 = tpu.iota {dimensions = array<i32: 0>} : vector<16xi32>
      %add3A_1563 = arith.constant 32 : i32
      %add3A_1564 = vector.broadcast %add3A_1563 : i32 to vector<16xi32>
      %add3A_1565 = arith.addi %add3A_1564, %iota3A_1562 : vector<16xi32>
      %gather3A_1566 = tpu.vector_load_idx %arg18[%add3A_1565, %broadcast_in_dim3A_1546] : memref<96x128xf32, #tpu.memory_space<vmem>>[vector<16xi32>, vector<16xi32>], vector<16xf32>,
      tpu.vector_store_idx %arg11[%add3A_1565, %broadcast_in_dim3A_1551], %gather3A_1566 : memref<96x128xf32, #tpu.memory_space<vmem>>[vector<16xi32>, vector<16xi32>], vector<16xf32>,
      %iota3A_1567 = tpu.iota {dimensions = array<i32: 0>} : vector<16xi32>
      %add3A_1568 = arith.constant 48 : i32
      %add3A_1569 = vector.broadcast %add3A_1568 : i32 to vector<16xi32>
      %add3A_1570 = arith.addi %add3A_1569, %iota3A_1567 : vector<16xi32>
      %gather3A_1571 = tpu.vector_load_idx %arg18[%add3A_1570, %broadcast_in_dim3A_1546] : memref<96x128xf32, #tpu.memory_space<vmem>>[vector<16xi32>, vector<16xi32>], vector<16xf32>,
      tpu.vector_store_idx %arg11[%add3A_1570, %broadcast_in_dim3A_1551], %gather3A_1571 : memref<96x128xf32, #tpu.memory_space<vmem>>[vector<16xi32>, vector<16xi32>], vector<16xf32>,
      %iota3A_1572 = tpu.iota {dimensions = array<i32: 0>} : vector<16xi32>
      %add3A_1573 = arith.constant 64 : i32
      %add3A_1574 = vector.broadcast %add3A_1573 : i32 to vector<16xi32>
      %add3A_1575 = arith.addi %add3A_1574, %iota3A_1572 : vector<16xi32>
      %gather3A_1576 = tpu.vector_load_idx %arg18[%add3A_1575, %broadcast_in_dim3A_1546] : memref<96x128xf32, #tpu.memory_space<vmem>>[vector<16xi32>, vector<16xi32>], vector<16xf32>,
      tpu.vector_store_idx %arg11[%add3A_1575, %broadcast_in_dim3A_1551], %gather3A_1576 : memref<96x128xf32, #tpu.memory_space<vmem>>[vector<16xi32>, vector<16xi32>], vector<16xf32>,
      %iota3A_1577 = tpu.iota {dimensions = array<i32: 0>} : vector<16xi32>
      %add3A_1578 = arith.constant 80 : i32
      %add3A_1579 = vector.broadcast %add3A_1578 : i32 to vector<16xi32>
      %add3A_1580 = arith.addi %add3A_1579, %iota3A_1577 : vector<16xi32>
      %gather3A_1581 = tpu.vector_load_idx %arg18[%add3A_1580, %broadcast_in_dim3A_1546] : memref<96x128xf32, #tpu.memory_space<vmem>>[vector<16xi32>, vector<16xi32>], vector<16xf32>,
      tpu.vector_store_idx %arg11[%add3A_1580, %broadcast_in_dim3A_1551], %gather3A_1581 : memref<96x128xf32, #tpu.memory_space<vmem>>[vector<16xi32>, vector<16xi32>], vector<16xf32>,
      %dma_wait3A_1582 = arith.constant 0 : i32
      %dma_wait3A_1583 = tpu.memref_slice %arg3[%dma_wait3A_1582, %multiple_of3A_1094] : memref<96x1000001xf32, #tpu.memory_space<hbm>> -> memref<96x128xf32, #tpu.memory_space<hbm>>
      %dma_wait3A_1584 = arith.constant 0 : i32
      %dma_wait3A_1585 = tpu.memref_slice %arg3[%dma_wait3A_1584, %multiple_of3A_1094] : memref<96x1000001xf32, #tpu.memory_space<hbm>> -> memref<96x128xf32, #tpu.memory_space<hbm>>
      tpu.wait_dma2 semaphore(%arg27 : memref<!tpu.dma_semaphore, #tpu.memory_space<semaphore_mem>>) src(%dma_wait3A_1585 : memref<96x128xf32, #tpu.memory_space<hbm>>) dst(%arg19 : memref<96x128xf32, #tpu.memory_space<vmem>>)
      %slice3A_1586 = vector.extract_strided_slice %get3A_31 {offsets = [15], sizes = [1], strides = [1]} : vector<16xi32> to vector<1xi32>
      %squeeze3A_1587 = vector.extract %slice3A_1586[0] : i32 from vector<1xi32>
      %jit3A_1588 = arith.constant 128 : i32
      %div3A_1589 = arith.divsi %squeeze3A_1587, %jit3A_1588 : i32
      %sign3A_1590 = arith.constant 0 : i32
      %sign3A_1591 = arith.cmpi sgt, %squeeze3A_1587, %sign3A_1590 : i32
      %sign3A_1592 = arith.extui %sign3A_1591 : i1 to i32
      %sign3A_1593 = arith.constant 0 : i32
      %sign3A_1594 = arith.cmpi slt, %squeeze3A_1587, %sign3A_1593 : i32
      %sign3A_1595 = arith.extui %sign3A_1594 : i1 to i32
      %sign3A_1596 = arith.subi %sign3A_1592, %sign3A_1595 : i32
      %sign3A_1597 = arith.constant 0 : i32
      %sign3A_1598 = arith.cmpi sgt, %jit3A_1588, %sign3A_1597 : i32
      %sign3A_1599 = arith.extui %sign3A_1598 : i1 to i32
      %sign3A_1600 = arith.constant 0 : i32
      %sign3A_1601 = arith.cmpi slt, %jit3A_1588, %sign3A_1600 : i32
      %sign3A_1602 = arith.extui %sign3A_1601 : i1 to i32
      %sign3A_1603 = arith.subi %sign3A_1599, %sign3A_1602 : i32
      %ne3A_1604 = arith.cmpi ne, %sign3A_1596, %sign3A_1603 : i32
      %rem3A_1605 = arith.remsi %squeeze3A_1587, %jit3A_1588 : i32
      %ne3A_1606 = arith.constant 0 : i32
      %ne3A_1607 = arith.cmpi ne, %rem3A_1605, %ne3A_1606 : i32
      %and3A_1608 = arith.andi %ne3A_1604, %ne3A_1607 : i1
      %sub3A_1609 = arith.constant 1 : i32
      %sub3A_1610 = arith.subi %div3A_1589, %sub3A_1609 : i32
      %select_n3A_1611 = arith.select %and3A_1608, %sub3A_1610, %div3A_1589 : i32
      %mul3A_1612 = arith.constant 128 : i32
      %mul3A_1613 = arith.muli %select_n3A_1611, %mul3A_1612 : i32
      %sub3A_1614 = arith.subi %squeeze3A_1587, %mul3A_1613 : i32
      %broadcast_in_dim3A_1615 = vector.broadcast %sub3A_1614 : i32 to vector<16xi32>
      %mul3A_1616 = arith.constant 16 : i32
      %mul3A_1617 = arith.muli %scan3A_28, %mul3A_1616 : i32
      %add3A_1618 = arith.constant 15 : i32
      %add3A_1619 = arith.addi %mul3A_1617, %add3A_1618 : i32
      %broadcast_in_dim3A_1620 = vector.broadcast %add3A_1619 : i32 to vector<16xi32>
      %iota3A_1621 = tpu.iota {dimensions = array<i32: 0>} : vector<16xi32>
      %add3A_1622 = arith.constant 0 : i32
      %add3A_1623 = vector.broadcast %add3A_1622 : i32 to vector<16xi32>
      %add3A_1624 = arith.addi %add3A_1623, %iota3A_1621 : vector<16xi32>
      %gather3A_1625 = tpu.vector_load_idx %arg19[%add3A_1624, %broadcast_in_dim3A_1615] : memref<96x128xf32, #tpu.memory_space<vmem>>[vector<16xi32>, vector<16xi32>], vector<16xf32>,
      tpu.vector_store_idx %arg11[%add3A_1624, %broadcast_in_dim3A_1620], %gather3A_1625 : memref<96x128xf32, #tpu.memory_space<vmem>>[vector<16xi32>, vector<16xi32>], vector<16xf32>,
      %iota3A_1626 = tpu.iota {dimensions = array<i32: 0>} : vector<16xi32>
      %add3A_1627 = arith.constant 16 : i32
      %add3A_1628 = vector.broadcast %add3A_1627 : i32 to vector<16xi32>
      %add3A_1629 = arith.addi %add3A_1628, %iota3A_1626 : vector<16xi32>
      %gather3A_1630 = tpu.vector_load_idx %arg19[%add3A_1629, %broadcast_in_dim3A_1615] : memref<96x128xf32, #tpu.memory_space<vmem>>[vector<16xi32>, vector<16xi32>], vector<16xf32>,
      tpu.vector_store_idx %arg11[%add3A_1629, %broadcast_in_dim3A_1620], %gather3A_1630 : memref<96x128xf32, #tpu.memory_space<vmem>>[vector<16xi32>, vector<16xi32>], vector<16xf32>,
      %iota3A_1631 = tpu.iota {dimensions = array<i32: 0>} : vector<16xi32>
      %add3A_1632 = arith.constant 32 : i32
      %add3A_1633 = vector.broadcast %add3A_1632 : i32 to vector<16xi32>
      %add3A_1634 = arith.addi %add3A_1633, %iota3A_1631 : vector<16xi32>
      %gather3A_1635 = tpu.vector_load_idx %arg19[%add3A_1634, %broadcast_in_dim3A_1615] : memref<96x128xf32, #tpu.memory_space<vmem>>[vector<16xi32>, vector<16xi32>], vector<16xf32>,
      tpu.vector_store_idx %arg11[%add3A_1634, %broadcast_in_dim3A_1620], %gather3A_1635 : memref<96x128xf32, #tpu.memory_space<vmem>>[vector<16xi32>, vector<16xi32>], vector<16xf32>,
      %iota3A_1636 = tpu.iota {dimensions = array<i32: 0>} : vector<16xi32>
      %add3A_1637 = arith.constant 48 : i32
      %add3A_1638 = vector.broadcast %add3A_1637 : i32 to vector<16xi32>
      %add3A_1639 = arith.addi %add3A_1638, %iota3A_1636 : vector<16xi32>
      %gather3A_1640 = tpu.vector_load_idx %arg19[%add3A_1639, %broadcast_in_dim3A_1615] : memref<96x128xf32, #tpu.memory_space<vmem>>[vector<16xi32>, vector<16xi32>], vector<16xf32>,
      tpu.vector_store_idx %arg11[%add3A_1639, %broadcast_in_dim3A_1620], %gather3A_1640 : memref<96x128xf32, #tpu.memory_space<vmem>>[vector<16xi32>, vector<16xi32>], vector<16xf32>,
      %iota3A_1641 = tpu.iota {dimensions = array<i32: 0>} : vector<16xi32>
      %add3A_1642 = arith.constant 64 : i32
      %add3A_1643 = vector.broadcast %add3A_1642 : i32 to vector<16xi32>
      %add3A_1644 = arith.addi %add3A_1643, %iota3A_1641 : vector<16xi32>
      %gather3A_1645 = tpu.vector_load_idx %arg19[%add3A_1644, %broadcast_in_dim3A_1615] : memref<96x128xf32, #tpu.memory_space<vmem>>[vector<16xi32>, vector<16xi32>], vector<16xf32>,
      tpu.vector_store_idx %arg11[%add3A_1644, %broadcast_in_dim3A_1620], %gather3A_1645 : memref<96x128xf32, #tpu.memory_space<vmem>>[vector<16xi32>, vector<16xi32>], vector<16xf32>,
      %iota3A_1646 = tpu.iota {dimensions = array<i32: 0>} : vector<16xi32>
      %add3A_1647 = arith.constant 80 : i32
      %add3A_1648 = vector.broadcast %add3A_1647 : i32 to vector<16xi32>
      %add3A_1649 = arith.addi %add3A_1648, %iota3A_1646 : vector<16xi32>
      %gather3A_1650 = tpu.vector_load_idx %arg19[%add3A_1649, %broadcast_in_dim3A_1615] : memref<96x128xf32, #tpu.memory_space<vmem>>[vector<16xi32>, vector<16xi32>], vector<16xf32>,
      tpu.vector_store_idx %arg11[%add3A_1649, %broadcast_in_dim3A_1620], %gather3A_1650 : memref<96x128xf32, #tpu.memory_space<vmem>>[vector<16xi32>, vector<16xi32>], vector<16xf32>,
    }
    %scan3A_16 = arith.constant 8 : i32
    %dma_start3A_17 = arith.constant 0 : i32
    %dma_start3A_18 = tpu.memref_slice %arg7[%dma_start3A_17, %multiple_of3A] : memref<96x4096xf32, #tpu.memory_space<hbm>> -> memref<96x128xf32, #tpu.memory_space<hbm>>
    %dma_start3A_19 = arith.constant 0 : i32
    %dma_start3A_20 = tpu.memref_slice %arg7[%dma_start3A_19, %multiple_of3A] : memref<96x4096xf32, #tpu.memory_space<hbm>> -> memref<96x128xf32, #tpu.memory_space<hbm>>
    tpu.enqueue_dma source(%arg11 : memref<96x128xf32, #tpu.memory_space<vmem>>) target(%dma_start3A_20 : memref<96x128xf32, #tpu.memory_space<hbm>>) target_semaphore(%arg28 : memref<!tpu.dma_semaphore, #tpu.memory_space<semaphore_mem>>)
    %dma_wait3A = arith.constant 0 : i32
    %dma_wait3A_21 = tpu.memref_slice %arg6[%dma_wait3A, %multiple_of3A] : memref<96x4096xf32, #tpu.memory_space<hbm>> -> memref<96x128xf32, #tpu.memory_space<hbm>>
    %dma_wait3A_22 = arith.constant 0 : i32
    %dma_wait3A_23 = tpu.memref_slice %arg6[%dma_wait3A_22, %multiple_of3A] : memref<96x4096xf32, #tpu.memory_space<hbm>> -> memref<96x128xf32, #tpu.memory_space<hbm>>
    tpu.wait_dma2 semaphore(%arg28 : memref<!tpu.dma_semaphore, #tpu.memory_space<semaphore_mem>>) src(%arg10 : memref<96x128xf32, #tpu.memory_space<vmem>>) dst(%dma_wait3A_23 : memref<96x128xf32, #tpu.memory_space<hbm>>)
    %dma_wait3A_24 = arith.constant 0 : i32
    %dma_wait3A_25 = tpu.memref_slice %arg7[%dma_wait3A_24, %multiple_of3A] : memref<96x4096xf32, #tpu.memory_space<hbm>> -> memref<96x128xf32, #tpu.memory_space<hbm>>
    %dma_wait3A_26 = arith.constant 0 : i32
    %dma_wait3A_27 = tpu.memref_slice %arg7[%dma_wait3A_26, %multiple_of3A] : memref<96x4096xf32, #tpu.memory_space<hbm>> -> memref<96x128xf32, #tpu.memory_space<hbm>>
    tpu.wait_dma2 semaphore(%arg28 : memref<!tpu.dma_semaphore, #tpu.memory_space<semaphore_mem>>) src(%arg11 : memref<96x128xf32, #tpu.memory_space<vmem>>) dst(%dma_wait3A_27 : memref<96x128xf32, #tpu.memory_space<hbm>>)
    return
  }
}

module attributes {stable_mosaic.version = 14 : i64} {
  func.func @_loss_body(%arg0: i32, %arg1: memref<96x1024xf32, #tpu.memory_space<vmem>>, %arg2: memref<96x4096xf32, #tpu.memory_space<vmem>>, %arg3: memref<1x1xf32, #tpu.memory_space<smem>>) attributes {dimension_semantics = [#tpu.dimension_semantics<arbitrary>], iteration_bounds = array<i64: 4>, scalar_prefetch = 0 : i64, scratch_operands = 0 : i64, tpu.core_type = #tpu.core_type<tc>, window_params = [{transform_indices = @transform_0, window_bounds = array<i64: 96, 1024>}, {pipeline_mode = #tpu.pipeline_mode<synchronous>, transform_indices = @transform_1, window_bounds = array<i64: 96, 4096>}, {transform_indices = @transform_2, window_bounds = array<i64: 1, 1>}]} {
    %get3A = arith.constant 0 : index
    %get3A_0 = arith.constant 0 : index
    %get3A_1 = vector.load %arg1[%get3A, %get3A_0] : memref<96x1024xf32, #tpu.memory_space<vmem>>, vector<96x1024xf32>
    %get3A_2 = arith.constant 0 : index
    %get3A_3 = arith.constant 0 : index
    %get3A_4 = vector.load %arg2[%get3A_2, %get3A_3] : memref<96x4096xf32, #tpu.memory_space<vmem>>, vector<96x4096xf32>
    %convert_element_type3A = arith.truncf %get3A_1 : vector<96x1024xf32> to vector<96x1024xbf16>
    %convert_element_type3A_5 = arith.truncf %get3A_4 : vector<96x4096xf32> to vector<96x4096xbf16>
    %dot_general3A = arith.constant dense<0.000000e+00> : vector<1024x4096xf32>
    %dot_general3A_6 = tpu.matmul %convert_element_type3A, %convert_element_type3A_5, %dot_general3A {dimension_numbers = #tpu.dot_dimension_numbers<[0], [0], [1], [1], [0, 1, 1, 1], [], []>, transpose_lhs_hint = false} : vector<96x1024xbf16>, vector<96x4096xbf16>, vector<1024x4096xf32> -> vector<1024x4096xf32>
    %reduce_max3A = arith.constant dense<0xFF800000> : vector<1024xf32>
    %reduce_max3A_7 = vector.multi_reduction <maximumf>, %dot_general3A_6, %reduce_max3A [1] : vector<1024x4096xf32> to vector<1024xf32>
    %broadcast_in_dim3A = vector.shape_cast %reduce_max3A_7 : vector<1024xf32> to vector<1024x1xf32>
    %squeeze3A = vector.shape_cast %broadcast_in_dim3A : vector<1024x1xf32> to vector<1024xf32>
    %sub3A = vector.broadcast %broadcast_in_dim3A : vector<1024x1xf32> to vector<1024x4096xf32>
    %sub3A_8 = arith.subf %dot_general3A_6, %sub3A : vector<1024x4096xf32>
    %exp3A = math.exp %sub3A_8 : vector<1024x4096xf32>
    %reduce_sum3A = arith.constant dense<0.000000e+00> : vector<1024xf32>
    %reduce_sum3A_9 = vector.multi_reduction <add>, %exp3A, %reduce_sum3A [1] : vector<1024x4096xf32> to vector<1024xf32>
    %log3A = math.log %reduce_sum3A_9 : vector<1024xf32>
    %add3A = arith.addf %squeeze3A, %log3A : vector<1024xf32>
    %mul3A = arith.constant 1024 : i32
    %mul3A_10 = arith.muli %arg0, %mul3A : i32
    %get3A_11 = arith.constant 0 : index
    %get3A_12 = arith.index_cast %mul3A_10 : i32 to index
    %get3A_13 = vector.load %arg2[%get3A_11, %get3A_12] : memref<96x4096xf32, #tpu.memory_space<vmem>>, vector<96x1024xf32>
    %mul3A_14 = arith.mulf %get3A_1, %get3A_13 : vector<96x1024xf32>
    %reduce_sum3A_15 = arith.constant dense<0.000000e+00> : vector<1024xf32>
    %reduce_sum3A_16 = vector.multi_reduction <add>, %mul3A_14, %reduce_sum3A_15 [0] : vector<96x1024xf32> to vector<1024xf32>
    %sub3A_17 = arith.subf %add3A, %reduce_sum3A_16 : vector<1024xf32>
    %reduce_sum3A_18 = vector.shape_cast %sub3A_17 : vector<1024xf32> to vector<1x1024xf32>
    %reduce_sum3A_19 = arith.constant dense<0.000000e+00> : vector<1xf32>
    %reduce_sum3A_20 = vector.multi_reduction <add>, %reduce_sum3A_18, %reduce_sum3A_19 [1] : vector<1x1024xf32> to vector<1xf32>
    %reduce_sum3A_21 = vector.shape_cast %reduce_sum3A_20 : vector<1xf32> to vector<1x1xf32>
    %reduce_sum3A_22 = vector.extract %reduce_sum3A_21[0, 0] : f32 from vector<1x1xf32>
    %eq3A = arith.constant 0 : i32
    %eq3A_23 = arith.cmpi eq, %arg0, %eq3A : i32
    %convert_element_type3A_24 = arith.extui %eq3A_23 : i1 to i32
    %cond3A = arith.constant 0 : i32
    %cond3A_25 = arith.cmpi ne, %convert_element_type3A_24, %cond3A : i32
    scf.if %cond3A_25 {
      %swap3A_37 = arith.constant 0.000000e+00 : f32
      %swap3A_38 = arith.constant 0 : index
      %swap3A_39 = arith.constant 0 : index
      %swap3A_40 = memref.load %arg3[%swap3A_38, %swap3A_39] : memref<1x1xf32, #tpu.memory_space<smem>>
      memref.store %swap3A_37, %arg3[%swap3A_38, %swap3A_39] : memref<1x1xf32, #tpu.memory_space<smem>>
    } else {
    }
    %get3A_26 = arith.constant 0 : index
    %get3A_27 = arith.constant 0 : index
    %get3A_28 = memref.load %arg3[%get3A_26, %get3A_27] : memref<1x1xf32, #tpu.memory_space<smem>>
    %add3A_29 = arith.addf %get3A_28, %reduce_sum3A_22 : f32
    %swap3A = arith.constant 0 : index
    %swap3A_30 = arith.constant 0 : index
    %swap3A_31 = memref.load %arg3[%swap3A, %swap3A_30] : memref<1x1xf32, #tpu.memory_space<smem>>
    memref.store %add3A_29, %arg3[%swap3A, %swap3A_30] : memref<1x1xf32, #tpu.memory_space<smem>>
    %eq3A_32 = arith.constant 3 : i32
    %eq3A_33 = arith.cmpi eq, %arg0, %eq3A_32 : i32
    %convert_element_type3A_34 = arith.extui %eq3A_33 : i1 to i32
    %cond3A_35 = arith.constant 0 : i32
    %cond3A_36 = arith.cmpi ne, %convert_element_type3A_34, %cond3A_35 : i32
    scf.if %cond3A_36 {
      %get3A_37 = arith.constant 0 : index
      %get3A_38 = arith.constant 0 : index
      %get3A_39 = memref.load %arg3[%get3A_37, %get3A_38] : memref<1x1xf32, #tpu.memory_space<smem>>
      %mul3A_40 = arith.constant 2.44140625E-4 : f32
      %mul3A_41 = arith.mulf %get3A_39, %mul3A_40 : f32
      %swap3A_42 = arith.constant 0 : index
      %swap3A_43 = arith.constant 0 : index
      %swap3A_44 = memref.load %arg3[%swap3A_42, %swap3A_43] : memref<1x1xf32, #tpu.memory_space<smem>>
      memref.store %mul3A_41, %arg3[%swap3A_42, %swap3A_43] : memref<1x1xf32, #tpu.memory_space<smem>>
    } else {
    }
    return
  }
  func.func @transform_0(%arg0: i32) -> (i32, i32) {
    %c0_i32 = arith.constant 0 : i32
    %c0_i32_0 = arith.constant 0 : i32
    return %c0_i32, %arg0 : i32, i32
  }
  func.func @transform_1(%arg0: i32) -> (i32, i32) {
    %c0_i32 = arith.constant 0 : i32
    %c0_i32_0 = arith.constant 0 : i32
    %c0_i32_1 = arith.constant 0 : i32
    return %c0_i32, %c0_i32_0 : i32, i32
  }
  func.func @transform_2(%arg0: i32) -> (i32, i32) {
    %c0_i32 = arith.constant 0 : i32
    %c0_i32_0 = arith.constant 0 : i32
    %c0_i32_1 = arith.constant 0 : i32
    return %c0_i32, %c0_i32_0 : i32, i32
  }
}

</mosaic_0001>

<sc_bundles>
// kernel: kernel.4.cloned.1.call-start
scs
__scs_entry_jumppad:
0x0: {  	(pc) =	sbr.rel $0x88, $3  }
0x1: {  	(tag) =	ssettag $0x0;
	lr =	simm.s32 $0x1  }
0x2: {  	[smem:$0x3F9D] =	sst lr;
	_ =	strace $0xD0000000  }
0x3: {  	_ = 	snop  }
0x4: {  	_ = 	snop  }
0x5: {  	_ = 	snop  }
0x6: {  	_ = 	snop  }
0x7: {  	_ = 	snop  }
__scs_overlays_trampoline_lowered:
0x8: {  	[smem:$0x3FAC] =	sst s0  }
0x9: {  	[smem:$0x3FAD] =	sst s1  }
0xa: {  	[smem:$0x3FAE] =	sst s2  }
0xb: {  	[smem:$0x3FAF] =	sst s3  }
0xc: {  	[smem:$0x3FB0] =	sst s4  }
0xd: {  	[smem:$0x3FB1] =	sst s5  }
0xe: {  	[smem:$0x3FB2] =	sst s6  }
0xf: {  	[smem:$0x3FB3] =	sst s7  }
0x10: {  	[smem:$0x3FB4] =	sst s8  }
0x11: {  	[smem:$0x3FB5] =	sst s9;
	s0 =	simm.s32 @!p0 $0x0  }
0x12: {  	s1 =	sld [smem:$0x3F9B];
	s0 =	simm.s32 @p0 $0x1  }
0x13: {  	[smem:$0x3FB6] =	sst s0;
	s0 =	simm.s32 @!p1 $0x0  }
0x14: {  	s2 =	sld [smem:$0x3F9A];
	s0 =	simm.s32 @p1 $0x1  }
0x15: {  	[smem:$0x3FB7] =	sst s0;
	s0 =	simm.s32 @!p2 $0x0  }
0x16: {  	s3 =	sld [smem:$0x3FDB];
	s0 =	simm.s32 @p2 $0x1  }
0x17: {  	s4 =	simm.s32 $0x1BF5;
	[smem:$0x3FB9] =	sst s0  }
0x18: {  	s0 =	sld [smem:$0x3F9C];
	_ =	swait.ge [sflag:s4], $0x0  }
0x19: {  	s7 =	sld [smem:$0x3F9D]  }
0x1a: {  	s8 =	sadd.s32 $0xFFFFE003, lr  }
0x1b: {  	s9 =	sadd.s32 $0xFFFFFEF7, lr;
	s5 =	simm.s32 $0xFFFFFFFF;
	p2 =	slt.u32 s8, $0xFFFFF086  }
0x1c: {  	p1 =	slt.u32 s9, $0xF7A;
	s5 =	simm.s32 @!p2 $0x0  }
0x1d: {  	s5 =	simm.s32 @p1 $0x1;
	p0 =	seq.s32 s7, s2  }
0x1e: {  	s7 =	smul.u32 @!p0 $0xF7A, s2;
	p2 =	seq.s32 @!p0 s5, $0x0  }
0x1f: {  	s9 =	smul.u32 $0xF7A, s1;
	s8 =	simm.s32 @!p0 $0x1BF5;
	p2 =	por !p2, p0  }
0x20: {  	[sflag:s8] =	ssyncset.s32 @!p0 $0xFFFFF086;
	s6 =	sadd.s32 @!p0 s3, s7;
	s7 =	simm.s32 @!p0 $0x108  }
0x21: {  	s3 =	sadd.s32 s3, s9;
	s6 =	sadd.s32 @!p0 $0x88, s6;
	s7 =	simm.s32 @p2 $0x1082  }
0x22: {  	[simem:s7], [sflag:s8] =	dma.local @!p0 [hbm:s6], $0xF7A  }
0x23: {  	s9 =	sor.u32 $0xD0000000, s2;
	s6 =	simm.s32 $0x108;
	_ =	swait.ge @!p0 [sflag:s8], $0x0  }
0x24: {  	s3 =	sadd.s32 $0x88, s3;
	s6 =	simm.s32 @!p1 $0x1082;
	[sflag:s4] =	ssyncset.s32 $0xFFFFF086  }
0x25: {  	[simem:s6], [sflag:s4] =	dma.local [hbm:s3], $0xF7A  }
0x26: {  	[smem:$0x3F9D] =	sst s1;
	(tag) =	ssettag s2;
	_ =	strace s9  }
0x27: {  	s1 =	sld [smem:$0x3FAD]  }
0x28: {  	s2 =	sld [smem:$0x3FAE]  }
0x29: {  	s4 =	sld [smem:$0x3FB0]  }
0x2a: {  	p0 =	seq.s32 s5, $0x0;
	s5 =	sld [smem:$0x3FB1]  }
0x2b: {  	s6 =	sld [smem:$0x3FB2]  }
0x2c: {  	s7 =	sld [smem:$0x3FB3]  }
0x2d: {  	s3 =	simm.s32 $0x108;
	s8 =	sld [smem:$0x3FB4]  }
0x2e: {  	s3 =	simm.s32 @!p0 $0x1082;
	s9 =	sld [smem:$0x3FB5]  }
0x2f: {  	lr =	sadd.s32 s0, s3;
	s0 =	sld [smem:$0x3FAC]  }
0x30: {  	s3 =	sld [smem:$0x3FAF]  }
0x31: {  	[smem:$0x3FB8] =	sst s10  }
0x32: {  	s10 =	sld [smem:$0x3FB6];
	_ =	sdelay $0x3  }
0x33: {  	p0 =	seq.s32 s10, $0x1;
	s10 =	sld [smem:$0x3FB8];
	_ =	sdelay $0x3  }
0x34: {  	[smem:$0x3FB8] =	sst s10  }
0x35: {  	s10 =	sld [smem:$0x3FB7];
	_ =	sdelay $0x3  }
0x36: {  	p1 =	seq.s32 s10, $0x1;
	s10 =	sld [smem:$0x3FB8];
	_ =	sdelay $0x3  }
0x37: {  	[smem:$0x3FB8] =	sst s10  }
0x38: {  	s10 =	sld [smem:$0x3FB9]  }
0x39: {  	_ = 	snop;
	(pc) =	sbr.ind lr, $3  }
0x3a: {  	_ = 	snop  }
0x3b: {  	_ = 	snop  }
0x3c: {  	p2 =	seq.s32 s10, $0x1;
	s10 =	sld [smem:$0x3FB8]  }
0x3d: {  	_ =	shalt  }
0x3e: {  	_ =	shalt  }
0x3f: {  	_ =	shalt  }
0x40: {  	_ =	shalt  }
0x41: {  	_ =	shalt  }
0x42: {  	_ =	shalt  }
0x43: {  	_ =	shalt  }
0x44: {  	_ =	shalt  }
0x45: {  	_ =	shalt  }
0x46: {  	_ =	shalt  }
0x47: {  	_ =	shalt  }
0x48: {  	_ =	shalt  }
0x49: {  	_ =	shalt  }
0x4a: {  	_ =	shalt  }
0x4b: {  	_ =	shalt  }
0x4c: {  	_ =	shalt  }
0x4d: {  	_ =	shalt  }
0x4e: {  	_ =	shalt  }
0x4f: {  	_ =	shalt  }
0x50: {  	_ =	shalt  }
0x51: {  	_ =	shalt  }
0x52: {  	_ =	shalt  }
0x53: {  	_ =	shalt  }
0x54: {  	_ =	shalt  }
0x55: {  	_ =	shalt  }
0x56: {  	_ =	shalt  }
0x57: {  	_ =	shalt  }
0x58: {  	_ =	shalt  }
0x59: {  	_ =	shalt  }
0x5a: {  	_ =	shalt  }
0x5b: {  	_ =	shalt  }
0x5c: {  	_ =	shalt  }
0x5d: {  	_ =	shalt  }
0x5e: {  	_ =	shalt  }
0x5f: {  	_ =	shalt  }
0x60: {  	_ =	shalt  }
0x61: {  	_ =	shalt  }
0x62: {  	_ =	shalt  }
0x63: {  	_ =	shalt  }
0x64: {  	_ =	shalt  }
0x65: {  	_ =	shalt  }
0x66: {  	_ =	shalt  }
0x67: {  	_ =	shalt  }
0x68: {  	_ =	shalt  }
0x69: {  	_ =	shalt  }
0x6a: {  	_ =	shalt  }
0x6b: {  	_ =	shalt  }
0x6c: {  	_ =	shalt  }
0x6d: {  	_ =	shalt  }
0x6e: {  	_ =	shalt  }
0x6f: {  	_ =	shalt  }
0x70: {  	_ =	shalt  }
0x71: {  	_ =	shalt  }
0x72: {  	_ =	shalt  }
0x73: {  	_ =	shalt  }
0x74: {  	_ =	shalt  }
0x75: {  	_ =	shalt  }
0x76: {  	_ =	shalt  }
0x77: {  	_ =	shalt  }
0x78: {  	_ =	shalt  }
0x79: {  	_ =	shalt  }
0x7a: {  	_ =	shalt  }
0x7b: {  	_ =	shalt  }
0x7c: {  	_ =	shalt  }
0x7d: {  	_ =	shalt  }
0x7e: {  	_ =	shalt  }
0x7f: {  	_ =	shalt  }
0x80: {  	_ =	shalt  }
0x81: {  	_ =	shalt  }
0x82: {  	_ =	shalt  }
0x83: {  	_ =	shalt  }
0x84: {  	_ =	shalt  }
0x85: {  	_ =	shalt  }
0x86: {  	_ =	shalt  }
0x87: {  	_ =	shalt  }
.Lfunc_end0:
.L_simem_size_0:
called_computation_lowered:
.L_overlay_start_0:
0x88: {  	s2 =	sld [smem:$0x3FD9]  }
0x89: {  	s3 =	sld [smem:$0x3FFE];
	_ =	sdelay $0x1  }
0x8a: {  	s1 =	srdreg.scid  }
0x8b: {  	s0 =	sand.u32 $0x1, s1  }
0x8c: {  	s17 =	sshll.u32 s0, $0xA;
	s2 =	sadd.s32 s3, s2  }
0x8d: {  	s2 =	sadd.s32 s2, s17  }
0x8e: {  	[smem:$0x3FC4] =	sst s2  }
0x8f: {  	_ = 	snop  }
0x90: {  	s2 =	sld [smem:$0x3FC9]  }
0x91: {  	s18 =	sld [smem:$0x3FC8]  }
0x92: {  	s4 =	sld [smem:$0x3FC7]  }
0x93: {  	s5 =	sld [smem:$0x3FC6];
	(tm) =	ssettm $0x1  }
0x94: {  	s6 =	sld [smem:$0x3FFB];
	_ =	sdelay $0x3  }
0x95: {  	_ =	strace s6  }
0x96: {  	s6 =	sld [smem:$0x3FFC];
	_ =	sdelay $0x3  }
0x97: {  	_ =	strace s6  }
0x98: {  	s6 =	sld [smem:$0x3FFD];
	_ =	sdelay $0x3  }
0x99: {  	_ =	strace s6  }
0x9a: {  	_ =	strace $0x8FFFFFFF  }
0x9b: {  	s19 =	sld [smem:$0x3FDB];
	_ =	sdelay $0x1  }
0x9c: {  	s7 =	simm.s32 $_scs_section_size  }
0x9d: {  	s8 =	simm.s32 $_size__tile_overlayer_lowered;
	s9 =	simm.s32 $_tile_overlayer_lowered  }
0x9e: {  	s22 =	simm.s32 $0x1BFF;
	s21 =	sshll.u32 s9, $0x1;
	s6 =	sadd.s32 s7, s19  }
0x9f: {  	s10 =	simm.s32 $0x0;
	s20 =	sshll.u32 s8, $0x1;
	s8 =	sadd.s32 s21, s6  }
0xa0: {  	[timem:s10], [sflag:s22] =	dma.local [hbm:s8], s20  }
0xa1: {  	_ =	swait.ge [sflag:s22], s20  }
0xa2: {  	s7 =	ssub.s32 $0x0, s20;
	[sflag:s22] =	ssyncset.done $0x0  }
0xa3: {  	[sflag:s22] =	ssyncadd.s32 s7;
	_ =	sdelay $0x1  }
0xa4: {  	s23 =	simm.s32 $0x1B8B  }
0xa5: {  	_ =	swait.ge [sflag:s23], $0x1  }
0xa6: {  	[sflag:s23] =	ssyncset.done $0x0  }
0xa7: {  	s25 =	simm.s32 $0x1B8E;
	s24 =	sld [smem:$0x3FFE];
	[sflag:s23] =	ssyncadd.s32 $0xFFFFFFFF  }
0xa8: {  	s26 =	simm.s32 $execute0_lowered;
	[smem:$0x3FD2] =	sst s25  }
0xa9: {  	s8 =	sshll.u32 s26, $0x1;
	_ =	strace $0x80000046;
	[dreg:$0x1] =	wrdreg $0xFFFFFFFF  }
0xaa: {  	s28 =	simm.s32 $_size_execute0_lowered;
	s6 =	sadd.s32 s6, s8;
	[dreg:$0x0] =	wrdreg $0x0  }
0xab: {  	s8 =	sshll.u32 s28, $0x1;
	[dreg:$0x2] =	wrdreg s6  }
0xac: {  	[dreg:$0x3] =	wrdreg s8  }
0xad: {  	[dreg:$0x4] =	wrdreg $0xC0  }
0xae: {  	_ =	task [dreg:s10], $0x5FFFF  }
0xaf: {  	[dreg:$0x1] =	wrdreg $0xFFFFFFFF  }
0xb0: {  	[dreg:$0x0] =	wrdreg $0x60  }
0xb1: {  	[dreg:$0x2] =	wrdreg s4  }
0xb2: {  	[dreg:$0x3] =	wrdreg s5  }
0xb3: {  	[dreg:$0x4] =	wrdreg s2  }
0xb4: {  	[dreg:$0x5] =	wrdreg s18  }
0xb5: {  	[dreg:$0x6] =	wrdreg s24  }
0xb6: {  	[dreg:$0x7] =	wrdreg $0x9  }
0xb7: {  	_ =	task.clear_ibuf [dreg:s10], $0x8FFFF;
	_ =	strace $0x90000046  }
0xb8: {  	s29 =	simm.s32 $0x9;
	_ =	strace $0x80000048  }
0xb9: {  	_ =	swait.ge [sflag:s29], $0x1  }
0xba: {  	[sflag:s29] =	ssyncadd.s32 $0xFFFFFFFF  }
0xbb: {  	_ =	strace $0x90000048  }
0xbc: {  	_ =	sfence  }
0xbd: {  	s30 =	sld [smem:$0x0];
	_ =	sdelay $0x2  }
0xbe: {  	s31 =	sshll.u32 s1, $0xD;
	s1 =	sshrl.u32 s1, $0x2  }
0xbf: {  	s3 =	sand.u32 $0x4000, s31;
	s1 =	sadd.s32 s1, s30  }
0xc0: {  	s0 =	sor.u32 s3, s0;
	s1 =	sshll.u32 s1, $0x11  }
0xc1: {  	s0 =	sor.u32 s1, s0  }
0xc2: {  	s0 =	sadd.s32 $0x8F2B, s0  }
0xc3: {  	[sflag:s0] =	ssyncadd.remote.s32 $0x1  }
0xc4: {  	_ =	sfence.sel $0xFFFF  }
0xc5: {  	[dreg:$0x0] =	wrdreg $0xFFFFFFFF;
	(pc) =	sbr.abs _section_cstart, $3  }
0xc6: {  	[dreg:$0x1] =	wrdreg $0xFFFFFFFF  }
0xc7: {  	_ =	task.clear_ibuf [dreg:s10], $0x2FFFF;
	_ =	strace $0x9FFFFFFF  }
0xc8: {  	(tm) =	ssettm $0x7FFFFFFF  }
0xc9: {  	_ =	shalt  }
tec
execute0_lowered:
.L_overlay_start_1:
0x0: {  	(tag) =	ssettag $0x1  }
0x1: {  	s0 =	rddreg [dreg:$0x2]  }
0x2: {  	s1 =	rddreg [dreg:$0x3]  }
0x3: {  	s3 =	rddreg [dreg:$0x4]  }
0x4: {  	s4 =	srdreg.scid;
	s2 =	stileid.u32  }
0x5: {  	s6 =	simm.s32 $0x0;
	s13 =	simm.s32 $0x400;
	s14 =	simm.s32 $0x7A1400  }
0x6: {  	s19 =	simm.s32 $0x12100;
	s4 =	sand.u32 $0x1, s4;
	s5 =	sshll.u32 s2, $0x1  }
0x7: {  	s21 =	simm.s32 $0x18100;
	s22 =	simm.s32 $0x1B100;
	s5 =	sor.u32 s4, s5  }
0x8: {  	[smem:$0x7FF] =	sst s6;
	s26 =	sshll.u32 s5, $0x7;
	s5 =	sshll.u32 s5, $0x4  }
0x9: {  	s4 =	ssub.s32 $0x2, s4;
	_ =	strace $0x80000047;
	s0 =	sadd.s32 s0, s5  }
0xa: {  	v0 =	vlaneseq.u32;
	s3 =	sadd.s32 s26, s3;
	s28 =	sadd.s32 s1, s5;
	[dreg:$0x6] =	wrdreg s0  }
0xb: {  	v0 =	vmul.u32 $0x80, v0;
	s7 =	sshrl.u32 s4, $0x1;
	[dreg:$0x7] =	wrdreg s28;
	s29 =	sadd.s32 $0xC00, s3  }
0xc: {  	s4 =	ssub.s32 s4, s7;
	s30 =	sadd.s32 $0xCC00, s3;
	[dreg:$0x8] =	wrdreg s29  }
0xd: {  	s23 =	simm.s32 $0x100;
	v1 =	vor.u32 $0x800, v0;
	v2 =	vor.u32 $0x1000, v0;
	s31 =	smax.u32 s4, $0x1;
	[dreg:$0x9] =	wrdreg s30  }
0xe: {  	s2 =	simm.s32 $0x0;
	v3 =	vor.u32 $0x1800, v0;
	v4 =	vor.u32 $0x2000, v0;
	v5 =	vor.u32 $0x2800, v0;
	s3 =	simm.s32 $0x3100;
	[dreg:$0xa] =	wrdreg s31  }
.LBB2_1:
0xf: {  	[dreg:$0xb] =	wrdreg s2  }
0x10: {  	s0 =	simm.s32 $0x0;
	s1 =	rddreg [dreg:$0x6];
	s30 =	simm.s32 $0xA  }
0x11: {  	[tilespmem:s0], [sflag:$0xA] =	stream.linear.gather [hbm4b:s1+s0], $0x80, $0x38;
	[tilespmem:$0x1E100] =	vst v63  }
0x12: {  	_ =	swait.ge [sflag:s30], $0x80  }
0x13: {  	[sflag:s30] =	ssyncset.done $0x0  }
0x14: {  	s4 =	simm.s32 $0x80;
	s31 =	rddreg [dreg:$0x7];
	[sflag:s30] =	ssyncadd.s32 $0xFFFFFF80  }
0x15: {  	[tilespmem:s4], [sflag:$0xA] =	stream.linear.gather [hbm4b:s31+s0], $0x80, $0x38;
	[tilespmem:$0x1E100] =	vst v63  }
0x16: {  	_ =	swait.ge [sflag:s30], $0x80  }
0x17: {  	[sflag:s30] =	ssyncset.done $0x0  }
0x18: {  	s2 =	simm.s32 $0xF100;
	[sflag:s30] =	ssyncadd.s32 $0xFFFFFF80  }
0x19: {  	s5 =	simm.s32 $0xF;
	s6 =	simm.s32 $0x0;
	s15 =	rddreg [dreg:$0x0]  }
.LBB2_2:
0x1a: {  	v6 =	vld [tilespmem:s6+$0x0];
	_ =	sdelay $0x4  }
0x1b: {  	(v2sf) =	vpush v6, $0x0;
	_ =	sdelay $0xa  }
0x1c: {  	(v2sf) =	vpush v6, $0x1;
	_ =	sdelay $0x3  }
0x1d: {  	s7 =	spop (v2sf)  }
0x1e: {  	s0 =	sand.u32 $0x7F, s7  }
0x1f: {  	(v2sf) =	vpush v6, $0x2;
	s1 =	sshra.s32 s7, $0x1F;
	p0 =	slt.s32 s7, $0x1;
	p1 =	sne.s32 s0, $0x0  }
0x20: {  	s28 =	sshrl.u32 s1, $0x19;
	p0 =	por !p0, !p1  }
0x21: {  	s1 =	simm.s32 $0x1;
	s0 =	sadd.s32 s28, s7;
	p0 =	por !p0, !p0  }
0x22: {  	s0 =	sshrl.u32 s0, $0x7;
	s1 =	simm.s32 @!p0 $0x0  }
0x23: {  	s0 =	ssub.s32 s0, s1  }
0x24: {  	s9 =	sshll.u32 s0, $0x7  }
0x25: {  	s0 =	sand.u32 $0x1FFFFF80, s9  }
0x26: {  	s16 =	simm.s32 $0x6100;
	s0 =	sadd.s32 s15, s0  }
0x27: {  	[tilespmem:s16], [sflag:$0x1] =	stream.strided.gather [hbm4b:s0+s13], $0x3000, s14, s13, $0x38;
	[tilespmem:$0x1E100] =	vst v63  }
0x28: {  	s0 =	spop (v2sf)  }
0x29: {  	(v2sf) =	vpush v6, $0x3;
	s29 =	sand.u32 $0x7F, s0  }
0x2a: {  	s4 =	sshra.s32 s0, $0x1F;
	p1 =	slt.s32 s0, $0x1;
	p2 =	sne.s32 s29, $0x0  }
0x2b: {  	s30 =	sshrl.u32 s4, $0x19;
	p0 =	por !p1, !p2  }
0x2c: {  	s4 =	simm.s32 $0x1;
	s1 =	sadd.s32 s30, s0;
	p0 =	por !p0, !p0  }
0x2d: {  	s1 =	sshrl.u32 s1, $0x7;
	s4 =	simm.s32 @!p0 $0x0  }
0x2e: {  	s17 =	simm.s32 $0x9100;
	s1 =	ssub.s32 s1, s4;
	s4 =	spop (v2sf)  }
0x2f: {  	s11 =	sshll.u32 s1, $0x7;
	s31 =	sand.u32 $0x7F, s4;
	s8 =	sshra.s32 s4, $0x1F  }
0x30: {  	p3 =	slt.s32 s4, $0x1;
	s1 =	sand.u32 $0x1FFFFF80, s11;
	p4 =	sne.s32 s31, $0x0  }
0x31: {  	s8 =	sshrl.u32 s8, $0x19;
	s1 =	sadd.s32 s15, s1;
	p0 =	por !p3, !p4  }
0x32: {  	[tilespmem:s17], [sflag:$0x2] =	stream.strided.gather [hbm4b:s1+s13], $0x3000, s14, s13, $0x38;
	[tilespmem:$0x1E100] =	vst v63  }
0x33: {  	s1 =	sadd.s32 s8, s4;
	p0 =	por !p0, !p0;
	s8 =	simm.s32 $0x1  }
0x34: {  	s1 =	sshrl.u32 s1, $0x7;
	s8 =	simm.s32 @!p0 $0x0  }
0x35: {  	(v2sf) =	vpush v6, $0x4;
	s1 =	ssub.s32 s1, s8  }
0x36: {  	s25 =	sshll.u32 s1, $0x7  }
0x37: {  	s1 =	sand.u32 $0x1FFFFF80, s25  }
0x38: {  	s18 =	simm.s32 $0xC100;
	s1 =	sadd.s32 s15, s1;
	s26 =	spop (v2sf)  }
0x39: {  	[tilespmem:s18], [sflag:$0x3] =	stream.strided.gather [hbm4b:s1+s13], $0x3000, s14, s13, $0x38;
	[tilespmem:$0x1E100] =	vst v63  }
0x3a: {  	s10 =	sand.u32 $0x7F, s26  }
0x3b: {  	(v2sf) =	vpush v6, $0x5;
	s12 =	sshra.s32 s26, $0x1F;
	p5 =	slt.s32 s26, $0x1;
	p6 =	sne.s32 s10, $0x0  }
0x3c: {  	s28 =	sshrl.u32 s12, $0x19;
	p0 =	por !p5, !p6  }
0x3d: {  	s8 =	simm.s32 $0x1;
	s1 =	sadd.s32 s28, s26;
	p0 =	por !p0, !p0  }
0x3e: {  	s1 =	sshrl.u32 s1, $0x7;
	s8 =	simm.s32 @!p0 $0x0  }
0x3f: {  	s1 =	ssub.s32 s1, s8  }
0x40: {  	s28 =	sshll.u32 s1, $0x7  }
0x41: {  	s1 =	sand.u32 $0x1FFFFF80, s28  }
0x42: {  	s1 =	sadd.s32 s15, s1  }
0x43: {  	[tilespmem:s2], [sflag:$0x4] =	stream.strided.gather [hbm4b:s1+s13], $0x3000, s14, s13, $0x38;
	[tilespmem:$0x1E100] =	vst v63  }
0x44: {  	s1 =	spop (v2sf)  }
0x45: {  	(v2sf) =	vpush v6, $0x6;
	s29 =	sand.u32 $0x7F, s1  }
0x46: {  	s10 =	sshra.s32 s1, $0x1F;
	p1 =	slt.s32 s1, $0x1;
	p2 =	sne.s32 s29, $0x0  }
0x47: {  	s30 =	sshrl.u32 s10, $0x19;
	p0 =	por !p1, !p2  }
0x48: {  	s10 =	simm.s32 $0x1;
	s8 =	sadd.s32 s30, s1;
	p0 =	por !p0, !p0  }
0x49: {  	s8 =	sshrl.u32 s8, $0x7;
	s10 =	simm.s32 @!p0 $0x0  }
0x4a: {  	s29 =	spop (v2sf);
	s8 =	ssub.s32 s8, s10  }
0x4b: {  	s31 =	sand.u32 $0x7F, s29;
	s2 =	sshra.s32 s29, $0x1F;
	s30 =	sshll.u32 s8, $0x7  }
0x4c: {  	p3 =	slt.s32 s29, $0x1;
	p4 =	sne.s32 s31, $0x0;
	s8 =	sand.u32 $0x1FFFFF80, s30  }
0x4d: {  	s12 =	sshrl.u32 s2, $0x19;
	p0 =	por !p3, !p4;
	s8 =	sadd.s32 s15, s8  }
0x4e: {  	[tilespmem:s19], [sflag:$0x5] =	stream.strided.gather [hbm4b:s8+s13], $0x3000, s14, s13, $0x38;
	[tilespmem:$0x1E100] =	vst v63  }
0x4f: {  	s10 =	simm.s32 $0x1;
	p0 =	por !p0, !p0;
	s8 =	sadd.s32 s12, s29  }
0x50: {  	s10 =	simm.s32 @!p0 $0x0;
	s8 =	sshrl.u32 s8, $0x7  }
0x51: {  	(v2sf) =	vpush v6, $0x7;
	s8 =	ssub.s32 s8, s10  }
0x52: {  	s31 =	sshll.u32 s8, $0x7  }
0x53: {  	s8 =	sand.u32 $0x1FFFFF80, s31  }
0x54: {  	s24 =	simm.s32 $0x15100;
	s12 =	spop (v2sf);
	s8 =	sadd.s32 s15, s8  }
0x55: {  	[tilespmem:s24], [sflag:$0x6] =	stream.strided.gather [hbm4b:s8+s13], $0x3000, s14, s13, $0x38;
	[tilespmem:$0x1E100] =	vst v63  }
0x56: {  	s19 =	sand.u32 $0x7F, s12  }
0x57: {  	s24 =	sshra.s32 s12, $0x1F;
	p5 =	slt.s32 s12, $0x1;
	p6 =	sne.s32 s19, $0x0  }
0x58: {  	s2 =	sshrl.u32 s24, $0x19;
	p0 =	por !p5, !p6  }
0x59: {  	s10 =	simm.s32 $0x1;
	s8 =	sadd.s32 s2, s12;
	p0 =	por !p0, !p0  }
0x5a: {  	s8 =	sshrl.u32 s8, $0x7;
	s10 =	simm.s32 @!p0 $0x0  }
0x5b: {  	s8 =	ssub.s32 s8, s10  }
0x5c: {  	s24 =	sshll.u32 s8, $0x7  }
0x5d: {  	s8 =	sand.u32 $0x1FFFFF80, s24  }
0x5e: {  	s8 =	sadd.s32 s15, s8  }
0x5f: {  	[tilespmem:s21], [sflag:$0x7] =	stream.strided.gather [hbm4b:s8+s13], $0x3000, s14, s13, $0x38;
	[tilespmem:$0x1E100] =	vst v63  }
0x60: {  	s8 =	spop (v2sf)  }
0x61: {  	s10 =	sand.u32 $0x7F, s8  }
0x62: {  	s2 =	sshra.s32 s8, $0x1F;
	p1 =	slt.s32 s8, $0x1;
	p2 =	sne.s32 s10, $0x0  }
0x63: {  	s2 =	sshrl.u32 s2, $0x19;
	p0 =	por !p1, !p2  }
0x64: {  	s10 =	simm.s32 $0x1;
	s2 =	sadd.s32 s2, s8;
	p0 =	por !p0, !p0  }
0x65: {  	s2 =	sshrl.u32 s2, $0x7;
	s10 =	simm.s32 @!p0 $0x0  }
0x66: {  	s2 =	ssub.s32 s2, s10  }
0x67: {  	s10 =	sshll.u32 s2, $0x7  }
0x68: {  	s7 =	ssub.s32 s7, s9;
	s9 =	sadd.s32 $0xFFFFFFF1, s5;
	s2 =	sand.u32 $0x1FFFFF80, s10  }
0x69: {  	v7 =	vadd.s32 s7, v0;
	v8 =	vmov s9;
	s9 =	simm.s32 $0x1;
	s2 =	sadd.s32 s15, s2  }
0x6a: {  	[tilespmem:s22], [sflag:$0x8] =	stream.strided.gather [hbm4b:s2+s13], $0x3000, s14, s13, $0x38;
	[tilespmem:$0x1E100] =	vst v63  }
0x6b: {  	v8 =	vand.u32 $0x70, v8;
	_ =	swait.ge [sflag:s9], $0x3000  }
0x6c: {  	v8 =	vbroadcast v8, $0x0;
	[sflag:s9] =	ssyncset.done $0x0  }
0x6d: {  	[sflag:s9] =	ssyncadd.s32 $0xFFFFD000  }
0x6e: {  	v9 =	vor.u32 v0, v8;
	v7 =	vld.idx.msk [tilespmem:v7+s16+$0x0], $0xffff  }
0x6f: {  	v10 =	vadd.s32 s7, v1;
	_ =	sdelay $0x3  }
0x70: {  	[tilespmem:v9+s23+$0x0] =	vst.idx.msk $0xffff, v7  }
0x71: {  	v45 =	vor.u32 v1, v8;
	v7 =	vld.idx.msk [tilespmem:v10+s16+$0x0], $0xffff  }
0x72: {  	v46 =	vadd.s32 s7, v2;
	_ =	sdelay $0x3  }
0x73: {  	(v2sf) =	vpush v6, $0x8;
	[tilespmem:v45+s23+$0x0] =	vst.idx.msk $0xffff, v7  }
0x74: {  	v47 =	vor.u32 v2, v8;
	v7 =	vld.idx.msk [tilespmem:v46+s16+$0x0], $0xffff  }
0x75: {  	v48 =	vadd.s32 s7, v3;
	_ =	sdelay $0x3  }
0x76: {  	[tilespmem:v47+s23+$0x0] =	vst.idx.msk $0xffff, v7  }
0x77: {  	v49 =	vor.u32 v3, v8;
	v7 =	vld.idx.msk [tilespmem:v48+s16+$0x0], $0xffff  }
0x78: {  	v50 =	vadd.s32 s7, v4;
	_ =	sdelay $0x3  }
0x79: {  	[tilespmem:v49+s23+$0x0] =	vst.idx.msk $0xffff, v7  }
0x7a: {  	v51 =	vor.u32 v4, v8;
	v7 =	vld.idx.msk [tilespmem:v50+s16+$0x0], $0xffff  }
0x7b: {  	v52 =	vadd.s32 s7, v5  }
0x7c: {  	s7 =	spop (v2sf)  }
0x7d: {  	s2 =	sand.u32 $0x7F, s7  }
0x7e: {  	s9 =	sshra.s32 s7, $0x1F;
	p3 =	slt.s32 s7, $0x1;
	p4 =	sne.s32 s2, $0x0  }
0x7f: {  	s9 =	sshrl.u32 s9, $0x19;
	p0 =	por !p3, !p4;
	[tilespmem:v51+s23+$0x0] =	vst.idx.msk $0xffff, v7  }
0x80: {  	v8 =	vor.u32 v5, v8;
	s2 =	sadd.s32 s9, s7;
	s9 =	simm.s32 $0x1;
	p0 =	por !p0, !p0;
	v7 =	vld.idx.msk [tilespmem:v52+s16+$0x0], $0xffff  }
0x81: {  	s2 =	sshrl.u32 s2, $0x7;
	s9 =	simm.s32 @!p0 $0x0  }
0x82: {  	s2 =	ssub.s32 s2, s9  }
0x83: {  	s9 =	sshll.u32 s2, $0x7  }
0x84: {  	s0 =	ssub.s32 s0, s11;
	s2 =	sand.u32 $0x1FFFFF80, s9  }
0x85: {  	s20 =	simm.s32 $0x2;
	s11 =	sadd.s32 $0xFFFFFFF2, s5;
	s2 =	sadd.s32 s15, s2;
	[tilespmem:v8+s23+$0x0] =	vst.idx.msk $0xffff, v7;
	v7 =	vadd.s32 s0, v0  }
0x86: {  	v53 =	vmov s11;
	[tilespmem:s16], [sflag:$0x1] =	stream.strided.gather [hbm4b:s2+s13], $0x3000, s14, s13, $0x38;
	[tilespmem:$0x1E100] =	vst v63  }
0x87: {  	v8 =	vand.u32 $0x71, v53;
	_ =	swait.ge [sflag:s20], $0x3000  }
0x88: {  	v8 =	vbroadcast v8, $0x0;
	[sflag:s20] =	ssyncset.done $0x0  }
0x89: {  	[sflag:s20] =	ssyncadd.s32 $0xFFFFD000  }
0x8a: {  	v54 =	vor.u32 v0, v8;
	v7 =	vld.idx.msk [tilespmem:v7+s17+$0x0], $0xffff  }
0x8b: {  	v55 =	vadd.s32 s0, v1;
	_ =	sdelay $0x3  }
0x8c: {  	[tilespmem:v54+s23+$0x0] =	vst.idx.msk $0xffff, v7  }
0x8d: {  	v56 =	vor.u32 v1, v8;
	v7 =	vld.idx.msk [tilespmem:v55+s17+$0x0], $0xffff  }
0x8e: {  	v57 =	vadd.s32 s0, v2;
	_ =	sdelay $0x3  }
0x8f: {  	(v2sf) =	vpush v6, $0x9;
	[tilespmem:v56+s23+$0x0] =	vst.idx.msk $0xffff, v7  }
0x90: {  	v58 =	vor.u32 v2, v8;
	v7 =	vld.idx.msk [tilespmem:v57+s17+$0x0], $0xffff  }
0x91: {  	v59 =	vadd.s32 s0, v3;
	_ =	sdelay $0x3  }
0x92: {  	[tilespmem:v58+s23+$0x0] =	vst.idx.msk $0xffff, v7  }
0x93: {  	v60 =	vor.u32 v3, v8;
	v7 =	vld.idx.msk [tilespmem:v59+s17+$0x0], $0xffff  }
0x94: {  	v61 =	vadd.s32 s0, v4;
	_ =	sdelay $0x3  }
0x95: {  	[tilespmem:v60+s23+$0x0] =	vst.idx.msk $0xffff, v7  }
0x96: {  	v62 =	vor.u32 v4, v8;
	v7 =	vld.idx.msk [tilespmem:v61+s17+$0x0], $0xffff  }
0x97: {  	v63 =	vadd.s32 s0, v5  }
0x98: {  	s0 =	spop (v2sf)  }
0x99: {  	s2 =	sand.u32 $0x7F, s0  }
0x9a: {  	s11 =	sshra.s32 s0, $0x1F;
	p5 =	slt.s32 s0, $0x1;
	p6 =	sne.s32 s2, $0x0  }
0x9b: {  	s11 =	sshrl.u32 s11, $0x19;
	p0 =	por !p5, !p6;
	[tilespmem:v62+s23+$0x0] =	vst.idx.msk $0xffff, v7  }
0x9c: {  	v8 =	vor.u32 v5, v8;
	s2 =	sadd.s32 s11, s0;
	s11 =	simm.s32 $0x1;
	p0 =	por !p0, !p0;
	v7 =	vld.idx.msk [tilespmem:v63+s17+$0x0], $0xffff  }
0x9d: {  	s2 =	sshrl.u32 s2, $0x7;
	s11 =	simm.s32 @!p0 $0x0  }
0x9e: {  	s2 =	ssub.s32 s2, s11  }
0x9f: {  	s11 =	sshll.u32 s2, $0x7  }
0xa0: {  	s2 =	sand.u32 $0x1FFFFF80, s11  }
0xa1: {  	s4 =	ssub.s32 s4, s25;
	s25 =	sadd.s32 $0xFFFFFFF3, s5;
	s2 =	sadd.s32 s15, s2;
	[tilespmem:v8+s23+$0x0] =	vst.idx.msk $0xffff, v7  }
0xa2: {  	v7 =	vadd.s32 s4, v0;
	[tilespmem:s17], [sflag:$0x2] =	stream.strided.gather [hbm4b:s2+s13], $0x3000, s14, s13, $0x38;
	[tilespmem:$0x1E100] =	vst v63  }
0xa3: {  	v12 =	vmov s25;
	s17 =	simm.s32 $0x3  }
0xa4: {  	v8 =	vand.u32 $0x72, v12;
	_ =	swait.ge [sflag:s17], $0x3000  }
0xa5: {  	v8 =	vbroadcast v8, $0x0;
	[sflag:s17] =	ssyncset.done $0x0  }
0xa6: {  	[sflag:s17] =	ssyncadd.s32 $0xFFFFD000  }
0xa7: {  	v13 =	vor.u32 v0, v8;
	v7 =	vld.idx.msk [tilespmem:v7+s18+$0x0], $0xffff  }
0xa8: {  	v14 =	vadd.s32 s4, v1;
	_ =	sdelay $0x3  }
0xa9: {  	[tilespmem:v13+s23+$0x0] =	vst.idx.msk $0xffff, v7  }
0xaa: {  	v15 =	vor.u32 v1, v8;
	v7 =	vld.idx.msk [tilespmem:v14+s18+$0x0], $0xffff  }
0xab: {  	v16 =	vadd.s32 s4, v2;
	_ =	sdelay $0x3  }
0xac: {  	(v2sf) =	vpush v6, $0xA;
	[tilespmem:v15+s23+$0x0] =	vst.idx.msk $0xffff, v7  }
0xad: {  	v17 =	vor.u32 v2, v8;
	v7 =	vld.idx.msk [tilespmem:v16+s18+$0x0], $0xffff  }
0xae: {  	v18 =	vadd.s32 s4, v3;
	_ =	sdelay $0x3  }
0xaf: {  	[tilespmem:v17+s23+$0x0] =	vst.idx.msk $0xffff, v7  }
0xb0: {  	v19 =	vor.u32 v3, v8;
	v7 =	vld.idx.msk [tilespmem:v18+s18+$0x0], $0xffff  }
0xb1: {  	v20 =	vadd.s32 s4, v4;
	_ =	sdelay $0x3  }
0xb2: {  	[tilespmem:v19+s23+$0x0] =	vst.idx.msk $0xffff, v7  }
0xb3: {  	v21 =	vor.u32 v4, v8;
	v7 =	vld.idx.msk [tilespmem:v20+s18+$0x0], $0xffff  }
0xb4: {  	v22 =	vadd.s32 s4, v5  }
0xb5: {  	s4 =	spop (v2sf)  }
0xb6: {  	s2 =	sand.u32 $0x7F, s4  }
0xb7: {  	s25 =	sshra.s32 s4, $0x1F;
	p1 =	slt.s32 s4, $0x1;
	p2 =	sne.s32 s2, $0x0  }
0xb8: {  	s25 =	sshrl.u32 s25, $0x19;
	p0 =	por !p1, !p2;
	[tilespmem:v21+s23+$0x0] =	vst.idx.msk $0xffff, v7  }
0xb9: {  	v8 =	vor.u32 v5, v8;
	s2 =	sadd.s32 s25, s4;
	s25 =	simm.s32 $0x1;
	p0 =	por !p0, !p0;
	v7 =	vld.idx.msk [tilespmem:v22+s18+$0x0], $0xffff  }
0xba: {  	s2 =	sshrl.u32 s2, $0x7;
	s25 =	simm.s32 @!p0 $0x0  }
0xbb: {  	s2 =	ssub.s32 s2, s25  }
0xbc: {  	s25 =	sshll.u32 s2, $0x7  }
0xbd: {  	s2 =	sand.u32 $0x1FFFFF80, s25  }
0xbe: {  	s26 =	ssub.s32 s26, s28;
	s28 =	sadd.s32 $0xFFFFFFF4, s5;
	s2 =	sadd.s32 s15, s2;
	[tilespmem:v8+s23+$0x0] =	vst.idx.msk $0xffff, v7  }
0xbf: {  	v7 =	vadd.s32 s26, v0;
	[tilespmem:s18], [sflag:$0x3] =	stream.strided.gather [hbm4b:s2+s13], $0x3000, s14, s13, $0x38;
	[tilespmem:$0x1E100] =	vst v63  }
0xc0: {  	v23 =	vmov s28;
	s18 =	simm.s32 $0x4  }
0xc1: {  	v8 =	vand.u32 $0x73, v23;
	_ =	swait.ge [sflag:s18], $0x3000  }
0xc2: {  	v8 =	vbroadcast v8, $0x0;
	[sflag:s18] =	ssyncset.done $0x0  }
0xc3: {  	s19 =	simm.s32 $0xF100;
	[sflag:s18] =	ssyncadd.s32 $0xFFFFD000  }
0xc4: {  	v24 =	vor.u32 v0, v8;
	v7 =	vld.idx.msk [tilespmem:v7+s19+$0x0], $0xffff  }
0xc5: {  	v25 =	vadd.s32 s26, v1;
	_ =	sdelay $0x3  }
0xc6: {  	[tilespmem:v24+s23+$0x0] =	vst.idx.msk $0xffff, v7  }
0xc7: {  	v26 =	vor.u32 v1, v8;
	v7 =	vld.idx.msk [tilespmem:v25+s19+$0x0], $0xffff  }
0xc8: {  	v27 =	vadd.s32 s26, v2;
	_ =	sdelay $0x3  }
0xc9: {  	(v2sf) =	vpush v6, $0xB;
	[tilespmem:v26+s23+$0x0] =	vst.idx.msk $0xffff, v7  }
0xca: {  	v28 =	vor.u32 v2, v8;
	v7 =	vld.idx.msk [tilespmem:v27+s19+$0x0], $0xffff  }
0xcb: {  	v29 =	vadd.s32 s26, v3;
	_ =	sdelay $0x3  }
0xcc: {  	[tilespmem:v28+s23+$0x0] =	vst.idx.msk $0xffff, v7  }
0xcd: {  	v30 =	vor.u32 v3, v8;
	v7 =	vld.idx.msk [tilespmem:v29+s19+$0x0], $0xffff  }
0xce: {  	v31 =	vadd.s32 s26, v4;
	_ =	sdelay $0x3  }
0xcf: {  	[tilespmem:v30+s23+$0x0] =	vst.idx.msk $0xffff, v7  }
0xd0: {  	v32 =	vor.u32 v4, v8;
	v7 =	vld.idx.msk [tilespmem:v31+s19+$0x0], $0xffff  }
0xd1: {  	v33 =	vadd.s32 s26, v5  }
0xd2: {  	s26 =	spop (v2sf)  }
0xd3: {  	s2 =	sand.u32 $0x7F, s26  }
0xd4: {  	s28 =	sshra.s32 s26, $0x1F;
	p3 =	slt.s32 s26, $0x1;
	p4 =	sne.s32 s2, $0x0  }
0xd5: {  	s28 =	sshrl.u32 s28, $0x19;
	p0 =	por !p3, !p4;
	[tilespmem:v32+s23+$0x0] =	vst.idx.msk $0xffff, v7  }
0xd6: {  	v8 =	vor.u32 v5, v8;
	s2 =	sadd.s32 s28, s26;
	s28 =	simm.s32 $0x1;
	p0 =	por !p0, !p0;
	v7 =	vld.idx.msk [tilespmem:v33+s19+$0x0], $0xffff  }
0xd7: {  	s2 =	sshrl.u32 s2, $0x7;
	s28 =	simm.s32 @!p0 $0x0  }
0xd8: {  	s2 =	ssub.s32 s2, s28  }
0xd9: {  	s28 =	sshll.u32 s2, $0x7  }
0xda: {  	s1 =	ssub.s32 s1, s30;
	s30 =	sadd.s32 $0xFFFFFFF5, s5;
	s2 =	sand.u32 $0x1FFFFF80, s28  }
0xdb: {  	v34 =	vmov s30;
	s30 =	simm.s32 $0x5;
	s2 =	sadd.s32 s15, s2;
	[tilespmem:v8+s23+$0x0] =	vst.idx.msk $0xffff, v7;
	v7 =	vadd.s32 s1, v0  }
0xdc: {  	[tilespmem:s19], [sflag:$0x4] =	stream.strided.gather [hbm4b:s2+s13], $0x3000, s14, s13, $0x38;
	[tilespmem:$0x1E100] =	vst v63  }
0xdd: {  	v8 =	vand.u32 $0x74, v34;
	_ =	swait.ge [sflag:s30], $0x3000;
	s30 =	simm.s32 $0x5  }
0xde: {  	v8 =	vbroadcast v8, $0x0;
	[sflag:s30] =	ssyncset.done $0x0;
	s30 =	simm.s32 $0x5  }
0xdf: {  	s19 =	simm.s32 $0x12100;
	[sflag:s30] =	ssyncadd.s32 $0xFFFFD000  }
0xe0: {  	v35 =	vor.u32 v0, v8;
	v7 =	vld.idx.msk [tilespmem:v7+s19+$0x0], $0xffff  }
0xe1: {  	v36 =	vadd.s32 s1, v1;
	_ =	sdelay $0x3  }
0xe2: {  	[tilespmem:v35+s23+$0x0] =	vst.idx.msk $0xffff, v7  }
0xe3: {  	v37 =	vor.u32 v1, v8;
	v7 =	vld.idx.msk [tilespmem:v36+s19+$0x0], $0xffff  }
0xe4: {  	v38 =	vadd.s32 s1, v2;
	_ =	sdelay $0x3  }
0xe5: {  	(v2sf) =	vpush v6, $0xC;
	[tilespmem:v37+s23+$0x0] =	vst.idx.msk $0xffff, v7  }
0xe6: {  	v39 =	vor.u32 v2, v8;
	v7 =	vld.idx.msk [tilespmem:v38+s19+$0x0], $0xffff  }
0xe7: {  	v40 =	vadd.s32 s1, v3;
	_ =	sdelay $0x3  }
0xe8: {  	[tilespmem:v39+s23+$0x0] =	vst.idx.msk $0xffff, v7  }
0xe9: {  	v41 =	vor.u32 v3, v8;
	v7 =	vld.idx.msk [tilespmem:v40+s19+$0x0], $0xffff  }
0xea: {  	v42 =	vadd.s32 s1, v4;
	_ =	sdelay $0x3  }
0xeb: {  	[tilespmem:v41+s23+$0x0] =	vst.idx.msk $0xffff, v7  }
0xec: {  	v43 =	vor.u32 v4, v8;
	v7 =	vld.idx.msk [tilespmem:v42+s19+$0x0], $0xffff  }
0xed: {  	v44 =	vadd.s32 s1, v5  }
0xee: {  	s30 =	spop (v2sf)  }
0xef: {  	s1 =	sand.u32 $0x7F, s30  }
0xf0: {  	s2 =	sshra.s32 s30, $0x1F;
	p5 =	slt.s32 s30, $0x1;
	p6 =	sne.s32 s1, $0x0  }
0xf1: {  	s2 =	sshrl.u32 s2, $0x19;
	p0 =	por !p5, !p6;
	[tilespmem:v43+s23+$0x0] =	vst.idx.msk $0xffff, v7  }
0xf2: {  	v8 =	vor.u32 v5, v8;
	s1 =	sadd.s32 s2, s30;
	s2 =	simm.s32 $0x1;
	p0 =	por !p0, !p0;
	v7 =	vld.idx.msk [tilespmem:v44+s19+$0x0], $0xffff  }
0xf3: {  	s1 =	sshrl.u32 s1, $0x7;
	s2 =	simm.s32 @!p0 $0x0  }
0xf4: {  	s1 =	ssub.s32 s1, s2  }
0xf5: {  	s1 =	sshll.u32 s1, $0x7  }
0xf6: {  	s29 =	ssub.s32 s29, s31;
	s31 =	sadd.s32 $0xFFFFFFF6, s5;
	s2 =	sand.u32 $0x1FFFFF80, s1  }
0xf7: {  	v45 =	vmov s31;
	s31 =	simm.s32 $0x6;
	s2 =	sadd.s32 s15, s2;
	[tilespmem:v8+s23+$0x0] =	vst.idx.msk $0xffff, v7;
	v7 =	vadd.s32 s29, v0  }
0xf8: {  	[tilespmem:s19], [sflag:$0x5] =	stream.strided.gather [hbm4b:s2+s13], $0x3000, s14, s13, $0x38;
	[tilespmem:$0x1E100] =	vst v63  }
0xf9: {  	v8 =	vand.u32 $0x75, v45;
	_ =	swait.ge [sflag:s31], $0x3000;
	s31 =	simm.s32 $0x6  }
0xfa: {  	v8 =	vbroadcast v8, $0x0;
	[sflag:s31] =	ssyncset.done $0x0;
	s31 =	simm.s32 $0x6  }
0xfb: {  	s20 =	simm.s32 $0x15100;
	[sflag:s31] =	ssyncadd.s32 $0xFFFFD000  }
0xfc: {  	v46 =	vor.u32 v0, v8;
	v7 =	vld.idx.msk [tilespmem:v7+s20+$0x0], $0xffff  }
0xfd: {  	v47 =	vadd.s32 s29, v1;
	_ =	sdelay $0x3  }
0xfe: {  	[tilespmem:v46+s23+$0x0] =	vst.idx.msk $0xffff, v7  }
0xff: {  	v48 =	vor.u32 v1, v8;
	v7 =	vld.idx.msk [tilespmem:v47+s20+$0x0], $0xffff  }
0x100: {  	v49 =	vadd.s32 s29, v2;
	_ =	sdelay $0x3  }
0x101: {  	(v2sf) =	vpush v6, $0xD;
	[tilespmem:v48+s23+$0x0] =	vst.idx.msk $0xffff, v7  }
0x102: {  	v50 =	vor.u32 v2, v8;
	v7 =	vld.idx.msk [tilespmem:v49+s20+$0x0], $0xffff  }
0x103: {  	v51 =	vadd.s32 s29, v3;
	_ =	sdelay $0x3  }
0x104: {  	[tilespmem:v50+s23+$0x0] =	vst.idx.msk $0xffff, v7  }
0x105: {  	v52 =	vor.u32 v3, v8;
	v7 =	vld.idx.msk [tilespmem:v51+s20+$0x0], $0xffff  }
0x106: {  	v53 =	vadd.s32 s29, v4;
	_ =	sdelay $0x3  }
0x107: {  	[tilespmem:v52+s23+$0x0] =	vst.idx.msk $0xffff, v7  }
0x108: {  	v54 =	vor.u32 v4, v8;
	v7 =	vld.idx.msk [tilespmem:v53+s20+$0x0], $0xffff  }
0x109: {  	v55 =	vadd.s32 s29, v5  }
0x10a: {  	s29 =	spop (v2sf)  }
0x10b: {  	s2 =	sand.u32 $0x7F, s29  }
0x10c: {  	s31 =	sshra.s32 s29, $0x1F;
	p1 =	slt.s32 s29, $0x1;
	p2 =	sne.s32 s2, $0x0  }
0x10d: {  	s31 =	sshrl.u32 s31, $0x19;
	p0 =	por !p1, !p2;
	[tilespmem:v54+s23+$0x0] =	vst.idx.msk $0xffff, v7  }
0x10e: {  	v8 =	vor.u32 v5, v8;
	s2 =	sadd.s32 s31, s29;
	s31 =	simm.s32 $0x1;
	p0 =	por !p0, !p0;
	v7 =	vld.idx.msk [tilespmem:v55+s20+$0x0], $0xffff  }
0x10f: {  	s2 =	sshrl.u32 s2, $0x7;
	s31 =	simm.s32 @!p0 $0x0  }
0x110: {  	s2 =	ssub.s32 s2, s31  }
0x111: {  	s31 =	sshll.u32 s2, $0x7  }
0x112: {  	s12 =	ssub.s32 s12, s24;
	s24 =	sadd.s32 $0xFFFFFFF7, s5;
	s2 =	sand.u32 $0x1FFFFF80, s31  }
0x113: {  	v56 =	vmov s24;
	s24 =	simm.s32 $0x7;
	s2 =	sadd.s32 s15, s2;
	[tilespmem:v8+s23+$0x0] =	vst.idx.msk $0xffff, v7;
	v7 =	vadd.s32 s12, v0  }
0x114: {  	[tilespmem:s20], [sflag:$0x6] =	stream.strided.gather [hbm4b:s2+s13], $0x3000, s14, s13, $0x38;
	[tilespmem:$0x1E100] =	vst v63  }
0x115: {  	v8 =	vand.u32 $0x76, v56;
	_ =	swait.ge [sflag:s24], $0x3000;
	s24 =	simm.s32 $0x7  }
0x116: {  	v8 =	vbroadcast v8, $0x0;
	[sflag:s24] =	ssyncset.done $0x0;
	s24 =	simm.s32 $0x7  }
0x117: {  	[sflag:s24] =	ssyncadd.s32 $0xFFFFD000  }
0x118: {  	v57 =	vor.u32 v0, v8;
	v7 =	vld.idx.msk [tilespmem:v7+s21+$0x0], $0xffff  }
0x119: {  	v58 =	vadd.s32 s12, v1;
	_ =	sdelay $0x3  }
0x11a: {  	[tilespmem:v57+s23+$0x0] =	vst.idx.msk $0xffff, v7  }
0x11b: {  	v59 =	vor.u32 v1, v8;
	v7 =	vld.idx.msk [tilespmem:v58+s21+$0x0], $0xffff  }
0x11c: {  	v60 =	vadd.s32 s12, v2;
	_ =	sdelay $0x3  }
0x11d: {  	(v2sf) =	vpush v6, $0xE;
	[tilespmem:v59+s23+$0x0] =	vst.idx.msk $0xffff, v7  }
0x11e: {  	v61 =	vor.u32 v2, v8;
	v7 =	vld.idx.msk [tilespmem:v60+s21+$0x0], $0xffff  }
0x11f: {  	v62 =	vadd.s32 s12, v3;
	_ =	sdelay $0x3  }
0x120: {  	[tilespmem:v61+s23+$0x0] =	vst.idx.msk $0xffff, v7  }
0x121: {  	v63 =	vor.u32 v3, v8;
	v7 =	vld.idx.msk [tilespmem:v62+s21+$0x0], $0xffff  }
0x122: {  	v12 =	vadd.s32 s12, v4;
	_ =	sdelay $0x3  }
0x123: {  	[tilespmem:v63+s23+$0x0] =	vst.idx.msk $0xffff, v7  }
0x124: {  	v13 =	vor.u32 v4, v8;
	v7 =	vld.idx.msk [tilespmem:v12+s21+$0x0], $0xffff  }
0x125: {  	v14 =	vadd.s32 s12, v5  }
0x126: {  	s12 =	spop (v2sf)  }
0x127: {  	s2 =	sand.u32 $0x7F, s12  }
0x128: {  	s24 =	sshra.s32 s12, $0x1F;
	p3 =	slt.s32 s12, $0x1;
	p4 =	sne.s32 s2, $0x0  }
0x129: {  	s24 =	sshrl.u32 s24, $0x19;
	p0 =	por !p3, !p4;
	[tilespmem:v13+s23+$0x0] =	vst.idx.msk $0xffff, v7  }
0x12a: {  	v8 =	vor.u32 v5, v8;
	s2 =	sadd.s32 s24, s12;
	s24 =	simm.s32 $0x1;
	p0 =	por !p0, !p0;
	v7 =	vld.idx.msk [tilespmem:v14+s21+$0x0], $0xffff  }
0x12b: {  	s2 =	sshrl.u32 s2, $0x7;
	s24 =	simm.s32 @!p0 $0x0  }
0x12c: {  	s2 =	ssub.s32 s2, s24  }
0x12d: {  	s24 =	sshll.u32 s2, $0x7  }
0x12e: {  	s8 =	ssub.s32 s8, s10;
	s10 =	sadd.s32 $0xFFFFFFF8, s5;
	s2 =	sand.u32 $0x1FFFFF80, s24  }
0x12f: {  	v15 =	vmov s10;
	s10 =	simm.s32 $0x8;
	s2 =	sadd.s32 s15, s2;
	[tilespmem:v8+s23+$0x0] =	vst.idx.msk $0xffff, v7;
	v7 =	vadd.s32 s8, v0  }
0x130: {  	[tilespmem:s21], [sflag:$0x7] =	stream.strided.gather [hbm4b:s2+s13], $0x3000, s14, s13, $0x38;
	[tilespmem:$0x1E100] =	vst v63  }
0x131: {  	v8 =	vand.u32 $0x77, v15;
	_ =	swait.ge [sflag:s10], $0x3000;
	s10 =	simm.s32 $0x8  }
0x132: {  	v8 =	vbroadcast v8, $0x0;
	[sflag:s10] =	ssyncset.done $0x0;
	s10 =	simm.s32 $0x8  }
0x133: {  	[sflag:s10] =	ssyncadd.s32 $0xFFFFD000  }
0x134: {  	v16 =	vor.u32 v0, v8;
	v7 =	vld.idx.msk [tilespmem:v7+s22+$0x0], $0xffff  }
0x135: {  	v17 =	vadd.s32 s8, v1;
	_ =	sdelay $0x3  }
0x136: {  	[tilespmem:v16+s23+$0x0] =	vst.idx.msk $0xffff, v7  }
0x137: {  	v18 =	vor.u32 v1, v8;
	v7 =	vld.idx.msk [tilespmem:v17+s22+$0x0], $0xffff  }
0x138: {  	v19 =	vadd.s32 s8, v2;
	_ =	sdelay $0x3  }
0x139: {  	(v2sf) =	vpush v6, $0xF;
	[tilespmem:v18+s23+$0x0] =	vst.idx.msk $0xffff, v7  }
0x13a: {  	v7 =	vor.u32 v2, v8;
	v6 =	vld.idx.msk [tilespmem:v19+s22+$0x0], $0xffff  }
0x13b: {  	v20 =	vadd.s32 s8, v3;
	_ =	sdelay $0x3  }
0x13c: {  	[tilespmem:v7+s23+$0x0] =	vst.idx.msk $0xffff, v6  }
0x13d: {  	v7 =	vor.u32 v3, v8;
	v6 =	vld.idx.msk [tilespmem:v20+s22+$0x0], $0xffff  }
0x13e: {  	v21 =	vadd.s32 s8, v4;
	_ =	sdelay $0x3  }
0x13f: {  	[tilespmem:v7+s23+$0x0] =	vst.idx.msk $0xffff, v6  }
0x140: {  	v7 =	vor.u32 v4, v8;
	v6 =	vld.idx.msk [tilespmem:v21+s22+$0x0], $0xffff  }
0x141: {  	v22 =	vadd.s32 s8, v5  }
0x142: {  	s8 =	spop (v2sf)  }
0x143: {  	s2 =	sand.u32 $0x7F, s8  }
0x144: {  	s10 =	sshra.s32 s8, $0x1F;
	p5 =	slt.s32 s8, $0x1;
	p6 =	sne.s32 s2, $0x0  }
0x145: {  	s10 =	sshrl.u32 s10, $0x19;
	p0 =	por !p5, !p6;
	[tilespmem:v7+s23+$0x0] =	vst.idx.msk $0xffff, v6  }
0x146: {  	s2 =	sadd.s32 s10, s8;
	s10 =	simm.s32 $0x1;
	p0 =	por !p0, !p0;
	v7 =	vor.u32 v5, v8;
	v6 =	vld.idx.msk [tilespmem:v22+s22+$0x0], $0xffff  }
0x147: {  	s2 =	sshrl.u32 s2, $0x7;
	s10 =	simm.s32 @!p0 $0x0  }
0x148: {  	s2 =	ssub.s32 s2, s10  }
0x149: {  	s10 =	sshll.u32 s2, $0x7  }
0x14a: {  	s7 =	ssub.s32 s7, s9;
	s9 =	sadd.s32 $0xFFFFFFF9, s5;
	s2 =	sand.u32 $0x1FFFFF80, s10  }
0x14b: {  	s2 =	sadd.s32 s15, s2;
	[tilespmem:v7+s23+$0x0] =	vst.idx.msk $0xffff, v6;
	v6 =	vadd.s32 s7, v0;
	v7 =	vmov s9;
	s9 =	simm.s32 $0x1  }
0x14c: {  	[tilespmem:s22], [sflag:$0x8] =	stream.strided.gather [hbm4b:s2+s13], $0x3000, s14, s13, $0x38;
	[tilespmem:$0x1E100] =	vst v63  }
0x14d: {  	v7 =	vand.u32 $0x78, v7;
	_ =	swait.ge [sflag:s9], $0x3000  }
0x14e: {  	v7 =	vbroadcast v7, $0x0;
	[sflag:s9] =	ssyncset.done $0x0;
	s9 =	simm.s32 $0x1  }
0x14f: {  	[sflag:s9] =	ssyncadd.s32 $0xFFFFD000  }
0x150: {  	v23 =	vor.u32 v0, v7;
	v6 =	vld.idx.msk [tilespmem:v6+s16+$0x0], $0xffff  }
0x151: {  	v24 =	vadd.s32 s7, v1;
	_ =	sdelay $0x3  }
0x152: {  	[tilespmem:v23+s23+$0x0] =	vst.idx.msk $0xffff, v6  }
0x153: {  	v25 =	vor.u32 v1, v7;
	v6 =	vld.idx.msk [tilespmem:v24+s16+$0x0], $0xffff  }
0x154: {  	v26 =	vadd.s32 s7, v2;
	_ =	sdelay $0x3  }
0x155: {  	[tilespmem:v25+s23+$0x0] =	vst.idx.msk $0xffff, v6  }
0x156: {  	v27 =	vor.u32 v2, v7;
	v6 =	vld.idx.msk [tilespmem:v26+s16+$0x0], $0xffff  }
0x157: {  	v28 =	vadd.s32 s7, v3;
	_ =	sdelay $0x3  }
0x158: {  	[tilespmem:v27+s23+$0x0] =	vst.idx.msk $0xffff, v6  }
0x159: {  	v29 =	vor.u32 v3, v7;
	v6 =	vld.idx.msk [tilespmem:v28+s16+$0x0], $0xffff  }
0x15a: {  	v30 =	vadd.s32 s7, v4;
	_ =	sdelay $0x3  }
0x15b: {  	[tilespmem:v29+s23+$0x0] =	vst.idx.msk $0xffff, v6  }
0x15c: {  	v31 =	vor.u32 v4, v7;
	v6 =	vld.idx.msk [tilespmem:v30+s16+$0x0], $0xffff  }
0x15d: {  	v32 =	vadd.s32 s7, v5;
	_ =	sdelay $0x3  }
0x15e: {  	s16 =	simm.s32 $0x6100;
	[tilespmem:v31+s23+$0x0] =	vst.idx.msk $0xffff, v6  }
0x15f: {  	v7 =	vor.u32 v5, v7;
	v6 =	vld.idx.msk [tilespmem:v32+s16+$0x0], $0xffff;
	_ =	sdelay $0x2  }
0x160: {  	s0 =	ssub.s32 s0, s11  }
0x161: {  	v33 =	vadd.s32 s0, v0;
	s16 =	sadd.s32 $0xFFFFFFFA, s5  }
0x162: {  	s9 =	simm.s32 $0x2;
	v34 =	vmov s16;
	[tilespmem:v7+s23+$0x0] =	vst.idx.msk $0xffff, v6  }
0x163: {  	v6 =	vand.u32 $0x79, v34;
	_ =	swait.ge [sflag:s9], $0x3000  }
0x164: {  	v6 =	vbroadcast v6, $0x0;
	[sflag:s9] =	ssyncset.done $0x0  }
0x165: {  	s7 =	simm.s32 $0x9100;
	[sflag:s9] =	ssyncadd.s32 $0xFFFFD000  }
0x166: {  	v35 =	vor.u32 v0, v6;
	v7 =	vld.idx.msk [tilespmem:v33+s7+$0x0], $0xffff  }
0x167: {  	v36 =	vadd.s32 s0, v1;
	_ =	sdelay $0x3  }
0x168: {  	[tilespmem:v35+s23+$0x0] =	vst.idx.msk $0xffff, v7  }
0x169: {  	v37 =	vor.u32 v1, v6;
	v7 =	vld.idx.msk [tilespmem:v36+s7+$0x0], $0xffff  }
0x16a: {  	v38 =	vadd.s32 s0, v2;
	_ =	sdelay $0x3  }
0x16b: {  	[tilespmem:v37+s23+$0x0] =	vst.idx.msk $0xffff, v7  }
0x16c: {  	v39 =	vor.u32 v2, v6;
	v7 =	vld.idx.msk [tilespmem:v38+s7+$0x0], $0xffff  }
0x16d: {  	v40 =	vadd.s32 s0, v3;
	_ =	sdelay $0x3  }
0x16e: {  	[tilespmem:v39+s23+$0x0] =	vst.idx.msk $0xffff, v7  }
0x16f: {  	v41 =	vor.u32 v3, v6;
	v7 =	vld.idx.msk [tilespmem:v40+s7+$0x0], $0xffff  }
0x170: {  	v42 =	vadd.s32 s0, v4;
	_ =	sdelay $0x3  }
0x171: {  	[tilespmem:v41+s23+$0x0] =	vst.idx.msk $0xffff, v7  }
0x172: {  	v43 =	vor.u32 v4, v6;
	v7 =	vld.idx.msk [tilespmem:v42+s7+$0x0], $0xffff  }
0x173: {  	v44 =	vadd.s32 s0, v5;
	_ =	sdelay $0x3  }
0x174: {  	[tilespmem:v43+s23+$0x0] =	vst.idx.msk $0xffff, v7  }
0x175: {  	v6 =	vor.u32 v5, v6;
	v7 =	vld.idx.msk [tilespmem:v44+s7+$0x0], $0xffff;
	_ =	sdelay $0x2  }
0x176: {  	s11 =	ssub.s32 s4, s25  }
0x177: {  	v45 =	vadd.s32 s11, v0;
	s16 =	sadd.s32 $0xFFFFFFFB, s5  }
0x178: {  	v46 =	vmov s16;
	[tilespmem:v6+s23+$0x0] =	vst.idx.msk $0xffff, v7  }
0x179: {  	v6 =	vand.u32 $0x7A, v46;
	_ =	swait.ge [sflag:s17], $0x3000  }
0x17a: {  	v6 =	vbroadcast v6, $0x0;
	[sflag:s17] =	ssyncset.done $0x0  }
0x17b: {  	s9 =	simm.s32 $0xC100;
	[sflag:s17] =	ssyncadd.s32 $0xFFFFD000  }
0x17c: {  	v47 =	vor.u32 v0, v6;
	v7 =	vld.idx.msk [tilespmem:v45+s9+$0x0], $0xffff  }
0x17d: {  	v48 =	vadd.s32 s11, v1;
	_ =	sdelay $0x3  }
0x17e: {  	[tilespmem:v47+s23+$0x0] =	vst.idx.msk $0xffff, v7  }
0x17f: {  	v49 =	vor.u32 v1, v6;
	v7 =	vld.idx.msk [tilespmem:v48+s9+$0x0], $0xffff  }
0x180: {  	v50 =	vadd.s32 s11, v2;
	_ =	sdelay $0x3  }
0x181: {  	[tilespmem:v49+s23+$0x0] =	vst.idx.msk $0xffff, v7  }
0x182: {  	v51 =	vor.u32 v2, v6;
	v7 =	vld.idx.msk [tilespmem:v50+s9+$0x0], $0xffff  }
0x183: {  	v52 =	vadd.s32 s11, v3;
	_ =	sdelay $0x3  }
0x184: {  	[tilespmem:v51+s23+$0x0] =	vst.idx.msk $0xffff, v7  }
0x185: {  	v53 =	vor.u32 v3, v6;
	v7 =	vld.idx.msk [tilespmem:v52+s9+$0x0], $0xffff  }
0x186: {  	v54 =	vadd.s32 s11, v4;
	_ =	sdelay $0x3  }
0x187: {  	[tilespmem:v53+s23+$0x0] =	vst.idx.msk $0xffff, v7  }
0x188: {  	v55 =	vor.u32 v4, v6;
	v7 =	vld.idx.msk [tilespmem:v54+s9+$0x0], $0xffff  }
0x189: {  	v56 =	vadd.s32 s11, v5;
	_ =	sdelay $0x3  }
0x18a: {  	[tilespmem:v55+s23+$0x0] =	vst.idx.msk $0xffff, v7  }
0x18b: {  	v6 =	vor.u32 v5, v6;
	v7 =	vld.idx.msk [tilespmem:v56+s9+$0x0], $0xffff;
	_ =	sdelay $0x2  }
0x18c: {  	s9 =	ssub.s32 s26, s28  }
0x18d: {  	s11 =	sadd.s32 $0xFFFFFFFC, s5;
	v57 =	vadd.s32 s9, v0  }
0x18e: {  	v58 =	vmov s11;
	[tilespmem:v6+s23+$0x0] =	vst.idx.msk $0xffff, v7  }
0x18f: {  	v6 =	vand.u32 $0x7B, v58;
	_ =	swait.ge [sflag:s18], $0x3000  }
0x190: {  	v6 =	vbroadcast v6, $0x0;
	[sflag:s18] =	ssyncset.done $0x0  }
0x191: {  	s2 =	simm.s32 $0xF100;
	[sflag:s18] =	ssyncadd.s32 $0xFFFFD000  }
0x192: {  	v59 =	vor.u32 v0, v6;
	v7 =	vld.idx.msk [tilespmem:v57+s2+$0x0], $0xffff  }
0x193: {  	v60 =	vadd.s32 s9, v1;
	_ =	sdelay $0x3  }
0x194: {  	[tilespmem:v59+s23+$0x0] =	vst.idx.msk $0xffff, v7  }
0x195: {  	v61 =	vor.u32 v1, v6;
	v7 =	vld.idx.msk [tilespmem:v60+s2+$0x0], $0xffff  }
0x196: {  	v62 =	vadd.s32 s9, v2;
	_ =	sdelay $0x3  }
0x197: {  	[tilespmem:v61+s23+$0x0] =	vst.idx.msk $0xffff, v7  }
0x198: {  	v63 =	vor.u32 v2, v6;
	v7 =	vld.idx.msk [tilespmem:v62+s2+$0x0], $0xffff  }
0x199: {  	v12 =	vadd.s32 s9, v3;
	_ =	sdelay $0x3  }
0x19a: {  	[tilespmem:v63+s23+$0x0] =	vst.idx.msk $0xffff, v7  }
0x19b: {  	v13 =	vor.u32 v3, v6;
	v7 =	vld.idx.msk [tilespmem:v12+s2+$0x0], $0xffff  }
0x19c: {  	v14 =	vadd.s32 s9, v4;
	_ =	sdelay $0x3  }
0x19d: {  	[tilespmem:v13+s23+$0x0] =	vst.idx.msk $0xffff, v7  }
0x19e: {  	v15 =	vor.u32 v4, v6;
	v7 =	vld.idx.msk [tilespmem:v14+s2+$0x0], $0xffff  }
0x19f: {  	v16 =	vadd.s32 s9, v5;
	_ =	sdelay $0x3  }
0x1a0: {  	[tilespmem:v15+s23+$0x0] =	vst.idx.msk $0xffff, v7  }
0x1a1: {  	v6 =	vor.u32 v5, v6;
	v7 =	vld.idx.msk [tilespmem:v16+s2+$0x0], $0xffff;
	_ =	sdelay $0x2  }
0x1a2: {  	s16 =	ssub.s32 s30, s1  }
0x1a3: {  	v17 =	vadd.s32 s16, v0;
	s17 =	sadd.s32 $0xFFFFFFFD, s5  }
0x1a4: {  	s25 =	simm.s32 $0x5;
	v18 =	vmov s17;
	[tilespmem:v6+s23+$0x0] =	vst.idx.msk $0xffff, v7  }
0x1a5: {  	v6 =	vand.u32 $0x7C, v18;
	_ =	swait.ge [sflag:s25], $0x3000  }
0x1a6: {  	v6 =	vbroadcast v6, $0x0;
	[sflag:s25] =	ssyncset.done $0x0  }
0x1a7: {  	[sflag:s25] =	ssyncadd.s32 $0xFFFFD000  }
0x1a8: {  	v19 =	vor.u32 v0, v6;
	v7 =	vld.idx.msk [tilespmem:v17+s19+$0x0], $0xffff  }
0x1a9: {  	v20 =	vadd.s32 s16, v1;
	_ =	sdelay $0x3  }
0x1aa: {  	[tilespmem:v19+s23+$0x0] =	vst.idx.msk $0xffff, v7  }
0x1ab: {  	v21 =	vor.u32 v1, v6;
	v7 =	vld.idx.msk [tilespmem:v20+s19+$0x0], $0xffff  }
0x1ac: {  	v22 =	vadd.s32 s16, v2;
	_ =	sdelay $0x3  }
0x1ad: {  	[tilespmem:v21+s23+$0x0] =	vst.idx.msk $0xffff, v7  }
0x1ae: {  	v23 =	vor.u32 v2, v6;
	v7 =	vld.idx.msk [tilespmem:v22+s19+$0x0], $0xffff  }
0x1af: {  	v24 =	vadd.s32 s16, v3;
	_ =	sdelay $0x3  }
0x1b0: {  	[tilespmem:v23+s23+$0x0] =	vst.idx.msk $0xffff, v7  }
0x1b1: {  	v25 =	vor.u32 v3, v6;
	v7 =	vld.idx.msk [tilespmem:v24+s19+$0x0], $0xffff  }
0x1b2: {  	v26 =	vadd.s32 s16, v4;
	_ =	sdelay $0x3  }
0x1b3: {  	[tilespmem:v25+s23+$0x0] =	vst.idx.msk $0xffff, v7  }
0x1b4: {  	v27 =	vor.u32 v4, v6;
	v7 =	vld.idx.msk [tilespmem:v26+s19+$0x0], $0xffff  }
0x1b5: {  	v28 =	vadd.s32 s16, v5;
	_ =	sdelay $0x3  }
0x1b6: {  	[tilespmem:v27+s23+$0x0] =	vst.idx.msk $0xffff, v7  }
0x1b7: {  	v6 =	vor.u32 v5, v6;
	v7 =	vld.idx.msk [tilespmem:v28+s19+$0x0], $0xffff;
	_ =	sdelay $0x2  }
0x1b8: {  	s18 =	ssub.s32 s29, s31  }
0x1b9: {  	v29 =	vadd.s32 s18, v0;
	s25 =	sadd.s32 $0xFFFFFFFE, s5  }
0x1ba: {  	s7 =	simm.s32 $0x6;
	v30 =	vmov s25;
	[tilespmem:v6+s23+$0x0] =	vst.idx.msk $0xffff, v7  }
0x1bb: {  	v6 =	vand.u32 $0x7D, v30;
	_ =	swait.ge [sflag:s7], $0x3000  }
0x1bc: {  	v6 =	vbroadcast v6, $0x0;
	[sflag:s7] =	ssyncset.done $0x0  }
0x1bd: {  	[sflag:s7] =	ssyncadd.s32 $0xFFFFD000  }
0x1be: {  	v31 =	vor.u32 v0, v6;
	v7 =	vld.idx.msk [tilespmem:v29+s20+$0x0], $0xffff  }
0x1bf: {  	v32 =	vadd.s32 s18, v1;
	_ =	sdelay $0x3  }
0x1c0: {  	[tilespmem:v31+s23+$0x0] =	vst.idx.msk $0xffff, v7  }
0x1c1: {  	v33 =	vor.u32 v1, v6;
	v7 =	vld.idx.msk [tilespmem:v32+s20+$0x0], $0xffff  }
0x1c2: {  	v34 =	vadd.s32 s18, v2;
	_ =	sdelay $0x3  }
0x1c3: {  	[tilespmem:v33+s23+$0x0] =	vst.idx.msk $0xffff, v7  }
0x1c4: {  	v35 =	vor.u32 v2, v6;
	v7 =	vld.idx.msk [tilespmem:v34+s20+$0x0], $0xffff  }
0x1c5: {  	v36 =	vadd.s32 s18, v3;
	_ =	sdelay $0x3  }
0x1c6: {  	[tilespmem:v35+s23+$0x0] =	vst.idx.msk $0xffff, v7  }
0x1c7: {  	v37 =	vor.u32 v3, v6;
	v7 =	vld.idx.msk [tilespmem:v36+s20+$0x0], $0xffff  }
0x1c8: {  	v38 =	vadd.s32 s18, v4;
	_ =	sdelay $0x3  }
0x1c9: {  	[tilespmem:v37+s23+$0x0] =	vst.idx.msk $0xffff, v7  }
0x1ca: {  	v39 =	vor.u32 v4, v6;
	v7 =	vld.idx.msk [tilespmem:v38+s20+$0x0], $0xffff  }
0x1cb: {  	v40 =	vadd.s32 s18, v5;
	_ =	sdelay $0x3  }
0x1cc: {  	[tilespmem:v39+s23+$0x0] =	vst.idx.msk $0xffff, v7  }
0x1cd: {  	v6 =	vor.u32 v5, v6;
	v7 =	vld.idx.msk [tilespmem:v40+s20+$0x0], $0xffff;
	_ =	sdelay $0x2  }
0x1ce: {  	s29 =	ssub.s32 s12, s24  }
0x1cf: {  	s30 =	sadd.s32 $0xFFFFFFFF, s5;
	v41 =	vadd.s32 s29, v0  }
0x1d0: {  	v42 =	vmov s30;
	s28 =	simm.s32 $0x7;
	[tilespmem:v6+s23+$0x0] =	vst.idx.msk $0xffff, v7  }
0x1d1: {  	v6 =	vand.u32 $0x7E, v42;
	_ =	swait.ge [sflag:s28], $0x3000  }
0x1d2: {  	v6 =	vbroadcast v6, $0x0;
	[sflag:s28] =	ssyncset.done $0x0  }
0x1d3: {  	[sflag:s28] =	ssyncadd.s32 $0xFFFFD000  }
0x1d4: {  	v43 =	vor.u32 v0, v6;
	v7 =	vld.idx.msk [tilespmem:v41+s21+$0x0], $0xffff  }
0x1d5: {  	v44 =	vadd.s32 s29, v1;
	_ =	sdelay $0x3  }
0x1d6: {  	[tilespmem:v43+s23+$0x0] =	vst.idx.msk $0xffff, v7  }
0x1d7: {  	v45 =	vor.u32 v1, v6;
	v7 =	vld.idx.msk [tilespmem:v44+s21+$0x0], $0xffff  }
0x1d8: {  	v46 =	vadd.s32 s29, v2;
	_ =	sdelay $0x3  }
0x1d9: {  	[tilespmem:v45+s23+$0x0] =	vst.idx.msk $0xffff, v7  }
0x1da: {  	v47 =	vor.u32 v2, v6;
	v7 =	vld.idx.msk [tilespmem:v46+s21+$0x0], $0xffff  }
0x1db: {  	v48 =	vadd.s32 s29, v3;
	_ =	sdelay $0x3  }
0x1dc: {  	[tilespmem:v47+s23+$0x0] =	vst.idx.msk $0xffff, v7  }
0x1dd: {  	v49 =	vor.u32 v3, v6;
	v7 =	vld.idx.msk [tilespmem:v48+s21+$0x0], $0xffff  }
0x1de: {  	v50 =	vadd.s32 s29, v4;
	_ =	sdelay $0x3  }
0x1df: {  	[tilespmem:v49+s23+$0x0] =	vst.idx.msk $0xffff, v7  }
0x1e0: {  	v51 =	vor.u32 v4, v6;
	v7 =	vld.idx.msk [tilespmem:v50+s21+$0x0], $0xffff  }
0x1e1: {  	v52 =	vadd.s32 s29, v5;
	_ =	sdelay $0x3  }
0x1e2: {  	[tilespmem:v51+s23+$0x0] =	vst.idx.msk $0xffff, v7  }
0x1e3: {  	v6 =	vor.u32 v5, v6;
	v7 =	vld.idx.msk [tilespmem:v52+s21+$0x0], $0xffff;
	_ =	sdelay $0x2  }
0x1e4: {  	s31 =	ssub.s32 s8, s10  }
0x1e5: {  	v53 =	vadd.s32 s31, v0  }
0x1e6: {  	s26 =	simm.s32 $0x8;
	[tilespmem:v6+s23+$0x0] =	vst.idx.msk $0xffff, v7;
	v6 =	vmov s5  }
0x1e7: {  	_ =	swait.ge [sflag:s26], $0x3000;
	v6 =	vand.u32 $0x7F, v6  }
0x1e8: {  	[sflag:s26] =	ssyncset.done $0x0;
	v6 =	vbroadcast v6, $0x0  }
0x1e9: {  	[sflag:s26] =	ssyncadd.s32 $0xFFFFD000  }
0x1ea: {  	v7 =	vld.idx.msk [tilespmem:v53+s22+$0x0], $0xffff;
	v54 =	vor.u32 v0, v6  }
0x1eb: {  	v55 =	vadd.s32 s31, v1;
	_ =	sdelay $0x3  }
0x1ec: {  	[tilespmem:v54+s23+$0x0] =	vst.idx.msk $0xffff, v7  }
0x1ed: {  	v56 =	vor.u32 v1, v6;
	v7 =	vld.idx.msk [tilespmem:v55+s22+$0x0], $0xffff  }
0x1ee: {  	v57 =	vadd.s32 s31, v2;
	_ =	sdelay $0x3  }
0x1ef: {  	[tilespmem:v56+s23+$0x0] =	vst.idx.msk $0xffff, v7  }
0x1f0: {  	v58 =	vor.u32 v2, v6;
	v7 =	vld.idx.msk [tilespmem:v57+s22+$0x0], $0xffff  }
0x1f1: {  	v59 =	vadd.s32 s31, v3;
	_ =	sdelay $0x3  }
0x1f2: {  	[tilespmem:v58+s23+$0x0] =	vst.idx.msk $0xffff, v7  }
0x1f3: {  	v60 =	vor.u32 v3, v6;
	v7 =	vld.idx.msk [tilespmem:v59+s22+$0x0], $0xffff  }
0x1f4: {  	v61 =	vadd.s32 s31, v4;
	_ =	sdelay $0x3  }
0x1f5: {  	[tilespmem:v60+s23+$0x0] =	vst.idx.msk $0xffff, v7  }
0x1f6: {  	v62 =	vor.u32 v4, v6;
	v7 =	vld.idx.msk [tilespmem:v61+s22+$0x0], $0xffff  }
0x1f7: {  	v63 =	vadd.s32 s31, v5;
	_ =	sdelay $0x3  }
0x1f8: {  	[tilespmem:v62+s23+$0x0] =	vst.idx.msk $0xffff, v7  }
0x1f9: {  	p0 =	sne.s32 s5, $0x7F;
	v6 =	vor.u32 v5, v6;
	v7 =	vld.idx.msk [tilespmem:v63+s22+$0x0], $0xffff  }
.Ltmp0:
0x1fa: {  	_ = 	snop;
	(pc) =	sbr.rel @p0 .LBB2_2-.Ltmp0, $2  }
0x1fb: {  	_ =	sdelay $0x2  }
0x1fc: {  	s6 =	sadd.s32 $0x10, s6;
	s5 =	sadd.s32 $0x10, s5;
	[tilespmem:v6+s23+$0x0] =	vst.idx.msk $0xffff, v7  }
0x1fd: {  	s0 =	rddreg [dreg:$0x8];
	s1 =	simm.s32 $0x8000  }
0x1fe: {  	s5 =	simm.s32 $0xF;
	s6 =	simm.s32 $0x80;
	s15 =	rddreg [dreg:$0x1]  }
0x1ff: {  	[hbm4b:s0+s13] =	stream.strided.scatter [tilespmem:s23], [sflag:$0x9], $0x3000, s1, s13, $0x38;
	[tilespmem:$0x1E100] =	vst v63  }
.LBB2_4:
0x200: {  	v6 =	vld [tilespmem:s6+$0x0];
	_ =	sdelay $0x4  }
0x201: {  	(v2sf) =	vpush v6, $0x0;
	_ =	sdelay $0x5  }
0x202: {  	(v2sf) =	vpush v6, $0x1;
	_ =	sdelay $0x8  }
0x203: {  	s0 =	spop (v2sf)  }
0x204: {  	(v2sf) =	vpush v6, $0x2;
	s1 =	sand.u32 $0x7F, s0  }
0x205: {  	s2 =	sshra.s32 s0, $0x1F;
	p0 =	slt.s32 s0, $0x1;
	p1 =	sne.s32 s1, $0x0  }
0x206: {  	s7 =	sshrl.u32 s2, $0x19;
	p0 =	por !p0, !p1  }
0x207: {  	s2 =	simm.s32 $0x1;
	s1 =	sadd.s32 s7, s0;
	p0 =	por !p0, !p0  }
0x208: {  	s1 =	sshrl.u32 s1, $0x7;
	s2 =	simm.s32 @!p0 $0x0  }
0x209: {  	s16 =	simm.s32 $0x6100;
	s9 =	spop (v2sf);
	s1 =	ssub.s32 s1, s2  }
0x20a: {  	s8 =	sand.u32 $0x7F, s9;
	s11 =	sshra.s32 s9, $0x1F;
	s7 =	sshll.u32 s1, $0x7  }
0x20b: {  	(v2sf) =	vpush v6, $0x3;
	p1 =	slt.s32 s9, $0x1;
	p2 =	sne.s32 s8, $0x0;
	s1 =	sand.u32 $0x1FFFFF80, s7  }
0x20c: {  	s12 =	sshrl.u32 s11, $0x19;
	p0 =	por !p1, !p2;
	s1 =	sadd.s32 s15, s1  }
0x20d: {  	[tilespmem:s16], [sflag:$0x1] =	stream.strided.gather [hbm4b:s1+s13], $0x3000, s14, s13, $0x38;
	[tilespmem:$0x1E100] =	vst v63  }
0x20e: {  	p0 =	por !p0, !p0;
	s2 =	simm.s32 $0x1;
	s1 =	sadd.s32 s12, s9  }
0x20f: {  	s2 =	simm.s32 @!p0 $0x0;
	s1 =	sshrl.u32 s1, $0x7  }
0x210: {  	s1 =	ssub.s32 s1, s2  }
0x211: {  	s11 =	sshll.u32 s1, $0x7  }
0x212: {  	s1 =	sand.u32 $0x1FFFFF80, s11  }
0x213: {  	s17 =	simm.s32 $0x9100;
	s1 =	sadd.s32 s15, s1;
	s4 =	spop (v2sf)  }
0x214: {  	[tilespmem:s17], [sflag:$0x2] =	stream.strided.gather [hbm4b:s1+s13], $0x3000, s14, s13, $0x38;
	[tilespmem:$0x1E100] =	vst v63  }
0x215: {  	s24 =	sand.u32 $0x7F, s4  }
0x216: {  	s25 =	sshra.s32 s4, $0x1F;
	p3 =	slt.s32 s4, $0x1;
	p4 =	sne.s32 s24, $0x0  }
0x217: {  	(v2sf) =	vpush v6, $0x4;
	s26 =	sshrl.u32 s25, $0x19;
	p0 =	por !p3, !p4  }
0x218: {  	s2 =	simm.s32 $0x1;
	s1 =	sadd.s32 s26, s4;
	p0 =	por !p0, !p0  }
0x219: {  	s1 =	sshrl.u32 s1, $0x7;
	s2 =	simm.s32 @!p0 $0x0  }
0x21a: {  	s18 =	simm.s32 $0xC100;
	s26 =	spop (v2sf);
	s1 =	ssub.s32 s1, s2  }
0x21b: {  	s28 =	sand.u32 $0x7F, s26;
	s29 =	sshra.s32 s26, $0x1F;
	s25 =	sshll.u32 s1, $0x7  }
0x21c: {  	p5 =	slt.s32 s26, $0x1;
	p6 =	sne.s32 s28, $0x0;
	s1 =	sand.u32 $0x1FFFFF80, s25  }
0x21d: {  	(v2sf) =	vpush v6, $0x5;
	s30 =	sshrl.u32 s29, $0x19;
	p0 =	por !p5, !p6;
	s1 =	sadd.s32 s15, s1  }
0x21e: {  	[tilespmem:s18], [sflag:$0x3] =	stream.strided.gather [hbm4b:s1+s13], $0x3000, s14, s13, $0x38;
	[tilespmem:$0x1E100] =	vst v63  }
0x21f: {  	s2 =	simm.s32 $0x1;
	p0 =	por !p0, !p0;
	s1 =	sadd.s32 s30, s26  }
0x220: {  	s2 =	simm.s32 @!p0 $0x0;
	s1 =	sshrl.u32 s1, $0x7  }
0x221: {  	s1 =	ssub.s32 s1, s2  }
0x222: {  	s28 =	sshll.u32 s1, $0x7  }
0x223: {  	s1 =	sand.u32 $0x1FFFFF80, s28  }
0x224: {  	s19 =	simm.s32 $0xF100;
	s1 =	sadd.s32 s15, s1  }
0x225: {  	[tilespmem:s19], [sflag:$0x4] =	stream.strided.gather [hbm4b:s1+s13], $0x3000, s14, s13, $0x38;
	[tilespmem:$0x1E100] =	vst v63  }
0x226: {  	s1 =	spop (v2sf)  }
0x227: {  	(v2sf) =	vpush v6, $0x6;
	s31 =	sand.u32 $0x7F, s1  }
0x228: {  	s8 =	sshra.s32 s1, $0x1F;
	p1 =	slt.s32 s1, $0x1;
	p2 =	sne.s32 s31, $0x0  }
0x229: {  	s12 =	sshrl.u32 s8, $0x19;
	p0 =	por !p1, !p2  }
0x22a: {  	s8 =	simm.s32 $0x1;
	s2 =	sadd.s32 s12, s1;
	p0 =	por !p0, !p0  }
0x22b: {  	s2 =	sshrl.u32 s2, $0x7;
	s8 =	simm.s32 @!p0 $0x0  }
0x22c: {  	s10 =	simm.s32 $0x12100;
	s29 =	spop (v2sf);
	s2 =	ssub.s32 s2, s8  }
0x22d: {  	s24 =	sand.u32 $0x7F, s29;
	s31 =	sshra.s32 s29, $0x1F;
	s30 =	sshll.u32 s2, $0x7  }
0x22e: {  	p3 =	slt.s32 s29, $0x1;
	p4 =	sne.s32 s24, $0x0;
	s2 =	sand.u32 $0x1FFFFF80, s30  }
0x22f: {  	p0 =	por !p3, !p4;
	s8 =	sshrl.u32 s31, $0x19;
	s2 =	sadd.s32 s15, s2  }
0x230: {  	[tilespmem:s10], [sflag:$0x5] =	stream.strided.gather [hbm4b:s2+s13], $0x3000, s14, s13, $0x38;
	[tilespmem:$0x1E100] =	vst v63  }
0x231: {  	(v2sf) =	vpush v6, $0x7;
	p0 =	por !p0, !p0;
	s2 =	sadd.s32 s8, s29;
	s8 =	simm.s32 $0x1  }
0x232: {  	s2 =	sshrl.u32 s2, $0x7;
	s8 =	simm.s32 @!p0 $0x0  }
0x233: {  	s2 =	ssub.s32 s2, s8  }
0x234: {  	s31 =	sshll.u32 s2, $0x7  }
0x235: {  	s2 =	sand.u32 $0x1FFFFF80, s31  }
0x236: {  	s12 =	spop (v2sf);
	s2 =	sadd.s32 s15, s2  }
0x237: {  	[tilespmem:s20], [sflag:$0x6] =	stream.strided.gather [hbm4b:s2+s13], $0x3000, s14, s13, $0x38;
	[tilespmem:$0x1E100] =	vst v63  }
0x238: {  	s10 =	sand.u32 $0x7F, s12  }
0x239: {  	s24 =	sshra.s32 s12, $0x1F;
	p5 =	slt.s32 s12, $0x1;
	p6 =	sne.s32 s10, $0x0  }
0x23a: {  	s8 =	sshrl.u32 s24, $0x19;
	p0 =	por !p5, !p6  }
0x23b: {  	s2 =	sadd.s32 s8, s12;
	s8 =	simm.s32 $0x1;
	p0 =	por !p0, !p0  }
0x23c: {  	s2 =	sshrl.u32 s2, $0x7;
	s8 =	simm.s32 @!p0 $0x0  }
0x23d: {  	s2 =	ssub.s32 s2, s8  }
0x23e: {  	s24 =	sshll.u32 s2, $0x7  }
0x23f: {  	s2 =	sand.u32 $0x1FFFFF80, s24  }
0x240: {  	s8 =	spop (v2sf);
	s2 =	sadd.s32 s15, s2  }
0x241: {  	[tilespmem:s21], [sflag:$0x7] =	stream.strided.gather [hbm4b:s2+s13], $0x3000, s14, s13, $0x38;
	[tilespmem:$0x1E100] =	vst v63  }
0x242: {  	s2 =	sand.u32 $0x7F, s8  }
0x243: {  	s10 =	sshra.s32 s8, $0x1F;
	p1 =	slt.s32 s8, $0x1;
	p2 =	sne.s32 s2, $0x0  }
0x244: {  	s10 =	sshrl.u32 s10, $0x19;
	p0 =	por !p1, !p2  }
0x245: {  	s2 =	sadd.s32 s10, s8;
	s10 =	simm.s32 $0x1;
	p0 =	por !p0, !p0  }
0x246: {  	s2 =	sshrl.u32 s2, $0x7;
	s10 =	simm.s32 @!p0 $0x0  }
0x247: {  	s2 =	ssub.s32 s2, s10  }
0x248: {  	s10 =	sshll.u32 s2, $0x7  }
0x249: {  	s0 =	ssub.s32 s0, s7;
	s7 =	sadd.s32 $0xFFFFFFF1, s5;
	s2 =	sand.u32 $0x1FFFFF80, s10  }
0x24a: {  	v7 =	vadd.s32 s0, v0;
	v8 =	vmov s7;
	s7 =	simm.s32 $0x1;
	s2 =	sadd.s32 s15, s2  }
0x24b: {  	[tilespmem:s22], [sflag:$0x8] =	stream.strided.gather [hbm4b:s2+s13], $0x3000, s14, s13, $0x38;
	[tilespmem:$0x1E100] =	vst v63  }
0x24c: {  	v8 =	vand.u32 $0x70, v8;
	_ =	swait.ge [sflag:s7], $0x3000  }
0x24d: {  	v8 =	vbroadcast v8, $0x0;
	[sflag:s7] =	ssyncset.done $0x0  }
0x24e: {  	[sflag:s7] =	ssyncadd.s32 $0xFFFFD000  }
0x24f: {  	v9 =	vor.u32 v0, v8;
	v7 =	vld.idx.msk [tilespmem:v7+s16+$0x0], $0xffff  }
0x250: {  	v10 =	vadd.s32 s0, v1;
	_ =	sdelay $0x3  }
0x251: {  	[tilespmem:v9+s3+$0x0] =	vst.idx.msk $0xffff, v7  }
0x252: {  	v45 =	vor.u32 v1, v8;
	v7 =	vld.idx.msk [tilespmem:v10+s16+$0x0], $0xffff  }
0x253: {  	v46 =	vadd.s32 s0, v2;
	_ =	sdelay $0x3  }
0x254: {  	(v2sf) =	vpush v6, $0x8;
	[tilespmem:v45+s3+$0x0] =	vst.idx.msk $0xffff, v7  }
0x255: {  	v47 =	vor.u32 v2, v8;
	v7 =	vld.idx.msk [tilespmem:v46+s16+$0x0], $0xffff  }
0x256: {  	v48 =	vadd.s32 s0, v3;
	_ =	sdelay $0x3  }
0x257: {  	[tilespmem:v47+s3+$0x0] =	vst.idx.msk $0xffff, v7  }
0x258: {  	v49 =	vor.u32 v3, v8;
	v7 =	vld.idx.msk [tilespmem:v48+s16+$0x0], $0xffff  }
0x259: {  	v50 =	vadd.s32 s0, v4;
	_ =	sdelay $0x3  }
0x25a: {  	[tilespmem:v49+s3+$0x0] =	vst.idx.msk $0xffff, v7  }
0x25b: {  	v51 =	vor.u32 v4, v8;
	v7 =	vld.idx.msk [tilespmem:v50+s16+$0x0], $0xffff  }
0x25c: {  	v52 =	vadd.s32 s0, v5  }
0x25d: {  	s7 =	spop (v2sf)  }
0x25e: {  	s0 =	sand.u32 $0x7F, s7  }
0x25f: {  	s2 =	sshra.s32 s7, $0x1F;
	p3 =	slt.s32 s7, $0x1;
	p4 =	sne.s32 s0, $0x0  }
0x260: {  	s2 =	sshrl.u32 s2, $0x19;
	p0 =	por !p3, !p4;
	[tilespmem:v51+s3+$0x0] =	vst.idx.msk $0xffff, v7  }
0x261: {  	v8 =	vor.u32 v5, v8;
	s0 =	sadd.s32 s2, s7;
	s2 =	simm.s32 $0x1;
	p0 =	por !p0, !p0;
	v7 =	vld.idx.msk [tilespmem:v52+s16+$0x0], $0xffff  }
0x262: {  	s0 =	sshrl.u32 s0, $0x7;
	s2 =	simm.s32 @!p0 $0x0  }
0x263: {  	s0 =	ssub.s32 s0, s2  }
0x264: {  	s0 =	sshll.u32 s0, $0x7  }
0x265: {  	s2 =	sand.u32 $0x1FFFFF80, s0  }
0x266: {  	s9 =	ssub.s32 s9, s11;
	s11 =	sadd.s32 $0xFFFFFFF2, s5;
	s2 =	sadd.s32 s15, s2;
	[tilespmem:v8+s3+$0x0] =	vst.idx.msk $0xffff, v7  }
0x267: {  	v7 =	vadd.s32 s9, v0;
	[tilespmem:s16], [sflag:$0x1] =	stream.strided.gather [hbm4b:s2+s13], $0x3000, s14, s13, $0x38;
	[tilespmem:$0x1E100] =	vst v63  }
0x268: {  	v53 =	vmov s11;
	s16 =	simm.s32 $0x2  }
0x269: {  	v8 =	vand.u32 $0x71, v53;
	_ =	swait.ge [sflag:s16], $0x3000  }
0x26a: {  	v8 =	vbroadcast v8, $0x0;
	[sflag:s16] =	ssyncset.done $0x0  }
0x26b: {  	[sflag:s16] =	ssyncadd.s32 $0xFFFFD000  }
0x26c: {  	v54 =	vor.u32 v0, v8;
	v7 =	vld.idx.msk [tilespmem:v7+s17+$0x0], $0xffff  }
0x26d: {  	v55 =	vadd.s32 s9, v1;
	_ =	sdelay $0x3  }
0x26e: {  	[tilespmem:v54+s3+$0x0] =	vst.idx.msk $0xffff, v7  }
0x26f: {  	v56 =	vor.u32 v1, v8;
	v7 =	vld.idx.msk [tilespmem:v55+s17+$0x0], $0xffff  }
0x270: {  	v57 =	vadd.s32 s9, v2;
	_ =	sdelay $0x3  }
0x271: {  	(v2sf) =	vpush v6, $0x9;
	[tilespmem:v56+s3+$0x0] =	vst.idx.msk $0xffff, v7  }
0x272: {  	v58 =	vor.u32 v2, v8;
	v7 =	vld.idx.msk [tilespmem:v57+s17+$0x0], $0xffff  }
0x273: {  	v59 =	vadd.s32 s9, v3;
	_ =	sdelay $0x3  }
0x274: {  	[tilespmem:v58+s3+$0x0] =	vst.idx.msk $0xffff, v7  }
0x275: {  	v60 =	vor.u32 v3, v8;
	v7 =	vld.idx.msk [tilespmem:v59+s17+$0x0], $0xffff  }
0x276: {  	v61 =	vadd.s32 s9, v4;
	_ =	sdelay $0x3  }
0x277: {  	[tilespmem:v60+s3+$0x0] =	vst.idx.msk $0xffff, v7  }
0x278: {  	v62 =	vor.u32 v4, v8;
	v7 =	vld.idx.msk [tilespmem:v61+s17+$0x0], $0xffff  }
0x279: {  	v63 =	vadd.s32 s9, v5  }
0x27a: {  	s9 =	spop (v2sf)  }
0x27b: {  	s2 =	sand.u32 $0x7F, s9  }
0x27c: {  	s11 =	sshra.s32 s9, $0x1F;
	p5 =	slt.s32 s9, $0x1;
	p6 =	sne.s32 s2, $0x0  }
0x27d: {  	s11 =	sshrl.u32 s11, $0x19;
	p0 =	por !p5, !p6;
	[tilespmem:v62+s3+$0x0] =	vst.idx.msk $0xffff, v7  }
0x27e: {  	v8 =	vor.u32 v5, v8;
	s2 =	sadd.s32 s11, s9;
	s11 =	simm.s32 $0x1;
	p0 =	por !p0, !p0;
	v7 =	vld.idx.msk [tilespmem:v63+s17+$0x0], $0xffff  }
0x27f: {  	s2 =	sshrl.u32 s2, $0x7;
	s11 =	simm.s32 @!p0 $0x0  }
0x280: {  	s2 =	ssub.s32 s2, s11  }
0x281: {  	s11 =	sshll.u32 s2, $0x7  }
0x282: {  	s2 =	sand.u32 $0x1FFFFF80, s11  }
0x283: {  	s4 =	ssub.s32 s4, s25;
	s25 =	sadd.s32 $0xFFFFFFF3, s5;
	s2 =	sadd.s32 s15, s2;
	[tilespmem:v8+s3+$0x0] =	vst.idx.msk $0xffff, v7  }
0x284: {  	v7 =	vadd.s32 s4, v0;
	[tilespmem:s17], [sflag:$0x2] =	stream.strided.gather [hbm4b:s2+s13], $0x3000, s14, s13, $0x38;
	[tilespmem:$0x1E100] =	vst v63  }
0x285: {  	v12 =	vmov s25;
	s17 =	simm.s32 $0x3  }
0x286: {  	v8 =	vand.u32 $0x72, v12;
	_ =	swait.ge [sflag:s17], $0x3000  }
0x287: {  	v8 =	vbroadcast v8, $0x0;
	[sflag:s17] =	ssyncset.done $0x0  }
0x288: {  	[sflag:s17] =	ssyncadd.s32 $0xFFFFD000  }
0x289: {  	v13 =	vor.u32 v0, v8;
	v7 =	vld.idx.msk [tilespmem:v7+s18+$0x0], $0xffff  }
0x28a: {  	v14 =	vadd.s32 s4, v1;
	_ =	sdelay $0x3  }
0x28b: {  	[tilespmem:v13+s3+$0x0] =	vst.idx.msk $0xffff, v7  }
0x28c: {  	v15 =	vor.u32 v1, v8;
	v7 =	vld.idx.msk [tilespmem:v14+s18+$0x0], $0xffff  }
0x28d: {  	v16 =	vadd.s32 s4, v2;
	_ =	sdelay $0x3  }
0x28e: {  	(v2sf) =	vpush v6, $0xA;
	[tilespmem:v15+s3+$0x0] =	vst.idx.msk $0xffff, v7  }
0x28f: {  	v17 =	vor.u32 v2, v8;
	v7 =	vld.idx.msk [tilespmem:v16+s18+$0x0], $0xffff  }
0x290: {  	v18 =	vadd.s32 s4, v3;
	_ =	sdelay $0x3  }
0x291: {  	[tilespmem:v17+s3+$0x0] =	vst.idx.msk $0xffff, v7  }
0x292: {  	v19 =	vor.u32 v3, v8;
	v7 =	vld.idx.msk [tilespmem:v18+s18+$0x0], $0xffff  }
0x293: {  	v20 =	vadd.s32 s4, v4;
	_ =	sdelay $0x3  }
0x294: {  	[tilespmem:v19+s3+$0x0] =	vst.idx.msk $0xffff, v7  }
0x295: {  	v21 =	vor.u32 v4, v8;
	v7 =	vld.idx.msk [tilespmem:v20+s18+$0x0], $0xffff  }
0x296: {  	v22 =	vadd.s32 s4, v5  }
0x297: {  	s4 =	spop (v2sf)  }
0x298: {  	s2 =	sand.u32 $0x7F, s4  }
0x299: {  	s25 =	sshra.s32 s4, $0x1F;
	p1 =	slt.s32 s4, $0x1;
	p2 =	sne.s32 s2, $0x0  }
0x29a: {  	s25 =	sshrl.u32 s25, $0x19;
	p0 =	por !p1, !p2;
	[tilespmem:v21+s3+$0x0] =	vst.idx.msk $0xffff, v7  }
0x29b: {  	v8 =	vor.u32 v5, v8;
	s2 =	sadd.s32 s25, s4;
	s25 =	simm.s32 $0x1;
	p0 =	por !p0, !p0;
	v7 =	vld.idx.msk [tilespmem:v22+s18+$0x0], $0xffff  }
0x29c: {  	s2 =	sshrl.u32 s2, $0x7;
	s25 =	simm.s32 @!p0 $0x0  }
0x29d: {  	s2 =	ssub.s32 s2, s25  }
0x29e: {  	s25 =	sshll.u32 s2, $0x7  }
0x29f: {  	s2 =	sand.u32 $0x1FFFFF80, s25  }
0x2a0: {  	s26 =	ssub.s32 s26, s28;
	s28 =	sadd.s32 $0xFFFFFFF4, s5;
	s2 =	sadd.s32 s15, s2;
	[tilespmem:v8+s3+$0x0] =	vst.idx.msk $0xffff, v7  }
0x2a1: {  	v7 =	vadd.s32 s26, v0;
	[tilespmem:s18], [sflag:$0x3] =	stream.strided.gather [hbm4b:s2+s13], $0x3000, s14, s13, $0x38;
	[tilespmem:$0x1E100] =	vst v63  }
0x2a2: {  	v23 =	vmov s28;
	s18 =	simm.s32 $0x4  }
0x2a3: {  	v8 =	vand.u32 $0x73, v23;
	_ =	swait.ge [sflag:s18], $0x3000  }
0x2a4: {  	v8 =	vbroadcast v8, $0x0;
	[sflag:s18] =	ssyncset.done $0x0  }
0x2a5: {  	[sflag:s18] =	ssyncadd.s32 $0xFFFFD000  }
0x2a6: {  	v24 =	vor.u32 v0, v8;
	v7 =	vld.idx.msk [tilespmem:v7+s19+$0x0], $0xffff  }
0x2a7: {  	v25 =	vadd.s32 s26, v1;
	_ =	sdelay $0x3  }
0x2a8: {  	[tilespmem:v24+s3+$0x0] =	vst.idx.msk $0xffff, v7  }
0x2a9: {  	v26 =	vor.u32 v1, v8;
	v7 =	vld.idx.msk [tilespmem:v25+s19+$0x0], $0xffff  }
0x2aa: {  	v27 =	vadd.s32 s26, v2;
	_ =	sdelay $0x3  }
0x2ab: {  	(v2sf) =	vpush v6, $0xB;
	[tilespmem:v26+s3+$0x0] =	vst.idx.msk $0xffff, v7  }
0x2ac: {  	v28 =	vor.u32 v2, v8;
	v7 =	vld.idx.msk [tilespmem:v27+s19+$0x0], $0xffff  }
0x2ad: {  	v29 =	vadd.s32 s26, v3;
	_ =	sdelay $0x3  }
0x2ae: {  	[tilespmem:v28+s3+$0x0] =	vst.idx.msk $0xffff, v7  }
0x2af: {  	v30 =	vor.u32 v3, v8;
	v7 =	vld.idx.msk [tilespmem:v29+s19+$0x0], $0xffff  }
0x2b0: {  	v31 =	vadd.s32 s26, v4;
	_ =	sdelay $0x3  }
0x2b1: {  	[tilespmem:v30+s3+$0x0] =	vst.idx.msk $0xffff, v7  }
0x2b2: {  	v32 =	vor.u32 v4, v8;
	v7 =	vld.idx.msk [tilespmem:v31+s19+$0x0], $0xffff  }
0x2b3: {  	v33 =	vadd.s32 s26, v5  }
0x2b4: {  	s26 =	spop (v2sf)  }
0x2b5: {  	s2 =	sand.u32 $0x7F, s26  }
0x2b6: {  	s28 =	sshra.s32 s26, $0x1F;
	p3 =	slt.s32 s26, $0x1;
	p4 =	sne.s32 s2, $0x0  }
0x2b7: {  	s28 =	sshrl.u32 s28, $0x19;
	p0 =	por !p3, !p4;
	[tilespmem:v32+s3+$0x0] =	vst.idx.msk $0xffff, v7  }
0x2b8: {  	v8 =	vor.u32 v5, v8;
	s2 =	sadd.s32 s28, s26;
	s28 =	simm.s32 $0x1;
	p0 =	por !p0, !p0;
	v7 =	vld.idx.msk [tilespmem:v33+s19+$0x0], $0xffff  }
0x2b9: {  	s2 =	sshrl.u32 s2, $0x7;
	s28 =	simm.s32 @!p0 $0x0  }
0x2ba: {  	s2 =	ssub.s32 s2, s28  }
0x2bb: {  	s28 =	sshll.u32 s2, $0x7  }
0x2bc: {  	s1 =	ssub.s32 s1, s30;
	s30 =	sadd.s32 $0xFFFFFFF5, s5;
	s2 =	sand.u32 $0x1FFFFF80, s28  }
0x2bd: {  	v34 =	vmov s30;
	s30 =	simm.s32 $0x5;
	s2 =	sadd.s32 s15, s2;
	[tilespmem:v8+s3+$0x0] =	vst.idx.msk $0xffff, v7;
	v7 =	vadd.s32 s1, v0  }
0x2be: {  	[tilespmem:s19], [sflag:$0x4] =	stream.strided.gather [hbm4b:s2+s13], $0x3000, s14, s13, $0x38;
	[tilespmem:$0x1E100] =	vst v63  }
0x2bf: {  	v8 =	vand.u32 $0x74, v34;
	_ =	swait.ge [sflag:s30], $0x3000;
	s30 =	simm.s32 $0x5  }
0x2c0: {  	v8 =	vbroadcast v8, $0x0;
	[sflag:s30] =	ssyncset.done $0x0;
	s30 =	simm.s32 $0x5  }
0x2c1: {  	s19 =	simm.s32 $0x12100;
	[sflag:s30] =	ssyncadd.s32 $0xFFFFD000  }
0x2c2: {  	v35 =	vor.u32 v0, v8;
	v7 =	vld.idx.msk [tilespmem:v7+s19+$0x0], $0xffff  }
0x2c3: {  	v36 =	vadd.s32 s1, v1;
	_ =	sdelay $0x3  }
0x2c4: {  	[tilespmem:v35+s3+$0x0] =	vst.idx.msk $0xffff, v7  }
0x2c5: {  	v37 =	vor.u32 v1, v8;
	v7 =	vld.idx.msk [tilespmem:v36+s19+$0x0], $0xffff  }
0x2c6: {  	v38 =	vadd.s32 s1, v2;
	_ =	sdelay $0x3  }
0x2c7: {  	(v2sf) =	vpush v6, $0xC;
	[tilespmem:v37+s3+$0x0] =	vst.idx.msk $0xffff, v7  }
0x2c8: {  	v39 =	vor.u32 v2, v8;
	v7 =	vld.idx.msk [tilespmem:v38+s19+$0x0], $0xffff  }
0x2c9: {  	v40 =	vadd.s32 s1, v3;
	_ =	sdelay $0x3  }
0x2ca: {  	[tilespmem:v39+s3+$0x0] =	vst.idx.msk $0xffff, v7  }
0x2cb: {  	v41 =	vor.u32 v3, v8;
	v7 =	vld.idx.msk [tilespmem:v40+s19+$0x0], $0xffff  }
0x2cc: {  	v42 =	vadd.s32 s1, v4;
	_ =	sdelay $0x3  }
0x2cd: {  	[tilespmem:v41+s3+$0x0] =	vst.idx.msk $0xffff, v7  }
0x2ce: {  	v43 =	vor.u32 v4, v8;
	v7 =	vld.idx.msk [tilespmem:v42+s19+$0x0], $0xffff  }
0x2cf: {  	v44 =	vadd.s32 s1, v5  }
0x2d0: {  	s30 =	spop (v2sf)  }
0x2d1: {  	s1 =	sand.u32 $0x7F, s30  }
0x2d2: {  	s2 =	sshra.s32 s30, $0x1F;
	p5 =	slt.s32 s30, $0x1;
	p6 =	sne.s32 s1, $0x0  }
0x2d3: {  	s2 =	sshrl.u32 s2, $0x19;
	p0 =	por !p5, !p6;
	[tilespmem:v43+s3+$0x0] =	vst.idx.msk $0xffff, v7  }
0x2d4: {  	v8 =	vor.u32 v5, v8;
	s1 =	sadd.s32 s2, s30;
	s2 =	simm.s32 $0x1;
	p0 =	por !p0, !p0;
	v7 =	vld.idx.msk [tilespmem:v44+s19+$0x0], $0xffff  }
0x2d5: {  	s1 =	sshrl.u32 s1, $0x7;
	s2 =	simm.s32 @!p0 $0x0  }
0x2d6: {  	s1 =	ssub.s32 s1, s2  }
0x2d7: {  	s1 =	sshll.u32 s1, $0x7  }
0x2d8: {  	s29 =	ssub.s32 s29, s31;
	s31 =	sadd.s32 $0xFFFFFFF6, s5;
	s2 =	sand.u32 $0x1FFFFF80, s1  }
0x2d9: {  	v45 =	vmov s31;
	s31 =	simm.s32 $0x6;
	s2 =	sadd.s32 s15, s2;
	[tilespmem:v8+s3+$0x0] =	vst.idx.msk $0xffff, v7;
	v7 =	vadd.s32 s29, v0  }
0x2da: {  	[tilespmem:s19], [sflag:$0x5] =	stream.strided.gather [hbm4b:s2+s13], $0x3000, s14, s13, $0x38;
	[tilespmem:$0x1E100] =	vst v63  }
0x2db: {  	v8 =	vand.u32 $0x75, v45;
	_ =	swait.ge [sflag:s31], $0x3000;
	s31 =	simm.s32 $0x6  }
0x2dc: {  	v8 =	vbroadcast v8, $0x0;
	[sflag:s31] =	ssyncset.done $0x0;
	s31 =	simm.s32 $0x6  }
0x2dd: {  	[sflag:s31] =	ssyncadd.s32 $0xFFFFD000  }
0x2de: {  	v46 =	vor.u32 v0, v8;
	v7 =	vld.idx.msk [tilespmem:v7+s20+$0x0], $0xffff  }
0x2df: {  	v47 =	vadd.s32 s29, v1;
	_ =	sdelay $0x3  }
0x2e0: {  	[tilespmem:v46+s3+$0x0] =	vst.idx.msk $0xffff, v7  }
0x2e1: {  	v48 =	vor.u32 v1, v8;
	v7 =	vld.idx.msk [tilespmem:v47+s20+$0x0], $0xffff  }
0x2e2: {  	v49 =	vadd.s32 s29, v2;
	_ =	sdelay $0x3  }
0x2e3: {  	(v2sf) =	vpush v6, $0xD;
	[tilespmem:v48+s3+$0x0] =	vst.idx.msk $0xffff, v7  }
0x2e4: {  	v50 =	vor.u32 v2, v8;
	v7 =	vld.idx.msk [tilespmem:v49+s20+$0x0], $0xffff  }
0x2e5: {  	v51 =	vadd.s32 s29, v3;
	_ =	sdelay $0x3  }
0x2e6: {  	[tilespmem:v50+s3+$0x0] =	vst.idx.msk $0xffff, v7  }
0x2e7: {  	v52 =	vor.u32 v3, v8;
	v7 =	vld.idx.msk [tilespmem:v51+s20+$0x0], $0xffff  }
0x2e8: {  	v53 =	vadd.s32 s29, v4;
	_ =	sdelay $0x3  }
0x2e9: {  	[tilespmem:v52+s3+$0x0] =	vst.idx.msk $0xffff, v7  }
0x2ea: {  	v54 =	vor.u32 v4, v8;
	v7 =	vld.idx.msk [tilespmem:v53+s20+$0x0], $0xffff  }
0x2eb: {  	v55 =	vadd.s32 s29, v5  }
0x2ec: {  	s29 =	spop (v2sf)  }
0x2ed: {  	s2 =	sand.u32 $0x7F, s29  }
0x2ee: {  	s31 =	sshra.s32 s29, $0x1F;
	p1 =	slt.s32 s29, $0x1;
	p2 =	sne.s32 s2, $0x0  }
0x2ef: {  	s31 =	sshrl.u32 s31, $0x19;
	p0 =	por !p1, !p2;
	[tilespmem:v54+s3+$0x0] =	vst.idx.msk $0xffff, v7  }
0x2f0: {  	v8 =	vor.u32 v5, v8;
	s2 =	sadd.s32 s31, s29;
	s31 =	simm.s32 $0x1;
	p0 =	por !p0, !p0;
	v7 =	vld.idx.msk [tilespmem:v55+s20+$0x0], $0xffff  }
0x2f1: {  	s2 =	sshrl.u32 s2, $0x7;
	s31 =	simm.s32 @!p0 $0x0  }
0x2f2: {  	s2 =	ssub.s32 s2, s31  }
0x2f3: {  	s31 =	sshll.u32 s2, $0x7  }
0x2f4: {  	s12 =	ssub.s32 s12, s24;
	s24 =	sadd.s32 $0xFFFFFFF7, s5;
	s2 =	sand.u32 $0x1FFFFF80, s31  }
0x2f5: {  	v56 =	vmov s24;
	s24 =	simm.s32 $0x7;
	s2 =	sadd.s32 s15, s2;
	[tilespmem:v8+s3+$0x0] =	vst.idx.msk $0xffff, v7;
	v7 =	vadd.s32 s12, v0  }
0x2f6: {  	[tilespmem:s20], [sflag:$0x6] =	stream.strided.gather [hbm4b:s2+s13], $0x3000, s14, s13, $0x38;
	[tilespmem:$0x1E100] =	vst v63  }
0x2f7: {  	v8 =	vand.u32 $0x76, v56;
	_ =	swait.ge [sflag:s24], $0x3000;
	s24 =	simm.s32 $0x7  }
0x2f8: {  	v8 =	vbroadcast v8, $0x0;
	[sflag:s24] =	ssyncset.done $0x0;
	s24 =	simm.s32 $0x7  }
0x2f9: {  	[sflag:s24] =	ssyncadd.s32 $0xFFFFD000  }
0x2fa: {  	v57 =	vor.u32 v0, v8;
	v7 =	vld.idx.msk [tilespmem:v7+s21+$0x0], $0xffff  }
0x2fb: {  	v58 =	vadd.s32 s12, v1;
	_ =	sdelay $0x3  }
0x2fc: {  	[tilespmem:v57+s3+$0x0] =	vst.idx.msk $0xffff, v7  }
0x2fd: {  	v59 =	vor.u32 v1, v8;
	v7 =	vld.idx.msk [tilespmem:v58+s21+$0x0], $0xffff  }
0x2fe: {  	v60 =	vadd.s32 s12, v2;
	_ =	sdelay $0x3  }
0x2ff: {  	(v2sf) =	vpush v6, $0xE;
	[tilespmem:v59+s3+$0x0] =	vst.idx.msk $0xffff, v7  }
0x300: {  	v61 =	vor.u32 v2, v8;
	v7 =	vld.idx.msk [tilespmem:v60+s21+$0x0], $0xffff  }
0x301: {  	v62 =	vadd.s32 s12, v3;
	_ =	sdelay $0x3  }
0x302: {  	[tilespmem:v61+s3+$0x0] =	vst.idx.msk $0xffff, v7  }
0x303: {  	v63 =	vor.u32 v3, v8;
	v7 =	vld.idx.msk [tilespmem:v62+s21+$0x0], $0xffff  }
0x304: {  	v12 =	vadd.s32 s12, v4;
	_ =	sdelay $0x3  }
0x305: {  	[tilespmem:v63+s3+$0x0] =	vst.idx.msk $0xffff, v7  }
0x306: {  	v13 =	vor.u32 v4, v8;
	v7 =	vld.idx.msk [tilespmem:v12+s21+$0x0], $0xffff  }
0x307: {  	v14 =	vadd.s32 s12, v5  }
0x308: {  	s12 =	spop (v2sf)  }
0x309: {  	s2 =	sand.u32 $0x7F, s12  }
0x30a: {  	s24 =	sshra.s32 s12, $0x1F;
	p3 =	slt.s32 s12, $0x1;
	p4 =	sne.s32 s2, $0x0  }
0x30b: {  	s24 =	sshrl.u32 s24, $0x19;
	p0 =	por !p3, !p4;
	[tilespmem:v13+s3+$0x0] =	vst.idx.msk $0xffff, v7  }
0x30c: {  	v8 =	vor.u32 v5, v8;
	s2 =	sadd.s32 s24, s12;
	s24 =	simm.s32 $0x1;
	p0 =	por !p0, !p0;
	v7 =	vld.idx.msk [tilespmem:v14+s21+$0x0], $0xffff  }
0x30d: {  	s2 =	sshrl.u32 s2, $0x7;
	s24 =	simm.s32 @!p0 $0x0  }
0x30e: {  	s2 =	ssub.s32 s2, s24  }
0x30f: {  	s24 =	sshll.u32 s2, $0x7  }
0x310: {  	s2 =	sand.u32 $0x1FFFFF80, s24  }
0x311: {  	s8 =	ssub.s32 s8, s10;
	s10 =	sadd.s32 $0xFFFFFFF8, s5;
	s2 =	sadd.s32 s15, s2;
	[tilespmem:v8+s3+$0x0] =	vst.idx.msk $0xffff, v7  }
0x312: {  	v7 =	vadd.s32 s8, v0;
	[tilespmem:s21], [sflag:$0x7] =	stream.strided.gather [hbm4b:s2+s13], $0x3000, s14, s13, $0x38;
	[tilespmem:$0x1E100] =	vst v63  }
0x313: {  	v15 =	vmov s10;
	s21 =	simm.s32 $0x8  }
0x314: {  	s10 =	simm.s32 $0x8;
	v8 =	vand.u32 $0x77, v15;
	_ =	swait.ge [sflag:s21], $0x3000  }
0x315: {  	v8 =	vbroadcast v8, $0x0;
	s21 =	simm.s32 $0x8;
	[sflag:s10] =	ssyncset.done $0x0  }
0x316: {  	[sflag:s21] =	ssyncadd.s32 $0xFFFFD000  }
0x317: {  	v16 =	vor.u32 v0, v8;
	v7 =	vld.idx.msk [tilespmem:v7+s22+$0x0], $0xffff  }
0x318: {  	v17 =	vadd.s32 s8, v1;
	_ =	sdelay $0x3  }
0x319: {  	[tilespmem:v16+s3+$0x0] =	vst.idx.msk $0xffff, v7  }
0x31a: {  	v18 =	vor.u32 v1, v8;
	v7 =	vld.idx.msk [tilespmem:v17+s22+$0x0], $0xffff  }
0x31b: {  	v19 =	vadd.s32 s8, v2;
	_ =	sdelay $0x3  }
0x31c: {  	(v2sf) =	vpush v6, $0xF;
	[tilespmem:v18+s3+$0x0] =	vst.idx.msk $0xffff, v7  }
0x31d: {  	v7 =	vor.u32 v2, v8;
	v6 =	vld.idx.msk [tilespmem:v19+s22+$0x0], $0xffff  }
0x31e: {  	v20 =	vadd.s32 s8, v3;
	_ =	sdelay $0x3  }
0x31f: {  	[tilespmem:v7+s3+$0x0] =	vst.idx.msk $0xffff, v6  }
0x320: {  	v7 =	vor.u32 v3, v8;
	v6 =	vld.idx.msk [tilespmem:v20+s22+$0x0], $0xffff  }
0x321: {  	v21 =	vadd.s32 s8, v4;
	_ =	sdelay $0x3  }
0x322: {  	[tilespmem:v7+s3+$0x0] =	vst.idx.msk $0xffff, v6  }
0x323: {  	v7 =	vor.u32 v4, v8;
	v6 =	vld.idx.msk [tilespmem:v21+s22+$0x0], $0xffff  }
0x324: {  	v22 =	vadd.s32 s8, v5  }
0x325: {  	s8 =	spop (v2sf)  }
0x326: {  	s10 =	sand.u32 $0x7F, s8  }
0x327: {  	s21 =	sshra.s32 s8, $0x1F;
	p5 =	slt.s32 s8, $0x1;
	p6 =	sne.s32 s10, $0x0  }
0x328: {  	s10 =	sshrl.u32 s21, $0x19;
	p0 =	por !p5, !p6;
	[tilespmem:v7+s3+$0x0] =	vst.idx.msk $0xffff, v6  }
0x329: {  	s2 =	sadd.s32 s10, s8;
	s10 =	simm.s32 $0x1;
	p0 =	por !p0, !p0;
	v7 =	vor.u32 v5, v8;
	v6 =	vld.idx.msk [tilespmem:v22+s22+$0x0], $0xffff  }
0x32a: {  	s2 =	sshrl.u32 s2, $0x7;
	s10 =	simm.s32 @!p0 $0x0  }
0x32b: {  	s2 =	ssub.s32 s2, s10  }
0x32c: {  	s10 =	sshll.u32 s2, $0x7  }
0x32d: {  	s0 =	ssub.s32 s7, s0;
	s21 =	sadd.s32 $0xFFFFFFF9, s5;
	s2 =	sand.u32 $0x1FFFFF80, s10  }
0x32e: {  	s2 =	sadd.s32 s15, s2;
	[tilespmem:v7+s3+$0x0] =	vst.idx.msk $0xffff, v6;
	v6 =	vadd.s32 s0, v0;
	v7 =	vmov s21;
	s21 =	simm.s32 $0x1  }
0x32f: {  	[tilespmem:s22], [sflag:$0x8] =	stream.strided.gather [hbm4b:s2+s13], $0x3000, s14, s13, $0x38;
	[tilespmem:$0x1E100] =	vst v63  }
0x330: {  	v7 =	vand.u32 $0x78, v7;
	_ =	swait.ge [sflag:s21], $0x3000  }
0x331: {  	v7 =	vbroadcast v7, $0x0;
	[sflag:s21] =	ssyncset.done $0x0;
	s21 =	simm.s32 $0x1  }
0x332: {  	s2 =	simm.s32 $0x6100;
	[sflag:s21] =	ssyncadd.s32 $0xFFFFD000  }
0x333: {  	v23 =	vor.u32 v0, v7;
	v6 =	vld.idx.msk [tilespmem:v6+s2+$0x0], $0xffff  }
0x334: {  	v24 =	vadd.s32 s0, v1;
	_ =	sdelay $0x3  }
0x335: {  	[tilespmem:v23+s3+$0x0] =	vst.idx.msk $0xffff, v6  }
0x336: {  	v25 =	vor.u32 v1, v7;
	v6 =	vld.idx.msk [tilespmem:v24+s2+$0x0], $0xffff  }
0x337: {  	v26 =	vadd.s32 s0, v2;
	_ =	sdelay $0x3  }
0x338: {  	[tilespmem:v25+s3+$0x0] =	vst.idx.msk $0xffff, v6  }
0x339: {  	v27 =	vor.u32 v2, v7;
	v6 =	vld.idx.msk [tilespmem:v26+s2+$0x0], $0xffff  }
0x33a: {  	v28 =	vadd.s32 s0, v3;
	_ =	sdelay $0x3  }
0x33b: {  	[tilespmem:v27+s3+$0x0] =	vst.idx.msk $0xffff, v6  }
0x33c: {  	v29 =	vor.u32 v3, v7;
	v6 =	vld.idx.msk [tilespmem:v28+s2+$0x0], $0xffff  }
0x33d: {  	v30 =	vadd.s32 s0, v4;
	_ =	sdelay $0x3  }
0x33e: {  	[tilespmem:v29+s3+$0x0] =	vst.idx.msk $0xffff, v6  }
0x33f: {  	v31 =	vor.u32 v4, v7;
	v6 =	vld.idx.msk [tilespmem:v30+s2+$0x0], $0xffff  }
0x340: {  	v32 =	vadd.s32 s0, v5;
	_ =	sdelay $0x3  }
0x341: {  	[tilespmem:v31+s3+$0x0] =	vst.idx.msk $0xffff, v6  }
0x342: {  	v7 =	vor.u32 v5, v7;
	v6 =	vld.idx.msk [tilespmem:v32+s2+$0x0], $0xffff;
	_ =	sdelay $0x2  }
0x343: {  	s9 =	ssub.s32 s9, s11  }
0x344: {  	s11 =	sadd.s32 $0xFFFFFFFA, s5;
	v33 =	vadd.s32 s9, v0  }
0x345: {  	v34 =	vmov s11;
	[tilespmem:v7+s3+$0x0] =	vst.idx.msk $0xffff, v6  }
0x346: {  	v6 =	vand.u32 $0x79, v34;
	_ =	swait.ge [sflag:s16], $0x3000  }
0x347: {  	v6 =	vbroadcast v6, $0x0;
	[sflag:s16] =	ssyncset.done $0x0  }
0x348: {  	s7 =	simm.s32 $0x9100;
	[sflag:s16] =	ssyncadd.s32 $0xFFFFD000  }
0x349: {  	v35 =	vor.u32 v0, v6;
	v7 =	vld.idx.msk [tilespmem:v33+s7+$0x0], $0xffff  }
0x34a: {  	v36 =	vadd.s32 s9, v1;
	_ =	sdelay $0x3  }
0x34b: {  	[tilespmem:v35+s3+$0x0] =	vst.idx.msk $0xffff, v7  }
0x34c: {  	v37 =	vor.u32 v1, v6;
	v7 =	vld.idx.msk [tilespmem:v36+s7+$0x0], $0xffff  }
0x34d: {  	v38 =	vadd.s32 s9, v2;
	_ =	sdelay $0x3  }
0x34e: {  	[tilespmem:v37+s3+$0x0] =	vst.idx.msk $0xffff, v7  }
0x34f: {  	v39 =	vor.u32 v2, v6;
	v7 =	vld.idx.msk [tilespmem:v38+s7+$0x0], $0xffff  }
0x350: {  	v40 =	vadd.s32 s9, v3;
	_ =	sdelay $0x3  }
0x351: {  	[tilespmem:v39+s3+$0x0] =	vst.idx.msk $0xffff, v7  }
0x352: {  	v41 =	vor.u32 v3, v6;
	v7 =	vld.idx.msk [tilespmem:v40+s7+$0x0], $0xffff  }
0x353: {  	v42 =	vadd.s32 s9, v4;
	_ =	sdelay $0x3  }
0x354: {  	[tilespmem:v41+s3+$0x0] =	vst.idx.msk $0xffff, v7  }
0x355: {  	v43 =	vor.u32 v4, v6;
	v7 =	vld.idx.msk [tilespmem:v42+s7+$0x0], $0xffff  }
0x356: {  	v44 =	vadd.s32 s9, v5;
	_ =	sdelay $0x3  }
0x357: {  	[tilespmem:v43+s3+$0x0] =	vst.idx.msk $0xffff, v7  }
0x358: {  	v6 =	vor.u32 v5, v6;
	v7 =	vld.idx.msk [tilespmem:v44+s7+$0x0], $0xffff;
	_ =	sdelay $0x2  }
0x359: {  	s11 =	ssub.s32 s4, s25  }
0x35a: {  	v45 =	vadd.s32 s11, v0;
	s16 =	sadd.s32 $0xFFFFFFFB, s5  }
0x35b: {  	v46 =	vmov s16;
	[tilespmem:v6+s3+$0x0] =	vst.idx.msk $0xffff, v7  }
0x35c: {  	v6 =	vand.u32 $0x7A, v46;
	_ =	swait.ge [sflag:s17], $0x3000  }
0x35d: {  	v6 =	vbroadcast v6, $0x0;
	[sflag:s17] =	ssyncset.done $0x0  }
0x35e: {  	s9 =	simm.s32 $0xC100;
	[sflag:s17] =	ssyncadd.s32 $0xFFFFD000  }
0x35f: {  	v47 =	vor.u32 v0, v6;
	v7 =	vld.idx.msk [tilespmem:v45+s9+$0x0], $0xffff  }
0x360: {  	v48 =	vadd.s32 s11, v1;
	_ =	sdelay $0x3  }
0x361: {  	[tilespmem:v47+s3+$0x0] =	vst.idx.msk $0xffff, v7  }
0x362: {  	v49 =	vor.u32 v1, v6;
	v7 =	vld.idx.msk [tilespmem:v48+s9+$0x0], $0xffff  }
0x363: {  	v50 =	vadd.s32 s11, v2;
	_ =	sdelay $0x3  }
0x364: {  	[tilespmem:v49+s3+$0x0] =	vst.idx.msk $0xffff, v7  }
0x365: {  	v51 =	vor.u32 v2, v6;
	v7 =	vld.idx.msk [tilespmem:v50+s9+$0x0], $0xffff  }
0x366: {  	v52 =	vadd.s32 s11, v3;
	_ =	sdelay $0x3  }
0x367: {  	[tilespmem:v51+s3+$0x0] =	vst.idx.msk $0xffff, v7  }
0x368: {  	v53 =	vor.u32 v3, v6;
	v7 =	vld.idx.msk [tilespmem:v52+s9+$0x0], $0xffff  }
0x369: {  	v54 =	vadd.s32 s11, v4;
	_ =	sdelay $0x3  }
0x36a: {  	[tilespmem:v53+s3+$0x0] =	vst.idx.msk $0xffff, v7  }
0x36b: {  	v55 =	vor.u32 v4, v6;
	v7 =	vld.idx.msk [tilespmem:v54+s9+$0x0], $0xffff  }
0x36c: {  	v56 =	vadd.s32 s11, v5;
	_ =	sdelay $0x3  }
0x36d: {  	[tilespmem:v55+s3+$0x0] =	vst.idx.msk $0xffff, v7  }
0x36e: {  	v6 =	vor.u32 v5, v6;
	v7 =	vld.idx.msk [tilespmem:v56+s9+$0x0], $0xffff;
	_ =	sdelay $0x2  }
0x36f: {  	s28 =	ssub.s32 s26, s28  }
0x370: {  	v57 =	vadd.s32 s28, v0;
	s9 =	sadd.s32 $0xFFFFFFFC, s5  }
0x371: {  	v58 =	vmov s9;
	[tilespmem:v6+s3+$0x0] =	vst.idx.msk $0xffff, v7  }
0x372: {  	v6 =	vand.u32 $0x7B, v58;
	_ =	swait.ge [sflag:s18], $0x3000  }
0x373: {  	v6 =	vbroadcast v6, $0x0;
	[sflag:s18] =	ssyncset.done $0x0  }
0x374: {  	s11 =	simm.s32 $0xF100;
	[sflag:s18] =	ssyncadd.s32 $0xFFFFD000  }
0x375: {  	v59 =	vor.u32 v0, v6;
	v7 =	vld.idx.msk [tilespmem:v57+s11+$0x0], $0xffff  }
0x376: {  	v60 =	vadd.s32 s28, v1;
	_ =	sdelay $0x3  }
0x377: {  	[tilespmem:v59+s3+$0x0] =	vst.idx.msk $0xffff, v7  }
0x378: {  	v61 =	vor.u32 v1, v6;
	v7 =	vld.idx.msk [tilespmem:v60+s11+$0x0], $0xffff  }
0x379: {  	v62 =	vadd.s32 s28, v2;
	_ =	sdelay $0x3  }
0x37a: {  	[tilespmem:v61+s3+$0x0] =	vst.idx.msk $0xffff, v7  }
0x37b: {  	v63 =	vor.u32 v2, v6;
	v7 =	vld.idx.msk [tilespmem:v62+s11+$0x0], $0xffff  }
0x37c: {  	v12 =	vadd.s32 s28, v3;
	_ =	sdelay $0x3  }
0x37d: {  	[tilespmem:v63+s3+$0x0] =	vst.idx.msk $0xffff, v7  }
0x37e: {  	v13 =	vor.u32 v3, v6;
	v7 =	vld.idx.msk [tilespmem:v12+s11+$0x0], $0xffff  }
0x37f: {  	v14 =	vadd.s32 s28, v4;
	_ =	sdelay $0x3  }
0x380: {  	[tilespmem:v13+s3+$0x0] =	vst.idx.msk $0xffff, v7  }
0x381: {  	v15 =	vor.u32 v4, v6;
	v7 =	vld.idx.msk [tilespmem:v14+s11+$0x0], $0xffff  }
0x382: {  	v16 =	vadd.s32 s28, v5;
	_ =	sdelay $0x3  }
0x383: {  	[tilespmem:v15+s3+$0x0] =	vst.idx.msk $0xffff, v7  }
0x384: {  	v6 =	vor.u32 v5, v6;
	v7 =	vld.idx.msk [tilespmem:v16+s11+$0x0], $0xffff;
	_ =	sdelay $0x2  }
0x385: {  	s16 =	ssub.s32 s30, s1  }
0x386: {  	v17 =	vadd.s32 s16, v0;
	s17 =	sadd.s32 $0xFFFFFFFD, s5  }
0x387: {  	s25 =	simm.s32 $0x5;
	v18 =	vmov s17;
	[tilespmem:v6+s3+$0x0] =	vst.idx.msk $0xffff, v7  }
0x388: {  	v6 =	vand.u32 $0x7C, v18;
	_ =	swait.ge [sflag:s25], $0x3000  }
0x389: {  	v6 =	vbroadcast v6, $0x0;
	[sflag:s25] =	ssyncset.done $0x0  }
0x38a: {  	[sflag:s25] =	ssyncadd.s32 $0xFFFFD000  }
0x38b: {  	v19 =	vor.u32 v0, v6;
	v7 =	vld.idx.msk [tilespmem:v17+s19+$0x0], $0xffff  }
0x38c: {  	v20 =	vadd.s32 s16, v1;
	_ =	sdelay $0x3  }
0x38d: {  	[tilespmem:v19+s3+$0x0] =	vst.idx.msk $0xffff, v7  }
0x38e: {  	v21 =	vor.u32 v1, v6;
	v7 =	vld.idx.msk [tilespmem:v20+s19+$0x0], $0xffff  }
0x38f: {  	v22 =	vadd.s32 s16, v2;
	_ =	sdelay $0x3  }
0x390: {  	[tilespmem:v21+s3+$0x0] =	vst.idx.msk $0xffff, v7  }
0x391: {  	v23 =	vor.u32 v2, v6;
	v7 =	vld.idx.msk [tilespmem:v22+s19+$0x0], $0xffff  }
0x392: {  	v24 =	vadd.s32 s16, v3;
	_ =	sdelay $0x3  }
0x393: {  	[tilespmem:v23+s3+$0x0] =	vst.idx.msk $0xffff, v7  }
0x394: {  	v25 =	vor.u32 v3, v6;
	v7 =	vld.idx.msk [tilespmem:v24+s19+$0x0], $0xffff  }
0x395: {  	v26 =	vadd.s32 s16, v4;
	_ =	sdelay $0x3  }
0x396: {  	[tilespmem:v25+s3+$0x0] =	vst.idx.msk $0xffff, v7  }
0x397: {  	v27 =	vor.u32 v4, v6;
	v7 =	vld.idx.msk [tilespmem:v26+s19+$0x0], $0xffff  }
0x398: {  	v28 =	vadd.s32 s16, v5;
	_ =	sdelay $0x3  }
0x399: {  	[tilespmem:v27+s3+$0x0] =	vst.idx.msk $0xffff, v7  }
0x39a: {  	v6 =	vor.u32 v5, v6;
	v7 =	vld.idx.msk [tilespmem:v28+s19+$0x0], $0xffff;
	_ =	sdelay $0x2  }
0x39b: {  	s18 =	ssub.s32 s29, s31  }
0x39c: {  	v29 =	vadd.s32 s18, v0;
	s25 =	sadd.s32 $0xFFFFFFFE, s5  }
0x39d: {  	s7 =	simm.s32 $0x6;
	v30 =	vmov s25;
	[tilespmem:v6+s3+$0x0] =	vst.idx.msk $0xffff, v7  }
0x39e: {  	v6 =	vand.u32 $0x7D, v30;
	_ =	swait.ge [sflag:s7], $0x3000  }
0x39f: {  	v6 =	vbroadcast v6, $0x0;
	[sflag:s7] =	ssyncset.done $0x0  }
0x3a0: {  	[sflag:s7] =	ssyncadd.s32 $0xFFFFD000  }
0x3a1: {  	v31 =	vor.u32 v0, v6;
	v7 =	vld.idx.msk [tilespmem:v29+s20+$0x0], $0xffff  }
0x3a2: {  	v32 =	vadd.s32 s18, v1;
	_ =	sdelay $0x3  }
0x3a3: {  	[tilespmem:v31+s3+$0x0] =	vst.idx.msk $0xffff, v7  }
0x3a4: {  	v33 =	vor.u32 v1, v6;
	v7 =	vld.idx.msk [tilespmem:v32+s20+$0x0], $0xffff  }
0x3a5: {  	v34 =	vadd.s32 s18, v2;
	_ =	sdelay $0x3  }
0x3a6: {  	[tilespmem:v33+s3+$0x0] =	vst.idx.msk $0xffff, v7  }
0x3a7: {  	v35 =	vor.u32 v2, v6;
	v7 =	vld.idx.msk [tilespmem:v34+s20+$0x0], $0xffff  }
0x3a8: {  	v36 =	vadd.s32 s18, v3;
	_ =	sdelay $0x3  }
0x3a9: {  	[tilespmem:v35+s3+$0x0] =	vst.idx.msk $0xffff, v7  }
0x3aa: {  	v37 =	vor.u32 v3, v6;
	v7 =	vld.idx.msk [tilespmem:v36+s20+$0x0], $0xffff  }
0x3ab: {  	v38 =	vadd.s32 s18, v4;
	_ =	sdelay $0x3  }
0x3ac: {  	[tilespmem:v37+s3+$0x0] =	vst.idx.msk $0xffff, v7  }
0x3ad: {  	v39 =	vor.u32 v4, v6;
	v7 =	vld.idx.msk [tilespmem:v38+s20+$0x0], $0xffff  }
0x3ae: {  	v40 =	vadd.s32 s18, v5;
	_ =	sdelay $0x3  }
0x3af: {  	[tilespmem:v39+s3+$0x0] =	vst.idx.msk $0xffff, v7  }
0x3b0: {  	v6 =	vor.u32 v5, v6;
	v7 =	vld.idx.msk [tilespmem:v40+s20+$0x0], $0xffff;
	_ =	sdelay $0x2  }
0x3b1: {  	s29 =	ssub.s32 s12, s24  }
0x3b2: {  	s30 =	sadd.s32 $0xFFFFFFFF, s5;
	v41 =	vadd.s32 s29, v0  }
0x3b3: {  	s28 =	simm.s32 $0x7;
	v42 =	vmov s30;
	[tilespmem:v6+s3+$0x0] =	vst.idx.msk $0xffff, v7  }
0x3b4: {  	v6 =	vand.u32 $0x7E, v42;
	_ =	swait.ge [sflag:s28], $0x3000  }
0x3b5: {  	v6 =	vbroadcast v6, $0x0;
	[sflag:s28] =	ssyncset.done $0x0  }
0x3b6: {  	s21 =	simm.s32 $0x18100;
	[sflag:s28] =	ssyncadd.s32 $0xFFFFD000  }
0x3b7: {  	v43 =	vor.u32 v0, v6;
	v7 =	vld.idx.msk [tilespmem:v41+s21+$0x0], $0xffff  }
0x3b8: {  	v44 =	vadd.s32 s29, v1;
	_ =	sdelay $0x3  }
0x3b9: {  	[tilespmem:v43+s3+$0x0] =	vst.idx.msk $0xffff, v7  }
0x3ba: {  	v45 =	vor.u32 v1, v6;
	v7 =	vld.idx.msk [tilespmem:v44+s21+$0x0], $0xffff  }
0x3bb: {  	v46 =	vadd.s32 s29, v2;
	_ =	sdelay $0x3  }
0x3bc: {  	[tilespmem:v45+s3+$0x0] =	vst.idx.msk $0xffff, v7  }
0x3bd: {  	v47 =	vor.u32 v2, v6;
	v7 =	vld.idx.msk [tilespmem:v46+s21+$0x0], $0xffff  }
0x3be: {  	v48 =	vadd.s32 s29, v3;
	_ =	sdelay $0x3  }
0x3bf: {  	[tilespmem:v47+s3+$0x0] =	vst.idx.msk $0xffff, v7  }
0x3c0: {  	v49 =	vor.u32 v3, v6;
	v7 =	vld.idx.msk [tilespmem:v48+s21+$0x0], $0xffff  }
0x3c1: {  	v50 =	vadd.s32 s29, v4;
	_ =	sdelay $0x3  }
0x3c2: {  	[tilespmem:v49+s3+$0x0] =	vst.idx.msk $0xffff, v7  }
0x3c3: {  	v51 =	vor.u32 v4, v6;
	v7 =	vld.idx.msk [tilespmem:v50+s21+$0x0], $0xffff  }
0x3c4: {  	v52 =	vadd.s32 s29, v5;
	_ =	sdelay $0x3  }
0x3c5: {  	[tilespmem:v51+s3+$0x0] =	vst.idx.msk $0xffff, v7  }
0x3c6: {  	v6 =	vor.u32 v5, v6;
	v7 =	vld.idx.msk [tilespmem:v52+s21+$0x0], $0xffff;
	_ =	sdelay $0x2  }
0x3c7: {  	s31 =	ssub.s32 s8, s10  }
0x3c8: {  	v53 =	vadd.s32 s31, v0  }
0x3c9: {  	s26 =	simm.s32 $0x8;
	[tilespmem:v6+s3+$0x0] =	vst.idx.msk $0xffff, v7;
	v6 =	vmov s5  }
0x3ca: {  	_ =	swait.ge [sflag:s26], $0x3000;
	v6 =	vand.u32 $0x7F, v6  }
0x3cb: {  	[sflag:s26] =	ssyncset.done $0x0;
	v6 =	vbroadcast v6, $0x0  }
0x3cc: {  	[sflag:s26] =	ssyncadd.s32 $0xFFFFD000  }
0x3cd: {  	v7 =	vld.idx.msk [tilespmem:v53+s22+$0x0], $0xffff;
	v54 =	vor.u32 v0, v6  }
0x3ce: {  	v55 =	vadd.s32 s31, v1;
	_ =	sdelay $0x3  }
0x3cf: {  	[tilespmem:v54+s3+$0x0] =	vst.idx.msk $0xffff, v7  }
0x3d0: {  	v56 =	vor.u32 v1, v6;
	v7 =	vld.idx.msk [tilespmem:v55+s22+$0x0], $0xffff  }
0x3d1: {  	v57 =	vadd.s32 s31, v2;
	_ =	sdelay $0x3  }
0x3d2: {  	[tilespmem:v56+s3+$0x0] =	vst.idx.msk $0xffff, v7  }
0x3d3: {  	v58 =	vor.u32 v2, v6;
	v7 =	vld.idx.msk [tilespmem:v57+s22+$0x0], $0xffff  }
0x3d4: {  	v59 =	vadd.s32 s31, v3;
	_ =	sdelay $0x3  }
0x3d5: {  	[tilespmem:v58+s3+$0x0] =	vst.idx.msk $0xffff, v7  }
0x3d6: {  	v60 =	vor.u32 v3, v6;
	v7 =	vld.idx.msk [tilespmem:v59+s22+$0x0], $0xffff  }
0x3d7: {  	v61 =	vadd.s32 s31, v4;
	_ =	sdelay $0x3  }
0x3d8: {  	[tilespmem:v60+s3+$0x0] =	vst.idx.msk $0xffff, v7  }
0x3d9: {  	v62 =	vor.u32 v4, v6;
	v7 =	vld.idx.msk [tilespmem:v61+s22+$0x0], $0xffff  }
0x3da: {  	v63 =	vadd.s32 s31, v5;
	_ =	sdelay $0x3  }
0x3db: {  	[tilespmem:v62+s3+$0x0] =	vst.idx.msk $0xffff, v7  }
0x3dc: {  	p0 =	sne.s32 s5, $0x7F;
	v6 =	vor.u32 v5, v6;
	v7 =	vld.idx.msk [tilespmem:v63+s22+$0x0], $0xffff  }
.Ltmp1:
0x3dd: {  	_ = 	snop;
	(pc) =	sbr.rel @p0 .LBB2_4-.Ltmp1, $2  }
0x3de: {  	_ =	sdelay $0x2  }
0x3df: {  	s6 =	sadd.s32 $0x10, s6;
	s5 =	sadd.s32 $0x10, s5;
	[tilespmem:v6+s3+$0x0] =	vst.idx.msk $0xffff, v7  }
0x3e0: {  	s0 =	rddreg [dreg:$0x9];
	s1 =	simm.s32 $0x8000;
	s30 =	simm.s32 $0x9  }
0x3e1: {  	[hbm4b:s0+s13] =	stream.strided.scatter [tilespmem:s3], [sflag:$0x9], $0x3000, s1, s13, $0x38;
	[tilespmem:$0x1E100] =	vst v63  }
0x3e2: {  	_ =	swait.ge [sflag:s30], $0x3000  }
0x3e3: {  	[sflag:s30] =	ssyncset.done $0x0  }
0x3e4: {  	[sflag:s30] =	ssyncadd.s32 $0xFFFFD000  }
0x3e5: {  	_ =	swait.ge [sflag:s30], $0x3000  }
0x3e6: {  	s2 =	rddreg [dreg:$0xb]  }
0x3e7: {  	s31 =	rddreg [dreg:$0xa];
	s2 =	sadd.s32 $0x1, s2  }
0x3e8: {  	p0 =	sne.s32 s2, s31  }
.Ltmp2:
0x3e9: {  	_ = 	snop;
	(pc) =	sbr.rel @p0 .LBB2_1-.Ltmp2, $3  }
0x3ea: {  	_ =	sdelay $0x1  }
0x3eb: {  	[sflag:s30] =	ssyncset.done $0x0  }
0x3ec: {  	[sflag:s30] =	ssyncadd.s32 $0xFFFFD000  }
0x3ed: {  	_ =	sfence.sel $0x180000  }
0x3ee: {  	[bflag:$0x0] =	sbarrier.arrive $0xFFFF  }
0x3ef: {  	_ =	strace $0x90000047  }
0x3f0: {  	s0 =	stileid.u32;
	[bflag:$0x2] =	sbarrier.arrive $0xFFFF  }
0x3f1: {  	p0 =	sne.s32 s0, $0x0;
	s0 =	rddreg [dreg:$0x5]  }
0x3f2: {  	s0 =	sadd.s32 @!p0 $0x100000, s0  }
0x3f3: {  	[sflag:s0] =	ssyncadd.tile.s32 @!p0 $0x1;
	_ =	shalt  }
.Lfunc_end2:
_tile_overlayer_lowered:
.L_overlay_start_2:
0x3f4: {  	(tag) =	ssettag $0x2  }
0x3f5: {  	s0 =	rddreg [dreg:$0x0];
	s2 =	stileid.u32  }
0x3f6: {  	s1 =	rddreg [dreg:$0x1];
	p0 =	sne.s32 s2, $0x0  }
0x3f7: {  	s3 =	rddreg [dreg:$0x2];
	[bflag:$0x3] =	sbarrier.arrive $0xFFFF;
	s2 =	simm.s32 @!p0 $0x1C0A  }
0x3f8: {  	[timem:s3], [sflag:s2] =	dma.local @!p0 [hbm:s0], s1  }
0x3f9: {  	s0 =	simm.s32 @!p0 $0xA  }
0x3fa: {  	_ =	swait.ge @!p0 [sflag:s0], s1  }
0x3fb: {  	s1 =	ssub.s32 @!p0 $0x0, s1;
	[sflag:s0] =	ssyncset.done @!p0 $0x0  }
0x3fc: {  	[sflag:s0] =	ssyncadd.s32 @!p0 s1  }
0x3fd: {  	[bflag:$0x3] =	sbarrier.arrive $0xFFFF  }
0x3fe: {  	_ =	shalt  }

</sc_bundles>
